<compile_context>
chip_gen: v7x
topology: tpu7x:2x2x1
jax: 0.10.2.dev20260603
libtpu: 0.0.44.dev20260713+nightly
codegen_flags: <defaults>
</compile_context>

<pallas_src>
import functools

import jax
import jax.numpy as jnp
from jax import lax
from jax.experimental import pallas as pl
from jax.experimental.pallas import tpu as pltpu
from jax.experimental.pallas import tpu_sc as plsc

N = 320000
D = 128
M = 1000
Q = 4096
TEMP = 10.0

MP = 1024
NC = 2
NS = 16
NW = NC * NS
ROWS_PER_W = N // NW
T = 80
NT = ROWS_PER_W // T
NQUAD = NT // 4
ZROWS = MP // NS

BQ = 2048


def _rsqrt16(s2):
    i = plsc.bitcast(s2, jnp.int32)
    y = plsc.bitcast(jnp.int32(0x5F3759DF) - (i >> 1), jnp.float32)
    h = jnp.float32(-0.5) * s2
    for _ in range(3):
        y = y * (jnp.float32(1.5) + h * y * y)
    return y


def _shuf(v, perm):
    return v.at[perm].get(mode="promise_in_bounds")


def _sc_body(x_hbm, y_hbm, out_hbm,
             buf0, buf1, buf2, buf3, idx0, idx1, idx2, idx3, zbuf,
             shared,
             sin0, sin1, sin2, sin3, siy0, siy1, siy2, siy3,
             ssc0, ssc1, ssc2, ssc3):
    c = lax.axis_index("c")
    s = lax.axis_index("s")
    wid = s * NC + c
    base = wid * ROWS_PER_W

    bufs = (buf0, buf1, buf2, buf3)
    idxs = (idx0, idx1, idx2, idx3)
    sins = (sin0, sin1, sin2, sin3)
    siys = (siy0, siy1, siy2, siy3)
    sscs = (ssc0, ssc1, ssc2, ssc3)

    def _in_copy(t, b):
        row0 = base + t * T
        return (pltpu.make_async_copy(x_hbm.at[pl.ds(row0, T)], bufs[b],
                                      sins[b]),
                pltpu.make_async_copy(y_hbm.at[pl.ds(row0, T)], idxs[b],
                                      siys[b]))

    def _start_in(t, b):
        cx, cy = _in_copy(t, b)
        cx.start()
        cy.start()

    def _wait_in(b):
        cx, cy = _in_copy(0, b)
        cx.wait()
        cy.wait()

    def _scat_copy(b):
        return pltpu.make_async_copy(bufs[b], shared.at[idxs[b]], sscs[b])

    def _start_scat(b):
        _scat_copy(b).start(add=True)

    def _wait_scat(b):
        _scat_copy(b).wait()

    def _zero_row(r, _):
        for k in range(D // 16):
            zbuf[r, pl.ds(k * 16, 16)] = jnp.zeros((16,), jnp.float32)
        return 0

    lax.fori_loop(0, ZROWS, _zero_row, 0)
    pltpu.sync_copy(zbuf, shared.at[pl.ds(s * ZROWS, ZROWS)])
    plsc.subcore_barrier()

    lanes = lax.iota(jnp.int32, 16)
    p8 = lanes ^ 8
    p4 = lanes ^ 4
    p2 = lanes ^ 2
    p1 = lanes ^ 1
    z0 = lanes * 0
    z8 = z0 + 8
    lo8 = lanes < 8

    def _normalize(buf):
        def _group(g, _):
            rg = g * 4
            rows = []
            accs = []
            for j in range(4):
                r = [buf[rg + j, pl.ds(k * 16, 16)] for k in range(D // 16)]
                rows.append(r)
                a = r[0] * r[0]
                for k in range(1, D // 16):
                    a = a + r[k] * r[k]
                accs.append(a)
            e = [accs[j] + _shuf(accs[j], p8) for j in range(4)]
            m01 = jnp.where(lo8, e[0], e[1])
            m23 = jnp.where(lo8, e[2], e[3])
            for p in (p4, p2, p1):
                m01 = m01 + _shuf(m01, p)
                m23 = m23 + _shuf(m23, p)
            inv01 = jnp.minimum(_rsqrt16(m01), jnp.float32(1e12))
            inv23 = jnp.minimum(_rsqrt16(m23), jnp.float32(1e12))
            b = (_shuf(inv01, z0), _shuf(inv01, z8),
                 _shuf(inv23, z0), _shuf(inv23, z8))
            for j in range(4):
                for k in range(D // 16):
                    buf[rg + j, pl.ds(k * 16, 16)] = rows[j][k] * b[j]
            return 0

        lax.fori_loop(0, T // 4, _group, 0)

    for b in range(4):
        _start_in(b, b)

    def _quad(i, _):
        for j in range(4):
            p = 4 * i + j
            _wait_in(j)
            _normalize(bufs[j])
            _start_scat(j)
            rb = (j + 2) % 4
            if j < 2:
                @pl.when(i > 0)
                def _():
                    _wait_scat(rb)
                    _start_in(p + 2, rb)
            elif j == 2:
                _wait_scat(rb)
                _start_in(p + 2, rb)
            else:
                @pl.when(i < NQUAD - 1)
                def _():
                    _wait_scat(rb)
                    _start_in(p + 2, rb)
        return 0

    lax.fori_loop(0, NQUAD, _quad, 0)
    _wait_in(0)
    _normalize(buf0)
    _start_scat(0)
    for b in range(4):
        _wait_scat(b)

    plsc.subcore_barrier()
    pltpu.sync_copy(shared.at[pl.ds(s * ZROWS, ZROWS)], zbuf)
    pltpu.sync_copy(zbuf, out_hbm.at[c, pl.ds(s * ZROWS, ZROWS)])


_sc_protosum = functools.partial(
    pl.kernel,
    out_type=jax.ShapeDtypeStruct((NC, MP, D), jnp.float32),
    mesh=plsc.VectorSubcoreMesh(core_axis_name="c", subcore_axis_name="s"),
    compiler_params=pltpu.CompilerParams(needs_layout_passes=False),
    scratch_types=(
        [pltpu.VMEM((T, D), jnp.float32) for _ in range(4)]
        + [pltpu.VMEM((T,), jnp.int32) for _ in range(4)]
        + [pltpu.VMEM((ZROWS, D), jnp.float32)]
        + [pltpu.VMEM_SHARED((MP, D), jnp.float32)]
        + [pltpu.SemaphoreType.DMA for _ in range(12)]
    ),
)(_sc_body)


def _tc_body(p_ref, q_ref, o_ref):
    ps = p_ref[0] + p_ref[1]
    pn = ps / jnp.maximum(
        jnp.sqrt(jnp.sum(ps * ps, axis=1, keepdims=True)), 1e-12)
    q = q_ref[...]
    qn = q / jnp.maximum(
        jnp.sqrt(jnp.sum(q * q, axis=1, keepdims=True)), 1e-12)
    logits = lax.dot_general(
        qn, pn, (((1,), (1,)), ((), ())),
        preferred_element_type=jnp.float32) * jnp.float32(1.0 / TEMP)
    o_ref[...] = logits[:, :M]


def kernel(support_x, support_y, query_x):
    y32 = support_y.astype(jnp.int32)
    psum = _sc_protosum(support_x, y32)
    logits = pl.pallas_call(
        _tc_body,
        grid=(Q // BQ,),
        in_specs=[
            pl.BlockSpec((NC, MP, D), lambda i: (0, 0, 0)),
            pl.BlockSpec((BQ, D), lambda i: (i, 0)),
        ],
        out_specs=pl.BlockSpec((BQ, M), lambda i: (i, 0)),
        out_shape=jax.ShapeDtypeStruct((Q, M), jnp.float32),
    )(psum, query_x)
    return logits

# --- scband reference (transcript-rebuilt; emitter-appended) ---
"""Pipeline reference for scband-proto-net-42090679500947 (READ-ONLY COPY).

The authoritative reference and input builder live on the scoring server;
editing this copy changes nothing except your own understanding.
"""

import jax, jax.numpy as jnp
import numpy as np

N = 320000
D = 128
M = 1000
Q = 4096
TEMP = 10.0


def l2n(x):
    # torch F.normalize(p=2, dim=-1): x / max(||x||, eps)
    n = jnp.linalg.norm(x, ord=2, axis=-1, keepdims=True)
    return x / jnp.maximum(n, 1e-12)


def setup_inputs(seed: int = 0) -> dict:
    key = jax.random.key(seed)
    k1, k2, k3 = jax.random.split(key, 3)
    support_x = jax.random.normal(k1, (N, D), dtype=jnp.float32)
    support_y = jnp.sort(jax.random.randint(k2, (N,), 0, M, dtype=jnp.int64))
    query_x = jax.random.normal(k3, (Q, D), dtype=jnp.float32)
    return {"support_x": support_x, "support_y": support_y, "query_x": query_x}


def reference(support_x, support_y, query_x):
    # projection_dim=0 -> proj is Identity; embed = l2-normalize only
    s = l2n(support_x)
    q = l2n(query_x)
    # prototypes: segment mean over labels (index_add_ -> segment_sum)
    P = jax.ops.segment_sum(s, support_y, num_segments=M)
    counts = jax.ops.segment_sum(jnp.ones((N,), dtype=s.dtype), support_y, num_segments=M)
    P = P / counts[:, None]
    P = l2n(P)
    logits = (q @ P.T) / TEMP
    return logits


if False:  # reference __main__ guard neutralized (emitter)
    inp = setup_inputs()
    out = reference(**inp)
    print(out.shape, out.dtype)

if __name__ == "__main__":
    import jax
    _d = setup_inputs()
    print(jax.jit(kernel)(*tuple(_d.values())))

</pallas_src>

<mosaic_0001>
#map = affine_map<(d0, d1) -> (0, 0)>
#map1 = affine_map<(d0, d1) -> (0)>
#map2 = affine_map<(d0, d1) -> (0, 0, 0)>
module attributes {stable_mosaic.version = 14 : i64} {
  func.func @_sc_body(%arg0: i32, %arg1: i32, %arg2: memref<320000x128xf32, #tpu.memory_space<hbm>>, %arg3: memref<320000xi32, #tpu.memory_space<hbm>>, %arg4: memref<2x1024x128xf32, #tpu.memory_space<hbm>>, %arg5: memref<80x128xf32, #tpu.memory_space<vmem>>, %arg6: memref<80x128xf32, #tpu.memory_space<vmem>>, %arg7: memref<80x128xf32, #tpu.memory_space<vmem>>, %arg8: memref<80x128xf32, #tpu.memory_space<vmem>>, %arg9: memref<80xi32, #tpu.memory_space<vmem>>, %arg10: memref<80xi32, #tpu.memory_space<vmem>>, %arg11: memref<80xi32, #tpu.memory_space<vmem>>, %arg12: memref<80xi32, #tpu.memory_space<vmem>>, %arg13: memref<64x128xf32, #tpu.memory_space<vmem>>, %arg14: memref<1024x128xf32, #tpu.memory_space<vmem_shared>>, %arg15: memref<!tpu.dma_semaphore, #tpu.memory_space<semaphore_mem>>, %arg16: memref<!tpu.dma_semaphore, #tpu.memory_space<semaphore_mem>>, %arg17: memref<!tpu.dma_semaphore, #tpu.memory_space<semaphore_mem>>, %arg18: memref<!tpu.dma_semaphore, #tpu.memory_space<semaphore_mem>>, %arg19: memref<!tpu.dma_semaphore, #tpu.memory_space<semaphore_mem>>, %arg20: memref<!tpu.dma_semaphore, #tpu.memory_space<semaphore_mem>>, %arg21: memref<!tpu.dma_semaphore, #tpu.memory_space<semaphore_mem>>, %arg22: memref<!tpu.dma_semaphore, #tpu.memory_space<semaphore_mem>>, %arg23: memref<!tpu.dma_semaphore, #tpu.memory_space<semaphore_mem>>, %arg24: memref<!tpu.dma_semaphore, #tpu.memory_space<semaphore_mem>>, %arg25: memref<!tpu.dma_semaphore, #tpu.memory_space<semaphore_mem>>, %arg26: memref<!tpu.dma_semaphore, #tpu.memory_space<semaphore_mem>>) attributes {dimension_semantics = [#tpu.dimension_semantics<core_parallel>, #tpu.dimension_semantics<subcore_parallel>], iteration_bounds = array<i64: 2, 16>, scalar_prefetch = 0 : i64, scratch_operands = 22 : i64, tpu.core_type = #tpu.core_type<sc_vector_subcore>, window_params = [{transform_indices = #map}, {transform_indices = #map1}, {transform_indices = #map2}]} {
    %mul3A = arith.constant 2 : i32
    %mul3A_0 = arith.muli %arg1, %mul3A : i32
    %add3A = arith.addi %mul3A_0, %arg0 : i32
    %mul3A_1 = arith.constant 10000 : i32
    %mul3A_2 = arith.muli %add3A, %mul3A_1 : i32
    %scan3A = arith.constant 0 : i32
    %scan3A_3 = arith.constant 0 : i32
    %scan3A_4 = arith.constant 64 : i32
    %scan3A_5 = arith.addi %scan3A_3, %scan3A_4 : i32
    %scan3A_6 = arith.constant 1 : i32
    %scan3A_7 = scf.for %scan3A_102 = %scan3A_3 to %scan3A_5 step %scan3A_6 iter_args(%scan3A_103 = %scan3A) -> (i32)  : i32 {
      %broadcast_in_dim3A = arith.constant 0.000000e+00 : f32
      %broadcast_in_dim3A_104 = vector.broadcast %broadcast_in_dim3A : f32 to vector<16xf32>
      %swap3A = arith.index_cast %scan3A_102 : i32 to index
      %swap3A_105 = arith.constant 0 : index
      %swap3A_106 = tpu.vector_load %arg13[%swap3A, %swap3A_105] {strides = array<i32>} : memref<64x128xf32, #tpu.memory_space<vmem>>, vector<16xf32>,
      tpu.vector_store %arg13[%swap3A, %swap3A_105], %broadcast_in_dim3A_104 {strides = array<i32>} : memref<64x128xf32, #tpu.memory_space<vmem>>, vector<16xf32>,
      %broadcast_in_dim3A_107 = arith.constant 0.000000e+00 : f32
      %broadcast_in_dim3A_108 = vector.broadcast %broadcast_in_dim3A_107 : f32 to vector<16xf32>
      %swap3A_109 = arith.index_cast %scan3A_102 : i32 to index
      %swap3A_110 = arith.constant 16 : index
      %swap3A_111 = tpu.vector_load %arg13[%swap3A_109, %swap3A_110] {strides = array<i32>} : memref<64x128xf32, #tpu.memory_space<vmem>>, vector<16xf32>,
      tpu.vector_store %arg13[%swap3A_109, %swap3A_110], %broadcast_in_dim3A_108 {strides = array<i32>} : memref<64x128xf32, #tpu.memory_space<vmem>>, vector<16xf32>,
      %broadcast_in_dim3A_112 = arith.constant 0.000000e+00 : f32
      %broadcast_in_dim3A_113 = vector.broadcast %broadcast_in_dim3A_112 : f32 to vector<16xf32>
      %swap3A_114 = arith.index_cast %scan3A_102 : i32 to index
      %swap3A_115 = arith.constant 32 : index
      %swap3A_116 = tpu.vector_load %arg13[%swap3A_114, %swap3A_115] {strides = array<i32>} : memref<64x128xf32, #tpu.memory_space<vmem>>, vector<16xf32>,
      tpu.vector_store %arg13[%swap3A_114, %swap3A_115], %broadcast_in_dim3A_113 {strides = array<i32>} : memref<64x128xf32, #tpu.memory_space<vmem>>, vector<16xf32>,
      %broadcast_in_dim3A_117 = arith.constant 0.000000e+00 : f32
      %broadcast_in_dim3A_118 = vector.broadcast %broadcast_in_dim3A_117 : f32 to vector<16xf32>
      %swap3A_119 = arith.index_cast %scan3A_102 : i32 to index
      %swap3A_120 = arith.constant 48 : index
      %swap3A_121 = tpu.vector_load %arg13[%swap3A_119, %swap3A_120] {strides = array<i32>} : memref<64x128xf32, #tpu.memory_space<vmem>>, vector<16xf32>,
      tpu.vector_store %arg13[%swap3A_119, %swap3A_120], %broadcast_in_dim3A_118 {strides = array<i32>} : memref<64x128xf32, #tpu.memory_space<vmem>>, vector<16xf32>,
      %broadcast_in_dim3A_122 = arith.constant 0.000000e+00 : f32
      %broadcast_in_dim3A_123 = vector.broadcast %broadcast_in_dim3A_122 : f32 to vector<16xf32>
      %swap3A_124 = arith.index_cast %scan3A_102 : i32 to index
      %swap3A_125 = arith.constant 64 : index
      %swap3A_126 = tpu.vector_load %arg13[%swap3A_124, %swap3A_125] {strides = array<i32>} : memref<64x128xf32, #tpu.memory_space<vmem>>, vector<16xf32>,
      tpu.vector_store %arg13[%swap3A_124, %swap3A_125], %broadcast_in_dim3A_123 {strides = array<i32>} : memref<64x128xf32, #tpu.memory_space<vmem>>, vector<16xf32>,
      %broadcast_in_dim3A_127 = arith.constant 0.000000e+00 : f32
      %broadcast_in_dim3A_128 = vector.broadcast %broadcast_in_dim3A_127 : f32 to vector<16xf32>
      %swap3A_129 = arith.index_cast %scan3A_102 : i32 to index
      %swap3A_130 = arith.constant 80 : index
      %swap3A_131 = tpu.vector_load %arg13[%swap3A_129, %swap3A_130] {strides = array<i32>} : memref<64x128xf32, #tpu.memory_space<vmem>>, vector<16xf32>,
      tpu.vector_store %arg13[%swap3A_129, %swap3A_130], %broadcast_in_dim3A_128 {strides = array<i32>} : memref<64x128xf32, #tpu.memory_space<vmem>>, vector<16xf32>,
      %broadcast_in_dim3A_132 = arith.constant 0.000000e+00 : f32
      %broadcast_in_dim3A_133 = vector.broadcast %broadcast_in_dim3A_132 : f32 to vector<16xf32>
      %swap3A_134 = arith.index_cast %scan3A_102 : i32 to index
      %swap3A_135 = arith.constant 96 : index
      %swap3A_136 = tpu.vector_load %arg13[%swap3A_134, %swap3A_135] {strides = array<i32>} : memref<64x128xf32, #tpu.memory_space<vmem>>, vector<16xf32>,
      tpu.vector_store %arg13[%swap3A_134, %swap3A_135], %broadcast_in_dim3A_133 {strides = array<i32>} : memref<64x128xf32, #tpu.memory_space<vmem>>, vector<16xf32>,
      %broadcast_in_dim3A_137 = arith.constant 0.000000e+00 : f32
      %broadcast_in_dim3A_138 = vector.broadcast %broadcast_in_dim3A_137 : f32 to vector<16xf32>
      %swap3A_139 = arith.index_cast %scan3A_102 : i32 to index
      %swap3A_140 = arith.constant 112 : index
      %swap3A_141 = tpu.vector_load %arg13[%swap3A_139, %swap3A_140] {strides = array<i32>} : memref<64x128xf32, #tpu.memory_space<vmem>>, vector<16xf32>,
      tpu.vector_store %arg13[%swap3A_139, %swap3A_140], %broadcast_in_dim3A_138 {strides = array<i32>} : memref<64x128xf32, #tpu.memory_space<vmem>>, vector<16xf32>,
      %scan3A_142 = arith.constant 0 : i32
      scf.yield %scan3A_142 : i32
    }
    %scan3A_8 = arith.constant 64 : i32
    %mul3A_9 = arith.constant 64 : i32
    %mul3A_10 = arith.muli %arg1, %mul3A_9 : i32
    "tpu.region"() ({
      %run_scoped3A = tpu.sem_alloc : memref<!tpu.dma_semaphore, #tpu.memory_space<semaphore_mem>>
      %dma_start3A_102 = arith.constant 0 : i32
      %dma_start3A_103 = tpu.memref_slice %arg14[%mul3A_10, %dma_start3A_102] : memref<1024x128xf32, #tpu.memory_space<vmem_shared>> -> memref<64x128xf32, #tpu.memory_space<vmem_shared>>
      %dma_start3A_104 = arith.constant 0 : i32
      %dma_start3A_105 = tpu.memref_slice %arg14[%mul3A_10, %dma_start3A_104] : memref<1024x128xf32, #tpu.memory_space<vmem_shared>> -> memref<64x128xf32, #tpu.memory_space<vmem_shared>>
      tpu.enqueue_dma source(%arg13 : memref<64x128xf32, #tpu.memory_space<vmem>>) target(%dma_start3A_105 : memref<64x128xf32, #tpu.memory_space<vmem_shared>>) target_semaphore(%run_scoped3A : memref<!tpu.dma_semaphore, #tpu.memory_space<semaphore_mem>>)
      %dma_wait3A_106 = arith.constant 0 : i32
      %dma_wait3A_107 = tpu.memref_slice %arg14[%mul3A_10, %dma_wait3A_106] : memref<1024x128xf32, #tpu.memory_space<vmem_shared>> -> memref<64x128xf32, #tpu.memory_space<vmem_shared>>
      %dma_wait3A_108 = arith.constant 0 : i32
      %dma_wait3A_109 = tpu.memref_slice %arg14[%mul3A_10, %dma_wait3A_108] : memref<1024x128xf32, #tpu.memory_space<vmem_shared>> -> memref<64x128xf32, #tpu.memory_space<vmem_shared>>
      tpu.wait_dma2 semaphore(%run_scoped3A : memref<!tpu.dma_semaphore, #tpu.memory_space<semaphore_mem>>) src(%arg13 : memref<64x128xf32, #tpu.memory_space<vmem>>) dst(%dma_wait3A_109 : memref<64x128xf32, #tpu.memory_space<vmem_shared>>)
      tpu.yield
    }) : () -> ()
    %barrier3A = arith.constant 0 : index
    tpu.barrier barrier_id(%barrier3A)
    %iota3A = tpu.iota {dimensions = array<i32: 0>} : vector<16xi32>
    %xor3A = arith.constant 8 : i32
    %xor3A_11 = vector.broadcast %xor3A : i32 to vector<16xi32>
    %xor3A_12 = arith.xori %iota3A, %xor3A_11 : vector<16xi32>
    %xor3A_13 = arith.constant 4 : i32
    %xor3A_14 = vector.broadcast %xor3A_13 : i32 to vector<16xi32>
    %xor3A_15 = arith.xori %iota3A, %xor3A_14 : vector<16xi32>
    %xor3A_16 = arith.constant 2 : i32
    %xor3A_17 = vector.broadcast %xor3A_16 : i32 to vector<16xi32>
    %xor3A_18 = arith.xori %iota3A, %xor3A_17 : vector<16xi32>
    %xor3A_19 = arith.constant 1 : i32
    %xor3A_20 = vector.broadcast %xor3A_19 : i32 to vector<16xi32>
    %xor3A_21 = arith.xori %iota3A, %xor3A_20 : vector<16xi32>
    %mul3A_22 = arith.constant 0 : i32
    %mul3A_23 = vector.broadcast %mul3A_22 : i32 to vector<16xi32>
    %mul3A_24 = arith.muli %iota3A, %mul3A_23 : vector<16xi32>
    %add3A_25 = arith.constant 8 : i32
    %add3A_26 = vector.broadcast %add3A_25 : i32 to vector<16xi32>
    %add3A_27 = arith.addi %mul3A_24, %add3A_26 : vector<16xi32>
    %lt3A = arith.constant 8 : i32
    %lt3A_28 = vector.broadcast %lt3A : i32 to vector<16xi32>
    %lt3A_29 = arith.cmpi slt, %iota3A, %lt3A_28 : vector<16xi32>
    %add3A_30 = arith.constant 0 : i32
    %add3A_31 = arith.addi %mul3A_2, %add3A_30 : i32
    %dma_start3A = arith.constant 0 : i32
    %dma_start3A_32 = tpu.memref_slice %arg2[%add3A_31, %dma_start3A] : memref<320000x128xf32, #tpu.memory_space<hbm>> -> memref<80x128xf32, #tpu.memory_space<hbm>>
    %dma_start3A_33 = arith.constant 0 : i32
    %dma_start3A_34 = tpu.memref_slice %arg2[%add3A_31, %dma_start3A_33] : memref<320000x128xf32, #tpu.memory_space<hbm>> -> memref<80x128xf32, #tpu.memory_space<hbm>>
    tpu.enqueue_dma source(%dma_start3A_34 : memref<80x128xf32, #tpu.memory_space<hbm>>) target(%arg5 : memref<80x128xf32, #tpu.memory_space<vmem>>) target_semaphore(%arg15 : memref<!tpu.dma_semaphore, #tpu.memory_space<semaphore_mem>>)
    %dma_start3A_35 = tpu.memref_slice %arg3[%add3A_31] : memref<320000xi32, #tpu.memory_space<hbm>> -> memref<80xi32, #tpu.memory_space<hbm>>
    %dma_start3A_36 = tpu.memref_slice %arg3[%add3A_31] : memref<320000xi32, #tpu.memory_space<hbm>> -> memref<80xi32, #tpu.memory_space<hbm>>
    tpu.enqueue_dma source(%dma_start3A_36 : memref<80xi32, #tpu.memory_space<hbm>>) target(%arg9 : memref<80xi32, #tpu.memory_space<vmem>>) target_semaphore(%arg19 : memref<!tpu.dma_semaphore, #tpu.memory_space<semaphore_mem>>)
    %add3A_37 = arith.constant 80 : i32
    %add3A_38 = arith.addi %mul3A_2, %add3A_37 : i32
    %dma_start3A_39 = arith.constant 0 : i32
    %dma_start3A_40 = tpu.memref_slice %arg2[%add3A_38, %dma_start3A_39] : memref<320000x128xf32, #tpu.memory_space<hbm>> -> memref<80x128xf32, #tpu.memory_space<hbm>>
    %dma_start3A_41 = arith.constant 0 : i32
    %dma_start3A_42 = tpu.memref_slice %arg2[%add3A_38, %dma_start3A_41] : memref<320000x128xf32, #tpu.memory_space<hbm>> -> memref<80x128xf32, #tpu.memory_space<hbm>>
    tpu.enqueue_dma source(%dma_start3A_42 : memref<80x128xf32, #tpu.memory_space<hbm>>) target(%arg6 : memref<80x128xf32, #tpu.memory_space<vmem>>) target_semaphore(%arg16 : memref<!tpu.dma_semaphore, #tpu.memory_space<semaphore_mem>>)
    %dma_start3A_43 = tpu.memref_slice %arg3[%add3A_38] : memref<320000xi32, #tpu.memory_space<hbm>> -> memref<80xi32, #tpu.memory_space<hbm>>
    %dma_start3A_44 = tpu.memref_slice %arg3[%add3A_38] : memref<320000xi32, #tpu.memory_space<hbm>> -> memref<80xi32, #tpu.memory_space<hbm>>
    tpu.enqueue_dma source(%dma_start3A_44 : memref<80xi32, #tpu.memory_space<hbm>>) target(%arg10 : memref<80xi32, #tpu.memory_space<vmem>>) target_semaphore(%arg20 : memref<!tpu.dma_semaphore, #tpu.memory_space<semaphore_mem>>)
    %add3A_45 = arith.constant 160 : i32
    %add3A_46 = arith.addi %mul3A_2, %add3A_45 : i32
    %dma_start3A_47 = arith.constant 0 : i32
    %dma_start3A_48 = tpu.memref_slice %arg2[%add3A_46, %dma_start3A_47] : memref<320000x128xf32, #tpu.memory_space<hbm>> -> memref<80x128xf32, #tpu.memory_space<hbm>>
    %dma_start3A_49 = arith.constant 0 : i32
    %dma_start3A_50 = tpu.memref_slice %arg2[%add3A_46, %dma_start3A_49] : memref<320000x128xf32, #tpu.memory_space<hbm>> -> memref<80x128xf32, #tpu.memory_space<hbm>>
    tpu.enqueue_dma source(%dma_start3A_50 : memref<80x128xf32, #tpu.memory_space<hbm>>) target(%arg7 : memref<80x128xf32, #tpu.memory_space<vmem>>) target_semaphore(%arg17 : memref<!tpu.dma_semaphore, #tpu.memory_space<semaphore_mem>>)
    %dma_start3A_51 = tpu.memref_slice %arg3[%add3A_46] : memref<320000xi32, #tpu.memory_space<hbm>> -> memref<80xi32, #tpu.memory_space<hbm>>
    %dma_start3A_52 = tpu.memref_slice %arg3[%add3A_46] : memref<320000xi32, #tpu.memory_space<hbm>> -> memref<80xi32, #tpu.memory_space<hbm>>
    tpu.enqueue_dma source(%dma_start3A_52 : memref<80xi32, #tpu.memory_space<hbm>>) target(%arg11 : memref<80xi32, #tpu.memory_space<vmem>>) target_semaphore(%arg21 : memref<!tpu.dma_semaphore, #tpu.memory_space<semaphore_mem>>)
    %add3A_53 = arith.constant 240 : i32
    %add3A_54 = arith.addi %mul3A_2, %add3A_53 : i32
    %dma_start3A_55 = arith.constant 0 : i32
    %dma_start3A_56 = tpu.memref_slice %arg2[%add3A_54, %dma_start3A_55] : memref<320000x128xf32, #tpu.memory_space<hbm>> -> memref<80x128xf32, #tpu.memory_space<hbm>>
    %dma_start3A_57 = arith.constant 0 : i32
    %dma_start3A_58 = tpu.memref_slice %arg2[%add3A_54, %dma_start3A_57] : memref<320000x128xf32, #tpu.memory_space<hbm>> -> memref<80x128xf32, #tpu.memory_space<hbm>>
    tpu.enqueue_dma source(%dma_start3A_58 : memref<80x128xf32, #tpu.memory_space<hbm>>) target(%arg8 : memref<80x128xf32, #tpu.memory_space<vmem>>) target_semaphore(%arg18 : memref<!tpu.dma_semaphore, #tpu.memory_space<semaphore_mem>>)
    %dma_start3A_59 = tpu.memref_slice %arg3[%add3A_54] : memref<320000xi32, #tpu.memory_space<hbm>> -> memref<80xi32, #tpu.memory_space<hbm>>
    %dma_start3A_60 = tpu.memref_slice %arg3[%add3A_54] : memref<320000xi32, #tpu.memory_space<hbm>> -> memref<80xi32, #tpu.memory_space<hbm>>
    tpu.enqueue_dma source(%dma_start3A_60 : memref<80xi32, #tpu.memory_space<hbm>>) target(%arg12 : memref<80xi32, #tpu.memory_space<vmem>>) target_semaphore(%arg22 : memref<!tpu.dma_semaphore, #tpu.memory_space<semaphore_mem>>)
    %scan3A_61 = arith.constant 0 : i32
    %scan3A_62 = arith.constant 0 : i32
    %scan3A_63 = arith.constant 31 : i32
    %scan3A_64 = arith.addi %scan3A_62, %scan3A_63 : i32
    %scan3A_65 = arith.constant 1 : i32
    %scan3A_66 = scf.for %scan3A_102 = %scan3A_62 to %scan3A_64 step %scan3A_65 iter_args(%scan3A_103 = %scan3A_61) -> (i32)  : i32 {
      %mul3A_104 = arith.constant 4 : i32
      %mul3A_105 = arith.muli %mul3A_104, %scan3A_102 : i32
      %add3A_106 = arith.constant 0 : i32
      %add3A_107 = arith.addi %mul3A_105, %add3A_106 : i32
      %add3A_108 = arith.constant 0 : i32
      %add3A_109 = arith.addi %mul3A_2, %add3A_108 : i32
      %dma_wait3A_110 = arith.constant 0 : i32
      %dma_wait3A_111 = tpu.memref_slice %arg2[%add3A_109, %dma_wait3A_110] : memref<320000x128xf32, #tpu.memory_space<hbm>> -> memref<80x128xf32, #tpu.memory_space<hbm>>
      %dma_wait3A_112 = arith.constant 0 : i32
      %dma_wait3A_113 = tpu.memref_slice %arg2[%add3A_109, %dma_wait3A_112] : memref<320000x128xf32, #tpu.memory_space<hbm>> -> memref<80x128xf32, #tpu.memory_space<hbm>>
      tpu.wait_dma2 semaphore(%arg15 : memref<!tpu.dma_semaphore, #tpu.memory_space<semaphore_mem>>) src(%dma_wait3A_113 : memref<80x128xf32, #tpu.memory_space<hbm>>) dst(%arg5 : memref<80x128xf32, #tpu.memory_space<vmem>>)
      %dma_wait3A_114 = tpu.memref_slice %arg3[%add3A_109] : memref<320000xi32, #tpu.memory_space<hbm>> -> memref<80xi32, #tpu.memory_space<hbm>>
      %dma_wait3A_115 = tpu.memref_slice %arg3[%add3A_109] : memref<320000xi32, #tpu.memory_space<hbm>> -> memref<80xi32, #tpu.memory_space<hbm>>
      tpu.wait_dma2 semaphore(%arg19 : memref<!tpu.dma_semaphore, #tpu.memory_space<semaphore_mem>>) src(%dma_wait3A_115 : memref<80xi32, #tpu.memory_space<hbm>>) dst(%arg9 : memref<80xi32, #tpu.memory_space<vmem>>)
      %scan3A_116 = arith.constant 0 : i32
      %scan3A_117 = arith.constant 0 : i32
      %scan3A_118 = arith.constant 20 : i32
      %scan3A_119 = arith.addi %scan3A_117, %scan3A_118 : i32
      %scan3A_120 = arith.constant 1 : i32
      %scan3A_121 = scf.for %scan3A_219 = %scan3A_117 to %scan3A_119 step %scan3A_120 iter_args(%scan3A_220 = %scan3A_116) -> (i32)  : i32 {
        %mul3A_221 = arith.constant 4 : i32
        %mul3A_222 = arith.muli %scan3A_219, %mul3A_221 : i32
        %add3A_223 = arith.constant 0 : i32
        %add3A_224 = arith.addi %mul3A_222, %add3A_223 : i32
        %get3A = arith.index_cast %add3A_224 : i32 to index
        %get3A_225 = arith.constant 0 : index
        %get3A_226 = tpu.vector_load %arg5[%get3A, %get3A_225] {strides = array<i32>} : memref<80x128xf32, #tpu.memory_space<vmem>>, vector<16xf32>,
        %add3A_227 = arith.constant 0 : i32
        %add3A_228 = arith.addi %mul3A_222, %add3A_227 : i32
        %get3A_229 = arith.index_cast %add3A_228 : i32 to index
        %get3A_230 = arith.constant 16 : index
        %get3A_231 = tpu.vector_load %arg5[%get3A_229, %get3A_230] {strides = array<i32>} : memref<80x128xf32, #tpu.memory_space<vmem>>, vector<16xf32>,
        %add3A_232 = arith.constant 0 : i32
        %add3A_233 = arith.addi %mul3A_222, %add3A_232 : i32
        %get3A_234 = arith.index_cast %add3A_233 : i32 to index
        %get3A_235 = arith.constant 32 : index
        %get3A_236 = tpu.vector_load %arg5[%get3A_234, %get3A_235] {strides = array<i32>} : memref<80x128xf32, #tpu.memory_space<vmem>>, vector<16xf32>,
        %add3A_237 = arith.constant 0 : i32
        %add3A_238 = arith.addi %mul3A_222, %add3A_237 : i32
        %get3A_239 = arith.index_cast %add3A_238 : i32 to index
        %get3A_240 = arith.constant 48 : index
        %get3A_241 = tpu.vector_load %arg5[%get3A_239, %get3A_240] {strides = array<i32>} : memref<80x128xf32, #tpu.memory_space<vmem>>, vector<16xf32>,
        %add3A_242 = arith.constant 0 : i32
        %add3A_243 = arith.addi %mul3A_222, %add3A_242 : i32
        %get3A_244 = arith.index_cast %add3A_243 : i32 to index
        %get3A_245 = arith.constant 64 : index
        %get3A_246 = tpu.vector_load %arg5[%get3A_244, %get3A_245] {strides = array<i32>} : memref<80x128xf32, #tpu.memory_space<vmem>>, vector<16xf32>,
        %add3A_247 = arith.constant 0 : i32
        %add3A_248 = arith.addi %mul3A_222, %add3A_247 : i32
        %get3A_249 = arith.index_cast %add3A_248 : i32 to index
        %get3A_250 = arith.constant 80 : index
        %get3A_251 = tpu.vector_load %arg5[%get3A_249, %get3A_250] {strides = array<i32>} : memref<80x128xf32, #tpu.memory_space<vmem>>, vector<16xf32>,
        %add3A_252 = arith.constant 0 : i32
        %add3A_253 = arith.addi %mul3A_222, %add3A_252 : i32
        %get3A_254 = arith.index_cast %add3A_253 : i32 to index
        %get3A_255 = arith.constant 96 : index
        %get3A_256 = tpu.vector_load %arg5[%get3A_254, %get3A_255] {strides = array<i32>} : memref<80x128xf32, #tpu.memory_space<vmem>>, vector<16xf32>,
        %add3A_257 = arith.constant 0 : i32
        %add3A_258 = arith.addi %mul3A_222, %add3A_257 : i32
        %get3A_259 = arith.index_cast %add3A_258 : i32 to index
        %get3A_260 = arith.constant 112 : index
        %get3A_261 = tpu.vector_load %arg5[%get3A_259, %get3A_260] {strides = array<i32>} : memref<80x128xf32, #tpu.memory_space<vmem>>, vector<16xf32>,
        %mul3A_262 = arith.mulf %get3A_226, %get3A_226 : vector<16xf32>
        %mul3A_263 = arith.mulf %get3A_231, %get3A_231 : vector<16xf32>
        %add3A_264 = arith.addf %mul3A_262, %mul3A_263 : vector<16xf32>
        %mul3A_265 = arith.mulf %get3A_236, %get3A_236 : vector<16xf32>
        %add3A_266 = arith.addf %add3A_264, %mul3A_265 : vector<16xf32>
        %mul3A_267 = arith.mulf %get3A_241, %get3A_241 : vector<16xf32>
        %add3A_268 = arith.addf %add3A_266, %mul3A_267 : vector<16xf32>
        %mul3A_269 = arith.mulf %get3A_246, %get3A_246 : vector<16xf32>
        %add3A_270 = arith.addf %add3A_268, %mul3A_269 : vector<16xf32>
        %mul3A_271 = arith.mulf %get3A_251, %get3A_251 : vector<16xf32>
        %add3A_272 = arith.addf %add3A_270, %mul3A_271 : vector<16xf32>
        %mul3A_273 = arith.mulf %get3A_256, %get3A_256 : vector<16xf32>
        %add3A_274 = arith.addf %add3A_272, %mul3A_273 : vector<16xf32>
        %mul3A_275 = arith.mulf %get3A_261, %get3A_261 : vector<16xf32>
        %add3A_276 = arith.addf %add3A_274, %mul3A_275 : vector<16xf32>
        %add3A_277 = arith.constant 1 : i32
        %add3A_278 = arith.addi %mul3A_222, %add3A_277 : i32
        %get3A_279 = arith.index_cast %add3A_278 : i32 to index
        %get3A_280 = arith.constant 0 : index
        %get3A_281 = tpu.vector_load %arg5[%get3A_279, %get3A_280] {strides = array<i32>} : memref<80x128xf32, #tpu.memory_space<vmem>>, vector<16xf32>,
        %add3A_282 = arith.constant 1 : i32
        %add3A_283 = arith.addi %mul3A_222, %add3A_282 : i32
        %get3A_284 = arith.index_cast %add3A_283 : i32 to index
        %get3A_285 = arith.constant 16 : index
        %get3A_286 = tpu.vector_load %arg5[%get3A_284, %get3A_285] {strides = array<i32>} : memref<80x128xf32, #tpu.memory_space<vmem>>, vector<16xf32>,
        %add3A_287 = arith.constant 1 : i32
        %add3A_288 = arith.addi %mul3A_222, %add3A_287 : i32
        %get3A_289 = arith.index_cast %add3A_288 : i32 to index
        %get3A_290 = arith.constant 32 : index
        %get3A_291 = tpu.vector_load %arg5[%get3A_289, %get3A_290] {strides = array<i32>} : memref<80x128xf32, #tpu.memory_space<vmem>>, vector<16xf32>,
        %add3A_292 = arith.constant 1 : i32
        %add3A_293 = arith.addi %mul3A_222, %add3A_292 : i32
        %get3A_294 = arith.index_cast %add3A_293 : i32 to index
        %get3A_295 = arith.constant 48 : index
        %get3A_296 = tpu.vector_load %arg5[%get3A_294, %get3A_295] {strides = array<i32>} : memref<80x128xf32, #tpu.memory_space<vmem>>, vector<16xf32>,
        %add3A_297 = arith.constant 1 : i32
        %add3A_298 = arith.addi %mul3A_222, %add3A_297 : i32
        %get3A_299 = arith.index_cast %add3A_298 : i32 to index
        %get3A_300 = arith.constant 64 : index
        %get3A_301 = tpu.vector_load %arg5[%get3A_299, %get3A_300] {strides = array<i32>} : memref<80x128xf32, #tpu.memory_space<vmem>>, vector<16xf32>,
        %add3A_302 = arith.constant 1 : i32
        %add3A_303 = arith.addi %mul3A_222, %add3A_302 : i32
        %get3A_304 = arith.index_cast %add3A_303 : i32 to index
        %get3A_305 = arith.constant 80 : index
        %get3A_306 = tpu.vector_load %arg5[%get3A_304, %get3A_305] {strides = array<i32>} : memref<80x128xf32, #tpu.memory_space<vmem>>, vector<16xf32>,
        %add3A_307 = arith.constant 1 : i32
        %add3A_308 = arith.addi %mul3A_222, %add3A_307 : i32
        %get3A_309 = arith.index_cast %add3A_308 : i32 to index
        %get3A_310 = arith.constant 96 : index
        %get3A_311 = tpu.vector_load %arg5[%get3A_309, %get3A_310] {strides = array<i32>} : memref<80x128xf32, #tpu.memory_space<vmem>>, vector<16xf32>,
        %add3A_312 = arith.constant 1 : i32
        %add3A_313 = arith.addi %mul3A_222, %add3A_312 : i32
        %get3A_314 = arith.index_cast %add3A_313 : i32 to index
        %get3A_315 = arith.constant 112 : index
        %get3A_316 = tpu.vector_load %arg5[%get3A_314, %get3A_315] {strides = array<i32>} : memref<80x128xf32, #tpu.memory_space<vmem>>, vector<16xf32>,
        %mul3A_317 = arith.mulf %get3A_281, %get3A_281 : vector<16xf32>
        %mul3A_318 = arith.mulf %get3A_286, %get3A_286 : vector<16xf32>
        %add3A_319 = arith.addf %mul3A_317, %mul3A_318 : vector<16xf32>
        %mul3A_320 = arith.mulf %get3A_291, %get3A_291 : vector<16xf32>
        %add3A_321 = arith.addf %add3A_319, %mul3A_320 : vector<16xf32>
        %mul3A_322 = arith.mulf %get3A_296, %get3A_296 : vector<16xf32>
        %add3A_323 = arith.addf %add3A_321, %mul3A_322 : vector<16xf32>
        %mul3A_324 = arith.mulf %get3A_301, %get3A_301 : vector<16xf32>
        %add3A_325 = arith.addf %add3A_323, %mul3A_324 : vector<16xf32>
        %mul3A_326 = arith.mulf %get3A_306, %get3A_306 : vector<16xf32>
        %add3A_327 = arith.addf %add3A_325, %mul3A_326 : vector<16xf32>
        %mul3A_328 = arith.mulf %get3A_311, %get3A_311 : vector<16xf32>
        %add3A_329 = arith.addf %add3A_327, %mul3A_328 : vector<16xf32>
        %mul3A_330 = arith.mulf %get3A_316, %get3A_316 : vector<16xf32>
        %add3A_331 = arith.addf %add3A_329, %mul3A_330 : vector<16xf32>
        %add3A_332 = arith.constant 2 : i32
        %add3A_333 = arith.addi %mul3A_222, %add3A_332 : i32
        %get3A_334 = arith.index_cast %add3A_333 : i32 to index
        %get3A_335 = arith.constant 0 : index
        %get3A_336 = tpu.vector_load %arg5[%get3A_334, %get3A_335] {strides = array<i32>} : memref<80x128xf32, #tpu.memory_space<vmem>>, vector<16xf32>,
        %add3A_337 = arith.constant 2 : i32
        %add3A_338 = arith.addi %mul3A_222, %add3A_337 : i32
        %get3A_339 = arith.index_cast %add3A_338 : i32 to index
        %get3A_340 = arith.constant 16 : index
        %get3A_341 = tpu.vector_load %arg5[%get3A_339, %get3A_340] {strides = array<i32>} : memref<80x128xf32, #tpu.memory_space<vmem>>, vector<16xf32>,
        %add3A_342 = arith.constant 2 : i32
        %add3A_343 = arith.addi %mul3A_222, %add3A_342 : i32
        %get3A_344 = arith.index_cast %add3A_343 : i32 to index
        %get3A_345 = arith.constant 32 : index
        %get3A_346 = tpu.vector_load %arg5[%get3A_344, %get3A_345] {strides = array<i32>} : memref<80x128xf32, #tpu.memory_space<vmem>>, vector<16xf32>,
        %add3A_347 = arith.constant 2 : i32
        %add3A_348 = arith.addi %mul3A_222, %add3A_347 : i32
        %get3A_349 = arith.index_cast %add3A_348 : i32 to index
        %get3A_350 = arith.constant 48 : index
        %get3A_351 = tpu.vector_load %arg5[%get3A_349, %get3A_350] {strides = array<i32>} : memref<80x128xf32, #tpu.memory_space<vmem>>, vector<16xf32>,
        %add3A_352 = arith.constant 2 : i32
        %add3A_353 = arith.addi %mul3A_222, %add3A_352 : i32
        %get3A_354 = arith.index_cast %add3A_353 : i32 to index
        %get3A_355 = arith.constant 64 : index
        %get3A_356 = tpu.vector_load %arg5[%get3A_354, %get3A_355] {strides = array<i32>} : memref<80x128xf32, #tpu.memory_space<vmem>>, vector<16xf32>,
        %add3A_357 = arith.constant 2 : i32
        %add3A_358 = arith.addi %mul3A_222, %add3A_357 : i32
        %get3A_359 = arith.index_cast %add3A_358 : i32 to index
        %get3A_360 = arith.constant 80 : index
        %get3A_361 = tpu.vector_load %arg5[%get3A_359, %get3A_360] {strides = array<i32>} : memref<80x128xf32, #tpu.memory_space<vmem>>, vector<16xf32>,
        %add3A_362 = arith.constant 2 : i32
        %add3A_363 = arith.addi %mul3A_222, %add3A_362 : i32
        %get3A_364 = arith.index_cast %add3A_363 : i32 to index
        %get3A_365 = arith.constant 96 : index
        %get3A_366 = tpu.vector_load %arg5[%get3A_364, %get3A_365] {strides = array<i32>} : memref<80x128xf32, #tpu.memory_space<vmem>>, vector<16xf32>,
        %add3A_367 = arith.constant 2 : i32
        %add3A_368 = arith.addi %mul3A_222, %add3A_367 : i32
        %get3A_369 = arith.index_cast %add3A_368 : i32 to index
        %get3A_370 = arith.constant 112 : index
        %get3A_371 = tpu.vector_load %arg5[%get3A_369, %get3A_370] {strides = array<i32>} : memref<80x128xf32, #tpu.memory_space<vmem>>, vector<16xf32>,
        %mul3A_372 = arith.mulf %get3A_336, %get3A_336 : vector<16xf32>
        %mul3A_373 = arith.mulf %get3A_341, %get3A_341 : vector<16xf32>
        %add3A_374 = arith.addf %mul3A_372, %mul3A_373 : vector<16xf32>
        %mul3A_375 = arith.mulf %get3A_346, %get3A_346 : vector<16xf32>
        %add3A_376 = arith.addf %add3A_374, %mul3A_375 : vector<16xf32>
        %mul3A_377 = arith.mulf %get3A_351, %get3A_351 : vector<16xf32>
        %add3A_378 = arith.addf %add3A_376, %mul3A_377 : vector<16xf32>
        %mul3A_379 = arith.mulf %get3A_356, %get3A_356 : vector<16xf32>
        %add3A_380 = arith.addf %add3A_378, %mul3A_379 : vector<16xf32>
        %mul3A_381 = arith.mulf %get3A_361, %get3A_361 : vector<16xf32>
        %add3A_382 = arith.addf %add3A_380, %mul3A_381 : vector<16xf32>
        %mul3A_383 = arith.mulf %get3A_366, %get3A_366 : vector<16xf32>
        %add3A_384 = arith.addf %add3A_382, %mul3A_383 : vector<16xf32>
        %mul3A_385 = arith.mulf %get3A_371, %get3A_371 : vector<16xf32>
        %add3A_386 = arith.addf %add3A_384, %mul3A_385 : vector<16xf32>
        %add3A_387 = arith.constant 3 : i32
        %add3A_388 = arith.addi %mul3A_222, %add3A_387 : i32
        %get3A_389 = arith.index_cast %add3A_388 : i32 to index
        %get3A_390 = arith.constant 0 : index
        %get3A_391 = tpu.vector_load %arg5[%get3A_389, %get3A_390] {strides = array<i32>} : memref<80x128xf32, #tpu.memory_space<vmem>>, vector<16xf32>,
        %add3A_392 = arith.constant 3 : i32
        %add3A_393 = arith.addi %mul3A_222, %add3A_392 : i32
        %get3A_394 = arith.index_cast %add3A_393 : i32 to index
        %get3A_395 = arith.constant 16 : index
        %get3A_396 = tpu.vector_load %arg5[%get3A_394, %get3A_395] {strides = array<i32>} : memref<80x128xf32, #tpu.memory_space<vmem>>, vector<16xf32>,
        %add3A_397 = arith.constant 3 : i32
        %add3A_398 = arith.addi %mul3A_222, %add3A_397 : i32
        %get3A_399 = arith.index_cast %add3A_398 : i32 to index
        %get3A_400 = arith.constant 32 : index
        %get3A_401 = tpu.vector_load %arg5[%get3A_399, %get3A_400] {strides = array<i32>} : memref<80x128xf32, #tpu.memory_space<vmem>>, vector<16xf32>,
        %add3A_402 = arith.constant 3 : i32
        %add3A_403 = arith.addi %mul3A_222, %add3A_402 : i32
        %get3A_404 = arith.index_cast %add3A_403 : i32 to index
        %get3A_405 = arith.constant 48 : index
        %get3A_406 = tpu.vector_load %arg5[%get3A_404, %get3A_405] {strides = array<i32>} : memref<80x128xf32, #tpu.memory_space<vmem>>, vector<16xf32>,
        %add3A_407 = arith.constant 3 : i32
        %add3A_408 = arith.addi %mul3A_222, %add3A_407 : i32
        %get3A_409 = arith.index_cast %add3A_408 : i32 to index
        %get3A_410 = arith.constant 64 : index
        %get3A_411 = tpu.vector_load %arg5[%get3A_409, %get3A_410] {strides = array<i32>} : memref<80x128xf32, #tpu.memory_space<vmem>>, vector<16xf32>,
        %add3A_412 = arith.constant 3 : i32
        %add3A_413 = arith.addi %mul3A_222, %add3A_412 : i32
        %get3A_414 = arith.index_cast %add3A_413 : i32 to index
        %get3A_415 = arith.constant 80 : index
        %get3A_416 = tpu.vector_load %arg5[%get3A_414, %get3A_415] {strides = array<i32>} : memref<80x128xf32, #tpu.memory_space<vmem>>, vector<16xf32>,
        %add3A_417 = arith.constant 3 : i32
        %add3A_418 = arith.addi %mul3A_222, %add3A_417 : i32
        %get3A_419 = arith.index_cast %add3A_418 : i32 to index
        %get3A_420 = arith.constant 96 : index
        %get3A_421 = tpu.vector_load %arg5[%get3A_419, %get3A_420] {strides = array<i32>} : memref<80x128xf32, #tpu.memory_space<vmem>>, vector<16xf32>,
        %add3A_422 = arith.constant 3 : i32
        %add3A_423 = arith.addi %mul3A_222, %add3A_422 : i32
        %get3A_424 = arith.index_cast %add3A_423 : i32 to index
        %get3A_425 = arith.constant 112 : index
        %get3A_426 = tpu.vector_load %arg5[%get3A_424, %get3A_425] {strides = array<i32>} : memref<80x128xf32, #tpu.memory_space<vmem>>, vector<16xf32>,
        %mul3A_427 = arith.mulf %get3A_391, %get3A_391 : vector<16xf32>
        %mul3A_428 = arith.mulf %get3A_396, %get3A_396 : vector<16xf32>
        %add3A_429 = arith.addf %mul3A_427, %mul3A_428 : vector<16xf32>
        %mul3A_430 = arith.mulf %get3A_401, %get3A_401 : vector<16xf32>
        %add3A_431 = arith.addf %add3A_429, %mul3A_430 : vector<16xf32>
        %mul3A_432 = arith.mulf %get3A_406, %get3A_406 : vector<16xf32>
        %add3A_433 = arith.addf %add3A_431, %mul3A_432 : vector<16xf32>
        %mul3A_434 = arith.mulf %get3A_411, %get3A_411 : vector<16xf32>
        %add3A_435 = arith.addf %add3A_433, %mul3A_434 : vector<16xf32>
        %mul3A_436 = arith.mulf %get3A_416, %get3A_416 : vector<16xf32>
        %add3A_437 = arith.addf %add3A_435, %mul3A_436 : vector<16xf32>
        %mul3A_438 = arith.mulf %get3A_421, %get3A_421 : vector<16xf32>
        %add3A_439 = arith.addf %add3A_437, %mul3A_438 : vector<16xf32>
        %mul3A_440 = arith.mulf %get3A_426, %get3A_426 : vector<16xf32>
        %add3A_441 = arith.addf %add3A_439, %mul3A_440 : vector<16xf32>
        %lt3A_442 = arith.constant 0 : i32
        %lt3A_443 = vector.broadcast %lt3A_442 : i32 to vector<16xi32>
        %lt3A_444 = arith.cmpi slt, %xor3A_12, %lt3A_443 : vector<16xi32>
        %add3A_445 = arith.constant 16 : i32
        %add3A_446 = vector.broadcast %add3A_445 : i32 to vector<16xi32>
        %add3A_447 = arith.addi %xor3A_12, %add3A_446 : vector<16xi32>
        %select_n3A = arith.select %lt3A_444, %add3A_447, %xor3A_12 : vector<16xi1>, vector<16xi32>
        %broadcast_in_dim3A = vector.shape_cast %select_n3A : vector<16xi32> to vector<16x1xi32>
        %gather3A = vector.shape_cast %broadcast_in_dim3A : vector<16x1xi32> to vector<16xi32>
        %gather3A_448 = tpu.dynamic_gather %add3A_276[%gather3A] in [0] : vector<16xf32>, vector<16xi32> -> vector<16xf32>
        %add3A_449 = arith.addf %add3A_276, %gather3A_448 : vector<16xf32>
        %lt3A_450 = arith.constant 0 : i32
        %lt3A_451 = vector.broadcast %lt3A_450 : i32 to vector<16xi32>
        %lt3A_452 = arith.cmpi slt, %xor3A_12, %lt3A_451 : vector<16xi32>
        %add3A_453 = arith.constant 16 : i32
        %add3A_454 = vector.broadcast %add3A_453 : i32 to vector<16xi32>
        %add3A_455 = arith.addi %xor3A_12, %add3A_454 : vector<16xi32>
        %select_n3A_456 = arith.select %lt3A_452, %add3A_455, %xor3A_12 : vector<16xi1>, vector<16xi32>
        %broadcast_in_dim3A_457 = vector.shape_cast %select_n3A_456 : vector<16xi32> to vector<16x1xi32>
        %gather3A_458 = vector.shape_cast %broadcast_in_dim3A_457 : vector<16x1xi32> to vector<16xi32>
        %gather3A_459 = tpu.dynamic_gather %add3A_331[%gather3A_458] in [0] : vector<16xf32>, vector<16xi32> -> vector<16xf32>
        %add3A_460 = arith.addf %add3A_331, %gather3A_459 : vector<16xf32>
        %lt3A_461 = arith.constant 0 : i32
        %lt3A_462 = vector.broadcast %lt3A_461 : i32 to vector<16xi32>
        %lt3A_463 = arith.cmpi slt, %xor3A_12, %lt3A_462 : vector<16xi32>
        %add3A_464 = arith.constant 16 : i32
        %add3A_465 = vector.broadcast %add3A_464 : i32 to vector<16xi32>
        %add3A_466 = arith.addi %xor3A_12, %add3A_465 : vector<16xi32>
        %select_n3A_467 = arith.select %lt3A_463, %add3A_466, %xor3A_12 : vector<16xi1>, vector<16xi32>
        %broadcast_in_dim3A_468 = vector.shape_cast %select_n3A_467 : vector<16xi32> to vector<16x1xi32>
        %gather3A_469 = vector.shape_cast %broadcast_in_dim3A_468 : vector<16x1xi32> to vector<16xi32>
        %gather3A_470 = tpu.dynamic_gather %add3A_386[%gather3A_469] in [0] : vector<16xf32>, vector<16xi32> -> vector<16xf32>
        %add3A_471 = arith.addf %add3A_386, %gather3A_470 : vector<16xf32>
        %lt3A_472 = arith.constant 0 : i32
        %lt3A_473 = vector.broadcast %lt3A_472 : i32 to vector<16xi32>
        %lt3A_474 = arith.cmpi slt, %xor3A_12, %lt3A_473 : vector<16xi32>
        %add3A_475 = arith.constant 16 : i32
        %add3A_476 = vector.broadcast %add3A_475 : i32 to vector<16xi32>
        %add3A_477 = arith.addi %xor3A_12, %add3A_476 : vector<16xi32>
        %select_n3A_478 = arith.select %lt3A_474, %add3A_477, %xor3A_12 : vector<16xi1>, vector<16xi32>
        %broadcast_in_dim3A_479 = vector.shape_cast %select_n3A_478 : vector<16xi32> to vector<16x1xi32>
        %gather3A_480 = vector.shape_cast %broadcast_in_dim3A_479 : vector<16x1xi32> to vector<16xi32>
        %gather3A_481 = tpu.dynamic_gather %add3A_441[%gather3A_480] in [0] : vector<16xf32>, vector<16xi32> -> vector<16xf32>
        %add3A_482 = arith.addf %add3A_441, %gather3A_481 : vector<16xf32>
        %select_n3A_483 = arith.select %lt3A_29, %add3A_449, %add3A_460 : vector<16xi1>, vector<16xf32>
        %select_n3A_484 = arith.select %lt3A_29, %add3A_471, %add3A_482 : vector<16xi1>, vector<16xf32>
        %lt3A_485 = arith.constant 0 : i32
        %lt3A_486 = vector.broadcast %lt3A_485 : i32 to vector<16xi32>
        %lt3A_487 = arith.cmpi slt, %xor3A_15, %lt3A_486 : vector<16xi32>
        %add3A_488 = arith.constant 16 : i32
        %add3A_489 = vector.broadcast %add3A_488 : i32 to vector<16xi32>
        %add3A_490 = arith.addi %xor3A_15, %add3A_489 : vector<16xi32>
        %select_n3A_491 = arith.select %lt3A_487, %add3A_490, %xor3A_15 : vector<16xi1>, vector<16xi32>
        %broadcast_in_dim3A_492 = vector.shape_cast %select_n3A_491 : vector<16xi32> to vector<16x1xi32>
        %gather3A_493 = vector.shape_cast %broadcast_in_dim3A_492 : vector<16x1xi32> to vector<16xi32>
        %gather3A_494 = tpu.dynamic_gather %select_n3A_483[%gather3A_493] in [0] : vector<16xf32>, vector<16xi32> -> vector<16xf32>
        %add3A_495 = arith.addf %select_n3A_483, %gather3A_494 : vector<16xf32>
        %lt3A_496 = arith.constant 0 : i32
        %lt3A_497 = vector.broadcast %lt3A_496 : i32 to vector<16xi32>
        %lt3A_498 = arith.cmpi slt, %xor3A_15, %lt3A_497 : vector<16xi32>
        %add3A_499 = arith.constant 16 : i32
        %add3A_500 = vector.broadcast %add3A_499 : i32 to vector<16xi32>
        %add3A_501 = arith.addi %xor3A_15, %add3A_500 : vector<16xi32>
        %select_n3A_502 = arith.select %lt3A_498, %add3A_501, %xor3A_15 : vector<16xi1>, vector<16xi32>
        %broadcast_in_dim3A_503 = vector.shape_cast %select_n3A_502 : vector<16xi32> to vector<16x1xi32>
        %gather3A_504 = vector.shape_cast %broadcast_in_dim3A_503 : vector<16x1xi32> to vector<16xi32>
        %gather3A_505 = tpu.dynamic_gather %select_n3A_484[%gather3A_504] in [0] : vector<16xf32>, vector<16xi32> -> vector<16xf32>
        %add3A_506 = arith.addf %select_n3A_484, %gather3A_505 : vector<16xf32>
        %lt3A_507 = arith.constant 0 : i32
        %lt3A_508 = vector.broadcast %lt3A_507 : i32 to vector<16xi32>
        %lt3A_509 = arith.cmpi slt, %xor3A_18, %lt3A_508 : vector<16xi32>
        %add3A_510 = arith.constant 16 : i32
        %add3A_511 = vector.broadcast %add3A_510 : i32 to vector<16xi32>
        %add3A_512 = arith.addi %xor3A_18, %add3A_511 : vector<16xi32>
        %select_n3A_513 = arith.select %lt3A_509, %add3A_512, %xor3A_18 : vector<16xi1>, vector<16xi32>
        %broadcast_in_dim3A_514 = vector.shape_cast %select_n3A_513 : vector<16xi32> to vector<16x1xi32>
        %gather3A_515 = vector.shape_cast %broadcast_in_dim3A_514 : vector<16x1xi32> to vector<16xi32>
        %gather3A_516 = tpu.dynamic_gather %add3A_495[%gather3A_515] in [0] : vector<16xf32>, vector<16xi32> -> vector<16xf32>
        %add3A_517 = arith.addf %add3A_495, %gather3A_516 : vector<16xf32>
        %lt3A_518 = arith.constant 0 : i32
        %lt3A_519 = vector.broadcast %lt3A_518 : i32 to vector<16xi32>
        %lt3A_520 = arith.cmpi slt, %xor3A_18, %lt3A_519 : vector<16xi32>
        %add3A_521 = arith.constant 16 : i32
        %add3A_522 = vector.broadcast %add3A_521 : i32 to vector<16xi32>
        %add3A_523 = arith.addi %xor3A_18, %add3A_522 : vector<16xi32>
        %select_n3A_524 = arith.select %lt3A_520, %add3A_523, %xor3A_18 : vector<16xi1>, vector<16xi32>
        %broadcast_in_dim3A_525 = vector.shape_cast %select_n3A_524 : vector<16xi32> to vector<16x1xi32>
        %gather3A_526 = vector.shape_cast %broadcast_in_dim3A_525 : vector<16x1xi32> to vector<16xi32>
        %gather3A_527 = tpu.dynamic_gather %add3A_506[%gather3A_526] in [0] : vector<16xf32>, vector<16xi32> -> vector<16xf32>
        %add3A_528 = arith.addf %add3A_506, %gather3A_527 : vector<16xf32>
        %lt3A_529 = arith.constant 0 : i32
        %lt3A_530 = vector.broadcast %lt3A_529 : i32 to vector<16xi32>
        %lt3A_531 = arith.cmpi slt, %xor3A_21, %lt3A_530 : vector<16xi32>
        %add3A_532 = arith.constant 16 : i32
        %add3A_533 = vector.broadcast %add3A_532 : i32 to vector<16xi32>
        %add3A_534 = arith.addi %xor3A_21, %add3A_533 : vector<16xi32>
        %select_n3A_535 = arith.select %lt3A_531, %add3A_534, %xor3A_21 : vector<16xi1>, vector<16xi32>
        %broadcast_in_dim3A_536 = vector.shape_cast %select_n3A_535 : vector<16xi32> to vector<16x1xi32>
        %gather3A_537 = vector.shape_cast %broadcast_in_dim3A_536 : vector<16x1xi32> to vector<16xi32>
        %gather3A_538 = tpu.dynamic_gather %add3A_517[%gather3A_537] in [0] : vector<16xf32>, vector<16xi32> -> vector<16xf32>
        %add3A_539 = arith.addf %add3A_517, %gather3A_538 : vector<16xf32>
        %lt3A_540 = arith.constant 0 : i32
        %lt3A_541 = vector.broadcast %lt3A_540 : i32 to vector<16xi32>
        %lt3A_542 = arith.cmpi slt, %xor3A_21, %lt3A_541 : vector<16xi32>
        %add3A_543 = arith.constant 16 : i32
        %add3A_544 = vector.broadcast %add3A_543 : i32 to vector<16xi32>
        %add3A_545 = arith.addi %xor3A_21, %add3A_544 : vector<16xi32>
        %select_n3A_546 = arith.select %lt3A_542, %add3A_545, %xor3A_21 : vector<16xi1>, vector<16xi32>
        %broadcast_in_dim3A_547 = vector.shape_cast %select_n3A_546 : vector<16xi32> to vector<16x1xi32>
        %gather3A_548 = vector.shape_cast %broadcast_in_dim3A_547 : vector<16x1xi32> to vector<16xi32>
        %gather3A_549 = tpu.dynamic_gather %add3A_528[%gather3A_548] in [0] : vector<16xf32>, vector<16xi32> -> vector<16xf32>
        %add3A_550 = arith.addf %add3A_528, %gather3A_549 : vector<16xf32>
        %bitcast3A = vector.bitcast %add3A_539 : vector<16xf32> to vector<16xi32>
        %shift_right_arithmetic3A = arith.constant 1 : i32
        %shift_right_arithmetic3A_551 = vector.broadcast %shift_right_arithmetic3A : i32 to vector<16xi32>
        %shift_right_arithmetic3A_552 = arith.shrsi %bitcast3A, %shift_right_arithmetic3A_551 : vector<16xi32>
        %sub3A = arith.constant 1597463007 : i32
        %sub3A_553 = vector.broadcast %sub3A : i32 to vector<16xi32>
        %sub3A_554 = arith.subi %sub3A_553, %shift_right_arithmetic3A_552 : vector<16xi32>
        %bitcast3A_555 = vector.bitcast %sub3A_554 : vector<16xi32> to vector<16xf32>
        %mul3A_556 = arith.constant -5.000000e-01 : f32
        %mul3A_557 = vector.broadcast %mul3A_556 : f32 to vector<16xf32>
        %mul3A_558 = arith.mulf %mul3A_557, %add3A_539 : vector<16xf32>
        %mul3A_559 = arith.mulf %mul3A_558, %bitcast3A_555 : vector<16xf32>
        %mul3A_560 = arith.mulf %mul3A_559, %bitcast3A_555 : vector<16xf32>
        %add3A_561 = arith.constant 1.500000e+00 : f32
        %add3A_562 = vector.broadcast %add3A_561 : f32 to vector<16xf32>
        %add3A_563 = arith.addf %add3A_562, %mul3A_560 : vector<16xf32>
        %mul3A_564 = arith.mulf %bitcast3A_555, %add3A_563 : vector<16xf32>
        %mul3A_565 = arith.mulf %mul3A_558, %mul3A_564 : vector<16xf32>
        %mul3A_566 = arith.mulf %mul3A_565, %mul3A_564 : vector<16xf32>
        %add3A_567 = arith.constant 1.500000e+00 : f32
        %add3A_568 = vector.broadcast %add3A_567 : f32 to vector<16xf32>
        %add3A_569 = arith.addf %add3A_568, %mul3A_566 : vector<16xf32>
        %mul3A_570 = arith.mulf %mul3A_564, %add3A_569 : vector<16xf32>
        %mul3A_571 = arith.mulf %mul3A_558, %mul3A_570 : vector<16xf32>
        %mul3A_572 = arith.mulf %mul3A_571, %mul3A_570 : vector<16xf32>
        %add3A_573 = arith.constant 1.500000e+00 : f32
        %add3A_574 = vector.broadcast %add3A_573 : f32 to vector<16xf32>
        %add3A_575 = arith.addf %add3A_574, %mul3A_572 : vector<16xf32>
        %mul3A_576 = arith.mulf %mul3A_570, %add3A_575 : vector<16xf32>
        %min3A = arith.constant 9.99999995E+11 : f32
        %min3A_577 = vector.broadcast %min3A : f32 to vector<16xf32>
        %min3A_578 = arith.minimumf %mul3A_576, %min3A_577 : vector<16xf32>
        %bitcast3A_579 = vector.bitcast %add3A_550 : vector<16xf32> to vector<16xi32>
        %shift_right_arithmetic3A_580 = arith.constant 1 : i32
        %shift_right_arithmetic3A_581 = vector.broadcast %shift_right_arithmetic3A_580 : i32 to vector<16xi32>
        %shift_right_arithmetic3A_582 = arith.shrsi %bitcast3A_579, %shift_right_arithmetic3A_581 : vector<16xi32>
        %sub3A_583 = arith.constant 1597463007 : i32
        %sub3A_584 = vector.broadcast %sub3A_583 : i32 to vector<16xi32>
        %sub3A_585 = arith.subi %sub3A_584, %shift_right_arithmetic3A_582 : vector<16xi32>
        %bitcast3A_586 = vector.bitcast %sub3A_585 : vector<16xi32> to vector<16xf32>
        %mul3A_587 = arith.constant -5.000000e-01 : f32
        %mul3A_588 = vector.broadcast %mul3A_587 : f32 to vector<16xf32>
        %mul3A_589 = arith.mulf %mul3A_588, %add3A_550 : vector<16xf32>
        %mul3A_590 = arith.mulf %mul3A_589, %bitcast3A_586 : vector<16xf32>
        %mul3A_591 = arith.mulf %mul3A_590, %bitcast3A_586 : vector<16xf32>
        %add3A_592 = arith.constant 1.500000e+00 : f32
        %add3A_593 = vector.broadcast %add3A_592 : f32 to vector<16xf32>
        %add3A_594 = arith.addf %add3A_593, %mul3A_591 : vector<16xf32>
        %mul3A_595 = arith.mulf %bitcast3A_586, %add3A_594 : vector<16xf32>
        %mul3A_596 = arith.mulf %mul3A_589, %mul3A_595 : vector<16xf32>
        %mul3A_597 = arith.mulf %mul3A_596, %mul3A_595 : vector<16xf32>
        %add3A_598 = arith.constant 1.500000e+00 : f32
        %add3A_599 = vector.broadcast %add3A_598 : f32 to vector<16xf32>
        %add3A_600 = arith.addf %add3A_599, %mul3A_597 : vector<16xf32>
        %mul3A_601 = arith.mulf %mul3A_595, %add3A_600 : vector<16xf32>
        %mul3A_602 = arith.mulf %mul3A_589, %mul3A_601 : vector<16xf32>
        %mul3A_603 = arith.mulf %mul3A_602, %mul3A_601 : vector<16xf32>
        %add3A_604 = arith.constant 1.500000e+00 : f32
        %add3A_605 = vector.broadcast %add3A_604 : f32 to vector<16xf32>
        %add3A_606 = arith.addf %add3A_605, %mul3A_603 : vector<16xf32>
        %mul3A_607 = arith.mulf %mul3A_601, %add3A_606 : vector<16xf32>
        %min3A_608 = arith.constant 9.99999995E+11 : f32
        %min3A_609 = vector.broadcast %min3A_608 : f32 to vector<16xf32>
        %min3A_610 = arith.minimumf %mul3A_607, %min3A_609 : vector<16xf32>
        %lt3A_611 = arith.constant 0 : i32
        %lt3A_612 = vector.broadcast %lt3A_611 : i32 to vector<16xi32>
        %lt3A_613 = arith.cmpi slt, %mul3A_24, %lt3A_612 : vector<16xi32>
        %add3A_614 = arith.constant 16 : i32
        %add3A_615 = vector.broadcast %add3A_614 : i32 to vector<16xi32>
        %add3A_616 = arith.addi %mul3A_24, %add3A_615 : vector<16xi32>
        %select_n3A_617 = arith.select %lt3A_613, %add3A_616, %mul3A_24 : vector<16xi1>, vector<16xi32>
        %broadcast_in_dim3A_618 = vector.shape_cast %select_n3A_617 : vector<16xi32> to vector<16x1xi32>
        %gather3A_619 = vector.shape_cast %broadcast_in_dim3A_618 : vector<16x1xi32> to vector<16xi32>
        %gather3A_620 = tpu.dynamic_gather %min3A_578[%gather3A_619] in [0] : vector<16xf32>, vector<16xi32> -> vector<16xf32>
        %lt3A_621 = arith.constant 0 : i32
        %lt3A_622 = vector.broadcast %lt3A_621 : i32 to vector<16xi32>
        %lt3A_623 = arith.cmpi slt, %add3A_27, %lt3A_622 : vector<16xi32>
        %add3A_624 = arith.constant 16 : i32
        %add3A_625 = vector.broadcast %add3A_624 : i32 to vector<16xi32>
        %add3A_626 = arith.addi %add3A_27, %add3A_625 : vector<16xi32>
        %select_n3A_627 = arith.select %lt3A_623, %add3A_626, %add3A_27 : vector<16xi1>, vector<16xi32>
        %broadcast_in_dim3A_628 = vector.shape_cast %select_n3A_627 : vector<16xi32> to vector<16x1xi32>
        %gather3A_629 = vector.shape_cast %broadcast_in_dim3A_628 : vector<16x1xi32> to vector<16xi32>
        %gather3A_630 = tpu.dynamic_gather %min3A_578[%gather3A_629] in [0] : vector<16xf32>, vector<16xi32> -> vector<16xf32>
        %lt3A_631 = arith.constant 0 : i32
        %lt3A_632 = vector.broadcast %lt3A_631 : i32 to vector<16xi32>
        %lt3A_633 = arith.cmpi slt, %mul3A_24, %lt3A_632 : vector<16xi32>
        %add3A_634 = arith.constant 16 : i32
        %add3A_635 = vector.broadcast %add3A_634 : i32 to vector<16xi32>
        %add3A_636 = arith.addi %mul3A_24, %add3A_635 : vector<16xi32>
        %select_n3A_637 = arith.select %lt3A_633, %add3A_636, %mul3A_24 : vector<16xi1>, vector<16xi32>
        %broadcast_in_dim3A_638 = vector.shape_cast %select_n3A_637 : vector<16xi32> to vector<16x1xi32>
        %gather3A_639 = vector.shape_cast %broadcast_in_dim3A_638 : vector<16x1xi32> to vector<16xi32>
        %gather3A_640 = tpu.dynamic_gather %min3A_610[%gather3A_639] in [0] : vector<16xf32>, vector<16xi32> -> vector<16xf32>
        %lt3A_641 = arith.constant 0 : i32
        %lt3A_642 = vector.broadcast %lt3A_641 : i32 to vector<16xi32>
        %lt3A_643 = arith.cmpi slt, %add3A_27, %lt3A_642 : vector<16xi32>
        %add3A_644 = arith.constant 16 : i32
        %add3A_645 = vector.broadcast %add3A_644 : i32 to vector<16xi32>
        %add3A_646 = arith.addi %add3A_27, %add3A_645 : vector<16xi32>
        %select_n3A_647 = arith.select %lt3A_643, %add3A_646, %add3A_27 : vector<16xi1>, vector<16xi32>
        %broadcast_in_dim3A_648 = vector.shape_cast %select_n3A_647 : vector<16xi32> to vector<16x1xi32>
        %gather3A_649 = vector.shape_cast %broadcast_in_dim3A_648 : vector<16x1xi32> to vector<16xi32>
        %gather3A_650 = tpu.dynamic_gather %min3A_610[%gather3A_649] in [0] : vector<16xf32>, vector<16xi32> -> vector<16xf32>
        %mul3A_651 = arith.mulf %get3A_226, %gather3A_620 : vector<16xf32>
        %add3A_652 = arith.constant 0 : i32
        %add3A_653 = arith.addi %mul3A_222, %add3A_652 : i32
        %swap3A = arith.index_cast %add3A_653 : i32 to index
        %swap3A_654 = arith.constant 0 : index
        %swap3A_655 = tpu.vector_load %arg5[%swap3A, %swap3A_654] {strides = array<i32>} : memref<80x128xf32, #tpu.memory_space<vmem>>, vector<16xf32>,
        tpu.vector_store %arg5[%swap3A, %swap3A_654], %mul3A_651 {strides = array<i32>} : memref<80x128xf32, #tpu.memory_space<vmem>>, vector<16xf32>,
        %mul3A_656 = arith.mulf %get3A_231, %gather3A_620 : vector<16xf32>
        %add3A_657 = arith.constant 0 : i32
        %add3A_658 = arith.addi %mul3A_222, %add3A_657 : i32
        %swap3A_659 = arith.index_cast %add3A_658 : i32 to index
        %swap3A_660 = arith.constant 16 : index
        %swap3A_661 = tpu.vector_load %arg5[%swap3A_659, %swap3A_660] {strides = array<i32>} : memref<80x128xf32, #tpu.memory_space<vmem>>, vector<16xf32>,
        tpu.vector_store %arg5[%swap3A_659, %swap3A_660], %mul3A_656 {strides = array<i32>} : memref<80x128xf32, #tpu.memory_space<vmem>>, vector<16xf32>,
        %mul3A_662 = arith.mulf %get3A_236, %gather3A_620 : vector<16xf32>
        %add3A_663 = arith.constant 0 : i32
        %add3A_664 = arith.addi %mul3A_222, %add3A_663 : i32
        %swap3A_665 = arith.index_cast %add3A_664 : i32 to index
        %swap3A_666 = arith.constant 32 : index
        %swap3A_667 = tpu.vector_load %arg5[%swap3A_665, %swap3A_666] {strides = array<i32>} : memref<80x128xf32, #tpu.memory_space<vmem>>, vector<16xf32>,
        tpu.vector_store %arg5[%swap3A_665, %swap3A_666], %mul3A_662 {strides = array<i32>} : memref<80x128xf32, #tpu.memory_space<vmem>>, vector<16xf32>,
        %mul3A_668 = arith.mulf %get3A_241, %gather3A_620 : vector<16xf32>
        %add3A_669 = arith.constant 0 : i32
        %add3A_670 = arith.addi %mul3A_222, %add3A_669 : i32
        %swap3A_671 = arith.index_cast %add3A_670 : i32 to index
        %swap3A_672 = arith.constant 48 : index
        %swap3A_673 = tpu.vector_load %arg5[%swap3A_671, %swap3A_672] {strides = array<i32>} : memref<80x128xf32, #tpu.memory_space<vmem>>, vector<16xf32>,
        tpu.vector_store %arg5[%swap3A_671, %swap3A_672], %mul3A_668 {strides = array<i32>} : memref<80x128xf32, #tpu.memory_space<vmem>>, vector<16xf32>,
        %mul3A_674 = arith.mulf %get3A_246, %gather3A_620 : vector<16xf32>
        %add3A_675 = arith.constant 0 : i32
        %add3A_676 = arith.addi %mul3A_222, %add3A_675 : i32
        %swap3A_677 = arith.index_cast %add3A_676 : i32 to index
        %swap3A_678 = arith.constant 64 : index
        %swap3A_679 = tpu.vector_load %arg5[%swap3A_677, %swap3A_678] {strides = array<i32>} : memref<80x128xf32, #tpu.memory_space<vmem>>, vector<16xf32>,
        tpu.vector_store %arg5[%swap3A_677, %swap3A_678], %mul3A_674 {strides = array<i32>} : memref<80x128xf32, #tpu.memory_space<vmem>>, vector<16xf32>,
        %mul3A_680 = arith.mulf %get3A_251, %gather3A_620 : vector<16xf32>
        %add3A_681 = arith.constant 0 : i32
        %add3A_682 = arith.addi %mul3A_222, %add3A_681 : i32
        %swap3A_683 = arith.index_cast %add3A_682 : i32 to index
        %swap3A_684 = arith.constant 80 : index
        %swap3A_685 = tpu.vector_load %arg5[%swap3A_683, %swap3A_684] {strides = array<i32>} : memref<80x128xf32, #tpu.memory_space<vmem>>, vector<16xf32>,
        tpu.vector_store %arg5[%swap3A_683, %swap3A_684], %mul3A_680 {strides = array<i32>} : memref<80x128xf32, #tpu.memory_space<vmem>>, vector<16xf32>,
        %mul3A_686 = arith.mulf %get3A_256, %gather3A_620 : vector<16xf32>
        %add3A_687 = arith.constant 0 : i32
        %add3A_688 = arith.addi %mul3A_222, %add3A_687 : i32
        %swap3A_689 = arith.index_cast %add3A_688 : i32 to index
        %swap3A_690 = arith.constant 96 : index
        %swap3A_691 = tpu.vector_load %arg5[%swap3A_689, %swap3A_690] {strides = array<i32>} : memref<80x128xf32, #tpu.memory_space<vmem>>, vector<16xf32>,
        tpu.vector_store %arg5[%swap3A_689, %swap3A_690], %mul3A_686 {strides = array<i32>} : memref<80x128xf32, #tpu.memory_space<vmem>>, vector<16xf32>,
        %mul3A_692 = arith.mulf %get3A_261, %gather3A_620 : vector<16xf32>
        %add3A_693 = arith.constant 0 : i32
        %add3A_694 = arith.addi %mul3A_222, %add3A_693 : i32
        %swap3A_695 = arith.index_cast %add3A_694 : i32 to index
        %swap3A_696 = arith.constant 112 : index
        %swap3A_697 = tpu.vector_load %arg5[%swap3A_695, %swap3A_696] {strides = array<i32>} : memref<80x128xf32, #tpu.memory_space<vmem>>, vector<16xf32>,
        tpu.vector_store %arg5[%swap3A_695, %swap3A_696], %mul3A_692 {strides = array<i32>} : memref<80x128xf32, #tpu.memory_space<vmem>>, vector<16xf32>,
        %mul3A_698 = arith.mulf %get3A_281, %gather3A_630 : vector<16xf32>
        %add3A_699 = arith.constant 1 : i32
        %add3A_700 = arith.addi %mul3A_222, %add3A_699 : i32
        %swap3A_701 = arith.index_cast %add3A_700 : i32 to index
        %swap3A_702 = arith.constant 0 : index
        %swap3A_703 = tpu.vector_load %arg5[%swap3A_701, %swap3A_702] {strides = array<i32>} : memref<80x128xf32, #tpu.memory_space<vmem>>, vector<16xf32>,
        tpu.vector_store %arg5[%swap3A_701, %swap3A_702], %mul3A_698 {strides = array<i32>} : memref<80x128xf32, #tpu.memory_space<vmem>>, vector<16xf32>,
        %mul3A_704 = arith.mulf %get3A_286, %gather3A_630 : vector<16xf32>
        %add3A_705 = arith.constant 1 : i32
        %add3A_706 = arith.addi %mul3A_222, %add3A_705 : i32
        %swap3A_707 = arith.index_cast %add3A_706 : i32 to index
        %swap3A_708 = arith.constant 16 : index
        %swap3A_709 = tpu.vector_load %arg5[%swap3A_707, %swap3A_708] {strides = array<i32>} : memref<80x128xf32, #tpu.memory_space<vmem>>, vector<16xf32>,
        tpu.vector_store %arg5[%swap3A_707, %swap3A_708], %mul3A_704 {strides = array<i32>} : memref<80x128xf32, #tpu.memory_space<vmem>>, vector<16xf32>,
        %mul3A_710 = arith.mulf %get3A_291, %gather3A_630 : vector<16xf32>
        %add3A_711 = arith.constant 1 : i32
        %add3A_712 = arith.addi %mul3A_222, %add3A_711 : i32
        %swap3A_713 = arith.index_cast %add3A_712 : i32 to index
        %swap3A_714 = arith.constant 32 : index
        %swap3A_715 = tpu.vector_load %arg5[%swap3A_713, %swap3A_714] {strides = array<i32>} : memref<80x128xf32, #tpu.memory_space<vmem>>, vector<16xf32>,
        tpu.vector_store %arg5[%swap3A_713, %swap3A_714], %mul3A_710 {strides = array<i32>} : memref<80x128xf32, #tpu.memory_space<vmem>>, vector<16xf32>,
        %mul3A_716 = arith.mulf %get3A_296, %gather3A_630 : vector<16xf32>
        %add3A_717 = arith.constant 1 : i32
        %add3A_718 = arith.addi %mul3A_222, %add3A_717 : i32
        %swap3A_719 = arith.index_cast %add3A_718 : i32 to index
        %swap3A_720 = arith.constant 48 : index
        %swap3A_721 = tpu.vector_load %arg5[%swap3A_719, %swap3A_720] {strides = array<i32>} : memref<80x128xf32, #tpu.memory_space<vmem>>, vector<16xf32>,
        tpu.vector_store %arg5[%swap3A_719, %swap3A_720], %mul3A_716 {strides = array<i32>} : memref<80x128xf32, #tpu.memory_space<vmem>>, vector<16xf32>,
        %mul3A_722 = arith.mulf %get3A_301, %gather3A_630 : vector<16xf32>
        %add3A_723 = arith.constant 1 : i32
        %add3A_724 = arith.addi %mul3A_222, %add3A_723 : i32
        %swap3A_725 = arith.index_cast %add3A_724 : i32 to index
        %swap3A_726 = arith.constant 64 : index
        %swap3A_727 = tpu.vector_load %arg5[%swap3A_725, %swap3A_726] {strides = array<i32>} : memref<80x128xf32, #tpu.memory_space<vmem>>, vector<16xf32>,
        tpu.vector_store %arg5[%swap3A_725, %swap3A_726], %mul3A_722 {strides = array<i32>} : memref<80x128xf32, #tpu.memory_space<vmem>>, vector<16xf32>,
        %mul3A_728 = arith.mulf %get3A_306, %gather3A_630 : vector<16xf32>
        %add3A_729 = arith.constant 1 : i32
        %add3A_730 = arith.addi %mul3A_222, %add3A_729 : i32
        %swap3A_731 = arith.index_cast %add3A_730 : i32 to index
        %swap3A_732 = arith.constant 80 : index
        %swap3A_733 = tpu.vector_load %arg5[%swap3A_731, %swap3A_732] {strides = array<i32>} : memref<80x128xf32, #tpu.memory_space<vmem>>, vector<16xf32>,
        tpu.vector_store %arg5[%swap3A_731, %swap3A_732], %mul3A_728 {strides = array<i32>} : memref<80x128xf32, #tpu.memory_space<vmem>>, vector<16xf32>,
        %mul3A_734 = arith.mulf %get3A_311, %gather3A_630 : vector<16xf32>
        %add3A_735 = arith.constant 1 : i32
        %add3A_736 = arith.addi %mul3A_222, %add3A_735 : i32
        %swap3A_737 = arith.index_cast %add3A_736 : i32 to index
        %swap3A_738 = arith.constant 96 : index
        %swap3A_739 = tpu.vector_load %arg5[%swap3A_737, %swap3A_738] {strides = array<i32>} : memref<80x128xf32, #tpu.memory_space<vmem>>, vector<16xf32>,
        tpu.vector_store %arg5[%swap3A_737, %swap3A_738], %mul3A_734 {strides = array<i32>} : memref<80x128xf32, #tpu.memory_space<vmem>>, vector<16xf32>,
        %mul3A_740 = arith.mulf %get3A_316, %gather3A_630 : vector<16xf32>
        %add3A_741 = arith.constant 1 : i32
        %add3A_742 = arith.addi %mul3A_222, %add3A_741 : i32
        %swap3A_743 = arith.index_cast %add3A_742 : i32 to index
        %swap3A_744 = arith.constant 112 : index
        %swap3A_745 = tpu.vector_load %arg5[%swap3A_743, %swap3A_744] {strides = array<i32>} : memref<80x128xf32, #tpu.memory_space<vmem>>, vector<16xf32>,
        tpu.vector_store %arg5[%swap3A_743, %swap3A_744], %mul3A_740 {strides = array<i32>} : memref<80x128xf32, #tpu.memory_space<vmem>>, vector<16xf32>,
        %mul3A_746 = arith.mulf %get3A_336, %gather3A_640 : vector<16xf32>
        %add3A_747 = arith.constant 2 : i32
        %add3A_748 = arith.addi %mul3A_222, %add3A_747 : i32
        %swap3A_749 = arith.index_cast %add3A_748 : i32 to index
        %swap3A_750 = arith.constant 0 : index
        %swap3A_751 = tpu.vector_load %arg5[%swap3A_749, %swap3A_750] {strides = array<i32>} : memref<80x128xf32, #tpu.memory_space<vmem>>, vector<16xf32>,
        tpu.vector_store %arg5[%swap3A_749, %swap3A_750], %mul3A_746 {strides = array<i32>} : memref<80x128xf32, #tpu.memory_space<vmem>>, vector<16xf32>,
        %mul3A_752 = arith.mulf %get3A_341, %gather3A_640 : vector<16xf32>
        %add3A_753 = arith.constant 2 : i32
        %add3A_754 = arith.addi %mul3A_222, %add3A_753 : i32
        %swap3A_755 = arith.index_cast %add3A_754 : i32 to index
        %swap3A_756 = arith.constant 16 : index
        %swap3A_757 = tpu.vector_load %arg5[%swap3A_755, %swap3A_756] {strides = array<i32>} : memref<80x128xf32, #tpu.memory_space<vmem>>, vector<16xf32>,
        tpu.vector_store %arg5[%swap3A_755, %swap3A_756], %mul3A_752 {strides = array<i32>} : memref<80x128xf32, #tpu.memory_space<vmem>>, vector<16xf32>,
        %mul3A_758 = arith.mulf %get3A_346, %gather3A_640 : vector<16xf32>
        %add3A_759 = arith.constant 2 : i32
        %add3A_760 = arith.addi %mul3A_222, %add3A_759 : i32
        %swap3A_761 = arith.index_cast %add3A_760 : i32 to index
        %swap3A_762 = arith.constant 32 : index
        %swap3A_763 = tpu.vector_load %arg5[%swap3A_761, %swap3A_762] {strides = array<i32>} : memref<80x128xf32, #tpu.memory_space<vmem>>, vector<16xf32>,
        tpu.vector_store %arg5[%swap3A_761, %swap3A_762], %mul3A_758 {strides = array<i32>} : memref<80x128xf32, #tpu.memory_space<vmem>>, vector<16xf32>,
        %mul3A_764 = arith.mulf %get3A_351, %gather3A_640 : vector<16xf32>
        %add3A_765 = arith.constant 2 : i32
        %add3A_766 = arith.addi %mul3A_222, %add3A_765 : i32
        %swap3A_767 = arith.index_cast %add3A_766 : i32 to index
        %swap3A_768 = arith.constant 48 : index
        %swap3A_769 = tpu.vector_load %arg5[%swap3A_767, %swap3A_768] {strides = array<i32>} : memref<80x128xf32, #tpu.memory_space<vmem>>, vector<16xf32>,
        tpu.vector_store %arg5[%swap3A_767, %swap3A_768], %mul3A_764 {strides = array<i32>} : memref<80x128xf32, #tpu.memory_space<vmem>>, vector<16xf32>,
        %mul3A_770 = arith.mulf %get3A_356, %gather3A_640 : vector<16xf32>
        %add3A_771 = arith.constant 2 : i32
        %add3A_772 = arith.addi %mul3A_222, %add3A_771 : i32
        %swap3A_773 = arith.index_cast %add3A_772 : i32 to index
        %swap3A_774 = arith.constant 64 : index
        %swap3A_775 = tpu.vector_load %arg5[%swap3A_773, %swap3A_774] {strides = array<i32>} : memref<80x128xf32, #tpu.memory_space<vmem>>, vector<16xf32>,
        tpu.vector_store %arg5[%swap3A_773, %swap3A_774], %mul3A_770 {strides = array<i32>} : memref<80x128xf32, #tpu.memory_space<vmem>>, vector<16xf32>,
        %mul3A_776 = arith.mulf %get3A_361, %gather3A_640 : vector<16xf32>
        %add3A_777 = arith.constant 2 : i32
        %add3A_778 = arith.addi %mul3A_222, %add3A_777 : i32
        %swap3A_779 = arith.index_cast %add3A_778 : i32 to index
        %swap3A_780 = arith.constant 80 : index
        %swap3A_781 = tpu.vector_load %arg5[%swap3A_779, %swap3A_780] {strides = array<i32>} : memref<80x128xf32, #tpu.memory_space<vmem>>, vector<16xf32>,
        tpu.vector_store %arg5[%swap3A_779, %swap3A_780], %mul3A_776 {strides = array<i32>} : memref<80x128xf32, #tpu.memory_space<vmem>>, vector<16xf32>,
        %mul3A_782 = arith.mulf %get3A_366, %gather3A_640 : vector<16xf32>
        %add3A_783 = arith.constant 2 : i32
        %add3A_784 = arith.addi %mul3A_222, %add3A_783 : i32
        %swap3A_785 = arith.index_cast %add3A_784 : i32 to index
        %swap3A_786 = arith.constant 96 : index
        %swap3A_787 = tpu.vector_load %arg5[%swap3A_785, %swap3A_786] {strides = array<i32>} : memref<80x128xf32, #tpu.memory_space<vmem>>, vector<16xf32>,
        tpu.vector_store %arg5[%swap3A_785, %swap3A_786], %mul3A_782 {strides = array<i32>} : memref<80x128xf32, #tpu.memory_space<vmem>>, vector<16xf32>,
        %mul3A_788 = arith.mulf %get3A_371, %gather3A_640 : vector<16xf32>
        %add3A_789 = arith.constant 2 : i32
        %add3A_790 = arith.addi %mul3A_222, %add3A_789 : i32
        %swap3A_791 = arith.index_cast %add3A_790 : i32 to index
        %swap3A_792 = arith.constant 112 : index
        %swap3A_793 = tpu.vector_load %arg5[%swap3A_791, %swap3A_792] {strides = array<i32>} : memref<80x128xf32, #tpu.memory_space<vmem>>, vector<16xf32>,
        tpu.vector_store %arg5[%swap3A_791, %swap3A_792], %mul3A_788 {strides = array<i32>} : memref<80x128xf32, #tpu.memory_space<vmem>>, vector<16xf32>,
        %mul3A_794 = arith.mulf %get3A_391, %gather3A_650 : vector<16xf32>
        %add3A_795 = arith.constant 3 : i32
        %add3A_796 = arith.addi %mul3A_222, %add3A_795 : i32
        %swap3A_797 = arith.index_cast %add3A_796 : i32 to index
        %swap3A_798 = arith.constant 0 : index
        %swap3A_799 = tpu.vector_load %arg5[%swap3A_797, %swap3A_798] {strides = array<i32>} : memref<80x128xf32, #tpu.memory_space<vmem>>, vector<16xf32>,
        tpu.vector_store %arg5[%swap3A_797, %swap3A_798], %mul3A_794 {strides = array<i32>} : memref<80x128xf32, #tpu.memory_space<vmem>>, vector<16xf32>,
        %mul3A_800 = arith.mulf %get3A_396, %gather3A_650 : vector<16xf32>
        %add3A_801 = arith.constant 3 : i32
        %add3A_802 = arith.addi %mul3A_222, %add3A_801 : i32
        %swap3A_803 = arith.index_cast %add3A_802 : i32 to index
        %swap3A_804 = arith.constant 16 : index
        %swap3A_805 = tpu.vector_load %arg5[%swap3A_803, %swap3A_804] {strides = array<i32>} : memref<80x128xf32, #tpu.memory_space<vmem>>, vector<16xf32>,
        tpu.vector_store %arg5[%swap3A_803, %swap3A_804], %mul3A_800 {strides = array<i32>} : memref<80x128xf32, #tpu.memory_space<vmem>>, vector<16xf32>,
        %mul3A_806 = arith.mulf %get3A_401, %gather3A_650 : vector<16xf32>
        %add3A_807 = arith.constant 3 : i32
        %add3A_808 = arith.addi %mul3A_222, %add3A_807 : i32
        %swap3A_809 = arith.index_cast %add3A_808 : i32 to index
        %swap3A_810 = arith.constant 32 : index
        %swap3A_811 = tpu.vector_load %arg5[%swap3A_809, %swap3A_810] {strides = array<i32>} : memref<80x128xf32, #tpu.memory_space<vmem>>, vector<16xf32>,
        tpu.vector_store %arg5[%swap3A_809, %swap3A_810], %mul3A_806 {strides = array<i32>} : memref<80x128xf32, #tpu.memory_space<vmem>>, vector<16xf32>,
        %mul3A_812 = arith.mulf %get3A_406, %gather3A_650 : vector<16xf32>
        %add3A_813 = arith.constant 3 : i32
        %add3A_814 = arith.addi %mul3A_222, %add3A_813 : i32
        %swap3A_815 = arith.index_cast %add3A_814 : i32 to index
        %swap3A_816 = arith.constant 48 : index
        %swap3A_817 = tpu.vector_load %arg5[%swap3A_815, %swap3A_816] {strides = array<i32>} : memref<80x128xf32, #tpu.memory_space<vmem>>, vector<16xf32>,
        tpu.vector_store %arg5[%swap3A_815, %swap3A_816], %mul3A_812 {strides = array<i32>} : memref<80x128xf32, #tpu.memory_space<vmem>>, vector<16xf32>,
        %mul3A_818 = arith.mulf %get3A_411, %gather3A_650 : vector<16xf32>
        %add3A_819 = arith.constant 3 : i32
        %add3A_820 = arith.addi %mul3A_222, %add3A_819 : i32
        %swap3A_821 = arith.index_cast %add3A_820 : i32 to index
        %swap3A_822 = arith.constant 64 : index
        %swap3A_823 = tpu.vector_load %arg5[%swap3A_821, %swap3A_822] {strides = array<i32>} : memref<80x128xf32, #tpu.memory_space<vmem>>, vector<16xf32>,
        tpu.vector_store %arg5[%swap3A_821, %swap3A_822], %mul3A_818 {strides = array<i32>} : memref<80x128xf32, #tpu.memory_space<vmem>>, vector<16xf32>,
        %mul3A_824 = arith.mulf %get3A_416, %gather3A_650 : vector<16xf32>
        %add3A_825 = arith.constant 3 : i32
        %add3A_826 = arith.addi %mul3A_222, %add3A_825 : i32
        %swap3A_827 = arith.index_cast %add3A_826 : i32 to index
        %swap3A_828 = arith.constant 80 : index
        %swap3A_829 = tpu.vector_load %arg5[%swap3A_827, %swap3A_828] {strides = array<i32>} : memref<80x128xf32, #tpu.memory_space<vmem>>, vector<16xf32>,
        tpu.vector_store %arg5[%swap3A_827, %swap3A_828], %mul3A_824 {strides = array<i32>} : memref<80x128xf32, #tpu.memory_space<vmem>>, vector<16xf32>,
        %mul3A_830 = arith.mulf %get3A_421, %gather3A_650 : vector<16xf32>
        %add3A_831 = arith.constant 3 : i32
        %add3A_832 = arith.addi %mul3A_222, %add3A_831 : i32
        %swap3A_833 = arith.index_cast %add3A_832 : i32 to index
        %swap3A_834 = arith.constant 96 : index
        %swap3A_835 = tpu.vector_load %arg5[%swap3A_833, %swap3A_834] {strides = array<i32>} : memref<80x128xf32, #tpu.memory_space<vmem>>, vector<16xf32>,
        tpu.vector_store %arg5[%swap3A_833, %swap3A_834], %mul3A_830 {strides = array<i32>} : memref<80x128xf32, #tpu.memory_space<vmem>>, vector<16xf32>,
        %mul3A_836 = arith.mulf %get3A_426, %gather3A_650 : vector<16xf32>
        %add3A_837 = arith.constant 3 : i32
        %add3A_838 = arith.addi %mul3A_222, %add3A_837 : i32
        %swap3A_839 = arith.index_cast %add3A_838 : i32 to index
        %swap3A_840 = arith.constant 112 : index
        %swap3A_841 = tpu.vector_load %arg5[%swap3A_839, %swap3A_840] {strides = array<i32>} : memref<80x128xf32, #tpu.memory_space<vmem>>, vector<16xf32>,
        tpu.vector_store %arg5[%swap3A_839, %swap3A_840], %mul3A_836 {strides = array<i32>} : memref<80x128xf32, #tpu.memory_space<vmem>>, vector<16xf32>,
        %scan3A_842 = arith.constant 0 : i32
        scf.yield %scan3A_842 : i32
      }
      %scan3A_122 = arith.constant 20 : i32
      %dma_start3A_123 = arith.constant 0 : i32
      %dma_start3A_124 = arith.constant 0 : i32
      %dma_start3A_125 = tpu.memref_slice %arg14[%dma_start3A_123, %dma_start3A_124] : memref<1024x128xf32, #tpu.memory_space<vmem_shared>> -> memref<1024x128xf32, #tpu.memory_space<vmem_shared>>
      tpu.enqueue_indirect_dma source(%arg5 : memref<80x128xf32, #tpu.memory_space<vmem>>) target(%dma_start3A_125 : memref<1024x128xf32, #tpu.memory_space<vmem_shared>>) offsets(%arg9 : memref<80xi32, #tpu.memory_space<vmem>>) semaphore(%arg23 : memref<!tpu.dma_semaphore, #tpu.memory_space<semaphore_mem>>) {add = true}
      %gt3A = arith.constant 0 : i32
      %gt3A_126 = arith.cmpi sgt, %scan3A_102, %gt3A : i32
      %convert_element_type3A = arith.extui %gt3A_126 : i1 to i32
      %cond3A = arith.constant 0 : i32
      %cond3A_127 = arith.cmpi ne, %convert_element_type3A, %cond3A : i32
      scf.if %cond3A_127 {
        %dma_wait3A_219 = arith.constant 0 : i32
        %dma_wait3A_220 = arith.constant 0 : i32
        %dma_wait3A_221 = tpu.memref_slice %arg14[%dma_wait3A_219, %dma_wait3A_220] : memref<1024x128xf32, #tpu.memory_space<vmem_shared>> -> memref<1024x128xf32, #tpu.memory_space<vmem_shared>>
        tpu.wait_indirect_dma semaphore(%arg25 : memref<!tpu.dma_semaphore, #tpu.memory_space<semaphore_mem>>) src(%arg7 : memref<80x128xf32, #tpu.memory_space<vmem>>) dst(%dma_wait3A_221 : memref<1024x128xf32, #tpu.memory_space<vmem_shared>>)
        %add3A_222 = arith.constant 2 : i32
        %add3A_223 = arith.addi %add3A_107, %add3A_222 : i32
        %mul3A_224 = arith.constant 80 : i32
        %mul3A_225 = arith.muli %add3A_223, %mul3A_224 : i32
        %add3A_226 = arith.addi %mul3A_2, %mul3A_225 : i32
        %dma_start3A_227 = arith.constant 0 : i32
        %dma_start3A_228 = tpu.memref_slice %arg2[%add3A_226, %dma_start3A_227] : memref<320000x128xf32, #tpu.memory_space<hbm>> -> memref<80x128xf32, #tpu.memory_space<hbm>>
        %dma_start3A_229 = arith.constant 0 : i32
        %dma_start3A_230 = tpu.memref_slice %arg2[%add3A_226, %dma_start3A_229] : memref<320000x128xf32, #tpu.memory_space<hbm>> -> memref<80x128xf32, #tpu.memory_space<hbm>>
        tpu.enqueue_dma source(%dma_start3A_230 : memref<80x128xf32, #tpu.memory_space<hbm>>) target(%arg7 : memref<80x128xf32, #tpu.memory_space<vmem>>) target_semaphore(%arg17 : memref<!tpu.dma_semaphore, #tpu.memory_space<semaphore_mem>>)
        %dma_start3A_231 = tpu.memref_slice %arg3[%add3A_226] : memref<320000xi32, #tpu.memory_space<hbm>> -> memref<80xi32, #tpu.memory_space<hbm>>
        %dma_start3A_232 = tpu.memref_slice %arg3[%add3A_226] : memref<320000xi32, #tpu.memory_space<hbm>> -> memref<80xi32, #tpu.memory_space<hbm>>
        tpu.enqueue_dma source(%dma_start3A_232 : memref<80xi32, #tpu.memory_space<hbm>>) target(%arg11 : memref<80xi32, #tpu.memory_space<vmem>>) target_semaphore(%arg21 : memref<!tpu.dma_semaphore, #tpu.memory_space<semaphore_mem>>)
      } else {
      }
      %mul3A_128 = arith.constant 4 : i32
      %mul3A_129 = arith.muli %mul3A_128, %scan3A_102 : i32
      %add3A_130 = arith.constant 1 : i32
      %add3A_131 = arith.addi %mul3A_129, %add3A_130 : i32
      %add3A_132 = arith.constant 0 : i32
      %add3A_133 = arith.addi %mul3A_2, %add3A_132 : i32
      %dma_wait3A_134 = arith.constant 0 : i32
      %dma_wait3A_135 = tpu.memref_slice %arg2[%add3A_133, %dma_wait3A_134] : memref<320000x128xf32, #tpu.memory_space<hbm>> -> memref<80x128xf32, #tpu.memory_space<hbm>>
      %dma_wait3A_136 = arith.constant 0 : i32
      %dma_wait3A_137 = tpu.memref_slice %arg2[%add3A_133, %dma_wait3A_136] : memref<320000x128xf32, #tpu.memory_space<hbm>> -> memref<80x128xf32, #tpu.memory_space<hbm>>
      tpu.wait_dma2 semaphore(%arg16 : memref<!tpu.dma_semaphore, #tpu.memory_space<semaphore_mem>>) src(%dma_wait3A_137 : memref<80x128xf32, #tpu.memory_space<hbm>>) dst(%arg6 : memref<80x128xf32, #tpu.memory_space<vmem>>)
      %dma_wait3A_138 = tpu.memref_slice %arg3[%add3A_133] : memref<320000xi32, #tpu.memory_space<hbm>> -> memref<80xi32, #tpu.memory_space<hbm>>
      %dma_wait3A_139 = tpu.memref_slice %arg3[%add3A_133] : memref<320000xi32, #tpu.memory_space<hbm>> -> memref<80xi32, #tpu.memory_space<hbm>>
      tpu.wait_dma2 semaphore(%arg20 : memref<!tpu.dma_semaphore, #tpu.memory_space<semaphore_mem>>) src(%dma_wait3A_139 : memref<80xi32, #tpu.memory_space<hbm>>) dst(%arg10 : memref<80xi32, #tpu.memory_space<vmem>>)
      %scan3A_140 = arith.constant 0 : i32
      %scan3A_141 = arith.constant 0 : i32
      %scan3A_142 = arith.constant 20 : i32
      %scan3A_143 = arith.addi %scan3A_141, %scan3A_142 : i32
      %scan3A_144 = arith.constant 1 : i32
      %scan3A_145 = scf.for %scan3A_219 = %scan3A_141 to %scan3A_143 step %scan3A_144 iter_args(%scan3A_220 = %scan3A_140) -> (i32)  : i32 {
        %mul3A_221 = arith.constant 4 : i32
        %mul3A_222 = arith.muli %scan3A_219, %mul3A_221 : i32
        %add3A_223 = arith.constant 0 : i32
        %add3A_224 = arith.addi %mul3A_222, %add3A_223 : i32
        %get3A = arith.index_cast %add3A_224 : i32 to index
        %get3A_225 = arith.constant 0 : index
        %get3A_226 = tpu.vector_load %arg6[%get3A, %get3A_225] {strides = array<i32>} : memref<80x128xf32, #tpu.memory_space<vmem>>, vector<16xf32>,
        %add3A_227 = arith.constant 0 : i32
        %add3A_228 = arith.addi %mul3A_222, %add3A_227 : i32
        %get3A_229 = arith.index_cast %add3A_228 : i32 to index
        %get3A_230 = arith.constant 16 : index
        %get3A_231 = tpu.vector_load %arg6[%get3A_229, %get3A_230] {strides = array<i32>} : memref<80x128xf32, #tpu.memory_space<vmem>>, vector<16xf32>,
        %add3A_232 = arith.constant 0 : i32
        %add3A_233 = arith.addi %mul3A_222, %add3A_232 : i32
        %get3A_234 = arith.index_cast %add3A_233 : i32 to index
        %get3A_235 = arith.constant 32 : index
        %get3A_236 = tpu.vector_load %arg6[%get3A_234, %get3A_235] {strides = array<i32>} : memref<80x128xf32, #tpu.memory_space<vmem>>, vector<16xf32>,
        %add3A_237 = arith.constant 0 : i32
        %add3A_238 = arith.addi %mul3A_222, %add3A_237 : i32
        %get3A_239 = arith.index_cast %add3A_238 : i32 to index
        %get3A_240 = arith.constant 48 : index
        %get3A_241 = tpu.vector_load %arg6[%get3A_239, %get3A_240] {strides = array<i32>} : memref<80x128xf32, #tpu.memory_space<vmem>>, vector<16xf32>,
        %add3A_242 = arith.constant 0 : i32
        %add3A_243 = arith.addi %mul3A_222, %add3A_242 : i32
        %get3A_244 = arith.index_cast %add3A_243 : i32 to index
        %get3A_245 = arith.constant 64 : index
        %get3A_246 = tpu.vector_load %arg6[%get3A_244, %get3A_245] {strides = array<i32>} : memref<80x128xf32, #tpu.memory_space<vmem>>, vector<16xf32>,
        %add3A_247 = arith.constant 0 : i32
        %add3A_248 = arith.addi %mul3A_222, %add3A_247 : i32
        %get3A_249 = arith.index_cast %add3A_248 : i32 to index
        %get3A_250 = arith.constant 80 : index
        %get3A_251 = tpu.vector_load %arg6[%get3A_249, %get3A_250] {strides = array<i32>} : memref<80x128xf32, #tpu.memory_space<vmem>>, vector<16xf32>,
        %add3A_252 = arith.constant 0 : i32
        %add3A_253 = arith.addi %mul3A_222, %add3A_252 : i32
        %get3A_254 = arith.index_cast %add3A_253 : i32 to index
        %get3A_255 = arith.constant 96 : index
        %get3A_256 = tpu.vector_load %arg6[%get3A_254, %get3A_255] {strides = array<i32>} : memref<80x128xf32, #tpu.memory_space<vmem>>, vector<16xf32>,
        %add3A_257 = arith.constant 0 : i32
        %add3A_258 = arith.addi %mul3A_222, %add3A_257 : i32
        %get3A_259 = arith.index_cast %add3A_258 : i32 to index
        %get3A_260 = arith.constant 112 : index
        %get3A_261 = tpu.vector_load %arg6[%get3A_259, %get3A_260] {strides = array<i32>} : memref<80x128xf32, #tpu.memory_space<vmem>>, vector<16xf32>,
        %mul3A_262 = arith.mulf %get3A_226, %get3A_226 : vector<16xf32>
        %mul3A_263 = arith.mulf %get3A_231, %get3A_231 : vector<16xf32>
        %add3A_264 = arith.addf %mul3A_262, %mul3A_263 : vector<16xf32>
        %mul3A_265 = arith.mulf %get3A_236, %get3A_236 : vector<16xf32>
        %add3A_266 = arith.addf %add3A_264, %mul3A_265 : vector<16xf32>
        %mul3A_267 = arith.mulf %get3A_241, %get3A_241 : vector<16xf32>
        %add3A_268 = arith.addf %add3A_266, %mul3A_267 : vector<16xf32>
        %mul3A_269 = arith.mulf %get3A_246, %get3A_246 : vector<16xf32>
        %add3A_270 = arith.addf %add3A_268, %mul3A_269 : vector<16xf32>
        %mul3A_271 = arith.mulf %get3A_251, %get3A_251 : vector<16xf32>
        %add3A_272 = arith.addf %add3A_270, %mul3A_271 : vector<16xf32>
        %mul3A_273 = arith.mulf %get3A_256, %get3A_256 : vector<16xf32>
        %add3A_274 = arith.addf %add3A_272, %mul3A_273 : vector<16xf32>
        %mul3A_275 = arith.mulf %get3A_261, %get3A_261 : vector<16xf32>
        %add3A_276 = arith.addf %add3A_274, %mul3A_275 : vector<16xf32>
        %add3A_277 = arith.constant 1 : i32
        %add3A_278 = arith.addi %mul3A_222, %add3A_277 : i32
        %get3A_279 = arith.index_cast %add3A_278 : i32 to index
        %get3A_280 = arith.constant 0 : index
        %get3A_281 = tpu.vector_load %arg6[%get3A_279, %get3A_280] {strides = array<i32>} : memref<80x128xf32, #tpu.memory_space<vmem>>, vector<16xf32>,
        %add3A_282 = arith.constant 1 : i32
        %add3A_283 = arith.addi %mul3A_222, %add3A_282 : i32
        %get3A_284 = arith.index_cast %add3A_283 : i32 to index
        %get3A_285 = arith.constant 16 : index
        %get3A_286 = tpu.vector_load %arg6[%get3A_284, %get3A_285] {strides = array<i32>} : memref<80x128xf32, #tpu.memory_space<vmem>>, vector<16xf32>,
        %add3A_287 = arith.constant 1 : i32
        %add3A_288 = arith.addi %mul3A_222, %add3A_287 : i32
        %get3A_289 = arith.index_cast %add3A_288 : i32 to index
        %get3A_290 = arith.constant 32 : index
        %get3A_291 = tpu.vector_load %arg6[%get3A_289, %get3A_290] {strides = array<i32>} : memref<80x128xf32, #tpu.memory_space<vmem>>, vector<16xf32>,
        %add3A_292 = arith.constant 1 : i32
        %add3A_293 = arith.addi %mul3A_222, %add3A_292 : i32
        %get3A_294 = arith.index_cast %add3A_293 : i32 to index
        %get3A_295 = arith.constant 48 : index
        %get3A_296 = tpu.vector_load %arg6[%get3A_294, %get3A_295] {strides = array<i32>} : memref<80x128xf32, #tpu.memory_space<vmem>>, vector<16xf32>,
        %add3A_297 = arith.constant 1 : i32
        %add3A_298 = arith.addi %mul3A_222, %add3A_297 : i32
        %get3A_299 = arith.index_cast %add3A_298 : i32 to index
        %get3A_300 = arith.constant 64 : index
        %get3A_301 = tpu.vector_load %arg6[%get3A_299, %get3A_300] {strides = array<i32>} : memref<80x128xf32, #tpu.memory_space<vmem>>, vector<16xf32>,
        %add3A_302 = arith.constant 1 : i32
        %add3A_303 = arith.addi %mul3A_222, %add3A_302 : i32
        %get3A_304 = arith.index_cast %add3A_303 : i32 to index
        %get3A_305 = arith.constant 80 : index
        %get3A_306 = tpu.vector_load %arg6[%get3A_304, %get3A_305] {strides = array<i32>} : memref<80x128xf32, #tpu.memory_space<vmem>>, vector<16xf32>,
        %add3A_307 = arith.constant 1 : i32
        %add3A_308 = arith.addi %mul3A_222, %add3A_307 : i32
        %get3A_309 = arith.index_cast %add3A_308 : i32 to index
        %get3A_310 = arith.constant 96 : index
        %get3A_311 = tpu.vector_load %arg6[%get3A_309, %get3A_310] {strides = array<i32>} : memref<80x128xf32, #tpu.memory_space<vmem>>, vector<16xf32>,
        %add3A_312 = arith.constant 1 : i32
        %add3A_313 = arith.addi %mul3A_222, %add3A_312 : i32
        %get3A_314 = arith.index_cast %add3A_313 : i32 to index
        %get3A_315 = arith.constant 112 : index
        %get3A_316 = tpu.vector_load %arg6[%get3A_314, %get3A_315] {strides = array<i32>} : memref<80x128xf32, #tpu.memory_space<vmem>>, vector<16xf32>,
        %mul3A_317 = arith.mulf %get3A_281, %get3A_281 : vector<16xf32>
        %mul3A_318 = arith.mulf %get3A_286, %get3A_286 : vector<16xf32>
        %add3A_319 = arith.addf %mul3A_317, %mul3A_318 : vector<16xf32>
        %mul3A_320 = arith.mulf %get3A_291, %get3A_291 : vector<16xf32>
        %add3A_321 = arith.addf %add3A_319, %mul3A_320 : vector<16xf32>
        %mul3A_322 = arith.mulf %get3A_296, %get3A_296 : vector<16xf32>
        %add3A_323 = arith.addf %add3A_321, %mul3A_322 : vector<16xf32>
        %mul3A_324 = arith.mulf %get3A_301, %get3A_301 : vector<16xf32>
        %add3A_325 = arith.addf %add3A_323, %mul3A_324 : vector<16xf32>
        %mul3A_326 = arith.mulf %get3A_306, %get3A_306 : vector<16xf32>
        %add3A_327 = arith.addf %add3A_325, %mul3A_326 : vector<16xf32>
        %mul3A_328 = arith.mulf %get3A_311, %get3A_311 : vector<16xf32>
        %add3A_329 = arith.addf %add3A_327, %mul3A_328 : vector<16xf32>
        %mul3A_330 = arith.mulf %get3A_316, %get3A_316 : vector<16xf32>
        %add3A_331 = arith.addf %add3A_329, %mul3A_330 : vector<16xf32>
        %add3A_332 = arith.constant 2 : i32
        %add3A_333 = arith.addi %mul3A_222, %add3A_332 : i32
        %get3A_334 = arith.index_cast %add3A_333 : i32 to index
        %get3A_335 = arith.constant 0 : index
        %get3A_336 = tpu.vector_load %arg6[%get3A_334, %get3A_335] {strides = array<i32>} : memref<80x128xf32, #tpu.memory_space<vmem>>, vector<16xf32>,
        %add3A_337 = arith.constant 2 : i32
        %add3A_338 = arith.addi %mul3A_222, %add3A_337 : i32
        %get3A_339 = arith.index_cast %add3A_338 : i32 to index
        %get3A_340 = arith.constant 16 : index
        %get3A_341 = tpu.vector_load %arg6[%get3A_339, %get3A_340] {strides = array<i32>} : memref<80x128xf32, #tpu.memory_space<vmem>>, vector<16xf32>,
        %add3A_342 = arith.constant 2 : i32
        %add3A_343 = arith.addi %mul3A_222, %add3A_342 : i32
        %get3A_344 = arith.index_cast %add3A_343 : i32 to index
        %get3A_345 = arith.constant 32 : index
        %get3A_346 = tpu.vector_load %arg6[%get3A_344, %get3A_345] {strides = array<i32>} : memref<80x128xf32, #tpu.memory_space<vmem>>, vector<16xf32>,
        %add3A_347 = arith.constant 2 : i32
        %add3A_348 = arith.addi %mul3A_222, %add3A_347 : i32
        %get3A_349 = arith.index_cast %add3A_348 : i32 to index
        %get3A_350 = arith.constant 48 : index
        %get3A_351 = tpu.vector_load %arg6[%get3A_349, %get3A_350] {strides = array<i32>} : memref<80x128xf32, #tpu.memory_space<vmem>>, vector<16xf32>,
        %add3A_352 = arith.constant 2 : i32
        %add3A_353 = arith.addi %mul3A_222, %add3A_352 : i32
        %get3A_354 = arith.index_cast %add3A_353 : i32 to index
        %get3A_355 = arith.constant 64 : index
        %get3A_356 = tpu.vector_load %arg6[%get3A_354, %get3A_355] {strides = array<i32>} : memref<80x128xf32, #tpu.memory_space<vmem>>, vector<16xf32>,
        %add3A_357 = arith.constant 2 : i32
        %add3A_358 = arith.addi %mul3A_222, %add3A_357 : i32
        %get3A_359 = arith.index_cast %add3A_358 : i32 to index
        %get3A_360 = arith.constant 80 : index
        %get3A_361 = tpu.vector_load %arg6[%get3A_359, %get3A_360] {strides = array<i32>} : memref<80x128xf32, #tpu.memory_space<vmem>>, vector<16xf32>,
        %add3A_362 = arith.constant 2 : i32
        %add3A_363 = arith.addi %mul3A_222, %add3A_362 : i32
        %get3A_364 = arith.index_cast %add3A_363 : i32 to index
        %get3A_365 = arith.constant 96 : index
        %get3A_366 = tpu.vector_load %arg6[%get3A_364, %get3A_365] {strides = array<i32>} : memref<80x128xf32, #tpu.memory_space<vmem>>, vector<16xf32>,
        %add3A_367 = arith.constant 2 : i32
        %add3A_368 = arith.addi %mul3A_222, %add3A_367 : i32
        %get3A_369 = arith.index_cast %add3A_368 : i32 to index
        %get3A_370 = arith.constant 112 : index
        %get3A_371 = tpu.vector_load %arg6[%get3A_369, %get3A_370] {strides = array<i32>} : memref<80x128xf32, #tpu.memory_space<vmem>>, vector<16xf32>,
        %mul3A_372 = arith.mulf %get3A_336, %get3A_336 : vector<16xf32>
        %mul3A_373 = arith.mulf %get3A_341, %get3A_341 : vector<16xf32>
        %add3A_374 = arith.addf %mul3A_372, %mul3A_373 : vector<16xf32>
        %mul3A_375 = arith.mulf %get3A_346, %get3A_346 : vector<16xf32>
        %add3A_376 = arith.addf %add3A_374, %mul3A_375 : vector<16xf32>
        %mul3A_377 = arith.mulf %get3A_351, %get3A_351 : vector<16xf32>
        %add3A_378 = arith.addf %add3A_376, %mul3A_377 : vector<16xf32>
        %mul3A_379 = arith.mulf %get3A_356, %get3A_356 : vector<16xf32>
        %add3A_380 = arith.addf %add3A_378, %mul3A_379 : vector<16xf32>
        %mul3A_381 = arith.mulf %get3A_361, %get3A_361 : vector<16xf32>
        %add3A_382 = arith.addf %add3A_380, %mul3A_381 : vector<16xf32>
        %mul3A_383 = arith.mulf %get3A_366, %get3A_366 : vector<16xf32>
        %add3A_384 = arith.addf %add3A_382, %mul3A_383 : vector<16xf32>
        %mul3A_385 = arith.mulf %get3A_371, %get3A_371 : vector<16xf32>
        %add3A_386 = arith.addf %add3A_384, %mul3A_385 : vector<16xf32>
        %add3A_387 = arith.constant 3 : i32
        %add3A_388 = arith.addi %mul3A_222, %add3A_387 : i32
        %get3A_389 = arith.index_cast %add3A_388 : i32 to index
        %get3A_390 = arith.constant 0 : index
        %get3A_391 = tpu.vector_load %arg6[%get3A_389, %get3A_390] {strides = array<i32>} : memref<80x128xf32, #tpu.memory_space<vmem>>, vector<16xf32>,
        %add3A_392 = arith.constant 3 : i32
        %add3A_393 = arith.addi %mul3A_222, %add3A_392 : i32
        %get3A_394 = arith.index_cast %add3A_393 : i32 to index
        %get3A_395 = arith.constant 16 : index
        %get3A_396 = tpu.vector_load %arg6[%get3A_394, %get3A_395] {strides = array<i32>} : memref<80x128xf32, #tpu.memory_space<vmem>>, vector<16xf32>,
        %add3A_397 = arith.constant 3 : i32
        %add3A_398 = arith.addi %mul3A_222, %add3A_397 : i32
        %get3A_399 = arith.index_cast %add3A_398 : i32 to index
        %get3A_400 = arith.constant 32 : index
        %get3A_401 = tpu.vector_load %arg6[%get3A_399, %get3A_400] {strides = array<i32>} : memref<80x128xf32, #tpu.memory_space<vmem>>, vector<16xf32>,
        %add3A_402 = arith.constant 3 : i32
        %add3A_403 = arith.addi %mul3A_222, %add3A_402 : i32
        %get3A_404 = arith.index_cast %add3A_403 : i32 to index
        %get3A_405 = arith.constant 48 : index
        %get3A_406 = tpu.vector_load %arg6[%get3A_404, %get3A_405] {strides = array<i32>} : memref<80x128xf32, #tpu.memory_space<vmem>>, vector<16xf32>,
        %add3A_407 = arith.constant 3 : i32
        %add3A_408 = arith.addi %mul3A_222, %add3A_407 : i32
        %get3A_409 = arith.index_cast %add3A_408 : i32 to index
        %get3A_410 = arith.constant 64 : index
        %get3A_411 = tpu.vector_load %arg6[%get3A_409, %get3A_410] {strides = array<i32>} : memref<80x128xf32, #tpu.memory_space<vmem>>, vector<16xf32>,
        %add3A_412 = arith.constant 3 : i32
        %add3A_413 = arith.addi %mul3A_222, %add3A_412 : i32
        %get3A_414 = arith.index_cast %add3A_413 : i32 to index
        %get3A_415 = arith.constant 80 : index
        %get3A_416 = tpu.vector_load %arg6[%get3A_414, %get3A_415] {strides = array<i32>} : memref<80x128xf32, #tpu.memory_space<vmem>>, vector<16xf32>,
        %add3A_417 = arith.constant 3 : i32
        %add3A_418 = arith.addi %mul3A_222, %add3A_417 : i32
        %get3A_419 = arith.index_cast %add3A_418 : i32 to index
        %get3A_420 = arith.constant 96 : index
        %get3A_421 = tpu.vector_load %arg6[%get3A_419, %get3A_420] {strides = array<i32>} : memref<80x128xf32, #tpu.memory_space<vmem>>, vector<16xf32>,
        %add3A_422 = arith.constant 3 : i32
        %add3A_423 = arith.addi %mul3A_222, %add3A_422 : i32
        %get3A_424 = arith.index_cast %add3A_423 : i32 to index
        %get3A_425 = arith.constant 112 : index
        %get3A_426 = tpu.vector_load %arg6[%get3A_424, %get3A_425] {strides = array<i32>} : memref<80x128xf32, #tpu.memory_space<vmem>>, vector<16xf32>,
        %mul3A_427 = arith.mulf %get3A_391, %get3A_391 : vector<16xf32>
        %mul3A_428 = arith.mulf %get3A_396, %get3A_396 : vector<16xf32>
        %add3A_429 = arith.addf %mul3A_427, %mul3A_428 : vector<16xf32>
        %mul3A_430 = arith.mulf %get3A_401, %get3A_401 : vector<16xf32>
        %add3A_431 = arith.addf %add3A_429, %mul3A_430 : vector<16xf32>
        %mul3A_432 = arith.mulf %get3A_406, %get3A_406 : vector<16xf32>
        %add3A_433 = arith.addf %add3A_431, %mul3A_432 : vector<16xf32>
        %mul3A_434 = arith.mulf %get3A_411, %get3A_411 : vector<16xf32>
        %add3A_435 = arith.addf %add3A_433, %mul3A_434 : vector<16xf32>
        %mul3A_436 = arith.mulf %get3A_416, %get3A_416 : vector<16xf32>
        %add3A_437 = arith.addf %add3A_435, %mul3A_436 : vector<16xf32>
        %mul3A_438 = arith.mulf %get3A_421, %get3A_421 : vector<16xf32>
        %add3A_439 = arith.addf %add3A_437, %mul3A_438 : vector<16xf32>
        %mul3A_440 = arith.mulf %get3A_426, %get3A_426 : vector<16xf32>
        %add3A_441 = arith.addf %add3A_439, %mul3A_440 : vector<16xf32>
        %lt3A_442 = arith.constant 0 : i32
        %lt3A_443 = vector.broadcast %lt3A_442 : i32 to vector<16xi32>
        %lt3A_444 = arith.cmpi slt, %xor3A_12, %lt3A_443 : vector<16xi32>
        %add3A_445 = arith.constant 16 : i32
        %add3A_446 = vector.broadcast %add3A_445 : i32 to vector<16xi32>
        %add3A_447 = arith.addi %xor3A_12, %add3A_446 : vector<16xi32>
        %select_n3A = arith.select %lt3A_444, %add3A_447, %xor3A_12 : vector<16xi1>, vector<16xi32>
        %broadcast_in_dim3A = vector.shape_cast %select_n3A : vector<16xi32> to vector<16x1xi32>
        %gather3A = vector.shape_cast %broadcast_in_dim3A : vector<16x1xi32> to vector<16xi32>
        %gather3A_448 = tpu.dynamic_gather %add3A_276[%gather3A] in [0] : vector<16xf32>, vector<16xi32> -> vector<16xf32>
        %add3A_449 = arith.addf %add3A_276, %gather3A_448 : vector<16xf32>
        %lt3A_450 = arith.constant 0 : i32
        %lt3A_451 = vector.broadcast %lt3A_450 : i32 to vector<16xi32>
        %lt3A_452 = arith.cmpi slt, %xor3A_12, %lt3A_451 : vector<16xi32>
        %add3A_453 = arith.constant 16 : i32
        %add3A_454 = vector.broadcast %add3A_453 : i32 to vector<16xi32>
        %add3A_455 = arith.addi %xor3A_12, %add3A_454 : vector<16xi32>
        %select_n3A_456 = arith.select %lt3A_452, %add3A_455, %xor3A_12 : vector<16xi1>, vector<16xi32>
        %broadcast_in_dim3A_457 = vector.shape_cast %select_n3A_456 : vector<16xi32> to vector<16x1xi32>
        %gather3A_458 = vector.shape_cast %broadcast_in_dim3A_457 : vector<16x1xi32> to vector<16xi32>
        %gather3A_459 = tpu.dynamic_gather %add3A_331[%gather3A_458] in [0] : vector<16xf32>, vector<16xi32> -> vector<16xf32>
        %add3A_460 = arith.addf %add3A_331, %gather3A_459 : vector<16xf32>
        %lt3A_461 = arith.constant 0 : i32
        %lt3A_462 = vector.broadcast %lt3A_461 : i32 to vector<16xi32>
        %lt3A_463 = arith.cmpi slt, %xor3A_12, %lt3A_462 : vector<16xi32>
        %add3A_464 = arith.constant 16 : i32
        %add3A_465 = vector.broadcast %add3A_464 : i32 to vector<16xi32>
        %add3A_466 = arith.addi %xor3A_12, %add3A_465 : vector<16xi32>
        %select_n3A_467 = arith.select %lt3A_463, %add3A_466, %xor3A_12 : vector<16xi1>, vector<16xi32>
        %broadcast_in_dim3A_468 = vector.shape_cast %select_n3A_467 : vector<16xi32> to vector<16x1xi32>
        %gather3A_469 = vector.shape_cast %broadcast_in_dim3A_468 : vector<16x1xi32> to vector<16xi32>
        %gather3A_470 = tpu.dynamic_gather %add3A_386[%gather3A_469] in [0] : vector<16xf32>, vector<16xi32> -> vector<16xf32>
        %add3A_471 = arith.addf %add3A_386, %gather3A_470 : vector<16xf32>
        %lt3A_472 = arith.constant 0 : i32
        %lt3A_473 = vector.broadcast %lt3A_472 : i32 to vector<16xi32>
        %lt3A_474 = arith.cmpi slt, %xor3A_12, %lt3A_473 : vector<16xi32>
        %add3A_475 = arith.constant 16 : i32
        %add3A_476 = vector.broadcast %add3A_475 : i32 to vector<16xi32>
        %add3A_477 = arith.addi %xor3A_12, %add3A_476 : vector<16xi32>
        %select_n3A_478 = arith.select %lt3A_474, %add3A_477, %xor3A_12 : vector<16xi1>, vector<16xi32>
        %broadcast_in_dim3A_479 = vector.shape_cast %select_n3A_478 : vector<16xi32> to vector<16x1xi32>
        %gather3A_480 = vector.shape_cast %broadcast_in_dim3A_479 : vector<16x1xi32> to vector<16xi32>
        %gather3A_481 = tpu.dynamic_gather %add3A_441[%gather3A_480] in [0] : vector<16xf32>, vector<16xi32> -> vector<16xf32>
        %add3A_482 = arith.addf %add3A_441, %gather3A_481 : vector<16xf32>
        %select_n3A_483 = arith.select %lt3A_29, %add3A_449, %add3A_460 : vector<16xi1>, vector<16xf32>
        %select_n3A_484 = arith.select %lt3A_29, %add3A_471, %add3A_482 : vector<16xi1>, vector<16xf32>
        %lt3A_485 = arith.constant 0 : i32
        %lt3A_486 = vector.broadcast %lt3A_485 : i32 to vector<16xi32>
        %lt3A_487 = arith.cmpi slt, %xor3A_15, %lt3A_486 : vector<16xi32>
        %add3A_488 = arith.constant 16 : i32
        %add3A_489 = vector.broadcast %add3A_488 : i32 to vector<16xi32>
        %add3A_490 = arith.addi %xor3A_15, %add3A_489 : vector<16xi32>
        %select_n3A_491 = arith.select %lt3A_487, %add3A_490, %xor3A_15 : vector<16xi1>, vector<16xi32>
        %broadcast_in_dim3A_492 = vector.shape_cast %select_n3A_491 : vector<16xi32> to vector<16x1xi32>
        %gather3A_493 = vector.shape_cast %broadcast_in_dim3A_492 : vector<16x1xi32> to vector<16xi32>
        %gather3A_494 = tpu.dynamic_gather %select_n3A_483[%gather3A_493] in [0] : vector<16xf32>, vector<16xi32> -> vector<16xf32>
        %add3A_495 = arith.addf %select_n3A_483, %gather3A_494 : vector<16xf32>
        %lt3A_496 = arith.constant 0 : i32
        %lt3A_497 = vector.broadcast %lt3A_496 : i32 to vector<16xi32>
        %lt3A_498 = arith.cmpi slt, %xor3A_15, %lt3A_497 : vector<16xi32>
        %add3A_499 = arith.constant 16 : i32
        %add3A_500 = vector.broadcast %add3A_499 : i32 to vector<16xi32>
        %add3A_501 = arith.addi %xor3A_15, %add3A_500 : vector<16xi32>
        %select_n3A_502 = arith.select %lt3A_498, %add3A_501, %xor3A_15 : vector<16xi1>, vector<16xi32>
        %broadcast_in_dim3A_503 = vector.shape_cast %select_n3A_502 : vector<16xi32> to vector<16x1xi32>
        %gather3A_504 = vector.shape_cast %broadcast_in_dim3A_503 : vector<16x1xi32> to vector<16xi32>
        %gather3A_505 = tpu.dynamic_gather %select_n3A_484[%gather3A_504] in [0] : vector<16xf32>, vector<16xi32> -> vector<16xf32>
        %add3A_506 = arith.addf %select_n3A_484, %gather3A_505 : vector<16xf32>
        %lt3A_507 = arith.constant 0 : i32
        %lt3A_508 = vector.broadcast %lt3A_507 : i32 to vector<16xi32>
        %lt3A_509 = arith.cmpi slt, %xor3A_18, %lt3A_508 : vector<16xi32>
        %add3A_510 = arith.constant 16 : i32
        %add3A_511 = vector.broadcast %add3A_510 : i32 to vector<16xi32>
        %add3A_512 = arith.addi %xor3A_18, %add3A_511 : vector<16xi32>
        %select_n3A_513 = arith.select %lt3A_509, %add3A_512, %xor3A_18 : vector<16xi1>, vector<16xi32>
        %broadcast_in_dim3A_514 = vector.shape_cast %select_n3A_513 : vector<16xi32> to vector<16x1xi32>
        %gather3A_515 = vector.shape_cast %broadcast_in_dim3A_514 : vector<16x1xi32> to vector<16xi32>
        %gather3A_516 = tpu.dynamic_gather %add3A_495[%gather3A_515] in [0] : vector<16xf32>, vector<16xi32> -> vector<16xf32>
        %add3A_517 = arith.addf %add3A_495, %gather3A_516 : vector<16xf32>
        %lt3A_518 = arith.constant 0 : i32
        %lt3A_519 = vector.broadcast %lt3A_518 : i32 to vector<16xi32>
        %lt3A_520 = arith.cmpi slt, %xor3A_18, %lt3A_519 : vector<16xi32>
        %add3A_521 = arith.constant 16 : i32
        %add3A_522 = vector.broadcast %add3A_521 : i32 to vector<16xi32>
        %add3A_523 = arith.addi %xor3A_18, %add3A_522 : vector<16xi32>
        %select_n3A_524 = arith.select %lt3A_520, %add3A_523, %xor3A_18 : vector<16xi1>, vector<16xi32>
        %broadcast_in_dim3A_525 = vector.shape_cast %select_n3A_524 : vector<16xi32> to vector<16x1xi32>
        %gather3A_526 = vector.shape_cast %broadcast_in_dim3A_525 : vector<16x1xi32> to vector<16xi32>
        %gather3A_527 = tpu.dynamic_gather %add3A_506[%gather3A_526] in [0] : vector<16xf32>, vector<16xi32> -> vector<16xf32>
        %add3A_528 = arith.addf %add3A_506, %gather3A_527 : vector<16xf32>
        %lt3A_529 = arith.constant 0 : i32
        %lt3A_530 = vector.broadcast %lt3A_529 : i32 to vector<16xi32>
        %lt3A_531 = arith.cmpi slt, %xor3A_21, %lt3A_530 : vector<16xi32>
        %add3A_532 = arith.constant 16 : i32
        %add3A_533 = vector.broadcast %add3A_532 : i32 to vector<16xi32>
        %add3A_534 = arith.addi %xor3A_21, %add3A_533 : vector<16xi32>
        %select_n3A_535 = arith.select %lt3A_531, %add3A_534, %xor3A_21 : vector<16xi1>, vector<16xi32>
        %broadcast_in_dim3A_536 = vector.shape_cast %select_n3A_535 : vector<16xi32> to vector<16x1xi32>
        %gather3A_537 = vector.shape_cast %broadcast_in_dim3A_536 : vector<16x1xi32> to vector<16xi32>
        %gather3A_538 = tpu.dynamic_gather %add3A_517[%gather3A_537] in [0] : vector<16xf32>, vector<16xi32> -> vector<16xf32>
        %add3A_539 = arith.addf %add3A_517, %gather3A_538 : vector<16xf32>
        %lt3A_540 = arith.constant 0 : i32
        %lt3A_541 = vector.broadcast %lt3A_540 : i32 to vector<16xi32>
        %lt3A_542 = arith.cmpi slt, %xor3A_21, %lt3A_541 : vector<16xi32>
        %add3A_543 = arith.constant 16 : i32
        %add3A_544 = vector.broadcast %add3A_543 : i32 to vector<16xi32>
        %add3A_545 = arith.addi %xor3A_21, %add3A_544 : vector<16xi32>
        %select_n3A_546 = arith.select %lt3A_542, %add3A_545, %xor3A_21 : vector<16xi1>, vector<16xi32>
        %broadcast_in_dim3A_547 = vector.shape_cast %select_n3A_546 : vector<16xi32> to vector<16x1xi32>
        %gather3A_548 = vector.shape_cast %broadcast_in_dim3A_547 : vector<16x1xi32> to vector<16xi32>
        %gather3A_549 = tpu.dynamic_gather %add3A_528[%gather3A_548] in [0] : vector<16xf32>, vector<16xi32> -> vector<16xf32>
        %add3A_550 = arith.addf %add3A_528, %gather3A_549 : vector<16xf32>
        %bitcast3A = vector.bitcast %add3A_539 : vector<16xf32> to vector<16xi32>
        %shift_right_arithmetic3A = arith.constant 1 : i32
        %shift_right_arithmetic3A_551 = vector.broadcast %shift_right_arithmetic3A : i32 to vector<16xi32>
        %shift_right_arithmetic3A_552 = arith.shrsi %bitcast3A, %shift_right_arithmetic3A_551 : vector<16xi32>
        %sub3A = arith.constant 1597463007 : i32
        %sub3A_553 = vector.broadcast %sub3A : i32 to vector<16xi32>
        %sub3A_554 = arith.subi %sub3A_553, %shift_right_arithmetic3A_552 : vector<16xi32>
        %bitcast3A_555 = vector.bitcast %sub3A_554 : vector<16xi32> to vector<16xf32>
        %mul3A_556 = arith.constant -5.000000e-01 : f32
        %mul3A_557 = vector.broadcast %mul3A_556 : f32 to vector<16xf32>
        %mul3A_558 = arith.mulf %mul3A_557, %add3A_539 : vector<16xf32>
        %mul3A_559 = arith.mulf %mul3A_558, %bitcast3A_555 : vector<16xf32>
        %mul3A_560 = arith.mulf %mul3A_559, %bitcast3A_555 : vector<16xf32>
        %add3A_561 = arith.constant 1.500000e+00 : f32
        %add3A_562 = vector.broadcast %add3A_561 : f32 to vector<16xf32>
        %add3A_563 = arith.addf %add3A_562, %mul3A_560 : vector<16xf32>
        %mul3A_564 = arith.mulf %bitcast3A_555, %add3A_563 : vector<16xf32>
        %mul3A_565 = arith.mulf %mul3A_558, %mul3A_564 : vector<16xf32>
        %mul3A_566 = arith.mulf %mul3A_565, %mul3A_564 : vector<16xf32>
        %add3A_567 = arith.constant 1.500000e+00 : f32
        %add3A_568 = vector.broadcast %add3A_567 : f32 to vector<16xf32>
        %add3A_569 = arith.addf %add3A_568, %mul3A_566 : vector<16xf32>
        %mul3A_570 = arith.mulf %mul3A_564, %add3A_569 : vector<16xf32>
        %mul3A_571 = arith.mulf %mul3A_558, %mul3A_570 : vector<16xf32>
        %mul3A_572 = arith.mulf %mul3A_571, %mul3A_570 : vector<16xf32>
        %add3A_573 = arith.constant 1.500000e+00 : f32
        %add3A_574 = vector.broadcast %add3A_573 : f32 to vector<16xf32>
        %add3A_575 = arith.addf %add3A_574, %mul3A_572 : vector<16xf32>
        %mul3A_576 = arith.mulf %mul3A_570, %add3A_575 : vector<16xf32>
        %min3A = arith.constant 9.99999995E+11 : f32
        %min3A_577 = vector.broadcast %min3A : f32 to vector<16xf32>
        %min3A_578 = arith.minimumf %mul3A_576, %min3A_577 : vector<16xf32>
        %bitcast3A_579 = vector.bitcast %add3A_550 : vector<16xf32> to vector<16xi32>
        %shift_right_arithmetic3A_580 = arith.constant 1 : i32
        %shift_right_arithmetic3A_581 = vector.broadcast %shift_right_arithmetic3A_580 : i32 to vector<16xi32>
        %shift_right_arithmetic3A_582 = arith.shrsi %bitcast3A_579, %shift_right_arithmetic3A_581 : vector<16xi32>
        %sub3A_583 = arith.constant 1597463007 : i32
        %sub3A_584 = vector.broadcast %sub3A_583 : i32 to vector<16xi32>
        %sub3A_585 = arith.subi %sub3A_584, %shift_right_arithmetic3A_582 : vector<16xi32>
        %bitcast3A_586 = vector.bitcast %sub3A_585 : vector<16xi32> to vector<16xf32>
        %mul3A_587 = arith.constant -5.000000e-01 : f32
        %mul3A_588 = vector.broadcast %mul3A_587 : f32 to vector<16xf32>
        %mul3A_589 = arith.mulf %mul3A_588, %add3A_550 : vector<16xf32>
        %mul3A_590 = arith.mulf %mul3A_589, %bitcast3A_586 : vector<16xf32>
        %mul3A_591 = arith.mulf %mul3A_590, %bitcast3A_586 : vector<16xf32>
        %add3A_592 = arith.constant 1.500000e+00 : f32
        %add3A_593 = vector.broadcast %add3A_592 : f32 to vector<16xf32>
        %add3A_594 = arith.addf %add3A_593, %mul3A_591 : vector<16xf32>
        %mul3A_595 = arith.mulf %bitcast3A_586, %add3A_594 : vector<16xf32>
        %mul3A_596 = arith.mulf %mul3A_589, %mul3A_595 : vector<16xf32>
        %mul3A_597 = arith.mulf %mul3A_596, %mul3A_595 : vector<16xf32>
        %add3A_598 = arith.constant 1.500000e+00 : f32
        %add3A_599 = vector.broadcast %add3A_598 : f32 to vector<16xf32>
        %add3A_600 = arith.addf %add3A_599, %mul3A_597 : vector<16xf32>
        %mul3A_601 = arith.mulf %mul3A_595, %add3A_600 : vector<16xf32>
        %mul3A_602 = arith.mulf %mul3A_589, %mul3A_601 : vector<16xf32>
        %mul3A_603 = arith.mulf %mul3A_602, %mul3A_601 : vector<16xf32>
        %add3A_604 = arith.constant 1.500000e+00 : f32
        %add3A_605 = vector.broadcast %add3A_604 : f32 to vector<16xf32>
        %add3A_606 = arith.addf %add3A_605, %mul3A_603 : vector<16xf32>
        %mul3A_607 = arith.mulf %mul3A_601, %add3A_606 : vector<16xf32>
        %min3A_608 = arith.constant 9.99999995E+11 : f32
        %min3A_609 = vector.broadcast %min3A_608 : f32 to vector<16xf32>
        %min3A_610 = arith.minimumf %mul3A_607, %min3A_609 : vector<16xf32>
        %lt3A_611 = arith.constant 0 : i32
        %lt3A_612 = vector.broadcast %lt3A_611 : i32 to vector<16xi32>
        %lt3A_613 = arith.cmpi slt, %mul3A_24, %lt3A_612 : vector<16xi32>
        %add3A_614 = arith.constant 16 : i32
        %add3A_615 = vector.broadcast %add3A_614 : i32 to vector<16xi32>
        %add3A_616 = arith.addi %mul3A_24, %add3A_615 : vector<16xi32>
        %select_n3A_617 = arith.select %lt3A_613, %add3A_616, %mul3A_24 : vector<16xi1>, vector<16xi32>
        %broadcast_in_dim3A_618 = vector.shape_cast %select_n3A_617 : vector<16xi32> to vector<16x1xi32>
        %gather3A_619 = vector.shape_cast %broadcast_in_dim3A_618 : vector<16x1xi32> to vector<16xi32>
        %gather3A_620 = tpu.dynamic_gather %min3A_578[%gather3A_619] in [0] : vector<16xf32>, vector<16xi32> -> vector<16xf32>
        %lt3A_621 = arith.constant 0 : i32
        %lt3A_622 = vector.broadcast %lt3A_621 : i32 to vector<16xi32>
        %lt3A_623 = arith.cmpi slt, %add3A_27, %lt3A_622 : vector<16xi32>
        %add3A_624 = arith.constant 16 : i32
        %add3A_625 = vector.broadcast %add3A_624 : i32 to vector<16xi32>
        %add3A_626 = arith.addi %add3A_27, %add3A_625 : vector<16xi32>
        %select_n3A_627 = arith.select %lt3A_623, %add3A_626, %add3A_27 : vector<16xi1>, vector<16xi32>
        %broadcast_in_dim3A_628 = vector.shape_cast %select_n3A_627 : vector<16xi32> to vector<16x1xi32>
        %gather3A_629 = vector.shape_cast %broadcast_in_dim3A_628 : vector<16x1xi32> to vector<16xi32>
        %gather3A_630 = tpu.dynamic_gather %min3A_578[%gather3A_629] in [0] : vector<16xf32>, vector<16xi32> -> vector<16xf32>
        %lt3A_631 = arith.constant 0 : i32
        %lt3A_632 = vector.broadcast %lt3A_631 : i32 to vector<16xi32>
        %lt3A_633 = arith.cmpi slt, %mul3A_24, %lt3A_632 : vector<16xi32>
        %add3A_634 = arith.constant 16 : i32
        %add3A_635 = vector.broadcast %add3A_634 : i32 to vector<16xi32>
        %add3A_636 = arith.addi %mul3A_24, %add3A_635 : vector<16xi32>
        %select_n3A_637 = arith.select %lt3A_633, %add3A_636, %mul3A_24 : vector<16xi1>, vector<16xi32>
        %broadcast_in_dim3A_638 = vector.shape_cast %select_n3A_637 : vector<16xi32> to vector<16x1xi32>
        %gather3A_639 = vector.shape_cast %broadcast_in_dim3A_638 : vector<16x1xi32> to vector<16xi32>
        %gather3A_640 = tpu.dynamic_gather %min3A_610[%gather3A_639] in [0] : vector<16xf32>, vector<16xi32> -> vector<16xf32>
        %lt3A_641 = arith.constant 0 : i32
        %lt3A_642 = vector.broadcast %lt3A_641 : i32 to vector<16xi32>
        %lt3A_643 = arith.cmpi slt, %add3A_27, %lt3A_642 : vector<16xi32>
        %add3A_644 = arith.constant 16 : i32
        %add3A_645 = vector.broadcast %add3A_644 : i32 to vector<16xi32>
        %add3A_646 = arith.addi %add3A_27, %add3A_645 : vector<16xi32>
        %select_n3A_647 = arith.select %lt3A_643, %add3A_646, %add3A_27 : vector<16xi1>, vector<16xi32>
        %broadcast_in_dim3A_648 = vector.shape_cast %select_n3A_647 : vector<16xi32> to vector<16x1xi32>
        %gather3A_649 = vector.shape_cast %broadcast_in_dim3A_648 : vector<16x1xi32> to vector<16xi32>
        %gather3A_650 = tpu.dynamic_gather %min3A_610[%gather3A_649] in [0] : vector<16xf32>, vector<16xi32> -> vector<16xf32>
        %mul3A_651 = arith.mulf %get3A_226, %gather3A_620 : vector<16xf32>
        %add3A_652 = arith.constant 0 : i32
        %add3A_653 = arith.addi %mul3A_222, %add3A_652 : i32
        %swap3A = arith.index_cast %add3A_653 : i32 to index
        %swap3A_654 = arith.constant 0 : index
        %swap3A_655 = tpu.vector_load %arg6[%swap3A, %swap3A_654] {strides = array<i32>} : memref<80x128xf32, #tpu.memory_space<vmem>>, vector<16xf32>,
        tpu.vector_store %arg6[%swap3A, %swap3A_654], %mul3A_651 {strides = array<i32>} : memref<80x128xf32, #tpu.memory_space<vmem>>, vector<16xf32>,
        %mul3A_656 = arith.mulf %get3A_231, %gather3A_620 : vector<16xf32>
        %add3A_657 = arith.constant 0 : i32
        %add3A_658 = arith.addi %mul3A_222, %add3A_657 : i32
        %swap3A_659 = arith.index_cast %add3A_658 : i32 to index
        %swap3A_660 = arith.constant 16 : index
        %swap3A_661 = tpu.vector_load %arg6[%swap3A_659, %swap3A_660] {strides = array<i32>} : memref<80x128xf32, #tpu.memory_space<vmem>>, vector<16xf32>,
        tpu.vector_store %arg6[%swap3A_659, %swap3A_660], %mul3A_656 {strides = array<i32>} : memref<80x128xf32, #tpu.memory_space<vmem>>, vector<16xf32>,
        %mul3A_662 = arith.mulf %get3A_236, %gather3A_620 : vector<16xf32>
        %add3A_663 = arith.constant 0 : i32
        %add3A_664 = arith.addi %mul3A_222, %add3A_663 : i32
        %swap3A_665 = arith.index_cast %add3A_664 : i32 to index
        %swap3A_666 = arith.constant 32 : index
        %swap3A_667 = tpu.vector_load %arg6[%swap3A_665, %swap3A_666] {strides = array<i32>} : memref<80x128xf32, #tpu.memory_space<vmem>>, vector<16xf32>,
        tpu.vector_store %arg6[%swap3A_665, %swap3A_666], %mul3A_662 {strides = array<i32>} : memref<80x128xf32, #tpu.memory_space<vmem>>, vector<16xf32>,
        %mul3A_668 = arith.mulf %get3A_241, %gather3A_620 : vector<16xf32>
        %add3A_669 = arith.constant 0 : i32
        %add3A_670 = arith.addi %mul3A_222, %add3A_669 : i32
        %swap3A_671 = arith.index_cast %add3A_670 : i32 to index
        %swap3A_672 = arith.constant 48 : index
        %swap3A_673 = tpu.vector_load %arg6[%swap3A_671, %swap3A_672] {strides = array<i32>} : memref<80x128xf32, #tpu.memory_space<vmem>>, vector<16xf32>,
        tpu.vector_store %arg6[%swap3A_671, %swap3A_672], %mul3A_668 {strides = array<i32>} : memref<80x128xf32, #tpu.memory_space<vmem>>, vector<16xf32>,
        %mul3A_674 = arith.mulf %get3A_246, %gather3A_620 : vector<16xf32>
        %add3A_675 = arith.constant 0 : i32
        %add3A_676 = arith.addi %mul3A_222, %add3A_675 : i32
        %swap3A_677 = arith.index_cast %add3A_676 : i32 to index
        %swap3A_678 = arith.constant 64 : index
        %swap3A_679 = tpu.vector_load %arg6[%swap3A_677, %swap3A_678] {strides = array<i32>} : memref<80x128xf32, #tpu.memory_space<vmem>>, vector<16xf32>,
        tpu.vector_store %arg6[%swap3A_677, %swap3A_678], %mul3A_674 {strides = array<i32>} : memref<80x128xf32, #tpu.memory_space<vmem>>, vector<16xf32>,
        %mul3A_680 = arith.mulf %get3A_251, %gather3A_620 : vector<16xf32>
        %add3A_681 = arith.constant 0 : i32
        %add3A_682 = arith.addi %mul3A_222, %add3A_681 : i32
        %swap3A_683 = arith.index_cast %add3A_682 : i32 to index
        %swap3A_684 = arith.constant 80 : index
        %swap3A_685 = tpu.vector_load %arg6[%swap3A_683, %swap3A_684] {strides = array<i32>} : memref<80x128xf32, #tpu.memory_space<vmem>>, vector<16xf32>,
        tpu.vector_store %arg6[%swap3A_683, %swap3A_684], %mul3A_680 {strides = array<i32>} : memref<80x128xf32, #tpu.memory_space<vmem>>, vector<16xf32>,
        %mul3A_686 = arith.mulf %get3A_256, %gather3A_620 : vector<16xf32>
        %add3A_687 = arith.constant 0 : i32
        %add3A_688 = arith.addi %mul3A_222, %add3A_687 : i32
        %swap3A_689 = arith.index_cast %add3A_688 : i32 to index
        %swap3A_690 = arith.constant 96 : index
        %swap3A_691 = tpu.vector_load %arg6[%swap3A_689, %swap3A_690] {strides = array<i32>} : memref<80x128xf32, #tpu.memory_space<vmem>>, vector<16xf32>,
        tpu.vector_store %arg6[%swap3A_689, %swap3A_690], %mul3A_686 {strides = array<i32>} : memref<80x128xf32, #tpu.memory_space<vmem>>, vector<16xf32>,
        %mul3A_692 = arith.mulf %get3A_261, %gather3A_620 : vector<16xf32>
        %add3A_693 = arith.constant 0 : i32
        %add3A_694 = arith.addi %mul3A_222, %add3A_693 : i32
        %swap3A_695 = arith.index_cast %add3A_694 : i32 to index
        %swap3A_696 = arith.constant 112 : index
        %swap3A_697 = tpu.vector_load %arg6[%swap3A_695, %swap3A_696] {strides = array<i32>} : memref<80x128xf32, #tpu.memory_space<vmem>>, vector<16xf32>,
        tpu.vector_store %arg6[%swap3A_695, %swap3A_696], %mul3A_692 {strides = array<i32>} : memref<80x128xf32, #tpu.memory_space<vmem>>, vector<16xf32>,
        %mul3A_698 = arith.mulf %get3A_281, %gather3A_630 : vector<16xf32>
        %add3A_699 = arith.constant 1 : i32
        %add3A_700 = arith.addi %mul3A_222, %add3A_699 : i32
        %swap3A_701 = arith.index_cast %add3A_700 : i32 to index
        %swap3A_702 = arith.constant 0 : index
        %swap3A_703 = tpu.vector_load %arg6[%swap3A_701, %swap3A_702] {strides = array<i32>} : memref<80x128xf32, #tpu.memory_space<vmem>>, vector<16xf32>,
        tpu.vector_store %arg6[%swap3A_701, %swap3A_702], %mul3A_698 {strides = array<i32>} : memref<80x128xf32, #tpu.memory_space<vmem>>, vector<16xf32>,
        %mul3A_704 = arith.mulf %get3A_286, %gather3A_630 : vector<16xf32>
        %add3A_705 = arith.constant 1 : i32
        %add3A_706 = arith.addi %mul3A_222, %add3A_705 : i32
        %swap3A_707 = arith.index_cast %add3A_706 : i32 to index
        %swap3A_708 = arith.constant 16 : index
        %swap3A_709 = tpu.vector_load %arg6[%swap3A_707, %swap3A_708] {strides = array<i32>} : memref<80x128xf32, #tpu.memory_space<vmem>>, vector<16xf32>,
        tpu.vector_store %arg6[%swap3A_707, %swap3A_708], %mul3A_704 {strides = array<i32>} : memref<80x128xf32, #tpu.memory_space<vmem>>, vector<16xf32>,
        %mul3A_710 = arith.mulf %get3A_291, %gather3A_630 : vector<16xf32>
        %add3A_711 = arith.constant 1 : i32
        %add3A_712 = arith.addi %mul3A_222, %add3A_711 : i32
        %swap3A_713 = arith.index_cast %add3A_712 : i32 to index
        %swap3A_714 = arith.constant 32 : index
        %swap3A_715 = tpu.vector_load %arg6[%swap3A_713, %swap3A_714] {strides = array<i32>} : memref<80x128xf32, #tpu.memory_space<vmem>>, vector<16xf32>,
        tpu.vector_store %arg6[%swap3A_713, %swap3A_714], %mul3A_710 {strides = array<i32>} : memref<80x128xf32, #tpu.memory_space<vmem>>, vector<16xf32>,
        %mul3A_716 = arith.mulf %get3A_296, %gather3A_630 : vector<16xf32>
        %add3A_717 = arith.constant 1 : i32
        %add3A_718 = arith.addi %mul3A_222, %add3A_717 : i32
        %swap3A_719 = arith.index_cast %add3A_718 : i32 to index
        %swap3A_720 = arith.constant 48 : index
        %swap3A_721 = tpu.vector_load %arg6[%swap3A_719, %swap3A_720] {strides = array<i32>} : memref<80x128xf32, #tpu.memory_space<vmem>>, vector<16xf32>,
        tpu.vector_store %arg6[%swap3A_719, %swap3A_720], %mul3A_716 {strides = array<i32>} : memref<80x128xf32, #tpu.memory_space<vmem>>, vector<16xf32>,
        %mul3A_722 = arith.mulf %get3A_301, %gather3A_630 : vector<16xf32>
        %add3A_723 = arith.constant 1 : i32
        %add3A_724 = arith.addi %mul3A_222, %add3A_723 : i32
        %swap3A_725 = arith.index_cast %add3A_724 : i32 to index
        %swap3A_726 = arith.constant 64 : index
        %swap3A_727 = tpu.vector_load %arg6[%swap3A_725, %swap3A_726] {strides = array<i32>} : memref<80x128xf32, #tpu.memory_space<vmem>>, vector<16xf32>,
        tpu.vector_store %arg6[%swap3A_725, %swap3A_726], %mul3A_722 {strides = array<i32>} : memref<80x128xf32, #tpu.memory_space<vmem>>, vector<16xf32>,
        %mul3A_728 = arith.mulf %get3A_306, %gather3A_630 : vector<16xf32>
        %add3A_729 = arith.constant 1 : i32
        %add3A_730 = arith.addi %mul3A_222, %add3A_729 : i32
        %swap3A_731 = arith.index_cast %add3A_730 : i32 to index
        %swap3A_732 = arith.constant 80 : index
        %swap3A_733 = tpu.vector_load %arg6[%swap3A_731, %swap3A_732] {strides = array<i32>} : memref<80x128xf32, #tpu.memory_space<vmem>>, vector<16xf32>,
        tpu.vector_store %arg6[%swap3A_731, %swap3A_732], %mul3A_728 {strides = array<i32>} : memref<80x128xf32, #tpu.memory_space<vmem>>, vector<16xf32>,
        %mul3A_734 = arith.mulf %get3A_311, %gather3A_630 : vector<16xf32>
        %add3A_735 = arith.constant 1 : i32
        %add3A_736 = arith.addi %mul3A_222, %add3A_735 : i32
        %swap3A_737 = arith.index_cast %add3A_736 : i32 to index
        %swap3A_738 = arith.constant 96 : index
        %swap3A_739 = tpu.vector_load %arg6[%swap3A_737, %swap3A_738] {strides = array<i32>} : memref<80x128xf32, #tpu.memory_space<vmem>>, vector<16xf32>,
        tpu.vector_store %arg6[%swap3A_737, %swap3A_738], %mul3A_734 {strides = array<i32>} : memref<80x128xf32, #tpu.memory_space<vmem>>, vector<16xf32>,
        %mul3A_740 = arith.mulf %get3A_316, %gather3A_630 : vector<16xf32>
        %add3A_741 = arith.constant 1 : i32
        %add3A_742 = arith.addi %mul3A_222, %add3A_741 : i32
        %swap3A_743 = arith.index_cast %add3A_742 : i32 to index
        %swap3A_744 = arith.constant 112 : index
        %swap3A_745 = tpu.vector_load %arg6[%swap3A_743, %swap3A_744] {strides = array<i32>} : memref<80x128xf32, #tpu.memory_space<vmem>>, vector<16xf32>,
        tpu.vector_store %arg6[%swap3A_743, %swap3A_744], %mul3A_740 {strides = array<i32>} : memref<80x128xf32, #tpu.memory_space<vmem>>, vector<16xf32>,
        %mul3A_746 = arith.mulf %get3A_336, %gather3A_640 : vector<16xf32>
        %add3A_747 = arith.constant 2 : i32
        %add3A_748 = arith.addi %mul3A_222, %add3A_747 : i32
        %swap3A_749 = arith.index_cast %add3A_748 : i32 to index
        %swap3A_750 = arith.constant 0 : index
        %swap3A_751 = tpu.vector_load %arg6[%swap3A_749, %swap3A_750] {strides = array<i32>} : memref<80x128xf32, #tpu.memory_space<vmem>>, vector<16xf32>,
        tpu.vector_store %arg6[%swap3A_749, %swap3A_750], %mul3A_746 {strides = array<i32>} : memref<80x128xf32, #tpu.memory_space<vmem>>, vector<16xf32>,
        %mul3A_752 = arith.mulf %get3A_341, %gather3A_640 : vector<16xf32>
        %add3A_753 = arith.constant 2 : i32
        %add3A_754 = arith.addi %mul3A_222, %add3A_753 : i32
        %swap3A_755 = arith.index_cast %add3A_754 : i32 to index
        %swap3A_756 = arith.constant 16 : index
        %swap3A_757 = tpu.vector_load %arg6[%swap3A_755, %swap3A_756] {strides = array<i32>} : memref<80x128xf32, #tpu.memory_space<vmem>>, vector<16xf32>,
        tpu.vector_store %arg6[%swap3A_755, %swap3A_756], %mul3A_752 {strides = array<i32>} : memref<80x128xf32, #tpu.memory_space<vmem>>, vector<16xf32>,
        %mul3A_758 = arith.mulf %get3A_346, %gather3A_640 : vector<16xf32>
        %add3A_759 = arith.constant 2 : i32
        %add3A_760 = arith.addi %mul3A_222, %add3A_759 : i32
        %swap3A_761 = arith.index_cast %add3A_760 : i32 to index
        %swap3A_762 = arith.constant 32 : index
        %swap3A_763 = tpu.vector_load %arg6[%swap3A_761, %swap3A_762] {strides = array<i32>} : memref<80x128xf32, #tpu.memory_space<vmem>>, vector<16xf32>,
        tpu.vector_store %arg6[%swap3A_761, %swap3A_762], %mul3A_758 {strides = array<i32>} : memref<80x128xf32, #tpu.memory_space<vmem>>, vector<16xf32>,
        %mul3A_764 = arith.mulf %get3A_351, %gather3A_640 : vector<16xf32>
        %add3A_765 = arith.constant 2 : i32
        %add3A_766 = arith.addi %mul3A_222, %add3A_765 : i32
        %swap3A_767 = arith.index_cast %add3A_766 : i32 to index
        %swap3A_768 = arith.constant 48 : index
        %swap3A_769 = tpu.vector_load %arg6[%swap3A_767, %swap3A_768] {strides = array<i32>} : memref<80x128xf32, #tpu.memory_space<vmem>>, vector<16xf32>,
        tpu.vector_store %arg6[%swap3A_767, %swap3A_768], %mul3A_764 {strides = array<i32>} : memref<80x128xf32, #tpu.memory_space<vmem>>, vector<16xf32>,
        %mul3A_770 = arith.mulf %get3A_356, %gather3A_640 : vector<16xf32>
        %add3A_771 = arith.constant 2 : i32
        %add3A_772 = arith.addi %mul3A_222, %add3A_771 : i32
        %swap3A_773 = arith.index_cast %add3A_772 : i32 to index
        %swap3A_774 = arith.constant 64 : index
        %swap3A_775 = tpu.vector_load %arg6[%swap3A_773, %swap3A_774] {strides = array<i32>} : memref<80x128xf32, #tpu.memory_space<vmem>>, vector<16xf32>,
        tpu.vector_store %arg6[%swap3A_773, %swap3A_774], %mul3A_770 {strides = array<i32>} : memref<80x128xf32, #tpu.memory_space<vmem>>, vector<16xf32>,
        %mul3A_776 = arith.mulf %get3A_361, %gather3A_640 : vector<16xf32>
        %add3A_777 = arith.constant 2 : i32
        %add3A_778 = arith.addi %mul3A_222, %add3A_777 : i32
        %swap3A_779 = arith.index_cast %add3A_778 : i32 to index
        %swap3A_780 = arith.constant 80 : index
        %swap3A_781 = tpu.vector_load %arg6[%swap3A_779, %swap3A_780] {strides = array<i32>} : memref<80x128xf32, #tpu.memory_space<vmem>>, vector<16xf32>,
        tpu.vector_store %arg6[%swap3A_779, %swap3A_780], %mul3A_776 {strides = array<i32>} : memref<80x128xf32, #tpu.memory_space<vmem>>, vector<16xf32>,
        %mul3A_782 = arith.mulf %get3A_366, %gather3A_640 : vector<16xf32>
        %add3A_783 = arith.constant 2 : i32
        %add3A_784 = arith.addi %mul3A_222, %add3A_783 : i32
        %swap3A_785 = arith.index_cast %add3A_784 : i32 to index
        %swap3A_786 = arith.constant 96 : index
        %swap3A_787 = tpu.vector_load %arg6[%swap3A_785, %swap3A_786] {strides = array<i32>} : memref<80x128xf32, #tpu.memory_space<vmem>>, vector<16xf32>,
        tpu.vector_store %arg6[%swap3A_785, %swap3A_786], %mul3A_782 {strides = array<i32>} : memref<80x128xf32, #tpu.memory_space<vmem>>, vector<16xf32>,
        %mul3A_788 = arith.mulf %get3A_371, %gather3A_640 : vector<16xf32>
        %add3A_789 = arith.constant 2 : i32
        %add3A_790 = arith.addi %mul3A_222, %add3A_789 : i32
        %swap3A_791 = arith.index_cast %add3A_790 : i32 to index
        %swap3A_792 = arith.constant 112 : index
        %swap3A_793 = tpu.vector_load %arg6[%swap3A_791, %swap3A_792] {strides = array<i32>} : memref<80x128xf32, #tpu.memory_space<vmem>>, vector<16xf32>,
        tpu.vector_store %arg6[%swap3A_791, %swap3A_792], %mul3A_788 {strides = array<i32>} : memref<80x128xf32, #tpu.memory_space<vmem>>, vector<16xf32>,
        %mul3A_794 = arith.mulf %get3A_391, %gather3A_650 : vector<16xf32>
        %add3A_795 = arith.constant 3 : i32
        %add3A_796 = arith.addi %mul3A_222, %add3A_795 : i32
        %swap3A_797 = arith.index_cast %add3A_796 : i32 to index
        %swap3A_798 = arith.constant 0 : index
        %swap3A_799 = tpu.vector_load %arg6[%swap3A_797, %swap3A_798] {strides = array<i32>} : memref<80x128xf32, #tpu.memory_space<vmem>>, vector<16xf32>,
        tpu.vector_store %arg6[%swap3A_797, %swap3A_798], %mul3A_794 {strides = array<i32>} : memref<80x128xf32, #tpu.memory_space<vmem>>, vector<16xf32>,
        %mul3A_800 = arith.mulf %get3A_396, %gather3A_650 : vector<16xf32>
        %add3A_801 = arith.constant 3 : i32
        %add3A_802 = arith.addi %mul3A_222, %add3A_801 : i32
        %swap3A_803 = arith.index_cast %add3A_802 : i32 to index
        %swap3A_804 = arith.constant 16 : index
        %swap3A_805 = tpu.vector_load %arg6[%swap3A_803, %swap3A_804] {strides = array<i32>} : memref<80x128xf32, #tpu.memory_space<vmem>>, vector<16xf32>,
        tpu.vector_store %arg6[%swap3A_803, %swap3A_804], %mul3A_800 {strides = array<i32>} : memref<80x128xf32, #tpu.memory_space<vmem>>, vector<16xf32>,
        %mul3A_806 = arith.mulf %get3A_401, %gather3A_650 : vector<16xf32>
        %add3A_807 = arith.constant 3 : i32
        %add3A_808 = arith.addi %mul3A_222, %add3A_807 : i32
        %swap3A_809 = arith.index_cast %add3A_808 : i32 to index
        %swap3A_810 = arith.constant 32 : index
        %swap3A_811 = tpu.vector_load %arg6[%swap3A_809, %swap3A_810] {strides = array<i32>} : memref<80x128xf32, #tpu.memory_space<vmem>>, vector<16xf32>,
        tpu.vector_store %arg6[%swap3A_809, %swap3A_810], %mul3A_806 {strides = array<i32>} : memref<80x128xf32, #tpu.memory_space<vmem>>, vector<16xf32>,
        %mul3A_812 = arith.mulf %get3A_406, %gather3A_650 : vector<16xf32>
        %add3A_813 = arith.constant 3 : i32
        %add3A_814 = arith.addi %mul3A_222, %add3A_813 : i32
        %swap3A_815 = arith.index_cast %add3A_814 : i32 to index
        %swap3A_816 = arith.constant 48 : index
        %swap3A_817 = tpu.vector_load %arg6[%swap3A_815, %swap3A_816] {strides = array<i32>} : memref<80x128xf32, #tpu.memory_space<vmem>>, vector<16xf32>,
        tpu.vector_store %arg6[%swap3A_815, %swap3A_816], %mul3A_812 {strides = array<i32>} : memref<80x128xf32, #tpu.memory_space<vmem>>, vector<16xf32>,
        %mul3A_818 = arith.mulf %get3A_411, %gather3A_650 : vector<16xf32>
        %add3A_819 = arith.constant 3 : i32
        %add3A_820 = arith.addi %mul3A_222, %add3A_819 : i32
        %swap3A_821 = arith.index_cast %add3A_820 : i32 to index
        %swap3A_822 = arith.constant 64 : index
        %swap3A_823 = tpu.vector_load %arg6[%swap3A_821, %swap3A_822] {strides = array<i32>} : memref<80x128xf32, #tpu.memory_space<vmem>>, vector<16xf32>,
        tpu.vector_store %arg6[%swap3A_821, %swap3A_822], %mul3A_818 {strides = array<i32>} : memref<80x128xf32, #tpu.memory_space<vmem>>, vector<16xf32>,
        %mul3A_824 = arith.mulf %get3A_416, %gather3A_650 : vector<16xf32>
        %add3A_825 = arith.constant 3 : i32
        %add3A_826 = arith.addi %mul3A_222, %add3A_825 : i32
        %swap3A_827 = arith.index_cast %add3A_826 : i32 to index
        %swap3A_828 = arith.constant 80 : index
        %swap3A_829 = tpu.vector_load %arg6[%swap3A_827, %swap3A_828] {strides = array<i32>} : memref<80x128xf32, #tpu.memory_space<vmem>>, vector<16xf32>,
        tpu.vector_store %arg6[%swap3A_827, %swap3A_828], %mul3A_824 {strides = array<i32>} : memref<80x128xf32, #tpu.memory_space<vmem>>, vector<16xf32>,
        %mul3A_830 = arith.mulf %get3A_421, %gather3A_650 : vector<16xf32>
        %add3A_831 = arith.constant 3 : i32
        %add3A_832 = arith.addi %mul3A_222, %add3A_831 : i32
        %swap3A_833 = arith.index_cast %add3A_832 : i32 to index
        %swap3A_834 = arith.constant 96 : index
        %swap3A_835 = tpu.vector_load %arg6[%swap3A_833, %swap3A_834] {strides = array<i32>} : memref<80x128xf32, #tpu.memory_space<vmem>>, vector<16xf32>,
        tpu.vector_store %arg6[%swap3A_833, %swap3A_834], %mul3A_830 {strides = array<i32>} : memref<80x128xf32, #tpu.memory_space<vmem>>, vector<16xf32>,
        %mul3A_836 = arith.mulf %get3A_426, %gather3A_650 : vector<16xf32>
        %add3A_837 = arith.constant 3 : i32
        %add3A_838 = arith.addi %mul3A_222, %add3A_837 : i32
        %swap3A_839 = arith.index_cast %add3A_838 : i32 to index
        %swap3A_840 = arith.constant 112 : index
        %swap3A_841 = tpu.vector_load %arg6[%swap3A_839, %swap3A_840] {strides = array<i32>} : memref<80x128xf32, #tpu.memory_space<vmem>>, vector<16xf32>,
        tpu.vector_store %arg6[%swap3A_839, %swap3A_840], %mul3A_836 {strides = array<i32>} : memref<80x128xf32, #tpu.memory_space<vmem>>, vector<16xf32>,
        %scan3A_842 = arith.constant 0 : i32
        scf.yield %scan3A_842 : i32
      }
      %scan3A_146 = arith.constant 20 : i32
      %dma_start3A_147 = arith.constant 0 : i32
      %dma_start3A_148 = arith.constant 0 : i32
      %dma_start3A_149 = tpu.memref_slice %arg14[%dma_start3A_147, %dma_start3A_148] : memref<1024x128xf32, #tpu.memory_space<vmem_shared>> -> memref<1024x128xf32, #tpu.memory_space<vmem_shared>>
      tpu.enqueue_indirect_dma source(%arg6 : memref<80x128xf32, #tpu.memory_space<vmem>>) target(%dma_start3A_149 : memref<1024x128xf32, #tpu.memory_space<vmem_shared>>) offsets(%arg10 : memref<80xi32, #tpu.memory_space<vmem>>) semaphore(%arg24 : memref<!tpu.dma_semaphore, #tpu.memory_space<semaphore_mem>>) {add = true}
      %gt3A_150 = arith.constant 0 : i32
      %gt3A_151 = arith.cmpi sgt, %scan3A_102, %gt3A_150 : i32
      %convert_element_type3A_152 = arith.extui %gt3A_151 : i1 to i32
      %cond3A_153 = arith.constant 0 : i32
      %cond3A_154 = arith.cmpi ne, %convert_element_type3A_152, %cond3A_153 : i32
      scf.if %cond3A_154 {
        %dma_wait3A_219 = arith.constant 0 : i32
        %dma_wait3A_220 = arith.constant 0 : i32
        %dma_wait3A_221 = tpu.memref_slice %arg14[%dma_wait3A_219, %dma_wait3A_220] : memref<1024x128xf32, #tpu.memory_space<vmem_shared>> -> memref<1024x128xf32, #tpu.memory_space<vmem_shared>>
        tpu.wait_indirect_dma semaphore(%arg26 : memref<!tpu.dma_semaphore, #tpu.memory_space<semaphore_mem>>) src(%arg8 : memref<80x128xf32, #tpu.memory_space<vmem>>) dst(%dma_wait3A_221 : memref<1024x128xf32, #tpu.memory_space<vmem_shared>>)
        %add3A_222 = arith.constant 2 : i32
        %add3A_223 = arith.addi %add3A_131, %add3A_222 : i32
        %mul3A_224 = arith.constant 80 : i32
        %mul3A_225 = arith.muli %add3A_223, %mul3A_224 : i32
        %add3A_226 = arith.addi %mul3A_2, %mul3A_225 : i32
        %dma_start3A_227 = arith.constant 0 : i32
        %dma_start3A_228 = tpu.memref_slice %arg2[%add3A_226, %dma_start3A_227] : memref<320000x128xf32, #tpu.memory_space<hbm>> -> memref<80x128xf32, #tpu.memory_space<hbm>>
        %dma_start3A_229 = arith.constant 0 : i32
        %dma_start3A_230 = tpu.memref_slice %arg2[%add3A_226, %dma_start3A_229] : memref<320000x128xf32, #tpu.memory_space<hbm>> -> memref<80x128xf32, #tpu.memory_space<hbm>>
        tpu.enqueue_dma source(%dma_start3A_230 : memref<80x128xf32, #tpu.memory_space<hbm>>) target(%arg8 : memref<80x128xf32, #tpu.memory_space<vmem>>) target_semaphore(%arg18 : memref<!tpu.dma_semaphore, #tpu.memory_space<semaphore_mem>>)
        %dma_start3A_231 = tpu.memref_slice %arg3[%add3A_226] : memref<320000xi32, #tpu.memory_space<hbm>> -> memref<80xi32, #tpu.memory_space<hbm>>
        %dma_start3A_232 = tpu.memref_slice %arg3[%add3A_226] : memref<320000xi32, #tpu.memory_space<hbm>> -> memref<80xi32, #tpu.memory_space<hbm>>
        tpu.enqueue_dma source(%dma_start3A_232 : memref<80xi32, #tpu.memory_space<hbm>>) target(%arg12 : memref<80xi32, #tpu.memory_space<vmem>>) target_semaphore(%arg22 : memref<!tpu.dma_semaphore, #tpu.memory_space<semaphore_mem>>)
      } else {
      }
      %mul3A_155 = arith.constant 4 : i32
      %mul3A_156 = arith.muli %mul3A_155, %scan3A_102 : i32
      %add3A_157 = arith.constant 2 : i32
      %add3A_158 = arith.addi %mul3A_156, %add3A_157 : i32
      %add3A_159 = arith.constant 0 : i32
      %add3A_160 = arith.addi %mul3A_2, %add3A_159 : i32
      %dma_wait3A_161 = arith.constant 0 : i32
      %dma_wait3A_162 = tpu.memref_slice %arg2[%add3A_160, %dma_wait3A_161] : memref<320000x128xf32, #tpu.memory_space<hbm>> -> memref<80x128xf32, #tpu.memory_space<hbm>>
      %dma_wait3A_163 = arith.constant 0 : i32
      %dma_wait3A_164 = tpu.memref_slice %arg2[%add3A_160, %dma_wait3A_163] : memref<320000x128xf32, #tpu.memory_space<hbm>> -> memref<80x128xf32, #tpu.memory_space<hbm>>
      tpu.wait_dma2 semaphore(%arg17 : memref<!tpu.dma_semaphore, #tpu.memory_space<semaphore_mem>>) src(%dma_wait3A_164 : memref<80x128xf32, #tpu.memory_space<hbm>>) dst(%arg7 : memref<80x128xf32, #tpu.memory_space<vmem>>)
      %dma_wait3A_165 = tpu.memref_slice %arg3[%add3A_160] : memref<320000xi32, #tpu.memory_space<hbm>> -> memref<80xi32, #tpu.memory_space<hbm>>
      %dma_wait3A_166 = tpu.memref_slice %arg3[%add3A_160] : memref<320000xi32, #tpu.memory_space<hbm>> -> memref<80xi32, #tpu.memory_space<hbm>>
      tpu.wait_dma2 semaphore(%arg21 : memref<!tpu.dma_semaphore, #tpu.memory_space<semaphore_mem>>) src(%dma_wait3A_166 : memref<80xi32, #tpu.memory_space<hbm>>) dst(%arg11 : memref<80xi32, #tpu.memory_space<vmem>>)
      %scan3A_167 = arith.constant 0 : i32
      %scan3A_168 = arith.constant 0 : i32
      %scan3A_169 = arith.constant 20 : i32
      %scan3A_170 = arith.addi %scan3A_168, %scan3A_169 : i32
      %scan3A_171 = arith.constant 1 : i32
      %scan3A_172 = scf.for %scan3A_219 = %scan3A_168 to %scan3A_170 step %scan3A_171 iter_args(%scan3A_220 = %scan3A_167) -> (i32)  : i32 {
        %mul3A_221 = arith.constant 4 : i32
        %mul3A_222 = arith.muli %scan3A_219, %mul3A_221 : i32
        %add3A_223 = arith.constant 0 : i32
        %add3A_224 = arith.addi %mul3A_222, %add3A_223 : i32
        %get3A = arith.index_cast %add3A_224 : i32 to index
        %get3A_225 = arith.constant 0 : index
        %get3A_226 = tpu.vector_load %arg7[%get3A, %get3A_225] {strides = array<i32>} : memref<80x128xf32, #tpu.memory_space<vmem>>, vector<16xf32>,
        %add3A_227 = arith.constant 0 : i32
        %add3A_228 = arith.addi %mul3A_222, %add3A_227 : i32
        %get3A_229 = arith.index_cast %add3A_228 : i32 to index
        %get3A_230 = arith.constant 16 : index
        %get3A_231 = tpu.vector_load %arg7[%get3A_229, %get3A_230] {strides = array<i32>} : memref<80x128xf32, #tpu.memory_space<vmem>>, vector<16xf32>,
        %add3A_232 = arith.constant 0 : i32
        %add3A_233 = arith.addi %mul3A_222, %add3A_232 : i32
        %get3A_234 = arith.index_cast %add3A_233 : i32 to index
        %get3A_235 = arith.constant 32 : index
        %get3A_236 = tpu.vector_load %arg7[%get3A_234, %get3A_235] {strides = array<i32>} : memref<80x128xf32, #tpu.memory_space<vmem>>, vector<16xf32>,
        %add3A_237 = arith.constant 0 : i32
        %add3A_238 = arith.addi %mul3A_222, %add3A_237 : i32
        %get3A_239 = arith.index_cast %add3A_238 : i32 to index
        %get3A_240 = arith.constant 48 : index
        %get3A_241 = tpu.vector_load %arg7[%get3A_239, %get3A_240] {strides = array<i32>} : memref<80x128xf32, #tpu.memory_space<vmem>>, vector<16xf32>,
        %add3A_242 = arith.constant 0 : i32
        %add3A_243 = arith.addi %mul3A_222, %add3A_242 : i32
        %get3A_244 = arith.index_cast %add3A_243 : i32 to index
        %get3A_245 = arith.constant 64 : index
        %get3A_246 = tpu.vector_load %arg7[%get3A_244, %get3A_245] {strides = array<i32>} : memref<80x128xf32, #tpu.memory_space<vmem>>, vector<16xf32>,
        %add3A_247 = arith.constant 0 : i32
        %add3A_248 = arith.addi %mul3A_222, %add3A_247 : i32
        %get3A_249 = arith.index_cast %add3A_248 : i32 to index
        %get3A_250 = arith.constant 80 : index
        %get3A_251 = tpu.vector_load %arg7[%get3A_249, %get3A_250] {strides = array<i32>} : memref<80x128xf32, #tpu.memory_space<vmem>>, vector<16xf32>,
        %add3A_252 = arith.constant 0 : i32
        %add3A_253 = arith.addi %mul3A_222, %add3A_252 : i32
        %get3A_254 = arith.index_cast %add3A_253 : i32 to index
        %get3A_255 = arith.constant 96 : index
        %get3A_256 = tpu.vector_load %arg7[%get3A_254, %get3A_255] {strides = array<i32>} : memref<80x128xf32, #tpu.memory_space<vmem>>, vector<16xf32>,
        %add3A_257 = arith.constant 0 : i32
        %add3A_258 = arith.addi %mul3A_222, %add3A_257 : i32
        %get3A_259 = arith.index_cast %add3A_258 : i32 to index
        %get3A_260 = arith.constant 112 : index
        %get3A_261 = tpu.vector_load %arg7[%get3A_259, %get3A_260] {strides = array<i32>} : memref<80x128xf32, #tpu.memory_space<vmem>>, vector<16xf32>,
        %mul3A_262 = arith.mulf %get3A_226, %get3A_226 : vector<16xf32>
        %mul3A_263 = arith.mulf %get3A_231, %get3A_231 : vector<16xf32>
        %add3A_264 = arith.addf %mul3A_262, %mul3A_263 : vector<16xf32>
        %mul3A_265 = arith.mulf %get3A_236, %get3A_236 : vector<16xf32>
        %add3A_266 = arith.addf %add3A_264, %mul3A_265 : vector<16xf32>
        %mul3A_267 = arith.mulf %get3A_241, %get3A_241 : vector<16xf32>
        %add3A_268 = arith.addf %add3A_266, %mul3A_267 : vector<16xf32>
        %mul3A_269 = arith.mulf %get3A_246, %get3A_246 : vector<16xf32>
        %add3A_270 = arith.addf %add3A_268, %mul3A_269 : vector<16xf32>
        %mul3A_271 = arith.mulf %get3A_251, %get3A_251 : vector<16xf32>
        %add3A_272 = arith.addf %add3A_270, %mul3A_271 : vector<16xf32>
        %mul3A_273 = arith.mulf %get3A_256, %get3A_256 : vector<16xf32>
        %add3A_274 = arith.addf %add3A_272, %mul3A_273 : vector<16xf32>
        %mul3A_275 = arith.mulf %get3A_261, %get3A_261 : vector<16xf32>
        %add3A_276 = arith.addf %add3A_274, %mul3A_275 : vector<16xf32>
        %add3A_277 = arith.constant 1 : i32
        %add3A_278 = arith.addi %mul3A_222, %add3A_277 : i32
        %get3A_279 = arith.index_cast %add3A_278 : i32 to index
        %get3A_280 = arith.constant 0 : index
        %get3A_281 = tpu.vector_load %arg7[%get3A_279, %get3A_280] {strides = array<i32>} : memref<80x128xf32, #tpu.memory_space<vmem>>, vector<16xf32>,
        %add3A_282 = arith.constant 1 : i32
        %add3A_283 = arith.addi %mul3A_222, %add3A_282 : i32
        %get3A_284 = arith.index_cast %add3A_283 : i32 to index
        %get3A_285 = arith.constant 16 : index
        %get3A_286 = tpu.vector_load %arg7[%get3A_284, %get3A_285] {strides = array<i32>} : memref<80x128xf32, #tpu.memory_space<vmem>>, vector<16xf32>,
        %add3A_287 = arith.constant 1 : i32
        %add3A_288 = arith.addi %mul3A_222, %add3A_287 : i32
        %get3A_289 = arith.index_cast %add3A_288 : i32 to index
        %get3A_290 = arith.constant 32 : index
        %get3A_291 = tpu.vector_load %arg7[%get3A_289, %get3A_290] {strides = array<i32>} : memref<80x128xf32, #tpu.memory_space<vmem>>, vector<16xf32>,
        %add3A_292 = arith.constant 1 : i32
        %add3A_293 = arith.addi %mul3A_222, %add3A_292 : i32
        %get3A_294 = arith.index_cast %add3A_293 : i32 to index
        %get3A_295 = arith.constant 48 : index
        %get3A_296 = tpu.vector_load %arg7[%get3A_294, %get3A_295] {strides = array<i32>} : memref<80x128xf32, #tpu.memory_space<vmem>>, vector<16xf32>,
        %add3A_297 = arith.constant 1 : i32
        %add3A_298 = arith.addi %mul3A_222, %add3A_297 : i32
        %get3A_299 = arith.index_cast %add3A_298 : i32 to index
        %get3A_300 = arith.constant 64 : index
        %get3A_301 = tpu.vector_load %arg7[%get3A_299, %get3A_300] {strides = array<i32>} : memref<80x128xf32, #tpu.memory_space<vmem>>, vector<16xf32>,
        %add3A_302 = arith.constant 1 : i32
        %add3A_303 = arith.addi %mul3A_222, %add3A_302 : i32
        %get3A_304 = arith.index_cast %add3A_303 : i32 to index
        %get3A_305 = arith.constant 80 : index
        %get3A_306 = tpu.vector_load %arg7[%get3A_304, %get3A_305] {strides = array<i32>} : memref<80x128xf32, #tpu.memory_space<vmem>>, vector<16xf32>,
        %add3A_307 = arith.constant 1 : i32
        %add3A_308 = arith.addi %mul3A_222, %add3A_307 : i32
        %get3A_309 = arith.index_cast %add3A_308 : i32 to index
        %get3A_310 = arith.constant 96 : index
        %get3A_311 = tpu.vector_load %arg7[%get3A_309, %get3A_310] {strides = array<i32>} : memref<80x128xf32, #tpu.memory_space<vmem>>, vector<16xf32>,
        %add3A_312 = arith.constant 1 : i32
        %add3A_313 = arith.addi %mul3A_222, %add3A_312 : i32
        %get3A_314 = arith.index_cast %add3A_313 : i32 to index
        %get3A_315 = arith.constant 112 : index
        %get3A_316 = tpu.vector_load %arg7[%get3A_314, %get3A_315] {strides = array<i32>} : memref<80x128xf32, #tpu.memory_space<vmem>>, vector<16xf32>,
        %mul3A_317 = arith.mulf %get3A_281, %get3A_281 : vector<16xf32>
        %mul3A_318 = arith.mulf %get3A_286, %get3A_286 : vector<16xf32>
        %add3A_319 = arith.addf %mul3A_317, %mul3A_318 : vector<16xf32>
        %mul3A_320 = arith.mulf %get3A_291, %get3A_291 : vector<16xf32>
        %add3A_321 = arith.addf %add3A_319, %mul3A_320 : vector<16xf32>
        %mul3A_322 = arith.mulf %get3A_296, %get3A_296 : vector<16xf32>
        %add3A_323 = arith.addf %add3A_321, %mul3A_322 : vector<16xf32>
        %mul3A_324 = arith.mulf %get3A_301, %get3A_301 : vector<16xf32>
        %add3A_325 = arith.addf %add3A_323, %mul3A_324 : vector<16xf32>
        %mul3A_326 = arith.mulf %get3A_306, %get3A_306 : vector<16xf32>
        %add3A_327 = arith.addf %add3A_325, %mul3A_326 : vector<16xf32>
        %mul3A_328 = arith.mulf %get3A_311, %get3A_311 : vector<16xf32>
        %add3A_329 = arith.addf %add3A_327, %mul3A_328 : vector<16xf32>
        %mul3A_330 = arith.mulf %get3A_316, %get3A_316 : vector<16xf32>
        %add3A_331 = arith.addf %add3A_329, %mul3A_330 : vector<16xf32>
        %add3A_332 = arith.constant 2 : i32
        %add3A_333 = arith.addi %mul3A_222, %add3A_332 : i32
        %get3A_334 = arith.index_cast %add3A_333 : i32 to index
        %get3A_335 = arith.constant 0 : index
        %get3A_336 = tpu.vector_load %arg7[%get3A_334, %get3A_335] {strides = array<i32>} : memref<80x128xf32, #tpu.memory_space<vmem>>, vector<16xf32>,
        %add3A_337 = arith.constant 2 : i32
        %add3A_338 = arith.addi %mul3A_222, %add3A_337 : i32
        %get3A_339 = arith.index_cast %add3A_338 : i32 to index
        %get3A_340 = arith.constant 16 : index
        %get3A_341 = tpu.vector_load %arg7[%get3A_339, %get3A_340] {strides = array<i32>} : memref<80x128xf32, #tpu.memory_space<vmem>>, vector<16xf32>,
        %add3A_342 = arith.constant 2 : i32
        %add3A_343 = arith.addi %mul3A_222, %add3A_342 : i32
        %get3A_344 = arith.index_cast %add3A_343 : i32 to index
        %get3A_345 = arith.constant 32 : index
        %get3A_346 = tpu.vector_load %arg7[%get3A_344, %get3A_345] {strides = array<i32>} : memref<80x128xf32, #tpu.memory_space<vmem>>, vector<16xf32>,
        %add3A_347 = arith.constant 2 : i32
        %add3A_348 = arith.addi %mul3A_222, %add3A_347 : i32
        %get3A_349 = arith.index_cast %add3A_348 : i32 to index
        %get3A_350 = arith.constant 48 : index
        %get3A_351 = tpu.vector_load %arg7[%get3A_349, %get3A_350] {strides = array<i32>} : memref<80x128xf32, #tpu.memory_space<vmem>>, vector<16xf32>,
        %add3A_352 = arith.constant 2 : i32
        %add3A_353 = arith.addi %mul3A_222, %add3A_352 : i32
        %get3A_354 = arith.index_cast %add3A_353 : i32 to index
        %get3A_355 = arith.constant 64 : index
        %get3A_356 = tpu.vector_load %arg7[%get3A_354, %get3A_355] {strides = array<i32>} : memref<80x128xf32, #tpu.memory_space<vmem>>, vector<16xf32>,
        %add3A_357 = arith.constant 2 : i32
        %add3A_358 = arith.addi %mul3A_222, %add3A_357 : i32
        %get3A_359 = arith.index_cast %add3A_358 : i32 to index
        %get3A_360 = arith.constant 80 : index
        %get3A_361 = tpu.vector_load %arg7[%get3A_359, %get3A_360] {strides = array<i32>} : memref<80x128xf32, #tpu.memory_space<vmem>>, vector<16xf32>,
        %add3A_362 = arith.constant 2 : i32
        %add3A_363 = arith.addi %mul3A_222, %add3A_362 : i32
        %get3A_364 = arith.index_cast %add3A_363 : i32 to index
        %get3A_365 = arith.constant 96 : index
        %get3A_366 = tpu.vector_load %arg7[%get3A_364, %get3A_365] {strides = array<i32>} : memref<80x128xf32, #tpu.memory_space<vmem>>, vector<16xf32>,
        %add3A_367 = arith.constant 2 : i32
        %add3A_368 = arith.addi %mul3A_222, %add3A_367 : i32
        %get3A_369 = arith.index_cast %add3A_368 : i32 to index
        %get3A_370 = arith.constant 112 : index
        %get3A_371 = tpu.vector_load %arg7[%get3A_369, %get3A_370] {strides = array<i32>} : memref<80x128xf32, #tpu.memory_space<vmem>>, vector<16xf32>,
        %mul3A_372 = arith.mulf %get3A_336, %get3A_336 : vector<16xf32>
        %mul3A_373 = arith.mulf %get3A_341, %get3A_341 : vector<16xf32>
        %add3A_374 = arith.addf %mul3A_372, %mul3A_373 : vector<16xf32>
        %mul3A_375 = arith.mulf %get3A_346, %get3A_346 : vector<16xf32>
        %add3A_376 = arith.addf %add3A_374, %mul3A_375 : vector<16xf32>
        %mul3A_377 = arith.mulf %get3A_351, %get3A_351 : vector<16xf32>
        %add3A_378 = arith.addf %add3A_376, %mul3A_377 : vector<16xf32>
        %mul3A_379 = arith.mulf %get3A_356, %get3A_356 : vector<16xf32>
        %add3A_380 = arith.addf %add3A_378, %mul3A_379 : vector<16xf32>
        %mul3A_381 = arith.mulf %get3A_361, %get3A_361 : vector<16xf32>
        %add3A_382 = arith.addf %add3A_380, %mul3A_381 : vector<16xf32>
        %mul3A_383 = arith.mulf %get3A_366, %get3A_366 : vector<16xf32>
        %add3A_384 = arith.addf %add3A_382, %mul3A_383 : vector<16xf32>
        %mul3A_385 = arith.mulf %get3A_371, %get3A_371 : vector<16xf32>
        %add3A_386 = arith.addf %add3A_384, %mul3A_385 : vector<16xf32>
        %add3A_387 = arith.constant 3 : i32
        %add3A_388 = arith.addi %mul3A_222, %add3A_387 : i32
        %get3A_389 = arith.index_cast %add3A_388 : i32 to index
        %get3A_390 = arith.constant 0 : index
        %get3A_391 = tpu.vector_load %arg7[%get3A_389, %get3A_390] {strides = array<i32>} : memref<80x128xf32, #tpu.memory_space<vmem>>, vector<16xf32>,
        %add3A_392 = arith.constant 3 : i32
        %add3A_393 = arith.addi %mul3A_222, %add3A_392 : i32
        %get3A_394 = arith.index_cast %add3A_393 : i32 to index
        %get3A_395 = arith.constant 16 : index
        %get3A_396 = tpu.vector_load %arg7[%get3A_394, %get3A_395] {strides = array<i32>} : memref<80x128xf32, #tpu.memory_space<vmem>>, vector<16xf32>,
        %add3A_397 = arith.constant 3 : i32
        %add3A_398 = arith.addi %mul3A_222, %add3A_397 : i32
        %get3A_399 = arith.index_cast %add3A_398 : i32 to index
        %get3A_400 = arith.constant 32 : index
        %get3A_401 = tpu.vector_load %arg7[%get3A_399, %get3A_400] {strides = array<i32>} : memref<80x128xf32, #tpu.memory_space<vmem>>, vector<16xf32>,
        %add3A_402 = arith.constant 3 : i32
        %add3A_403 = arith.addi %mul3A_222, %add3A_402 : i32
        %get3A_404 = arith.index_cast %add3A_403 : i32 to index
        %get3A_405 = arith.constant 48 : index
        %get3A_406 = tpu.vector_load %arg7[%get3A_404, %get3A_405] {strides = array<i32>} : memref<80x128xf32, #tpu.memory_space<vmem>>, vector<16xf32>,
        %add3A_407 = arith.constant 3 : i32
        %add3A_408 = arith.addi %mul3A_222, %add3A_407 : i32
        %get3A_409 = arith.index_cast %add3A_408 : i32 to index
        %get3A_410 = arith.constant 64 : index
        %get3A_411 = tpu.vector_load %arg7[%get3A_409, %get3A_410] {strides = array<i32>} : memref<80x128xf32, #tpu.memory_space<vmem>>, vector<16xf32>,
        %add3A_412 = arith.constant 3 : i32
        %add3A_413 = arith.addi %mul3A_222, %add3A_412 : i32
        %get3A_414 = arith.index_cast %add3A_413 : i32 to index
        %get3A_415 = arith.constant 80 : index
        %get3A_416 = tpu.vector_load %arg7[%get3A_414, %get3A_415] {strides = array<i32>} : memref<80x128xf32, #tpu.memory_space<vmem>>, vector<16xf32>,
        %add3A_417 = arith.constant 3 : i32
        %add3A_418 = arith.addi %mul3A_222, %add3A_417 : i32
        %get3A_419 = arith.index_cast %add3A_418 : i32 to index
        %get3A_420 = arith.constant 96 : index
        %get3A_421 = tpu.vector_load %arg7[%get3A_419, %get3A_420] {strides = array<i32>} : memref<80x128xf32, #tpu.memory_space<vmem>>, vector<16xf32>,
        %add3A_422 = arith.constant 3 : i32
        %add3A_423 = arith.addi %mul3A_222, %add3A_422 : i32
        %get3A_424 = arith.index_cast %add3A_423 : i32 to index
        %get3A_425 = arith.constant 112 : index
        %get3A_426 = tpu.vector_load %arg7[%get3A_424, %get3A_425] {strides = array<i32>} : memref<80x128xf32, #tpu.memory_space<vmem>>, vector<16xf32>,
        %mul3A_427 = arith.mulf %get3A_391, %get3A_391 : vector<16xf32>
        %mul3A_428 = arith.mulf %get3A_396, %get3A_396 : vector<16xf32>
        %add3A_429 = arith.addf %mul3A_427, %mul3A_428 : vector<16xf32>
        %mul3A_430 = arith.mulf %get3A_401, %get3A_401 : vector<16xf32>
        %add3A_431 = arith.addf %add3A_429, %mul3A_430 : vector<16xf32>
        %mul3A_432 = arith.mulf %get3A_406, %get3A_406 : vector<16xf32>
        %add3A_433 = arith.addf %add3A_431, %mul3A_432 : vector<16xf32>
        %mul3A_434 = arith.mulf %get3A_411, %get3A_411 : vector<16xf32>
        %add3A_435 = arith.addf %add3A_433, %mul3A_434 : vector<16xf32>
        %mul3A_436 = arith.mulf %get3A_416, %get3A_416 : vector<16xf32>
        %add3A_437 = arith.addf %add3A_435, %mul3A_436 : vector<16xf32>
        %mul3A_438 = arith.mulf %get3A_421, %get3A_421 : vector<16xf32>
        %add3A_439 = arith.addf %add3A_437, %mul3A_438 : vector<16xf32>
        %mul3A_440 = arith.mulf %get3A_426, %get3A_426 : vector<16xf32>
        %add3A_441 = arith.addf %add3A_439, %mul3A_440 : vector<16xf32>
        %lt3A_442 = arith.constant 0 : i32
        %lt3A_443 = vector.broadcast %lt3A_442 : i32 to vector<16xi32>
        %lt3A_444 = arith.cmpi slt, %xor3A_12, %lt3A_443 : vector<16xi32>
        %add3A_445 = arith.constant 16 : i32
        %add3A_446 = vector.broadcast %add3A_445 : i32 to vector<16xi32>
        %add3A_447 = arith.addi %xor3A_12, %add3A_446 : vector<16xi32>
        %select_n3A = arith.select %lt3A_444, %add3A_447, %xor3A_12 : vector<16xi1>, vector<16xi32>
        %broadcast_in_dim3A = vector.shape_cast %select_n3A : vector<16xi32> to vector<16x1xi32>
        %gather3A = vector.shape_cast %broadcast_in_dim3A : vector<16x1xi32> to vector<16xi32>
        %gather3A_448 = tpu.dynamic_gather %add3A_276[%gather3A] in [0] : vector<16xf32>, vector<16xi32> -> vector<16xf32>
        %add3A_449 = arith.addf %add3A_276, %gather3A_448 : vector<16xf32>
        %lt3A_450 = arith.constant 0 : i32
        %lt3A_451 = vector.broadcast %lt3A_450 : i32 to vector<16xi32>
        %lt3A_452 = arith.cmpi slt, %xor3A_12, %lt3A_451 : vector<16xi32>
        %add3A_453 = arith.constant 16 : i32
        %add3A_454 = vector.broadcast %add3A_453 : i32 to vector<16xi32>
        %add3A_455 = arith.addi %xor3A_12, %add3A_454 : vector<16xi32>
        %select_n3A_456 = arith.select %lt3A_452, %add3A_455, %xor3A_12 : vector<16xi1>, vector<16xi32>
        %broadcast_in_dim3A_457 = vector.shape_cast %select_n3A_456 : vector<16xi32> to vector<16x1xi32>
        %gather3A_458 = vector.shape_cast %broadcast_in_dim3A_457 : vector<16x1xi32> to vector<16xi32>
        %gather3A_459 = tpu.dynamic_gather %add3A_331[%gather3A_458] in [0] : vector<16xf32>, vector<16xi32> -> vector<16xf32>
        %add3A_460 = arith.addf %add3A_331, %gather3A_459 : vector<16xf32>
        %lt3A_461 = arith.constant 0 : i32
        %lt3A_462 = vector.broadcast %lt3A_461 : i32 to vector<16xi32>
        %lt3A_463 = arith.cmpi slt, %xor3A_12, %lt3A_462 : vector<16xi32>
        %add3A_464 = arith.constant 16 : i32
        %add3A_465 = vector.broadcast %add3A_464 : i32 to vector<16xi32>
        %add3A_466 = arith.addi %xor3A_12, %add3A_465 : vector<16xi32>
        %select_n3A_467 = arith.select %lt3A_463, %add3A_466, %xor3A_12 : vector<16xi1>, vector<16xi32>
        %broadcast_in_dim3A_468 = vector.shape_cast %select_n3A_467 : vector<16xi32> to vector<16x1xi32>
        %gather3A_469 = vector.shape_cast %broadcast_in_dim3A_468 : vector<16x1xi32> to vector<16xi32>
        %gather3A_470 = tpu.dynamic_gather %add3A_386[%gather3A_469] in [0] : vector<16xf32>, vector<16xi32> -> vector<16xf32>
        %add3A_471 = arith.addf %add3A_386, %gather3A_470 : vector<16xf32>
        %lt3A_472 = arith.constant 0 : i32
        %lt3A_473 = vector.broadcast %lt3A_472 : i32 to vector<16xi32>
        %lt3A_474 = arith.cmpi slt, %xor3A_12, %lt3A_473 : vector<16xi32>
        %add3A_475 = arith.constant 16 : i32
        %add3A_476 = vector.broadcast %add3A_475 : i32 to vector<16xi32>
        %add3A_477 = arith.addi %xor3A_12, %add3A_476 : vector<16xi32>
        %select_n3A_478 = arith.select %lt3A_474, %add3A_477, %xor3A_12 : vector<16xi1>, vector<16xi32>
        %broadcast_in_dim3A_479 = vector.shape_cast %select_n3A_478 : vector<16xi32> to vector<16x1xi32>
        %gather3A_480 = vector.shape_cast %broadcast_in_dim3A_479 : vector<16x1xi32> to vector<16xi32>
        %gather3A_481 = tpu.dynamic_gather %add3A_441[%gather3A_480] in [0] : vector<16xf32>, vector<16xi32> -> vector<16xf32>
        %add3A_482 = arith.addf %add3A_441, %gather3A_481 : vector<16xf32>
        %select_n3A_483 = arith.select %lt3A_29, %add3A_449, %add3A_460 : vector<16xi1>, vector<16xf32>
        %select_n3A_484 = arith.select %lt3A_29, %add3A_471, %add3A_482 : vector<16xi1>, vector<16xf32>
        %lt3A_485 = arith.constant 0 : i32
        %lt3A_486 = vector.broadcast %lt3A_485 : i32 to vector<16xi32>
        %lt3A_487 = arith.cmpi slt, %xor3A_15, %lt3A_486 : vector<16xi32>
        %add3A_488 = arith.constant 16 : i32
        %add3A_489 = vector.broadcast %add3A_488 : i32 to vector<16xi32>
        %add3A_490 = arith.addi %xor3A_15, %add3A_489 : vector<16xi32>
        %select_n3A_491 = arith.select %lt3A_487, %add3A_490, %xor3A_15 : vector<16xi1>, vector<16xi32>
        %broadcast_in_dim3A_492 = vector.shape_cast %select_n3A_491 : vector<16xi32> to vector<16x1xi32>
        %gather3A_493 = vector.shape_cast %broadcast_in_dim3A_492 : vector<16x1xi32> to vector<16xi32>
        %gather3A_494 = tpu.dynamic_gather %select_n3A_483[%gather3A_493] in [0] : vector<16xf32>, vector<16xi32> -> vector<16xf32>
        %add3A_495 = arith.addf %select_n3A_483, %gather3A_494 : vector<16xf32>
        %lt3A_496 = arith.constant 0 : i32
        %lt3A_497 = vector.broadcast %lt3A_496 : i32 to vector<16xi32>
        %lt3A_498 = arith.cmpi slt, %xor3A_15, %lt3A_497 : vector<16xi32>
        %add3A_499 = arith.constant 16 : i32
        %add3A_500 = vector.broadcast %add3A_499 : i32 to vector<16xi32>
        %add3A_501 = arith.addi %xor3A_15, %add3A_500 : vector<16xi32>
        %select_n3A_502 = arith.select %lt3A_498, %add3A_501, %xor3A_15 : vector<16xi1>, vector<16xi32>
        %broadcast_in_dim3A_503 = vector.shape_cast %select_n3A_502 : vector<16xi32> to vector<16x1xi32>
        %gather3A_504 = vector.shape_cast %broadcast_in_dim3A_503 : vector<16x1xi32> to vector<16xi32>
        %gather3A_505 = tpu.dynamic_gather %select_n3A_484[%gather3A_504] in [0] : vector<16xf32>, vector<16xi32> -> vector<16xf32>
        %add3A_506 = arith.addf %select_n3A_484, %gather3A_505 : vector<16xf32>
        %lt3A_507 = arith.constant 0 : i32
        %lt3A_508 = vector.broadcast %lt3A_507 : i32 to vector<16xi32>
        %lt3A_509 = arith.cmpi slt, %xor3A_18, %lt3A_508 : vector<16xi32>
        %add3A_510 = arith.constant 16 : i32
        %add3A_511 = vector.broadcast %add3A_510 : i32 to vector<16xi32>
        %add3A_512 = arith.addi %xor3A_18, %add3A_511 : vector<16xi32>
        %select_n3A_513 = arith.select %lt3A_509, %add3A_512, %xor3A_18 : vector<16xi1>, vector<16xi32>
        %broadcast_in_dim3A_514 = vector.shape_cast %select_n3A_513 : vector<16xi32> to vector<16x1xi32>
        %gather3A_515 = vector.shape_cast %broadcast_in_dim3A_514 : vector<16x1xi32> to vector<16xi32>
        %gather3A_516 = tpu.dynamic_gather %add3A_495[%gather3A_515] in [0] : vector<16xf32>, vector<16xi32> -> vector<16xf32>
        %add3A_517 = arith.addf %add3A_495, %gather3A_516 : vector<16xf32>
        %lt3A_518 = arith.constant 0 : i32
        %lt3A_519 = vector.broadcast %lt3A_518 : i32 to vector<16xi32>
        %lt3A_520 = arith.cmpi slt, %xor3A_18, %lt3A_519 : vector<16xi32>
        %add3A_521 = arith.constant 16 : i32
        %add3A_522 = vector.broadcast %add3A_521 : i32 to vector<16xi32>
        %add3A_523 = arith.addi %xor3A_18, %add3A_522 : vector<16xi32>
        %select_n3A_524 = arith.select %lt3A_520, %add3A_523, %xor3A_18 : vector<16xi1>, vector<16xi32>
        %broadcast_in_dim3A_525 = vector.shape_cast %select_n3A_524 : vector<16xi32> to vector<16x1xi32>
        %gather3A_526 = vector.shape_cast %broadcast_in_dim3A_525 : vector<16x1xi32> to vector<16xi32>
        %gather3A_527 = tpu.dynamic_gather %add3A_506[%gather3A_526] in [0] : vector<16xf32>, vector<16xi32> -> vector<16xf32>
        %add3A_528 = arith.addf %add3A_506, %gather3A_527 : vector<16xf32>
        %lt3A_529 = arith.constant 0 : i32
        %lt3A_530 = vector.broadcast %lt3A_529 : i32 to vector<16xi32>
        %lt3A_531 = arith.cmpi slt, %xor3A_21, %lt3A_530 : vector<16xi32>
        %add3A_532 = arith.constant 16 : i32
        %add3A_533 = vector.broadcast %add3A_532 : i32 to vector<16xi32>
        %add3A_534 = arith.addi %xor3A_21, %add3A_533 : vector<16xi32>
        %select_n3A_535 = arith.select %lt3A_531, %add3A_534, %xor3A_21 : vector<16xi1>, vector<16xi32>
        %broadcast_in_dim3A_536 = vector.shape_cast %select_n3A_535 : vector<16xi32> to vector<16x1xi32>
        %gather3A_537 = vector.shape_cast %broadcast_in_dim3A_536 : vector<16x1xi32> to vector<16xi32>
        %gather3A_538 = tpu.dynamic_gather %add3A_517[%gather3A_537] in [0] : vector<16xf32>, vector<16xi32> -> vector<16xf32>
        %add3A_539 = arith.addf %add3A_517, %gather3A_538 : vector<16xf32>
        %lt3A_540 = arith.constant 0 : i32
        %lt3A_541 = vector.broadcast %lt3A_540 : i32 to vector<16xi32>
        %lt3A_542 = arith.cmpi slt, %xor3A_21, %lt3A_541 : vector<16xi32>
        %add3A_543 = arith.constant 16 : i32
        %add3A_544 = vector.broadcast %add3A_543 : i32 to vector<16xi32>
        %add3A_545 = arith.addi %xor3A_21, %add3A_544 : vector<16xi32>
        %select_n3A_546 = arith.select %lt3A_542, %add3A_545, %xor3A_21 : vector<16xi1>, vector<16xi32>
        %broadcast_in_dim3A_547 = vector.shape_cast %select_n3A_546 : vector<16xi32> to vector<16x1xi32>
        %gather3A_548 = vector.shape_cast %broadcast_in_dim3A_547 : vector<16x1xi32> to vector<16xi32>
        %gather3A_549 = tpu.dynamic_gather %add3A_528[%gather3A_548] in [0] : vector<16xf32>, vector<16xi32> -> vector<16xf32>
        %add3A_550 = arith.addf %add3A_528, %gather3A_549 : vector<16xf32>
        %bitcast3A = vector.bitcast %add3A_539 : vector<16xf32> to vector<16xi32>
        %shift_right_arithmetic3A = arith.constant 1 : i32
        %shift_right_arithmetic3A_551 = vector.broadcast %shift_right_arithmetic3A : i32 to vector<16xi32>
        %shift_right_arithmetic3A_552 = arith.shrsi %bitcast3A, %shift_right_arithmetic3A_551 : vector<16xi32>
        %sub3A = arith.constant 1597463007 : i32
        %sub3A_553 = vector.broadcast %sub3A : i32 to vector<16xi32>
        %sub3A_554 = arith.subi %sub3A_553, %shift_right_arithmetic3A_552 : vector<16xi32>
        %bitcast3A_555 = vector.bitcast %sub3A_554 : vector<16xi32> to vector<16xf32>
        %mul3A_556 = arith.constant -5.000000e-01 : f32
        %mul3A_557 = vector.broadcast %mul3A_556 : f32 to vector<16xf32>
        %mul3A_558 = arith.mulf %mul3A_557, %add3A_539 : vector<16xf32>
        %mul3A_559 = arith.mulf %mul3A_558, %bitcast3A_555 : vector<16xf32>
        %mul3A_560 = arith.mulf %mul3A_559, %bitcast3A_555 : vector<16xf32>
        %add3A_561 = arith.constant 1.500000e+00 : f32
        %add3A_562 = vector.broadcast %add3A_561 : f32 to vector<16xf32>
        %add3A_563 = arith.addf %add3A_562, %mul3A_560 : vector<16xf32>
        %mul3A_564 = arith.mulf %bitcast3A_555, %add3A_563 : vector<16xf32>
        %mul3A_565 = arith.mulf %mul3A_558, %mul3A_564 : vector<16xf32>
        %mul3A_566 = arith.mulf %mul3A_565, %mul3A_564 : vector<16xf32>
        %add3A_567 = arith.constant 1.500000e+00 : f32
        %add3A_568 = vector.broadcast %add3A_567 : f32 to vector<16xf32>
        %add3A_569 = arith.addf %add3A_568, %mul3A_566 : vector<16xf32>
        %mul3A_570 = arith.mulf %mul3A_564, %add3A_569 : vector<16xf32>
        %mul3A_571 = arith.mulf %mul3A_558, %mul3A_570 : vector<16xf32>
        %mul3A_572 = arith.mulf %mul3A_571, %mul3A_570 : vector<16xf32>
        %add3A_573 = arith.constant 1.500000e+00 : f32
        %add3A_574 = vector.broadcast %add3A_573 : f32 to vector<16xf32>
        %add3A_575 = arith.addf %add3A_574, %mul3A_572 : vector<16xf32>
        %mul3A_576 = arith.mulf %mul3A_570, %add3A_575 : vector<16xf32>
        %min3A = arith.constant 9.99999995E+11 : f32
        %min3A_577 = vector.broadcast %min3A : f32 to vector<16xf32>
        %min3A_578 = arith.minimumf %mul3A_576, %min3A_577 : vector<16xf32>
        %bitcast3A_579 = vector.bitcast %add3A_550 : vector<16xf32> to vector<16xi32>
        %shift_right_arithmetic3A_580 = arith.constant 1 : i32
        %shift_right_arithmetic3A_581 = vector.broadcast %shift_right_arithmetic3A_580 : i32 to vector<16xi32>
        %shift_right_arithmetic3A_582 = arith.shrsi %bitcast3A_579, %shift_right_arithmetic3A_581 : vector<16xi32>
        %sub3A_583 = arith.constant 1597463007 : i32
        %sub3A_584 = vector.broadcast %sub3A_583 : i32 to vector<16xi32>
        %sub3A_585 = arith.subi %sub3A_584, %shift_right_arithmetic3A_582 : vector<16xi32>
        %bitcast3A_586 = vector.bitcast %sub3A_585 : vector<16xi32> to vector<16xf32>
        %mul3A_587 = arith.constant -5.000000e-01 : f32
        %mul3A_588 = vector.broadcast %mul3A_587 : f32 to vector<16xf32>
        %mul3A_589 = arith.mulf %mul3A_588, %add3A_550 : vector<16xf32>
        %mul3A_590 = arith.mulf %mul3A_589, %bitcast3A_586 : vector<16xf32>
        %mul3A_591 = arith.mulf %mul3A_590, %bitcast3A_586 : vector<16xf32>
        %add3A_592 = arith.constant 1.500000e+00 : f32
        %add3A_593 = vector.broadcast %add3A_592 : f32 to vector<16xf32>
        %add3A_594 = arith.addf %add3A_593, %mul3A_591 : vector<16xf32>
        %mul3A_595 = arith.mulf %bitcast3A_586, %add3A_594 : vector<16xf32>
        %mul3A_596 = arith.mulf %mul3A_589, %mul3A_595 : vector<16xf32>
        %mul3A_597 = arith.mulf %mul3A_596, %mul3A_595 : vector<16xf32>
        %add3A_598 = arith.constant 1.500000e+00 : f32
        %add3A_599 = vector.broadcast %add3A_598 : f32 to vector<16xf32>
        %add3A_600 = arith.addf %add3A_599, %mul3A_597 : vector<16xf32>
        %mul3A_601 = arith.mulf %mul3A_595, %add3A_600 : vector<16xf32>
        %mul3A_602 = arith.mulf %mul3A_589, %mul3A_601 : vector<16xf32>
        %mul3A_603 = arith.mulf %mul3A_602, %mul3A_601 : vector<16xf32>
        %add3A_604 = arith.constant 1.500000e+00 : f32
        %add3A_605 = vector.broadcast %add3A_604 : f32 to vector<16xf32>
        %add3A_606 = arith.addf %add3A_605, %mul3A_603 : vector<16xf32>
        %mul3A_607 = arith.mulf %mul3A_601, %add3A_606 : vector<16xf32>
        %min3A_608 = arith.constant 9.99999995E+11 : f32
        %min3A_609 = vector.broadcast %min3A_608 : f32 to vector<16xf32>
        %min3A_610 = arith.minimumf %mul3A_607, %min3A_609 : vector<16xf32>
        %lt3A_611 = arith.constant 0 : i32
        %lt3A_612 = vector.broadcast %lt3A_611 : i32 to vector<16xi32>
        %lt3A_613 = arith.cmpi slt, %mul3A_24, %lt3A_612 : vector<16xi32>
        %add3A_614 = arith.constant 16 : i32
        %add3A_615 = vector.broadcast %add3A_614 : i32 to vector<16xi32>
        %add3A_616 = arith.addi %mul3A_24, %add3A_615 : vector<16xi32>
        %select_n3A_617 = arith.select %lt3A_613, %add3A_616, %mul3A_24 : vector<16xi1>, vector<16xi32>
        %broadcast_in_dim3A_618 = vector.shape_cast %select_n3A_617 : vector<16xi32> to vector<16x1xi32>
        %gather3A_619 = vector.shape_cast %broadcast_in_dim3A_618 : vector<16x1xi32> to vector<16xi32>
        %gather3A_620 = tpu.dynamic_gather %min3A_578[%gather3A_619] in [0] : vector<16xf32>, vector<16xi32> -> vector<16xf32>
        %lt3A_621 = arith.constant 0 : i32
        %lt3A_622 = vector.broadcast %lt3A_621 : i32 to vector<16xi32>
        %lt3A_623 = arith.cmpi slt, %add3A_27, %lt3A_622 : vector<16xi32>
        %add3A_624 = arith.constant 16 : i32
        %add3A_625 = vector.broadcast %add3A_624 : i32 to vector<16xi32>
        %add3A_626 = arith.addi %add3A_27, %add3A_625 : vector<16xi32>
        %select_n3A_627 = arith.select %lt3A_623, %add3A_626, %add3A_27 : vector<16xi1>, vector<16xi32>
        %broadcast_in_dim3A_628 = vector.shape_cast %select_n3A_627 : vector<16xi32> to vector<16x1xi32>
        %gather3A_629 = vector.shape_cast %broadcast_in_dim3A_628 : vector<16x1xi32> to vector<16xi32>
        %gather3A_630 = tpu.dynamic_gather %min3A_578[%gather3A_629] in [0] : vector<16xf32>, vector<16xi32> -> vector<16xf32>
        %lt3A_631 = arith.constant 0 : i32
        %lt3A_632 = vector.broadcast %lt3A_631 : i32 to vector<16xi32>
        %lt3A_633 = arith.cmpi slt, %mul3A_24, %lt3A_632 : vector<16xi32>
        %add3A_634 = arith.constant 16 : i32
        %add3A_635 = vector.broadcast %add3A_634 : i32 to vector<16xi32>
        %add3A_636 = arith.addi %mul3A_24, %add3A_635 : vector<16xi32>
        %select_n3A_637 = arith.select %lt3A_633, %add3A_636, %mul3A_24 : vector<16xi1>, vector<16xi32>
        %broadcast_in_dim3A_638 = vector.shape_cast %select_n3A_637 : vector<16xi32> to vector<16x1xi32>
        %gather3A_639 = vector.shape_cast %broadcast_in_dim3A_638 : vector<16x1xi32> to vector<16xi32>
        %gather3A_640 = tpu.dynamic_gather %min3A_610[%gather3A_639] in [0] : vector<16xf32>, vector<16xi32> -> vector<16xf32>
        %lt3A_641 = arith.constant 0 : i32
        %lt3A_642 = vector.broadcast %lt3A_641 : i32 to vector<16xi32>
        %lt3A_643 = arith.cmpi slt, %add3A_27, %lt3A_642 : vector<16xi32>
        %add3A_644 = arith.constant 16 : i32
        %add3A_645 = vector.broadcast %add3A_644 : i32 to vector<16xi32>
        %add3A_646 = arith.addi %add3A_27, %add3A_645 : vector<16xi32>
        %select_n3A_647 = arith.select %lt3A_643, %add3A_646, %add3A_27 : vector<16xi1>, vector<16xi32>
        %broadcast_in_dim3A_648 = vector.shape_cast %select_n3A_647 : vector<16xi32> to vector<16x1xi32>
        %gather3A_649 = vector.shape_cast %broadcast_in_dim3A_648 : vector<16x1xi32> to vector<16xi32>
        %gather3A_650 = tpu.dynamic_gather %min3A_610[%gather3A_649] in [0] : vector<16xf32>, vector<16xi32> -> vector<16xf32>
        %mul3A_651 = arith.mulf %get3A_226, %gather3A_620 : vector<16xf32>
        %add3A_652 = arith.constant 0 : i32
        %add3A_653 = arith.addi %mul3A_222, %add3A_652 : i32
        %swap3A = arith.index_cast %add3A_653 : i32 to index
        %swap3A_654 = arith.constant 0 : index
        %swap3A_655 = tpu.vector_load %arg7[%swap3A, %swap3A_654] {strides = array<i32>} : memref<80x128xf32, #tpu.memory_space<vmem>>, vector<16xf32>,
        tpu.vector_store %arg7[%swap3A, %swap3A_654], %mul3A_651 {strides = array<i32>} : memref<80x128xf32, #tpu.memory_space<vmem>>, vector<16xf32>,
        %mul3A_656 = arith.mulf %get3A_231, %gather3A_620 : vector<16xf32>
        %add3A_657 = arith.constant 0 : i32
        %add3A_658 = arith.addi %mul3A_222, %add3A_657 : i32
        %swap3A_659 = arith.index_cast %add3A_658 : i32 to index
        %swap3A_660 = arith.constant 16 : index
        %swap3A_661 = tpu.vector_load %arg7[%swap3A_659, %swap3A_660] {strides = array<i32>} : memref<80x128xf32, #tpu.memory_space<vmem>>, vector<16xf32>,
        tpu.vector_store %arg7[%swap3A_659, %swap3A_660], %mul3A_656 {strides = array<i32>} : memref<80x128xf32, #tpu.memory_space<vmem>>, vector<16xf32>,
        %mul3A_662 = arith.mulf %get3A_236, %gather3A_620 : vector<16xf32>
        %add3A_663 = arith.constant 0 : i32
        %add3A_664 = arith.addi %mul3A_222, %add3A_663 : i32
        %swap3A_665 = arith.index_cast %add3A_664 : i32 to index
        %swap3A_666 = arith.constant 32 : index
        %swap3A_667 = tpu.vector_load %arg7[%swap3A_665, %swap3A_666] {strides = array<i32>} : memref<80x128xf32, #tpu.memory_space<vmem>>, vector<16xf32>,
        tpu.vector_store %arg7[%swap3A_665, %swap3A_666], %mul3A_662 {strides = array<i32>} : memref<80x128xf32, #tpu.memory_space<vmem>>, vector<16xf32>,
        %mul3A_668 = arith.mulf %get3A_241, %gather3A_620 : vector<16xf32>
        %add3A_669 = arith.constant 0 : i32
        %add3A_670 = arith.addi %mul3A_222, %add3A_669 : i32
        %swap3A_671 = arith.index_cast %add3A_670 : i32 to index
        %swap3A_672 = arith.constant 48 : index
        %swap3A_673 = tpu.vector_load %arg7[%swap3A_671, %swap3A_672] {strides = array<i32>} : memref<80x128xf32, #tpu.memory_space<vmem>>, vector<16xf32>,
        tpu.vector_store %arg7[%swap3A_671, %swap3A_672], %mul3A_668 {strides = array<i32>} : memref<80x128xf32, #tpu.memory_space<vmem>>, vector<16xf32>,
        %mul3A_674 = arith.mulf %get3A_246, %gather3A_620 : vector<16xf32>
        %add3A_675 = arith.constant 0 : i32
        %add3A_676 = arith.addi %mul3A_222, %add3A_675 : i32
        %swap3A_677 = arith.index_cast %add3A_676 : i32 to index
        %swap3A_678 = arith.constant 64 : index
        %swap3A_679 = tpu.vector_load %arg7[%swap3A_677, %swap3A_678] {strides = array<i32>} : memref<80x128xf32, #tpu.memory_space<vmem>>, vector<16xf32>,
        tpu.vector_store %arg7[%swap3A_677, %swap3A_678], %mul3A_674 {strides = array<i32>} : memref<80x128xf32, #tpu.memory_space<vmem>>, vector<16xf32>,
        %mul3A_680 = arith.mulf %get3A_251, %gather3A_620 : vector<16xf32>
        %add3A_681 = arith.constant 0 : i32
        %add3A_682 = arith.addi %mul3A_222, %add3A_681 : i32
        %swap3A_683 = arith.index_cast %add3A_682 : i32 to index
        %swap3A_684 = arith.constant 80 : index
        %swap3A_685 = tpu.vector_load %arg7[%swap3A_683, %swap3A_684] {strides = array<i32>} : memref<80x128xf32, #tpu.memory_space<vmem>>, vector<16xf32>,
        tpu.vector_store %arg7[%swap3A_683, %swap3A_684], %mul3A_680 {strides = array<i32>} : memref<80x128xf32, #tpu.memory_space<vmem>>, vector<16xf32>,
        %mul3A_686 = arith.mulf %get3A_256, %gather3A_620 : vector<16xf32>
        %add3A_687 = arith.constant 0 : i32
        %add3A_688 = arith.addi %mul3A_222, %add3A_687 : i32
        %swap3A_689 = arith.index_cast %add3A_688 : i32 to index
        %swap3A_690 = arith.constant 96 : index
        %swap3A_691 = tpu.vector_load %arg7[%swap3A_689, %swap3A_690] {strides = array<i32>} : memref<80x128xf32, #tpu.memory_space<vmem>>, vector<16xf32>,
        tpu.vector_store %arg7[%swap3A_689, %swap3A_690], %mul3A_686 {strides = array<i32>} : memref<80x128xf32, #tpu.memory_space<vmem>>, vector<16xf32>,
        %mul3A_692 = arith.mulf %get3A_261, %gather3A_620 : vector<16xf32>
        %add3A_693 = arith.constant 0 : i32
        %add3A_694 = arith.addi %mul3A_222, %add3A_693 : i32
        %swap3A_695 = arith.index_cast %add3A_694 : i32 to index
        %swap3A_696 = arith.constant 112 : index
        %swap3A_697 = tpu.vector_load %arg7[%swap3A_695, %swap3A_696] {strides = array<i32>} : memref<80x128xf32, #tpu.memory_space<vmem>>, vector<16xf32>,
        tpu.vector_store %arg7[%swap3A_695, %swap3A_696], %mul3A_692 {strides = array<i32>} : memref<80x128xf32, #tpu.memory_space<vmem>>, vector<16xf32>,
        %mul3A_698 = arith.mulf %get3A_281, %gather3A_630 : vector<16xf32>
        %add3A_699 = arith.constant 1 : i32
        %add3A_700 = arith.addi %mul3A_222, %add3A_699 : i32
        %swap3A_701 = arith.index_cast %add3A_700 : i32 to index
        %swap3A_702 = arith.constant 0 : index
        %swap3A_703 = tpu.vector_load %arg7[%swap3A_701, %swap3A_702] {strides = array<i32>} : memref<80x128xf32, #tpu.memory_space<vmem>>, vector<16xf32>,
        tpu.vector_store %arg7[%swap3A_701, %swap3A_702], %mul3A_698 {strides = array<i32>} : memref<80x128xf32, #tpu.memory_space<vmem>>, vector<16xf32>,
        %mul3A_704 = arith.mulf %get3A_286, %gather3A_630 : vector<16xf32>
        %add3A_705 = arith.constant 1 : i32
        %add3A_706 = arith.addi %mul3A_222, %add3A_705 : i32
        %swap3A_707 = arith.index_cast %add3A_706 : i32 to index
        %swap3A_708 = arith.constant 16 : index
        %swap3A_709 = tpu.vector_load %arg7[%swap3A_707, %swap3A_708] {strides = array<i32>} : memref<80x128xf32, #tpu.memory_space<vmem>>, vector<16xf32>,
        tpu.vector_store %arg7[%swap3A_707, %swap3A_708], %mul3A_704 {strides = array<i32>} : memref<80x128xf32, #tpu.memory_space<vmem>>, vector<16xf32>,
        %mul3A_710 = arith.mulf %get3A_291, %gather3A_630 : vector<16xf32>
        %add3A_711 = arith.constant 1 : i32
        %add3A_712 = arith.addi %mul3A_222, %add3A_711 : i32
        %swap3A_713 = arith.index_cast %add3A_712 : i32 to index
        %swap3A_714 = arith.constant 32 : index
        %swap3A_715 = tpu.vector_load %arg7[%swap3A_713, %swap3A_714] {strides = array<i32>} : memref<80x128xf32, #tpu.memory_space<vmem>>, vector<16xf32>,
        tpu.vector_store %arg7[%swap3A_713, %swap3A_714], %mul3A_710 {strides = array<i32>} : memref<80x128xf32, #tpu.memory_space<vmem>>, vector<16xf32>,
        %mul3A_716 = arith.mulf %get3A_296, %gather3A_630 : vector<16xf32>
        %add3A_717 = arith.constant 1 : i32
        %add3A_718 = arith.addi %mul3A_222, %add3A_717 : i32
        %swap3A_719 = arith.index_cast %add3A_718 : i32 to index
        %swap3A_720 = arith.constant 48 : index
        %swap3A_721 = tpu.vector_load %arg7[%swap3A_719, %swap3A_720] {strides = array<i32>} : memref<80x128xf32, #tpu.memory_space<vmem>>, vector<16xf32>,
        tpu.vector_store %arg7[%swap3A_719, %swap3A_720], %mul3A_716 {strides = array<i32>} : memref<80x128xf32, #tpu.memory_space<vmem>>, vector<16xf32>,
        %mul3A_722 = arith.mulf %get3A_301, %gather3A_630 : vector<16xf32>
        %add3A_723 = arith.constant 1 : i32
        %add3A_724 = arith.addi %mul3A_222, %add3A_723 : i32
        %swap3A_725 = arith.index_cast %add3A_724 : i32 to index
        %swap3A_726 = arith.constant 64 : index
        %swap3A_727 = tpu.vector_load %arg7[%swap3A_725, %swap3A_726] {strides = array<i32>} : memref<80x128xf32, #tpu.memory_space<vmem>>, vector<16xf32>,
        tpu.vector_store %arg7[%swap3A_725, %swap3A_726], %mul3A_722 {strides = array<i32>} : memref<80x128xf32, #tpu.memory_space<vmem>>, vector<16xf32>,
        %mul3A_728 = arith.mulf %get3A_306, %gather3A_630 : vector<16xf32>
        %add3A_729 = arith.constant 1 : i32
        %add3A_730 = arith.addi %mul3A_222, %add3A_729 : i32
        %swap3A_731 = arith.index_cast %add3A_730 : i32 to index
        %swap3A_732 = arith.constant 80 : index
        %swap3A_733 = tpu.vector_load %arg7[%swap3A_731, %swap3A_732] {strides = array<i32>} : memref<80x128xf32, #tpu.memory_space<vmem>>, vector<16xf32>,
        tpu.vector_store %arg7[%swap3A_731, %swap3A_732], %mul3A_728 {strides = array<i32>} : memref<80x128xf32, #tpu.memory_space<vmem>>, vector<16xf32>,
        %mul3A_734 = arith.mulf %get3A_311, %gather3A_630 : vector<16xf32>
        %add3A_735 = arith.constant 1 : i32
        %add3A_736 = arith.addi %mul3A_222, %add3A_735 : i32
        %swap3A_737 = arith.index_cast %add3A_736 : i32 to index
        %swap3A_738 = arith.constant 96 : index
        %swap3A_739 = tpu.vector_load %arg7[%swap3A_737, %swap3A_738] {strides = array<i32>} : memref<80x128xf32, #tpu.memory_space<vmem>>, vector<16xf32>,
        tpu.vector_store %arg7[%swap3A_737, %swap3A_738], %mul3A_734 {strides = array<i32>} : memref<80x128xf32, #tpu.memory_space<vmem>>, vector<16xf32>,
        %mul3A_740 = arith.mulf %get3A_316, %gather3A_630 : vector<16xf32>
        %add3A_741 = arith.constant 1 : i32
        %add3A_742 = arith.addi %mul3A_222, %add3A_741 : i32
        %swap3A_743 = arith.index_cast %add3A_742 : i32 to index
        %swap3A_744 = arith.constant 112 : index
        %swap3A_745 = tpu.vector_load %arg7[%swap3A_743, %swap3A_744] {strides = array<i32>} : memref<80x128xf32, #tpu.memory_space<vmem>>, vector<16xf32>,
        tpu.vector_store %arg7[%swap3A_743, %swap3A_744], %mul3A_740 {strides = array<i32>} : memref<80x128xf32, #tpu.memory_space<vmem>>, vector<16xf32>,
        %mul3A_746 = arith.mulf %get3A_336, %gather3A_640 : vector<16xf32>
        %add3A_747 = arith.constant 2 : i32
        %add3A_748 = arith.addi %mul3A_222, %add3A_747 : i32
        %swap3A_749 = arith.index_cast %add3A_748 : i32 to index
        %swap3A_750 = arith.constant 0 : index
        %swap3A_751 = tpu.vector_load %arg7[%swap3A_749, %swap3A_750] {strides = array<i32>} : memref<80x128xf32, #tpu.memory_space<vmem>>, vector<16xf32>,
        tpu.vector_store %arg7[%swap3A_749, %swap3A_750], %mul3A_746 {strides = array<i32>} : memref<80x128xf32, #tpu.memory_space<vmem>>, vector<16xf32>,
        %mul3A_752 = arith.mulf %get3A_341, %gather3A_640 : vector<16xf32>
        %add3A_753 = arith.constant 2 : i32
        %add3A_754 = arith.addi %mul3A_222, %add3A_753 : i32
        %swap3A_755 = arith.index_cast %add3A_754 : i32 to index
        %swap3A_756 = arith.constant 16 : index
        %swap3A_757 = tpu.vector_load %arg7[%swap3A_755, %swap3A_756] {strides = array<i32>} : memref<80x128xf32, #tpu.memory_space<vmem>>, vector<16xf32>,
        tpu.vector_store %arg7[%swap3A_755, %swap3A_756], %mul3A_752 {strides = array<i32>} : memref<80x128xf32, #tpu.memory_space<vmem>>, vector<16xf32>,
        %mul3A_758 = arith.mulf %get3A_346, %gather3A_640 : vector<16xf32>
        %add3A_759 = arith.constant 2 : i32
        %add3A_760 = arith.addi %mul3A_222, %add3A_759 : i32
        %swap3A_761 = arith.index_cast %add3A_760 : i32 to index
        %swap3A_762 = arith.constant 32 : index
        %swap3A_763 = tpu.vector_load %arg7[%swap3A_761, %swap3A_762] {strides = array<i32>} : memref<80x128xf32, #tpu.memory_space<vmem>>, vector<16xf32>,
        tpu.vector_store %arg7[%swap3A_761, %swap3A_762], %mul3A_758 {strides = array<i32>} : memref<80x128xf32, #tpu.memory_space<vmem>>, vector<16xf32>,
        %mul3A_764 = arith.mulf %get3A_351, %gather3A_640 : vector<16xf32>
        %add3A_765 = arith.constant 2 : i32
        %add3A_766 = arith.addi %mul3A_222, %add3A_765 : i32
        %swap3A_767 = arith.index_cast %add3A_766 : i32 to index
        %swap3A_768 = arith.constant 48 : index
        %swap3A_769 = tpu.vector_load %arg7[%swap3A_767, %swap3A_768] {strides = array<i32>} : memref<80x128xf32, #tpu.memory_space<vmem>>, vector<16xf32>,
        tpu.vector_store %arg7[%swap3A_767, %swap3A_768], %mul3A_764 {strides = array<i32>} : memref<80x128xf32, #tpu.memory_space<vmem>>, vector<16xf32>,
        %mul3A_770 = arith.mulf %get3A_356, %gather3A_640 : vector<16xf32>
        %add3A_771 = arith.constant 2 : i32
        %add3A_772 = arith.addi %mul3A_222, %add3A_771 : i32
        %swap3A_773 = arith.index_cast %add3A_772 : i32 to index
        %swap3A_774 = arith.constant 64 : index
        %swap3A_775 = tpu.vector_load %arg7[%swap3A_773, %swap3A_774] {strides = array<i32>} : memref<80x128xf32, #tpu.memory_space<vmem>>, vector<16xf32>,
        tpu.vector_store %arg7[%swap3A_773, %swap3A_774], %mul3A_770 {strides = array<i32>} : memref<80x128xf32, #tpu.memory_space<vmem>>, vector<16xf32>,
        %mul3A_776 = arith.mulf %get3A_361, %gather3A_640 : vector<16xf32>
        %add3A_777 = arith.constant 2 : i32
        %add3A_778 = arith.addi %mul3A_222, %add3A_777 : i32
        %swap3A_779 = arith.index_cast %add3A_778 : i32 to index
        %swap3A_780 = arith.constant 80 : index
        %swap3A_781 = tpu.vector_load %arg7[%swap3A_779, %swap3A_780] {strides = array<i32>} : memref<80x128xf32, #tpu.memory_space<vmem>>, vector<16xf32>,
        tpu.vector_store %arg7[%swap3A_779, %swap3A_780], %mul3A_776 {strides = array<i32>} : memref<80x128xf32, #tpu.memory_space<vmem>>, vector<16xf32>,
        %mul3A_782 = arith.mulf %get3A_366, %gather3A_640 : vector<16xf32>
        %add3A_783 = arith.constant 2 : i32
        %add3A_784 = arith.addi %mul3A_222, %add3A_783 : i32
        %swap3A_785 = arith.index_cast %add3A_784 : i32 to index
        %swap3A_786 = arith.constant 96 : index
        %swap3A_787 = tpu.vector_load %arg7[%swap3A_785, %swap3A_786] {strides = array<i32>} : memref<80x128xf32, #tpu.memory_space<vmem>>, vector<16xf32>,
        tpu.vector_store %arg7[%swap3A_785, %swap3A_786], %mul3A_782 {strides = array<i32>} : memref<80x128xf32, #tpu.memory_space<vmem>>, vector<16xf32>,
        %mul3A_788 = arith.mulf %get3A_371, %gather3A_640 : vector<16xf32>
        %add3A_789 = arith.constant 2 : i32
        %add3A_790 = arith.addi %mul3A_222, %add3A_789 : i32
        %swap3A_791 = arith.index_cast %add3A_790 : i32 to index
        %swap3A_792 = arith.constant 112 : index
        %swap3A_793 = tpu.vector_load %arg7[%swap3A_791, %swap3A_792] {strides = array<i32>} : memref<80x128xf32, #tpu.memory_space<vmem>>, vector<16xf32>,
        tpu.vector_store %arg7[%swap3A_791, %swap3A_792], %mul3A_788 {strides = array<i32>} : memref<80x128xf32, #tpu.memory_space<vmem>>, vector<16xf32>,
        %mul3A_794 = arith.mulf %get3A_391, %gather3A_650 : vector<16xf32>
        %add3A_795 = arith.constant 3 : i32
        %add3A_796 = arith.addi %mul3A_222, %add3A_795 : i32
        %swap3A_797 = arith.index_cast %add3A_796 : i32 to index
        %swap3A_798 = arith.constant 0 : index
        %swap3A_799 = tpu.vector_load %arg7[%swap3A_797, %swap3A_798] {strides = array<i32>} : memref<80x128xf32, #tpu.memory_space<vmem>>, vector<16xf32>,
        tpu.vector_store %arg7[%swap3A_797, %swap3A_798], %mul3A_794 {strides = array<i32>} : memref<80x128xf32, #tpu.memory_space<vmem>>, vector<16xf32>,
        %mul3A_800 = arith.mulf %get3A_396, %gather3A_650 : vector<16xf32>
        %add3A_801 = arith.constant 3 : i32
        %add3A_802 = arith.addi %mul3A_222, %add3A_801 : i32
        %swap3A_803 = arith.index_cast %add3A_802 : i32 to index
        %swap3A_804 = arith.constant 16 : index
        %swap3A_805 = tpu.vector_load %arg7[%swap3A_803, %swap3A_804] {strides = array<i32>} : memref<80x128xf32, #tpu.memory_space<vmem>>, vector<16xf32>,
        tpu.vector_store %arg7[%swap3A_803, %swap3A_804], %mul3A_800 {strides = array<i32>} : memref<80x128xf32, #tpu.memory_space<vmem>>, vector<16xf32>,
        %mul3A_806 = arith.mulf %get3A_401, %gather3A_650 : vector<16xf32>
        %add3A_807 = arith.constant 3 : i32
        %add3A_808 = arith.addi %mul3A_222, %add3A_807 : i32
        %swap3A_809 = arith.index_cast %add3A_808 : i32 to index
        %swap3A_810 = arith.constant 32 : index
        %swap3A_811 = tpu.vector_load %arg7[%swap3A_809, %swap3A_810] {strides = array<i32>} : memref<80x128xf32, #tpu.memory_space<vmem>>, vector<16xf32>,
        tpu.vector_store %arg7[%swap3A_809, %swap3A_810], %mul3A_806 {strides = array<i32>} : memref<80x128xf32, #tpu.memory_space<vmem>>, vector<16xf32>,
        %mul3A_812 = arith.mulf %get3A_406, %gather3A_650 : vector<16xf32>
        %add3A_813 = arith.constant 3 : i32
        %add3A_814 = arith.addi %mul3A_222, %add3A_813 : i32
        %swap3A_815 = arith.index_cast %add3A_814 : i32 to index
        %swap3A_816 = arith.constant 48 : index
        %swap3A_817 = tpu.vector_load %arg7[%swap3A_815, %swap3A_816] {strides = array<i32>} : memref<80x128xf32, #tpu.memory_space<vmem>>, vector<16xf32>,
        tpu.vector_store %arg7[%swap3A_815, %swap3A_816], %mul3A_812 {strides = array<i32>} : memref<80x128xf32, #tpu.memory_space<vmem>>, vector<16xf32>,
        %mul3A_818 = arith.mulf %get3A_411, %gather3A_650 : vector<16xf32>
        %add3A_819 = arith.constant 3 : i32
        %add3A_820 = arith.addi %mul3A_222, %add3A_819 : i32
        %swap3A_821 = arith.index_cast %add3A_820 : i32 to index
        %swap3A_822 = arith.constant 64 : index
        %swap3A_823 = tpu.vector_load %arg7[%swap3A_821, %swap3A_822] {strides = array<i32>} : memref<80x128xf32, #tpu.memory_space<vmem>>, vector<16xf32>,
        tpu.vector_store %arg7[%swap3A_821, %swap3A_822], %mul3A_818 {strides = array<i32>} : memref<80x128xf32, #tpu.memory_space<vmem>>, vector<16xf32>,
        %mul3A_824 = arith.mulf %get3A_416, %gather3A_650 : vector<16xf32>
        %add3A_825 = arith.constant 3 : i32
        %add3A_826 = arith.addi %mul3A_222, %add3A_825 : i32
        %swap3A_827 = arith.index_cast %add3A_826 : i32 to index
        %swap3A_828 = arith.constant 80 : index
        %swap3A_829 = tpu.vector_load %arg7[%swap3A_827, %swap3A_828] {strides = array<i32>} : memref<80x128xf32, #tpu.memory_space<vmem>>, vector<16xf32>,
        tpu.vector_store %arg7[%swap3A_827, %swap3A_828], %mul3A_824 {strides = array<i32>} : memref<80x128xf32, #tpu.memory_space<vmem>>, vector<16xf32>,
        %mul3A_830 = arith.mulf %get3A_421, %gather3A_650 : vector<16xf32>
        %add3A_831 = arith.constant 3 : i32
        %add3A_832 = arith.addi %mul3A_222, %add3A_831 : i32
        %swap3A_833 = arith.index_cast %add3A_832 : i32 to index
        %swap3A_834 = arith.constant 96 : index
        %swap3A_835 = tpu.vector_load %arg7[%swap3A_833, %swap3A_834] {strides = array<i32>} : memref<80x128xf32, #tpu.memory_space<vmem>>, vector<16xf32>,
        tpu.vector_store %arg7[%swap3A_833, %swap3A_834], %mul3A_830 {strides = array<i32>} : memref<80x128xf32, #tpu.memory_space<vmem>>, vector<16xf32>,
        %mul3A_836 = arith.mulf %get3A_426, %gather3A_650 : vector<16xf32>
        %add3A_837 = arith.constant 3 : i32
        %add3A_838 = arith.addi %mul3A_222, %add3A_837 : i32
        %swap3A_839 = arith.index_cast %add3A_838 : i32 to index
        %swap3A_840 = arith.constant 112 : index
        %swap3A_841 = tpu.vector_load %arg7[%swap3A_839, %swap3A_840] {strides = array<i32>} : memref<80x128xf32, #tpu.memory_space<vmem>>, vector<16xf32>,
        tpu.vector_store %arg7[%swap3A_839, %swap3A_840], %mul3A_836 {strides = array<i32>} : memref<80x128xf32, #tpu.memory_space<vmem>>, vector<16xf32>,
        %scan3A_842 = arith.constant 0 : i32
        scf.yield %scan3A_842 : i32
      }
      %scan3A_173 = arith.constant 20 : i32
      %dma_start3A_174 = arith.constant 0 : i32
      %dma_start3A_175 = arith.constant 0 : i32
      %dma_start3A_176 = tpu.memref_slice %arg14[%dma_start3A_174, %dma_start3A_175] : memref<1024x128xf32, #tpu.memory_space<vmem_shared>> -> memref<1024x128xf32, #tpu.memory_space<vmem_shared>>
      tpu.enqueue_indirect_dma source(%arg7 : memref<80x128xf32, #tpu.memory_space<vmem>>) target(%dma_start3A_176 : memref<1024x128xf32, #tpu.memory_space<vmem_shared>>) offsets(%arg11 : memref<80xi32, #tpu.memory_space<vmem>>) semaphore(%arg25 : memref<!tpu.dma_semaphore, #tpu.memory_space<semaphore_mem>>) {add = true}
      %dma_wait3A_177 = arith.constant 0 : i32
      %dma_wait3A_178 = arith.constant 0 : i32
      %dma_wait3A_179 = tpu.memref_slice %arg14[%dma_wait3A_177, %dma_wait3A_178] : memref<1024x128xf32, #tpu.memory_space<vmem_shared>> -> memref<1024x128xf32, #tpu.memory_space<vmem_shared>>
      tpu.wait_indirect_dma semaphore(%arg23 : memref<!tpu.dma_semaphore, #tpu.memory_space<semaphore_mem>>) src(%arg5 : memref<80x128xf32, #tpu.memory_space<vmem>>) dst(%dma_wait3A_179 : memref<1024x128xf32, #tpu.memory_space<vmem_shared>>)
      %add3A_180 = arith.constant 2 : i32
      %add3A_181 = arith.addi %add3A_158, %add3A_180 : i32
      %mul3A_182 = arith.constant 80 : i32
      %mul3A_183 = arith.muli %add3A_181, %mul3A_182 : i32
      %add3A_184 = arith.addi %mul3A_2, %mul3A_183 : i32
      %dma_start3A_185 = arith.constant 0 : i32
      %dma_start3A_186 = tpu.memref_slice %arg2[%add3A_184, %dma_start3A_185] : memref<320000x128xf32, #tpu.memory_space<hbm>> -> memref<80x128xf32, #tpu.memory_space<hbm>>
      %dma_start3A_187 = arith.constant 0 : i32
      %dma_start3A_188 = tpu.memref_slice %arg2[%add3A_184, %dma_start3A_187] : memref<320000x128xf32, #tpu.memory_space<hbm>> -> memref<80x128xf32, #tpu.memory_space<hbm>>
      tpu.enqueue_dma source(%dma_start3A_188 : memref<80x128xf32, #tpu.memory_space<hbm>>) target(%arg5 : memref<80x128xf32, #tpu.memory_space<vmem>>) target_semaphore(%arg15 : memref<!tpu.dma_semaphore, #tpu.memory_space<semaphore_mem>>)
      %dma_start3A_189 = tpu.memref_slice %arg3[%add3A_184] : memref<320000xi32, #tpu.memory_space<hbm>> -> memref<80xi32, #tpu.memory_space<hbm>>
      %dma_start3A_190 = tpu.memref_slice %arg3[%add3A_184] : memref<320000xi32, #tpu.memory_space<hbm>> -> memref<80xi32, #tpu.memory_space<hbm>>
      tpu.enqueue_dma source(%dma_start3A_190 : memref<80xi32, #tpu.memory_space<hbm>>) target(%arg9 : memref<80xi32, #tpu.memory_space<vmem>>) target_semaphore(%arg19 : memref<!tpu.dma_semaphore, #tpu.memory_space<semaphore_mem>>)
      %mul3A_191 = arith.constant 4 : i32
      %mul3A_192 = arith.muli %mul3A_191, %scan3A_102 : i32
      %add3A_193 = arith.constant 3 : i32
      %add3A_194 = arith.addi %mul3A_192, %add3A_193 : i32
      %add3A_195 = arith.constant 0 : i32
      %add3A_196 = arith.addi %mul3A_2, %add3A_195 : i32
      %dma_wait3A_197 = arith.constant 0 : i32
      %dma_wait3A_198 = tpu.memref_slice %arg2[%add3A_196, %dma_wait3A_197] : memref<320000x128xf32, #tpu.memory_space<hbm>> -> memref<80x128xf32, #tpu.memory_space<hbm>>
      %dma_wait3A_199 = arith.constant 0 : i32
      %dma_wait3A_200 = tpu.memref_slice %arg2[%add3A_196, %dma_wait3A_199] : memref<320000x128xf32, #tpu.memory_space<hbm>> -> memref<80x128xf32, #tpu.memory_space<hbm>>
      tpu.wait_dma2 semaphore(%arg18 : memref<!tpu.dma_semaphore, #tpu.memory_space<semaphore_mem>>) src(%dma_wait3A_200 : memref<80x128xf32, #tpu.memory_space<hbm>>) dst(%arg8 : memref<80x128xf32, #tpu.memory_space<vmem>>)
      %dma_wait3A_201 = tpu.memref_slice %arg3[%add3A_196] : memref<320000xi32, #tpu.memory_space<hbm>> -> memref<80xi32, #tpu.memory_space<hbm>>
      %dma_wait3A_202 = tpu.memref_slice %arg3[%add3A_196] : memref<320000xi32, #tpu.memory_space<hbm>> -> memref<80xi32, #tpu.memory_space<hbm>>
      tpu.wait_dma2 semaphore(%arg22 : memref<!tpu.dma_semaphore, #tpu.memory_space<semaphore_mem>>) src(%dma_wait3A_202 : memref<80xi32, #tpu.memory_space<hbm>>) dst(%arg12 : memref<80xi32, #tpu.memory_space<vmem>>)
      %scan3A_203 = arith.constant 0 : i32
      %scan3A_204 = arith.constant 0 : i32
      %scan3A_205 = arith.constant 20 : i32
      %scan3A_206 = arith.addi %scan3A_204, %scan3A_205 : i32
      %scan3A_207 = arith.constant 1 : i32
      %scan3A_208 = scf.for %scan3A_219 = %scan3A_204 to %scan3A_206 step %scan3A_207 iter_args(%scan3A_220 = %scan3A_203) -> (i32)  : i32 {
        %mul3A_221 = arith.constant 4 : i32
        %mul3A_222 = arith.muli %scan3A_219, %mul3A_221 : i32
        %add3A_223 = arith.constant 0 : i32
        %add3A_224 = arith.addi %mul3A_222, %add3A_223 : i32
        %get3A = arith.index_cast %add3A_224 : i32 to index
        %get3A_225 = arith.constant 0 : index
        %get3A_226 = tpu.vector_load %arg8[%get3A, %get3A_225] {strides = array<i32>} : memref<80x128xf32, #tpu.memory_space<vmem>>, vector<16xf32>,
        %add3A_227 = arith.constant 0 : i32
        %add3A_228 = arith.addi %mul3A_222, %add3A_227 : i32
        %get3A_229 = arith.index_cast %add3A_228 : i32 to index
        %get3A_230 = arith.constant 16 : index
        %get3A_231 = tpu.vector_load %arg8[%get3A_229, %get3A_230] {strides = array<i32>} : memref<80x128xf32, #tpu.memory_space<vmem>>, vector<16xf32>,
        %add3A_232 = arith.constant 0 : i32
        %add3A_233 = arith.addi %mul3A_222, %add3A_232 : i32
        %get3A_234 = arith.index_cast %add3A_233 : i32 to index
        %get3A_235 = arith.constant 32 : index
        %get3A_236 = tpu.vector_load %arg8[%get3A_234, %get3A_235] {strides = array<i32>} : memref<80x128xf32, #tpu.memory_space<vmem>>, vector<16xf32>,
        %add3A_237 = arith.constant 0 : i32
        %add3A_238 = arith.addi %mul3A_222, %add3A_237 : i32
        %get3A_239 = arith.index_cast %add3A_238 : i32 to index
        %get3A_240 = arith.constant 48 : index
        %get3A_241 = tpu.vector_load %arg8[%get3A_239, %get3A_240] {strides = array<i32>} : memref<80x128xf32, #tpu.memory_space<vmem>>, vector<16xf32>,
        %add3A_242 = arith.constant 0 : i32
        %add3A_243 = arith.addi %mul3A_222, %add3A_242 : i32
        %get3A_244 = arith.index_cast %add3A_243 : i32 to index
        %get3A_245 = arith.constant 64 : index
        %get3A_246 = tpu.vector_load %arg8[%get3A_244, %get3A_245] {strides = array<i32>} : memref<80x128xf32, #tpu.memory_space<vmem>>, vector<16xf32>,
        %add3A_247 = arith.constant 0 : i32
        %add3A_248 = arith.addi %mul3A_222, %add3A_247 : i32
        %get3A_249 = arith.index_cast %add3A_248 : i32 to index
        %get3A_250 = arith.constant 80 : index
        %get3A_251 = tpu.vector_load %arg8[%get3A_249, %get3A_250] {strides = array<i32>} : memref<80x128xf32, #tpu.memory_space<vmem>>, vector<16xf32>,
        %add3A_252 = arith.constant 0 : i32
        %add3A_253 = arith.addi %mul3A_222, %add3A_252 : i32
        %get3A_254 = arith.index_cast %add3A_253 : i32 to index
        %get3A_255 = arith.constant 96 : index
        %get3A_256 = tpu.vector_load %arg8[%get3A_254, %get3A_255] {strides = array<i32>} : memref<80x128xf32, #tpu.memory_space<vmem>>, vector<16xf32>,
        %add3A_257 = arith.constant 0 : i32
        %add3A_258 = arith.addi %mul3A_222, %add3A_257 : i32
        %get3A_259 = arith.index_cast %add3A_258 : i32 to index
        %get3A_260 = arith.constant 112 : index
        %get3A_261 = tpu.vector_load %arg8[%get3A_259, %get3A_260] {strides = array<i32>} : memref<80x128xf32, #tpu.memory_space<vmem>>, vector<16xf32>,
        %mul3A_262 = arith.mulf %get3A_226, %get3A_226 : vector<16xf32>
        %mul3A_263 = arith.mulf %get3A_231, %get3A_231 : vector<16xf32>
        %add3A_264 = arith.addf %mul3A_262, %mul3A_263 : vector<16xf32>
        %mul3A_265 = arith.mulf %get3A_236, %get3A_236 : vector<16xf32>
        %add3A_266 = arith.addf %add3A_264, %mul3A_265 : vector<16xf32>
        %mul3A_267 = arith.mulf %get3A_241, %get3A_241 : vector<16xf32>
        %add3A_268 = arith.addf %add3A_266, %mul3A_267 : vector<16xf32>
        %mul3A_269 = arith.mulf %get3A_246, %get3A_246 : vector<16xf32>
        %add3A_270 = arith.addf %add3A_268, %mul3A_269 : vector<16xf32>
        %mul3A_271 = arith.mulf %get3A_251, %get3A_251 : vector<16xf32>
        %add3A_272 = arith.addf %add3A_270, %mul3A_271 : vector<16xf32>
        %mul3A_273 = arith.mulf %get3A_256, %get3A_256 : vector<16xf32>
        %add3A_274 = arith.addf %add3A_272, %mul3A_273 : vector<16xf32>
        %mul3A_275 = arith.mulf %get3A_261, %get3A_261 : vector<16xf32>
        %add3A_276 = arith.addf %add3A_274, %mul3A_275 : vector<16xf32>
        %add3A_277 = arith.constant 1 : i32
        %add3A_278 = arith.addi %mul3A_222, %add3A_277 : i32
        %get3A_279 = arith.index_cast %add3A_278 : i32 to index
        %get3A_280 = arith.constant 0 : index
        %get3A_281 = tpu.vector_load %arg8[%get3A_279, %get3A_280] {strides = array<i32>} : memref<80x128xf32, #tpu.memory_space<vmem>>, vector<16xf32>,
        %add3A_282 = arith.constant 1 : i32
        %add3A_283 = arith.addi %mul3A_222, %add3A_282 : i32
        %get3A_284 = arith.index_cast %add3A_283 : i32 to index
        %get3A_285 = arith.constant 16 : index
        %get3A_286 = tpu.vector_load %arg8[%get3A_284, %get3A_285] {strides = array<i32>} : memref<80x128xf32, #tpu.memory_space<vmem>>, vector<16xf32>,
        %add3A_287 = arith.constant 1 : i32
        %add3A_288 = arith.addi %mul3A_222, %add3A_287 : i32
        %get3A_289 = arith.index_cast %add3A_288 : i32 to index
        %get3A_290 = arith.constant 32 : index
        %get3A_291 = tpu.vector_load %arg8[%get3A_289, %get3A_290] {strides = array<i32>} : memref<80x128xf32, #tpu.memory_space<vmem>>, vector<16xf32>,
        %add3A_292 = arith.constant 1 : i32
        %add3A_293 = arith.addi %mul3A_222, %add3A_292 : i32
        %get3A_294 = arith.index_cast %add3A_293 : i32 to index
        %get3A_295 = arith.constant 48 : index
        %get3A_296 = tpu.vector_load %arg8[%get3A_294, %get3A_295] {strides = array<i32>} : memref<80x128xf32, #tpu.memory_space<vmem>>, vector<16xf32>,
        %add3A_297 = arith.constant 1 : i32
        %add3A_298 = arith.addi %mul3A_222, %add3A_297 : i32
        %get3A_299 = arith.index_cast %add3A_298 : i32 to index
        %get3A_300 = arith.constant 64 : index
        %get3A_301 = tpu.vector_load %arg8[%get3A_299, %get3A_300] {strides = array<i32>} : memref<80x128xf32, #tpu.memory_space<vmem>>, vector<16xf32>,
        %add3A_302 = arith.constant 1 : i32
        %add3A_303 = arith.addi %mul3A_222, %add3A_302 : i32
        %get3A_304 = arith.index_cast %add3A_303 : i32 to index
        %get3A_305 = arith.constant 80 : index
        %get3A_306 = tpu.vector_load %arg8[%get3A_304, %get3A_305] {strides = array<i32>} : memref<80x128xf32, #tpu.memory_space<vmem>>, vector<16xf32>,
        %add3A_307 = arith.constant 1 : i32
        %add3A_308 = arith.addi %mul3A_222, %add3A_307 : i32
        %get3A_309 = arith.index_cast %add3A_308 : i32 to index
        %get3A_310 = arith.constant 96 : index
        %get3A_311 = tpu.vector_load %arg8[%get3A_309, %get3A_310] {strides = array<i32>} : memref<80x128xf32, #tpu.memory_space<vmem>>, vector<16xf32>,
        %add3A_312 = arith.constant 1 : i32
        %add3A_313 = arith.addi %mul3A_222, %add3A_312 : i32
        %get3A_314 = arith.index_cast %add3A_313 : i32 to index
        %get3A_315 = arith.constant 112 : index
        %get3A_316 = tpu.vector_load %arg8[%get3A_314, %get3A_315] {strides = array<i32>} : memref<80x128xf32, #tpu.memory_space<vmem>>, vector<16xf32>,
        %mul3A_317 = arith.mulf %get3A_281, %get3A_281 : vector<16xf32>
        %mul3A_318 = arith.mulf %get3A_286, %get3A_286 : vector<16xf32>
        %add3A_319 = arith.addf %mul3A_317, %mul3A_318 : vector<16xf32>
        %mul3A_320 = arith.mulf %get3A_291, %get3A_291 : vector<16xf32>
        %add3A_321 = arith.addf %add3A_319, %mul3A_320 : vector<16xf32>
        %mul3A_322 = arith.mulf %get3A_296, %get3A_296 : vector<16xf32>
        %add3A_323 = arith.addf %add3A_321, %mul3A_322 : vector<16xf32>
        %mul3A_324 = arith.mulf %get3A_301, %get3A_301 : vector<16xf32>
        %add3A_325 = arith.addf %add3A_323, %mul3A_324 : vector<16xf32>
        %mul3A_326 = arith.mulf %get3A_306, %get3A_306 : vector<16xf32>
        %add3A_327 = arith.addf %add3A_325, %mul3A_326 : vector<16xf32>
        %mul3A_328 = arith.mulf %get3A_311, %get3A_311 : vector<16xf32>
        %add3A_329 = arith.addf %add3A_327, %mul3A_328 : vector<16xf32>
        %mul3A_330 = arith.mulf %get3A_316, %get3A_316 : vector<16xf32>
        %add3A_331 = arith.addf %add3A_329, %mul3A_330 : vector<16xf32>
        %add3A_332 = arith.constant 2 : i32
        %add3A_333 = arith.addi %mul3A_222, %add3A_332 : i32
        %get3A_334 = arith.index_cast %add3A_333 : i32 to index
        %get3A_335 = arith.constant 0 : index
        %get3A_336 = tpu.vector_load %arg8[%get3A_334, %get3A_335] {strides = array<i32>} : memref<80x128xf32, #tpu.memory_space<vmem>>, vector<16xf32>,
        %add3A_337 = arith.constant 2 : i32
        %add3A_338 = arith.addi %mul3A_222, %add3A_337 : i32
        %get3A_339 = arith.index_cast %add3A_338 : i32 to index
        %get3A_340 = arith.constant 16 : index
        %get3A_341 = tpu.vector_load %arg8[%get3A_339, %get3A_340] {strides = array<i32>} : memref<80x128xf32, #tpu.memory_space<vmem>>, vector<16xf32>,
        %add3A_342 = arith.constant 2 : i32
        %add3A_343 = arith.addi %mul3A_222, %add3A_342 : i32
        %get3A_344 = arith.index_cast %add3A_343 : i32 to index
        %get3A_345 = arith.constant 32 : index
        %get3A_346 = tpu.vector_load %arg8[%get3A_344, %get3A_345] {strides = array<i32>} : memref<80x128xf32, #tpu.memory_space<vmem>>, vector<16xf32>,
        %add3A_347 = arith.constant 2 : i32
        %add3A_348 = arith.addi %mul3A_222, %add3A_347 : i32
        %get3A_349 = arith.index_cast %add3A_348 : i32 to index
        %get3A_350 = arith.constant 48 : index
        %get3A_351 = tpu.vector_load %arg8[%get3A_349, %get3A_350] {strides = array<i32>} : memref<80x128xf32, #tpu.memory_space<vmem>>, vector<16xf32>,
        %add3A_352 = arith.constant 2 : i32
        %add3A_353 = arith.addi %mul3A_222, %add3A_352 : i32
        %get3A_354 = arith.index_cast %add3A_353 : i32 to index
        %get3A_355 = arith.constant 64 : index
        %get3A_356 = tpu.vector_load %arg8[%get3A_354, %get3A_355] {strides = array<i32>} : memref<80x128xf32, #tpu.memory_space<vmem>>, vector<16xf32>,
        %add3A_357 = arith.constant 2 : i32
        %add3A_358 = arith.addi %mul3A_222, %add3A_357 : i32
        %get3A_359 = arith.index_cast %add3A_358 : i32 to index
        %get3A_360 = arith.constant 80 : index
        %get3A_361 = tpu.vector_load %arg8[%get3A_359, %get3A_360] {strides = array<i32>} : memref<80x128xf32, #tpu.memory_space<vmem>>, vector<16xf32>,
        %add3A_362 = arith.constant 2 : i32
        %add3A_363 = arith.addi %mul3A_222, %add3A_362 : i32
        %get3A_364 = arith.index_cast %add3A_363 : i32 to index
        %get3A_365 = arith.constant 96 : index
        %get3A_366 = tpu.vector_load %arg8[%get3A_364, %get3A_365] {strides = array<i32>} : memref<80x128xf32, #tpu.memory_space<vmem>>, vector<16xf32>,
        %add3A_367 = arith.constant 2 : i32
        %add3A_368 = arith.addi %mul3A_222, %add3A_367 : i32
        %get3A_369 = arith.index_cast %add3A_368 : i32 to index
        %get3A_370 = arith.constant 112 : index
        %get3A_371 = tpu.vector_load %arg8[%get3A_369, %get3A_370] {strides = array<i32>} : memref<80x128xf32, #tpu.memory_space<vmem>>, vector<16xf32>,
        %mul3A_372 = arith.mulf %get3A_336, %get3A_336 : vector<16xf32>
        %mul3A_373 = arith.mulf %get3A_341, %get3A_341 : vector<16xf32>
        %add3A_374 = arith.addf %mul3A_372, %mul3A_373 : vector<16xf32>
        %mul3A_375 = arith.mulf %get3A_346, %get3A_346 : vector<16xf32>
        %add3A_376 = arith.addf %add3A_374, %mul3A_375 : vector<16xf32>
        %mul3A_377 = arith.mulf %get3A_351, %get3A_351 : vector<16xf32>
        %add3A_378 = arith.addf %add3A_376, %mul3A_377 : vector<16xf32>
        %mul3A_379 = arith.mulf %get3A_356, %get3A_356 : vector<16xf32>
        %add3A_380 = arith.addf %add3A_378, %mul3A_379 : vector<16xf32>
        %mul3A_381 = arith.mulf %get3A_361, %get3A_361 : vector<16xf32>
        %add3A_382 = arith.addf %add3A_380, %mul3A_381 : vector<16xf32>
        %mul3A_383 = arith.mulf %get3A_366, %get3A_366 : vector<16xf32>
        %add3A_384 = arith.addf %add3A_382, %mul3A_383 : vector<16xf32>
        %mul3A_385 = arith.mulf %get3A_371, %get3A_371 : vector<16xf32>
        %add3A_386 = arith.addf %add3A_384, %mul3A_385 : vector<16xf32>
        %add3A_387 = arith.constant 3 : i32
        %add3A_388 = arith.addi %mul3A_222, %add3A_387 : i32
        %get3A_389 = arith.index_cast %add3A_388 : i32 to index
        %get3A_390 = arith.constant 0 : index
        %get3A_391 = tpu.vector_load %arg8[%get3A_389, %get3A_390] {strides = array<i32>} : memref<80x128xf32, #tpu.memory_space<vmem>>, vector<16xf32>,
        %add3A_392 = arith.constant 3 : i32
        %add3A_393 = arith.addi %mul3A_222, %add3A_392 : i32
        %get3A_394 = arith.index_cast %add3A_393 : i32 to index
        %get3A_395 = arith.constant 16 : index
        %get3A_396 = tpu.vector_load %arg8[%get3A_394, %get3A_395] {strides = array<i32>} : memref<80x128xf32, #tpu.memory_space<vmem>>, vector<16xf32>,
        %add3A_397 = arith.constant 3 : i32
        %add3A_398 = arith.addi %mul3A_222, %add3A_397 : i32
        %get3A_399 = arith.index_cast %add3A_398 : i32 to index
        %get3A_400 = arith.constant 32 : index
        %get3A_401 = tpu.vector_load %arg8[%get3A_399, %get3A_400] {strides = array<i32>} : memref<80x128xf32, #tpu.memory_space<vmem>>, vector<16xf32>,
        %add3A_402 = arith.constant 3 : i32
        %add3A_403 = arith.addi %mul3A_222, %add3A_402 : i32
        %get3A_404 = arith.index_cast %add3A_403 : i32 to index
        %get3A_405 = arith.constant 48 : index
        %get3A_406 = tpu.vector_load %arg8[%get3A_404, %get3A_405] {strides = array<i32>} : memref<80x128xf32, #tpu.memory_space<vmem>>, vector<16xf32>,
        %add3A_407 = arith.constant 3 : i32
        %add3A_408 = arith.addi %mul3A_222, %add3A_407 : i32
        %get3A_409 = arith.index_cast %add3A_408 : i32 to index
        %get3A_410 = arith.constant 64 : index
        %get3A_411 = tpu.vector_load %arg8[%get3A_409, %get3A_410] {strides = array<i32>} : memref<80x128xf32, #tpu.memory_space<vmem>>, vector<16xf32>,
        %add3A_412 = arith.constant 3 : i32
        %add3A_413 = arith.addi %mul3A_222, %add3A_412 : i32
        %get3A_414 = arith.index_cast %add3A_413 : i32 to index
        %get3A_415 = arith.constant 80 : index
        %get3A_416 = tpu.vector_load %arg8[%get3A_414, %get3A_415] {strides = array<i32>} : memref<80x128xf32, #tpu.memory_space<vmem>>, vector<16xf32>,
        %add3A_417 = arith.constant 3 : i32
        %add3A_418 = arith.addi %mul3A_222, %add3A_417 : i32
        %get3A_419 = arith.index_cast %add3A_418 : i32 to index
        %get3A_420 = arith.constant 96 : index
        %get3A_421 = tpu.vector_load %arg8[%get3A_419, %get3A_420] {strides = array<i32>} : memref<80x128xf32, #tpu.memory_space<vmem>>, vector<16xf32>,
        %add3A_422 = arith.constant 3 : i32
        %add3A_423 = arith.addi %mul3A_222, %add3A_422 : i32
        %get3A_424 = arith.index_cast %add3A_423 : i32 to index
        %get3A_425 = arith.constant 112 : index
        %get3A_426 = tpu.vector_load %arg8[%get3A_424, %get3A_425] {strides = array<i32>} : memref<80x128xf32, #tpu.memory_space<vmem>>, vector<16xf32>,
        %mul3A_427 = arith.mulf %get3A_391, %get3A_391 : vector<16xf32>
        %mul3A_428 = arith.mulf %get3A_396, %get3A_396 : vector<16xf32>
        %add3A_429 = arith.addf %mul3A_427, %mul3A_428 : vector<16xf32>
        %mul3A_430 = arith.mulf %get3A_401, %get3A_401 : vector<16xf32>
        %add3A_431 = arith.addf %add3A_429, %mul3A_430 : vector<16xf32>
        %mul3A_432 = arith.mulf %get3A_406, %get3A_406 : vector<16xf32>
        %add3A_433 = arith.addf %add3A_431, %mul3A_432 : vector<16xf32>
        %mul3A_434 = arith.mulf %get3A_411, %get3A_411 : vector<16xf32>
        %add3A_435 = arith.addf %add3A_433, %mul3A_434 : vector<16xf32>
        %mul3A_436 = arith.mulf %get3A_416, %get3A_416 : vector<16xf32>
        %add3A_437 = arith.addf %add3A_435, %mul3A_436 : vector<16xf32>
        %mul3A_438 = arith.mulf %get3A_421, %get3A_421 : vector<16xf32>
        %add3A_439 = arith.addf %add3A_437, %mul3A_438 : vector<16xf32>
        %mul3A_440 = arith.mulf %get3A_426, %get3A_426 : vector<16xf32>
        %add3A_441 = arith.addf %add3A_439, %mul3A_440 : vector<16xf32>
        %lt3A_442 = arith.constant 0 : i32
        %lt3A_443 = vector.broadcast %lt3A_442 : i32 to vector<16xi32>
        %lt3A_444 = arith.cmpi slt, %xor3A_12, %lt3A_443 : vector<16xi32>
        %add3A_445 = arith.constant 16 : i32
        %add3A_446 = vector.broadcast %add3A_445 : i32 to vector<16xi32>
        %add3A_447 = arith.addi %xor3A_12, %add3A_446 : vector<16xi32>
        %select_n3A = arith.select %lt3A_444, %add3A_447, %xor3A_12 : vector<16xi1>, vector<16xi32>
        %broadcast_in_dim3A = vector.shape_cast %select_n3A : vector<16xi32> to vector<16x1xi32>
        %gather3A = vector.shape_cast %broadcast_in_dim3A : vector<16x1xi32> to vector<16xi32>
        %gather3A_448 = tpu.dynamic_gather %add3A_276[%gather3A] in [0] : vector<16xf32>, vector<16xi32> -> vector<16xf32>
        %add3A_449 = arith.addf %add3A_276, %gather3A_448 : vector<16xf32>
        %lt3A_450 = arith.constant 0 : i32
        %lt3A_451 = vector.broadcast %lt3A_450 : i32 to vector<16xi32>
        %lt3A_452 = arith.cmpi slt, %xor3A_12, %lt3A_451 : vector<16xi32>
        %add3A_453 = arith.constant 16 : i32
        %add3A_454 = vector.broadcast %add3A_453 : i32 to vector<16xi32>
        %add3A_455 = arith.addi %xor3A_12, %add3A_454 : vector<16xi32>
        %select_n3A_456 = arith.select %lt3A_452, %add3A_455, %xor3A_12 : vector<16xi1>, vector<16xi32>
        %broadcast_in_dim3A_457 = vector.shape_cast %select_n3A_456 : vector<16xi32> to vector<16x1xi32>
        %gather3A_458 = vector.shape_cast %broadcast_in_dim3A_457 : vector<16x1xi32> to vector<16xi32>
        %gather3A_459 = tpu.dynamic_gather %add3A_331[%gather3A_458] in [0] : vector<16xf32>, vector<16xi32> -> vector<16xf32>
        %add3A_460 = arith.addf %add3A_331, %gather3A_459 : vector<16xf32>
        %lt3A_461 = arith.constant 0 : i32
        %lt3A_462 = vector.broadcast %lt3A_461 : i32 to vector<16xi32>
        %lt3A_463 = arith.cmpi slt, %xor3A_12, %lt3A_462 : vector<16xi32>
        %add3A_464 = arith.constant 16 : i32
        %add3A_465 = vector.broadcast %add3A_464 : i32 to vector<16xi32>
        %add3A_466 = arith.addi %xor3A_12, %add3A_465 : vector<16xi32>
        %select_n3A_467 = arith.select %lt3A_463, %add3A_466, %xor3A_12 : vector<16xi1>, vector<16xi32>
        %broadcast_in_dim3A_468 = vector.shape_cast %select_n3A_467 : vector<16xi32> to vector<16x1xi32>
        %gather3A_469 = vector.shape_cast %broadcast_in_dim3A_468 : vector<16x1xi32> to vector<16xi32>
        %gather3A_470 = tpu.dynamic_gather %add3A_386[%gather3A_469] in [0] : vector<16xf32>, vector<16xi32> -> vector<16xf32>
        %add3A_471 = arith.addf %add3A_386, %gather3A_470 : vector<16xf32>
        %lt3A_472 = arith.constant 0 : i32
        %lt3A_473 = vector.broadcast %lt3A_472 : i32 to vector<16xi32>
        %lt3A_474 = arith.cmpi slt, %xor3A_12, %lt3A_473 : vector<16xi32>
        %add3A_475 = arith.constant 16 : i32
        %add3A_476 = vector.broadcast %add3A_475 : i32 to vector<16xi32>
        %add3A_477 = arith.addi %xor3A_12, %add3A_476 : vector<16xi32>
        %select_n3A_478 = arith.select %lt3A_474, %add3A_477, %xor3A_12 : vector<16xi1>, vector<16xi32>
        %broadcast_in_dim3A_479 = vector.shape_cast %select_n3A_478 : vector<16xi32> to vector<16x1xi32>
        %gather3A_480 = vector.shape_cast %broadcast_in_dim3A_479 : vector<16x1xi32> to vector<16xi32>
        %gather3A_481 = tpu.dynamic_gather %add3A_441[%gather3A_480] in [0] : vector<16xf32>, vector<16xi32> -> vector<16xf32>
        %add3A_482 = arith.addf %add3A_441, %gather3A_481 : vector<16xf32>
        %select_n3A_483 = arith.select %lt3A_29, %add3A_449, %add3A_460 : vector<16xi1>, vector<16xf32>
        %select_n3A_484 = arith.select %lt3A_29, %add3A_471, %add3A_482 : vector<16xi1>, vector<16xf32>
        %lt3A_485 = arith.constant 0 : i32
        %lt3A_486 = vector.broadcast %lt3A_485 : i32 to vector<16xi32>
        %lt3A_487 = arith.cmpi slt, %xor3A_15, %lt3A_486 : vector<16xi32>
        %add3A_488 = arith.constant 16 : i32
        %add3A_489 = vector.broadcast %add3A_488 : i32 to vector<16xi32>
        %add3A_490 = arith.addi %xor3A_15, %add3A_489 : vector<16xi32>
        %select_n3A_491 = arith.select %lt3A_487, %add3A_490, %xor3A_15 : vector<16xi1>, vector<16xi32>
        %broadcast_in_dim3A_492 = vector.shape_cast %select_n3A_491 : vector<16xi32> to vector<16x1xi32>
        %gather3A_493 = vector.shape_cast %broadcast_in_dim3A_492 : vector<16x1xi32> to vector<16xi32>
        %gather3A_494 = tpu.dynamic_gather %select_n3A_483[%gather3A_493] in [0] : vector<16xf32>, vector<16xi32> -> vector<16xf32>
        %add3A_495 = arith.addf %select_n3A_483, %gather3A_494 : vector<16xf32>
        %lt3A_496 = arith.constant 0 : i32
        %lt3A_497 = vector.broadcast %lt3A_496 : i32 to vector<16xi32>
        %lt3A_498 = arith.cmpi slt, %xor3A_15, %lt3A_497 : vector<16xi32>
        %add3A_499 = arith.constant 16 : i32
        %add3A_500 = vector.broadcast %add3A_499 : i32 to vector<16xi32>
        %add3A_501 = arith.addi %xor3A_15, %add3A_500 : vector<16xi32>
        %select_n3A_502 = arith.select %lt3A_498, %add3A_501, %xor3A_15 : vector<16xi1>, vector<16xi32>
        %broadcast_in_dim3A_503 = vector.shape_cast %select_n3A_502 : vector<16xi32> to vector<16x1xi32>
        %gather3A_504 = vector.shape_cast %broadcast_in_dim3A_503 : vector<16x1xi32> to vector<16xi32>
        %gather3A_505 = tpu.dynamic_gather %select_n3A_484[%gather3A_504] in [0] : vector<16xf32>, vector<16xi32> -> vector<16xf32>
        %add3A_506 = arith.addf %select_n3A_484, %gather3A_505 : vector<16xf32>
        %lt3A_507 = arith.constant 0 : i32
        %lt3A_508 = vector.broadcast %lt3A_507 : i32 to vector<16xi32>
        %lt3A_509 = arith.cmpi slt, %xor3A_18, %lt3A_508 : vector<16xi32>
        %add3A_510 = arith.constant 16 : i32
        %add3A_511 = vector.broadcast %add3A_510 : i32 to vector<16xi32>
        %add3A_512 = arith.addi %xor3A_18, %add3A_511 : vector<16xi32>
        %select_n3A_513 = arith.select %lt3A_509, %add3A_512, %xor3A_18 : vector<16xi1>, vector<16xi32>
        %broadcast_in_dim3A_514 = vector.shape_cast %select_n3A_513 : vector<16xi32> to vector<16x1xi32>
        %gather3A_515 = vector.shape_cast %broadcast_in_dim3A_514 : vector<16x1xi32> to vector<16xi32>
        %gather3A_516 = tpu.dynamic_gather %add3A_495[%gather3A_515] in [0] : vector<16xf32>, vector<16xi32> -> vector<16xf32>
        %add3A_517 = arith.addf %add3A_495, %gather3A_516 : vector<16xf32>
        %lt3A_518 = arith.constant 0 : i32
        %lt3A_519 = vector.broadcast %lt3A_518 : i32 to vector<16xi32>
        %lt3A_520 = arith.cmpi slt, %xor3A_18, %lt3A_519 : vector<16xi32>
        %add3A_521 = arith.constant 16 : i32
        %add3A_522 = vector.broadcast %add3A_521 : i32 to vector<16xi32>
        %add3A_523 = arith.addi %xor3A_18, %add3A_522 : vector<16xi32>
        %select_n3A_524 = arith.select %lt3A_520, %add3A_523, %xor3A_18 : vector<16xi1>, vector<16xi32>
        %broadcast_in_dim3A_525 = vector.shape_cast %select_n3A_524 : vector<16xi32> to vector<16x1xi32>
        %gather3A_526 = vector.shape_cast %broadcast_in_dim3A_525 : vector<16x1xi32> to vector<16xi32>
        %gather3A_527 = tpu.dynamic_gather %add3A_506[%gather3A_526] in [0] : vector<16xf32>, vector<16xi32> -> vector<16xf32>
        %add3A_528 = arith.addf %add3A_506, %gather3A_527 : vector<16xf32>
        %lt3A_529 = arith.constant 0 : i32
        %lt3A_530 = vector.broadcast %lt3A_529 : i32 to vector<16xi32>
        %lt3A_531 = arith.cmpi slt, %xor3A_21, %lt3A_530 : vector<16xi32>
        %add3A_532 = arith.constant 16 : i32
        %add3A_533 = vector.broadcast %add3A_532 : i32 to vector<16xi32>
        %add3A_534 = arith.addi %xor3A_21, %add3A_533 : vector<16xi32>
        %select_n3A_535 = arith.select %lt3A_531, %add3A_534, %xor3A_21 : vector<16xi1>, vector<16xi32>
        %broadcast_in_dim3A_536 = vector.shape_cast %select_n3A_535 : vector<16xi32> to vector<16x1xi32>
        %gather3A_537 = vector.shape_cast %broadcast_in_dim3A_536 : vector<16x1xi32> to vector<16xi32>
        %gather3A_538 = tpu.dynamic_gather %add3A_517[%gather3A_537] in [0] : vector<16xf32>, vector<16xi32> -> vector<16xf32>
        %add3A_539 = arith.addf %add3A_517, %gather3A_538 : vector<16xf32>
        %lt3A_540 = arith.constant 0 : i32
        %lt3A_541 = vector.broadcast %lt3A_540 : i32 to vector<16xi32>
        %lt3A_542 = arith.cmpi slt, %xor3A_21, %lt3A_541 : vector<16xi32>
        %add3A_543 = arith.constant 16 : i32
        %add3A_544 = vector.broadcast %add3A_543 : i32 to vector<16xi32>
        %add3A_545 = arith.addi %xor3A_21, %add3A_544 : vector<16xi32>
        %select_n3A_546 = arith.select %lt3A_542, %add3A_545, %xor3A_21 : vector<16xi1>, vector<16xi32>
        %broadcast_in_dim3A_547 = vector.shape_cast %select_n3A_546 : vector<16xi32> to vector<16x1xi32>
        %gather3A_548 = vector.shape_cast %broadcast_in_dim3A_547 : vector<16x1xi32> to vector<16xi32>
        %gather3A_549 = tpu.dynamic_gather %add3A_528[%gather3A_548] in [0] : vector<16xf32>, vector<16xi32> -> vector<16xf32>
        %add3A_550 = arith.addf %add3A_528, %gather3A_549 : vector<16xf32>
        %bitcast3A = vector.bitcast %add3A_539 : vector<16xf32> to vector<16xi32>
        %shift_right_arithmetic3A = arith.constant 1 : i32
        %shift_right_arithmetic3A_551 = vector.broadcast %shift_right_arithmetic3A : i32 to vector<16xi32>
        %shift_right_arithmetic3A_552 = arith.shrsi %bitcast3A, %shift_right_arithmetic3A_551 : vector<16xi32>
        %sub3A = arith.constant 1597463007 : i32
        %sub3A_553 = vector.broadcast %sub3A : i32 to vector<16xi32>
        %sub3A_554 = arith.subi %sub3A_553, %shift_right_arithmetic3A_552 : vector<16xi32>
        %bitcast3A_555 = vector.bitcast %sub3A_554 : vector<16xi32> to vector<16xf32>
        %mul3A_556 = arith.constant -5.000000e-01 : f32
        %mul3A_557 = vector.broadcast %mul3A_556 : f32 to vector<16xf32>
        %mul3A_558 = arith.mulf %mul3A_557, %add3A_539 : vector<16xf32>
        %mul3A_559 = arith.mulf %mul3A_558, %bitcast3A_555 : vector<16xf32>
        %mul3A_560 = arith.mulf %mul3A_559, %bitcast3A_555 : vector<16xf32>
        %add3A_561 = arith.constant 1.500000e+00 : f32
        %add3A_562 = vector.broadcast %add3A_561 : f32 to vector<16xf32>
        %add3A_563 = arith.addf %add3A_562, %mul3A_560 : vector<16xf32>
        %mul3A_564 = arith.mulf %bitcast3A_555, %add3A_563 : vector<16xf32>
        %mul3A_565 = arith.mulf %mul3A_558, %mul3A_564 : vector<16xf32>
        %mul3A_566 = arith.mulf %mul3A_565, %mul3A_564 : vector<16xf32>
        %add3A_567 = arith.constant 1.500000e+00 : f32
        %add3A_568 = vector.broadcast %add3A_567 : f32 to vector<16xf32>
        %add3A_569 = arith.addf %add3A_568, %mul3A_566 : vector<16xf32>
        %mul3A_570 = arith.mulf %mul3A_564, %add3A_569 : vector<16xf32>
        %mul3A_571 = arith.mulf %mul3A_558, %mul3A_570 : vector<16xf32>
        %mul3A_572 = arith.mulf %mul3A_571, %mul3A_570 : vector<16xf32>
        %add3A_573 = arith.constant 1.500000e+00 : f32
        %add3A_574 = vector.broadcast %add3A_573 : f32 to vector<16xf32>
        %add3A_575 = arith.addf %add3A_574, %mul3A_572 : vector<16xf32>
        %mul3A_576 = arith.mulf %mul3A_570, %add3A_575 : vector<16xf32>
        %min3A = arith.constant 9.99999995E+11 : f32
        %min3A_577 = vector.broadcast %min3A : f32 to vector<16xf32>
        %min3A_578 = arith.minimumf %mul3A_576, %min3A_577 : vector<16xf32>
        %bitcast3A_579 = vector.bitcast %add3A_550 : vector<16xf32> to vector<16xi32>
        %shift_right_arithmetic3A_580 = arith.constant 1 : i32
        %shift_right_arithmetic3A_581 = vector.broadcast %shift_right_arithmetic3A_580 : i32 to vector<16xi32>
        %shift_right_arithmetic3A_582 = arith.shrsi %bitcast3A_579, %shift_right_arithmetic3A_581 : vector<16xi32>
        %sub3A_583 = arith.constant 1597463007 : i32
        %sub3A_584 = vector.broadcast %sub3A_583 : i32 to vector<16xi32>
        %sub3A_585 = arith.subi %sub3A_584, %shift_right_arithmetic3A_582 : vector<16xi32>
        %bitcast3A_586 = vector.bitcast %sub3A_585 : vector<16xi32> to vector<16xf32>
        %mul3A_587 = arith.constant -5.000000e-01 : f32
        %mul3A_588 = vector.broadcast %mul3A_587 : f32 to vector<16xf32>
        %mul3A_589 = arith.mulf %mul3A_588, %add3A_550 : vector<16xf32>
        %mul3A_590 = arith.mulf %mul3A_589, %bitcast3A_586 : vector<16xf32>
        %mul3A_591 = arith.mulf %mul3A_590, %bitcast3A_586 : vector<16xf32>
        %add3A_592 = arith.constant 1.500000e+00 : f32
        %add3A_593 = vector.broadcast %add3A_592 : f32 to vector<16xf32>
        %add3A_594 = arith.addf %add3A_593, %mul3A_591 : vector<16xf32>
        %mul3A_595 = arith.mulf %bitcast3A_586, %add3A_594 : vector<16xf32>
        %mul3A_596 = arith.mulf %mul3A_589, %mul3A_595 : vector<16xf32>
        %mul3A_597 = arith.mulf %mul3A_596, %mul3A_595 : vector<16xf32>
        %add3A_598 = arith.constant 1.500000e+00 : f32
        %add3A_599 = vector.broadcast %add3A_598 : f32 to vector<16xf32>
        %add3A_600 = arith.addf %add3A_599, %mul3A_597 : vector<16xf32>
        %mul3A_601 = arith.mulf %mul3A_595, %add3A_600 : vector<16xf32>
        %mul3A_602 = arith.mulf %mul3A_589, %mul3A_601 : vector<16xf32>
        %mul3A_603 = arith.mulf %mul3A_602, %mul3A_601 : vector<16xf32>
        %add3A_604 = arith.constant 1.500000e+00 : f32
        %add3A_605 = vector.broadcast %add3A_604 : f32 to vector<16xf32>
        %add3A_606 = arith.addf %add3A_605, %mul3A_603 : vector<16xf32>
        %mul3A_607 = arith.mulf %mul3A_601, %add3A_606 : vector<16xf32>
        %min3A_608 = arith.constant 9.99999995E+11 : f32
        %min3A_609 = vector.broadcast %min3A_608 : f32 to vector<16xf32>
        %min3A_610 = arith.minimumf %mul3A_607, %min3A_609 : vector<16xf32>
        %lt3A_611 = arith.constant 0 : i32
        %lt3A_612 = vector.broadcast %lt3A_611 : i32 to vector<16xi32>
        %lt3A_613 = arith.cmpi slt, %mul3A_24, %lt3A_612 : vector<16xi32>
        %add3A_614 = arith.constant 16 : i32
        %add3A_615 = vector.broadcast %add3A_614 : i32 to vector<16xi32>
        %add3A_616 = arith.addi %mul3A_24, %add3A_615 : vector<16xi32>
        %select_n3A_617 = arith.select %lt3A_613, %add3A_616, %mul3A_24 : vector<16xi1>, vector<16xi32>
        %broadcast_in_dim3A_618 = vector.shape_cast %select_n3A_617 : vector<16xi32> to vector<16x1xi32>
        %gather3A_619 = vector.shape_cast %broadcast_in_dim3A_618 : vector<16x1xi32> to vector<16xi32>
        %gather3A_620 = tpu.dynamic_gather %min3A_578[%gather3A_619] in [0] : vector<16xf32>, vector<16xi32> -> vector<16xf32>
        %lt3A_621 = arith.constant 0 : i32
        %lt3A_622 = vector.broadcast %lt3A_621 : i32 to vector<16xi32>
        %lt3A_623 = arith.cmpi slt, %add3A_27, %lt3A_622 : vector<16xi32>
        %add3A_624 = arith.constant 16 : i32
        %add3A_625 = vector.broadcast %add3A_624 : i32 to vector<16xi32>
        %add3A_626 = arith.addi %add3A_27, %add3A_625 : vector<16xi32>
        %select_n3A_627 = arith.select %lt3A_623, %add3A_626, %add3A_27 : vector<16xi1>, vector<16xi32>
        %broadcast_in_dim3A_628 = vector.shape_cast %select_n3A_627 : vector<16xi32> to vector<16x1xi32>
        %gather3A_629 = vector.shape_cast %broadcast_in_dim3A_628 : vector<16x1xi32> to vector<16xi32>
        %gather3A_630 = tpu.dynamic_gather %min3A_578[%gather3A_629] in [0] : vector<16xf32>, vector<16xi32> -> vector<16xf32>
        %lt3A_631 = arith.constant 0 : i32
        %lt3A_632 = vector.broadcast %lt3A_631 : i32 to vector<16xi32>
        %lt3A_633 = arith.cmpi slt, %mul3A_24, %lt3A_632 : vector<16xi32>
        %add3A_634 = arith.constant 16 : i32
        %add3A_635 = vector.broadcast %add3A_634 : i32 to vector<16xi32>
        %add3A_636 = arith.addi %mul3A_24, %add3A_635 : vector<16xi32>
        %select_n3A_637 = arith.select %lt3A_633, %add3A_636, %mul3A_24 : vector<16xi1>, vector<16xi32>
        %broadcast_in_dim3A_638 = vector.shape_cast %select_n3A_637 : vector<16xi32> to vector<16x1xi32>
        %gather3A_639 = vector.shape_cast %broadcast_in_dim3A_638 : vector<16x1xi32> to vector<16xi32>
        %gather3A_640 = tpu.dynamic_gather %min3A_610[%gather3A_639] in [0] : vector<16xf32>, vector<16xi32> -> vector<16xf32>
        %lt3A_641 = arith.constant 0 : i32
        %lt3A_642 = vector.broadcast %lt3A_641 : i32 to vector<16xi32>
        %lt3A_643 = arith.cmpi slt, %add3A_27, %lt3A_642 : vector<16xi32>
        %add3A_644 = arith.constant 16 : i32
        %add3A_645 = vector.broadcast %add3A_644 : i32 to vector<16xi32>
        %add3A_646 = arith.addi %add3A_27, %add3A_645 : vector<16xi32>
        %select_n3A_647 = arith.select %lt3A_643, %add3A_646, %add3A_27 : vector<16xi1>, vector<16xi32>
        %broadcast_in_dim3A_648 = vector.shape_cast %select_n3A_647 : vector<16xi32> to vector<16x1xi32>
        %gather3A_649 = vector.shape_cast %broadcast_in_dim3A_648 : vector<16x1xi32> to vector<16xi32>
        %gather3A_650 = tpu.dynamic_gather %min3A_610[%gather3A_649] in [0] : vector<16xf32>, vector<16xi32> -> vector<16xf32>
        %mul3A_651 = arith.mulf %get3A_226, %gather3A_620 : vector<16xf32>
        %add3A_652 = arith.constant 0 : i32
        %add3A_653 = arith.addi %mul3A_222, %add3A_652 : i32
        %swap3A = arith.index_cast %add3A_653 : i32 to index
        %swap3A_654 = arith.constant 0 : index
        %swap3A_655 = tpu.vector_load %arg8[%swap3A, %swap3A_654] {strides = array<i32>} : memref<80x128xf32, #tpu.memory_space<vmem>>, vector<16xf32>,
        tpu.vector_store %arg8[%swap3A, %swap3A_654], %mul3A_651 {strides = array<i32>} : memref<80x128xf32, #tpu.memory_space<vmem>>, vector<16xf32>,
        %mul3A_656 = arith.mulf %get3A_231, %gather3A_620 : vector<16xf32>
        %add3A_657 = arith.constant 0 : i32
        %add3A_658 = arith.addi %mul3A_222, %add3A_657 : i32
        %swap3A_659 = arith.index_cast %add3A_658 : i32 to index
        %swap3A_660 = arith.constant 16 : index
        %swap3A_661 = tpu.vector_load %arg8[%swap3A_659, %swap3A_660] {strides = array<i32>} : memref<80x128xf32, #tpu.memory_space<vmem>>, vector<16xf32>,
        tpu.vector_store %arg8[%swap3A_659, %swap3A_660], %mul3A_656 {strides = array<i32>} : memref<80x128xf32, #tpu.memory_space<vmem>>, vector<16xf32>,
        %mul3A_662 = arith.mulf %get3A_236, %gather3A_620 : vector<16xf32>
        %add3A_663 = arith.constant 0 : i32
        %add3A_664 = arith.addi %mul3A_222, %add3A_663 : i32
        %swap3A_665 = arith.index_cast %add3A_664 : i32 to index
        %swap3A_666 = arith.constant 32 : index
        %swap3A_667 = tpu.vector_load %arg8[%swap3A_665, %swap3A_666] {strides = array<i32>} : memref<80x128xf32, #tpu.memory_space<vmem>>, vector<16xf32>,
        tpu.vector_store %arg8[%swap3A_665, %swap3A_666], %mul3A_662 {strides = array<i32>} : memref<80x128xf32, #tpu.memory_space<vmem>>, vector<16xf32>,
        %mul3A_668 = arith.mulf %get3A_241, %gather3A_620 : vector<16xf32>
        %add3A_669 = arith.constant 0 : i32
        %add3A_670 = arith.addi %mul3A_222, %add3A_669 : i32
        %swap3A_671 = arith.index_cast %add3A_670 : i32 to index
        %swap3A_672 = arith.constant 48 : index
        %swap3A_673 = tpu.vector_load %arg8[%swap3A_671, %swap3A_672] {strides = array<i32>} : memref<80x128xf32, #tpu.memory_space<vmem>>, vector<16xf32>,
        tpu.vector_store %arg8[%swap3A_671, %swap3A_672], %mul3A_668 {strides = array<i32>} : memref<80x128xf32, #tpu.memory_space<vmem>>, vector<16xf32>,
        %mul3A_674 = arith.mulf %get3A_246, %gather3A_620 : vector<16xf32>
        %add3A_675 = arith.constant 0 : i32
        %add3A_676 = arith.addi %mul3A_222, %add3A_675 : i32
        %swap3A_677 = arith.index_cast %add3A_676 : i32 to index
        %swap3A_678 = arith.constant 64 : index
        %swap3A_679 = tpu.vector_load %arg8[%swap3A_677, %swap3A_678] {strides = array<i32>} : memref<80x128xf32, #tpu.memory_space<vmem>>, vector<16xf32>,
        tpu.vector_store %arg8[%swap3A_677, %swap3A_678], %mul3A_674 {strides = array<i32>} : memref<80x128xf32, #tpu.memory_space<vmem>>, vector<16xf32>,
        %mul3A_680 = arith.mulf %get3A_251, %gather3A_620 : vector<16xf32>
        %add3A_681 = arith.constant 0 : i32
        %add3A_682 = arith.addi %mul3A_222, %add3A_681 : i32
        %swap3A_683 = arith.index_cast %add3A_682 : i32 to index
        %swap3A_684 = arith.constant 80 : index
        %swap3A_685 = tpu.vector_load %arg8[%swap3A_683, %swap3A_684] {strides = array<i32>} : memref<80x128xf32, #tpu.memory_space<vmem>>, vector<16xf32>,
        tpu.vector_store %arg8[%swap3A_683, %swap3A_684], %mul3A_680 {strides = array<i32>} : memref<80x128xf32, #tpu.memory_space<vmem>>, vector<16xf32>,
        %mul3A_686 = arith.mulf %get3A_256, %gather3A_620 : vector<16xf32>
        %add3A_687 = arith.constant 0 : i32
        %add3A_688 = arith.addi %mul3A_222, %add3A_687 : i32
        %swap3A_689 = arith.index_cast %add3A_688 : i32 to index
        %swap3A_690 = arith.constant 96 : index
        %swap3A_691 = tpu.vector_load %arg8[%swap3A_689, %swap3A_690] {strides = array<i32>} : memref<80x128xf32, #tpu.memory_space<vmem>>, vector<16xf32>,
        tpu.vector_store %arg8[%swap3A_689, %swap3A_690], %mul3A_686 {strides = array<i32>} : memref<80x128xf32, #tpu.memory_space<vmem>>, vector<16xf32>,
        %mul3A_692 = arith.mulf %get3A_261, %gather3A_620 : vector<16xf32>
        %add3A_693 = arith.constant 0 : i32
        %add3A_694 = arith.addi %mul3A_222, %add3A_693 : i32
        %swap3A_695 = arith.index_cast %add3A_694 : i32 to index
        %swap3A_696 = arith.constant 112 : index
        %swap3A_697 = tpu.vector_load %arg8[%swap3A_695, %swap3A_696] {strides = array<i32>} : memref<80x128xf32, #tpu.memory_space<vmem>>, vector<16xf32>,
        tpu.vector_store %arg8[%swap3A_695, %swap3A_696], %mul3A_692 {strides = array<i32>} : memref<80x128xf32, #tpu.memory_space<vmem>>, vector<16xf32>,
        %mul3A_698 = arith.mulf %get3A_281, %gather3A_630 : vector<16xf32>
        %add3A_699 = arith.constant 1 : i32
        %add3A_700 = arith.addi %mul3A_222, %add3A_699 : i32
        %swap3A_701 = arith.index_cast %add3A_700 : i32 to index
        %swap3A_702 = arith.constant 0 : index
        %swap3A_703 = tpu.vector_load %arg8[%swap3A_701, %swap3A_702] {strides = array<i32>} : memref<80x128xf32, #tpu.memory_space<vmem>>, vector<16xf32>,
        tpu.vector_store %arg8[%swap3A_701, %swap3A_702], %mul3A_698 {strides = array<i32>} : memref<80x128xf32, #tpu.memory_space<vmem>>, vector<16xf32>,
        %mul3A_704 = arith.mulf %get3A_286, %gather3A_630 : vector<16xf32>
        %add3A_705 = arith.constant 1 : i32
        %add3A_706 = arith.addi %mul3A_222, %add3A_705 : i32
        %swap3A_707 = arith.index_cast %add3A_706 : i32 to index
        %swap3A_708 = arith.constant 16 : index
        %swap3A_709 = tpu.vector_load %arg8[%swap3A_707, %swap3A_708] {strides = array<i32>} : memref<80x128xf32, #tpu.memory_space<vmem>>, vector<16xf32>,
        tpu.vector_store %arg8[%swap3A_707, %swap3A_708], %mul3A_704 {strides = array<i32>} : memref<80x128xf32, #tpu.memory_space<vmem>>, vector<16xf32>,
        %mul3A_710 = arith.mulf %get3A_291, %gather3A_630 : vector<16xf32>
        %add3A_711 = arith.constant 1 : i32
        %add3A_712 = arith.addi %mul3A_222, %add3A_711 : i32
        %swap3A_713 = arith.index_cast %add3A_712 : i32 to index
        %swap3A_714 = arith.constant 32 : index
        %swap3A_715 = tpu.vector_load %arg8[%swap3A_713, %swap3A_714] {strides = array<i32>} : memref<80x128xf32, #tpu.memory_space<vmem>>, vector<16xf32>,
        tpu.vector_store %arg8[%swap3A_713, %swap3A_714], %mul3A_710 {strides = array<i32>} : memref<80x128xf32, #tpu.memory_space<vmem>>, vector<16xf32>,
        %mul3A_716 = arith.mulf %get3A_296, %gather3A_630 : vector<16xf32>
        %add3A_717 = arith.constant 1 : i32
        %add3A_718 = arith.addi %mul3A_222, %add3A_717 : i32
        %swap3A_719 = arith.index_cast %add3A_718 : i32 to index
        %swap3A_720 = arith.constant 48 : index
        %swap3A_721 = tpu.vector_load %arg8[%swap3A_719, %swap3A_720] {strides = array<i32>} : memref<80x128xf32, #tpu.memory_space<vmem>>, vector<16xf32>,
        tpu.vector_store %arg8[%swap3A_719, %swap3A_720], %mul3A_716 {strides = array<i32>} : memref<80x128xf32, #tpu.memory_space<vmem>>, vector<16xf32>,
        %mul3A_722 = arith.mulf %get3A_301, %gather3A_630 : vector<16xf32>
        %add3A_723 = arith.constant 1 : i32
        %add3A_724 = arith.addi %mul3A_222, %add3A_723 : i32
        %swap3A_725 = arith.index_cast %add3A_724 : i32 to index
        %swap3A_726 = arith.constant 64 : index
        %swap3A_727 = tpu.vector_load %arg8[%swap3A_725, %swap3A_726] {strides = array<i32>} : memref<80x128xf32, #tpu.memory_space<vmem>>, vector<16xf32>,
        tpu.vector_store %arg8[%swap3A_725, %swap3A_726], %mul3A_722 {strides = array<i32>} : memref<80x128xf32, #tpu.memory_space<vmem>>, vector<16xf32>,
        %mul3A_728 = arith.mulf %get3A_306, %gather3A_630 : vector<16xf32>
        %add3A_729 = arith.constant 1 : i32
        %add3A_730 = arith.addi %mul3A_222, %add3A_729 : i32
        %swap3A_731 = arith.index_cast %add3A_730 : i32 to index
        %swap3A_732 = arith.constant 80 : index
        %swap3A_733 = tpu.vector_load %arg8[%swap3A_731, %swap3A_732] {strides = array<i32>} : memref<80x128xf32, #tpu.memory_space<vmem>>, vector<16xf32>,
        tpu.vector_store %arg8[%swap3A_731, %swap3A_732], %mul3A_728 {strides = array<i32>} : memref<80x128xf32, #tpu.memory_space<vmem>>, vector<16xf32>,
        %mul3A_734 = arith.mulf %get3A_311, %gather3A_630 : vector<16xf32>
        %add3A_735 = arith.constant 1 : i32
        %add3A_736 = arith.addi %mul3A_222, %add3A_735 : i32
        %swap3A_737 = arith.index_cast %add3A_736 : i32 to index
        %swap3A_738 = arith.constant 96 : index
        %swap3A_739 = tpu.vector_load %arg8[%swap3A_737, %swap3A_738] {strides = array<i32>} : memref<80x128xf32, #tpu.memory_space<vmem>>, vector<16xf32>,
        tpu.vector_store %arg8[%swap3A_737, %swap3A_738], %mul3A_734 {strides = array<i32>} : memref<80x128xf32, #tpu.memory_space<vmem>>, vector<16xf32>,
        %mul3A_740 = arith.mulf %get3A_316, %gather3A_630 : vector<16xf32>
        %add3A_741 = arith.constant 1 : i32
        %add3A_742 = arith.addi %mul3A_222, %add3A_741 : i32
        %swap3A_743 = arith.index_cast %add3A_742 : i32 to index
        %swap3A_744 = arith.constant 112 : index
        %swap3A_745 = tpu.vector_load %arg8[%swap3A_743, %swap3A_744] {strides = array<i32>} : memref<80x128xf32, #tpu.memory_space<vmem>>, vector<16xf32>,
        tpu.vector_store %arg8[%swap3A_743, %swap3A_744], %mul3A_740 {strides = array<i32>} : memref<80x128xf32, #tpu.memory_space<vmem>>, vector<16xf32>,
        %mul3A_746 = arith.mulf %get3A_336, %gather3A_640 : vector<16xf32>
        %add3A_747 = arith.constant 2 : i32
        %add3A_748 = arith.addi %mul3A_222, %add3A_747 : i32
        %swap3A_749 = arith.index_cast %add3A_748 : i32 to index
        %swap3A_750 = arith.constant 0 : index
        %swap3A_751 = tpu.vector_load %arg8[%swap3A_749, %swap3A_750] {strides = array<i32>} : memref<80x128xf32, #tpu.memory_space<vmem>>, vector<16xf32>,
        tpu.vector_store %arg8[%swap3A_749, %swap3A_750], %mul3A_746 {strides = array<i32>} : memref<80x128xf32, #tpu.memory_space<vmem>>, vector<16xf32>,
        %mul3A_752 = arith.mulf %get3A_341, %gather3A_640 : vector<16xf32>
        %add3A_753 = arith.constant 2 : i32
        %add3A_754 = arith.addi %mul3A_222, %add3A_753 : i32
        %swap3A_755 = arith.index_cast %add3A_754 : i32 to index
        %swap3A_756 = arith.constant 16 : index
        %swap3A_757 = tpu.vector_load %arg8[%swap3A_755, %swap3A_756] {strides = array<i32>} : memref<80x128xf32, #tpu.memory_space<vmem>>, vector<16xf32>,
        tpu.vector_store %arg8[%swap3A_755, %swap3A_756], %mul3A_752 {strides = array<i32>} : memref<80x128xf32, #tpu.memory_space<vmem>>, vector<16xf32>,
        %mul3A_758 = arith.mulf %get3A_346, %gather3A_640 : vector<16xf32>
        %add3A_759 = arith.constant 2 : i32
        %add3A_760 = arith.addi %mul3A_222, %add3A_759 : i32
        %swap3A_761 = arith.index_cast %add3A_760 : i32 to index
        %swap3A_762 = arith.constant 32 : index
        %swap3A_763 = tpu.vector_load %arg8[%swap3A_761, %swap3A_762] {strides = array<i32>} : memref<80x128xf32, #tpu.memory_space<vmem>>, vector<16xf32>,
        tpu.vector_store %arg8[%swap3A_761, %swap3A_762], %mul3A_758 {strides = array<i32>} : memref<80x128xf32, #tpu.memory_space<vmem>>, vector<16xf32>,
        %mul3A_764 = arith.mulf %get3A_351, %gather3A_640 : vector<16xf32>
        %add3A_765 = arith.constant 2 : i32
        %add3A_766 = arith.addi %mul3A_222, %add3A_765 : i32
        %swap3A_767 = arith.index_cast %add3A_766 : i32 to index
        %swap3A_768 = arith.constant 48 : index
        %swap3A_769 = tpu.vector_load %arg8[%swap3A_767, %swap3A_768] {strides = array<i32>} : memref<80x128xf32, #tpu.memory_space<vmem>>, vector<16xf32>,
        tpu.vector_store %arg8[%swap3A_767, %swap3A_768], %mul3A_764 {strides = array<i32>} : memref<80x128xf32, #tpu.memory_space<vmem>>, vector<16xf32>,
        %mul3A_770 = arith.mulf %get3A_356, %gather3A_640 : vector<16xf32>
        %add3A_771 = arith.constant 2 : i32
        %add3A_772 = arith.addi %mul3A_222, %add3A_771 : i32
        %swap3A_773 = arith.index_cast %add3A_772 : i32 to index
        %swap3A_774 = arith.constant 64 : index
        %swap3A_775 = tpu.vector_load %arg8[%swap3A_773, %swap3A_774] {strides = array<i32>} : memref<80x128xf32, #tpu.memory_space<vmem>>, vector<16xf32>,
        tpu.vector_store %arg8[%swap3A_773, %swap3A_774], %mul3A_770 {strides = array<i32>} : memref<80x128xf32, #tpu.memory_space<vmem>>, vector<16xf32>,
        %mul3A_776 = arith.mulf %get3A_361, %gather3A_640 : vector<16xf32>
        %add3A_777 = arith.constant 2 : i32
        %add3A_778 = arith.addi %mul3A_222, %add3A_777 : i32
        %swap3A_779 = arith.index_cast %add3A_778 : i32 to index
        %swap3A_780 = arith.constant 80 : index
        %swap3A_781 = tpu.vector_load %arg8[%swap3A_779, %swap3A_780] {strides = array<i32>} : memref<80x128xf32, #tpu.memory_space<vmem>>, vector<16xf32>,
        tpu.vector_store %arg8[%swap3A_779, %swap3A_780], %mul3A_776 {strides = array<i32>} : memref<80x128xf32, #tpu.memory_space<vmem>>, vector<16xf32>,
        %mul3A_782 = arith.mulf %get3A_366, %gather3A_640 : vector<16xf32>
        %add3A_783 = arith.constant 2 : i32
        %add3A_784 = arith.addi %mul3A_222, %add3A_783 : i32
        %swap3A_785 = arith.index_cast %add3A_784 : i32 to index
        %swap3A_786 = arith.constant 96 : index
        %swap3A_787 = tpu.vector_load %arg8[%swap3A_785, %swap3A_786] {strides = array<i32>} : memref<80x128xf32, #tpu.memory_space<vmem>>, vector<16xf32>,
        tpu.vector_store %arg8[%swap3A_785, %swap3A_786], %mul3A_782 {strides = array<i32>} : memref<80x128xf32, #tpu.memory_space<vmem>>, vector<16xf32>,
        %mul3A_788 = arith.mulf %get3A_371, %gather3A_640 : vector<16xf32>
        %add3A_789 = arith.constant 2 : i32
        %add3A_790 = arith.addi %mul3A_222, %add3A_789 : i32
        %swap3A_791 = arith.index_cast %add3A_790 : i32 to index
        %swap3A_792 = arith.constant 112 : index
        %swap3A_793 = tpu.vector_load %arg8[%swap3A_791, %swap3A_792] {strides = array<i32>} : memref<80x128xf32, #tpu.memory_space<vmem>>, vector<16xf32>,
        tpu.vector_store %arg8[%swap3A_791, %swap3A_792], %mul3A_788 {strides = array<i32>} : memref<80x128xf32, #tpu.memory_space<vmem>>, vector<16xf32>,
        %mul3A_794 = arith.mulf %get3A_391, %gather3A_650 : vector<16xf32>
        %add3A_795 = arith.constant 3 : i32
        %add3A_796 = arith.addi %mul3A_222, %add3A_795 : i32
        %swap3A_797 = arith.index_cast %add3A_796 : i32 to index
        %swap3A_798 = arith.constant 0 : index
        %swap3A_799 = tpu.vector_load %arg8[%swap3A_797, %swap3A_798] {strides = array<i32>} : memref<80x128xf32, #tpu.memory_space<vmem>>, vector<16xf32>,
        tpu.vector_store %arg8[%swap3A_797, %swap3A_798], %mul3A_794 {strides = array<i32>} : memref<80x128xf32, #tpu.memory_space<vmem>>, vector<16xf32>,
        %mul3A_800 = arith.mulf %get3A_396, %gather3A_650 : vector<16xf32>
        %add3A_801 = arith.constant 3 : i32
        %add3A_802 = arith.addi %mul3A_222, %add3A_801 : i32
        %swap3A_803 = arith.index_cast %add3A_802 : i32 to index
        %swap3A_804 = arith.constant 16 : index
        %swap3A_805 = tpu.vector_load %arg8[%swap3A_803, %swap3A_804] {strides = array<i32>} : memref<80x128xf32, #tpu.memory_space<vmem>>, vector<16xf32>,
        tpu.vector_store %arg8[%swap3A_803, %swap3A_804], %mul3A_800 {strides = array<i32>} : memref<80x128xf32, #tpu.memory_space<vmem>>, vector<16xf32>,
        %mul3A_806 = arith.mulf %get3A_401, %gather3A_650 : vector<16xf32>
        %add3A_807 = arith.constant 3 : i32
        %add3A_808 = arith.addi %mul3A_222, %add3A_807 : i32
        %swap3A_809 = arith.index_cast %add3A_808 : i32 to index
        %swap3A_810 = arith.constant 32 : index
        %swap3A_811 = tpu.vector_load %arg8[%swap3A_809, %swap3A_810] {strides = array<i32>} : memref<80x128xf32, #tpu.memory_space<vmem>>, vector<16xf32>,
        tpu.vector_store %arg8[%swap3A_809, %swap3A_810], %mul3A_806 {strides = array<i32>} : memref<80x128xf32, #tpu.memory_space<vmem>>, vector<16xf32>,
        %mul3A_812 = arith.mulf %get3A_406, %gather3A_650 : vector<16xf32>
        %add3A_813 = arith.constant 3 : i32
        %add3A_814 = arith.addi %mul3A_222, %add3A_813 : i32
        %swap3A_815 = arith.index_cast %add3A_814 : i32 to index
        %swap3A_816 = arith.constant 48 : index
        %swap3A_817 = tpu.vector_load %arg8[%swap3A_815, %swap3A_816] {strides = array<i32>} : memref<80x128xf32, #tpu.memory_space<vmem>>, vector<16xf32>,
        tpu.vector_store %arg8[%swap3A_815, %swap3A_816], %mul3A_812 {strides = array<i32>} : memref<80x128xf32, #tpu.memory_space<vmem>>, vector<16xf32>,
        %mul3A_818 = arith.mulf %get3A_411, %gather3A_650 : vector<16xf32>
        %add3A_819 = arith.constant 3 : i32
        %add3A_820 = arith.addi %mul3A_222, %add3A_819 : i32
        %swap3A_821 = arith.index_cast %add3A_820 : i32 to index
        %swap3A_822 = arith.constant 64 : index
        %swap3A_823 = tpu.vector_load %arg8[%swap3A_821, %swap3A_822] {strides = array<i32>} : memref<80x128xf32, #tpu.memory_space<vmem>>, vector<16xf32>,
        tpu.vector_store %arg8[%swap3A_821, %swap3A_822], %mul3A_818 {strides = array<i32>} : memref<80x128xf32, #tpu.memory_space<vmem>>, vector<16xf32>,
        %mul3A_824 = arith.mulf %get3A_416, %gather3A_650 : vector<16xf32>
        %add3A_825 = arith.constant 3 : i32
        %add3A_826 = arith.addi %mul3A_222, %add3A_825 : i32
        %swap3A_827 = arith.index_cast %add3A_826 : i32 to index
        %swap3A_828 = arith.constant 80 : index
        %swap3A_829 = tpu.vector_load %arg8[%swap3A_827, %swap3A_828] {strides = array<i32>} : memref<80x128xf32, #tpu.memory_space<vmem>>, vector<16xf32>,
        tpu.vector_store %arg8[%swap3A_827, %swap3A_828], %mul3A_824 {strides = array<i32>} : memref<80x128xf32, #tpu.memory_space<vmem>>, vector<16xf32>,
        %mul3A_830 = arith.mulf %get3A_421, %gather3A_650 : vector<16xf32>
        %add3A_831 = arith.constant 3 : i32
        %add3A_832 = arith.addi %mul3A_222, %add3A_831 : i32
        %swap3A_833 = arith.index_cast %add3A_832 : i32 to index
        %swap3A_834 = arith.constant 96 : index
        %swap3A_835 = tpu.vector_load %arg8[%swap3A_833, %swap3A_834] {strides = array<i32>} : memref<80x128xf32, #tpu.memory_space<vmem>>, vector<16xf32>,
        tpu.vector_store %arg8[%swap3A_833, %swap3A_834], %mul3A_830 {strides = array<i32>} : memref<80x128xf32, #tpu.memory_space<vmem>>, vector<16xf32>,
        %mul3A_836 = arith.mulf %get3A_426, %gather3A_650 : vector<16xf32>
        %add3A_837 = arith.constant 3 : i32
        %add3A_838 = arith.addi %mul3A_222, %add3A_837 : i32
        %swap3A_839 = arith.index_cast %add3A_838 : i32 to index
        %swap3A_840 = arith.constant 112 : index
        %swap3A_841 = tpu.vector_load %arg8[%swap3A_839, %swap3A_840] {strides = array<i32>} : memref<80x128xf32, #tpu.memory_space<vmem>>, vector<16xf32>,
        tpu.vector_store %arg8[%swap3A_839, %swap3A_840], %mul3A_836 {strides = array<i32>} : memref<80x128xf32, #tpu.memory_space<vmem>>, vector<16xf32>,
        %scan3A_842 = arith.constant 0 : i32
        scf.yield %scan3A_842 : i32
      }
      %scan3A_209 = arith.constant 20 : i32
      %dma_start3A_210 = arith.constant 0 : i32
      %dma_start3A_211 = arith.constant 0 : i32
      %dma_start3A_212 = tpu.memref_slice %arg14[%dma_start3A_210, %dma_start3A_211] : memref<1024x128xf32, #tpu.memory_space<vmem_shared>> -> memref<1024x128xf32, #tpu.memory_space<vmem_shared>>
      tpu.enqueue_indirect_dma source(%arg8 : memref<80x128xf32, #tpu.memory_space<vmem>>) target(%dma_start3A_212 : memref<1024x128xf32, #tpu.memory_space<vmem_shared>>) offsets(%arg12 : memref<80xi32, #tpu.memory_space<vmem>>) semaphore(%arg26 : memref<!tpu.dma_semaphore, #tpu.memory_space<semaphore_mem>>) {add = true}
      %lt3A_213 = arith.constant 30 : i32
      %lt3A_214 = arith.cmpi slt, %scan3A_102, %lt3A_213 : i32
      %convert_element_type3A_215 = arith.extui %lt3A_214 : i1 to i32
      %cond3A_216 = arith.constant 0 : i32
      %cond3A_217 = arith.cmpi ne, %convert_element_type3A_215, %cond3A_216 : i32
      scf.if %cond3A_217 {
        %dma_wait3A_219 = arith.constant 0 : i32
        %dma_wait3A_220 = arith.constant 0 : i32
        %dma_wait3A_221 = tpu.memref_slice %arg14[%dma_wait3A_219, %dma_wait3A_220] : memref<1024x128xf32, #tpu.memory_space<vmem_shared>> -> memref<1024x128xf32, #tpu.memory_space<vmem_shared>>
        tpu.wait_indirect_dma semaphore(%arg24 : memref<!tpu.dma_semaphore, #tpu.memory_space<semaphore_mem>>) src(%arg6 : memref<80x128xf32, #tpu.memory_space<vmem>>) dst(%dma_wait3A_221 : memref<1024x128xf32, #tpu.memory_space<vmem_shared>>)
        %add3A_222 = arith.constant 2 : i32
        %add3A_223 = arith.addi %add3A_194, %add3A_222 : i32
        %mul3A_224 = arith.constant 80 : i32
        %mul3A_225 = arith.muli %add3A_223, %mul3A_224 : i32
        %add3A_226 = arith.addi %mul3A_2, %mul3A_225 : i32
        %dma_start3A_227 = arith.constant 0 : i32
        %dma_start3A_228 = tpu.memref_slice %arg2[%add3A_226, %dma_start3A_227] : memref<320000x128xf32, #tpu.memory_space<hbm>> -> memref<80x128xf32, #tpu.memory_space<hbm>>
        %dma_start3A_229 = arith.constant 0 : i32
        %dma_start3A_230 = tpu.memref_slice %arg2[%add3A_226, %dma_start3A_229] : memref<320000x128xf32, #tpu.memory_space<hbm>> -> memref<80x128xf32, #tpu.memory_space<hbm>>
        tpu.enqueue_dma source(%dma_start3A_230 : memref<80x128xf32, #tpu.memory_space<hbm>>) target(%arg6 : memref<80x128xf32, #tpu.memory_space<vmem>>) target_semaphore(%arg16 : memref<!tpu.dma_semaphore, #tpu.memory_space<semaphore_mem>>)
        %dma_start3A_231 = tpu.memref_slice %arg3[%add3A_226] : memref<320000xi32, #tpu.memory_space<hbm>> -> memref<80xi32, #tpu.memory_space<hbm>>
        %dma_start3A_232 = tpu.memref_slice %arg3[%add3A_226] : memref<320000xi32, #tpu.memory_space<hbm>> -> memref<80xi32, #tpu.memory_space<hbm>>
        tpu.enqueue_dma source(%dma_start3A_232 : memref<80xi32, #tpu.memory_space<hbm>>) target(%arg10 : memref<80xi32, #tpu.memory_space<vmem>>) target_semaphore(%arg20 : memref<!tpu.dma_semaphore, #tpu.memory_space<semaphore_mem>>)
      } else {
      }
      %scan3A_218 = arith.constant 0 : i32
      scf.yield %scan3A_218 : i32
    }
    %scan3A_67 = arith.constant 31 : i32
    %add3A_68 = arith.constant 0 : i32
    %add3A_69 = arith.addi %mul3A_2, %add3A_68 : i32
    %dma_wait3A = arith.constant 0 : i32
    %dma_wait3A_70 = tpu.memref_slice %arg2[%add3A_69, %dma_wait3A] : memref<320000x128xf32, #tpu.memory_space<hbm>> -> memref<80x128xf32, #tpu.memory_space<hbm>>
    %dma_wait3A_71 = arith.constant 0 : i32
    %dma_wait3A_72 = tpu.memref_slice %arg2[%add3A_69, %dma_wait3A_71] : memref<320000x128xf32, #tpu.memory_space<hbm>> -> memref<80x128xf32, #tpu.memory_space<hbm>>
    tpu.wait_dma2 semaphore(%arg15 : memref<!tpu.dma_semaphore, #tpu.memory_space<semaphore_mem>>) src(%dma_wait3A_72 : memref<80x128xf32, #tpu.memory_space<hbm>>) dst(%arg5 : memref<80x128xf32, #tpu.memory_space<vmem>>)
    %dma_wait3A_73 = tpu.memref_slice %arg3[%add3A_69] : memref<320000xi32, #tpu.memory_space<hbm>> -> memref<80xi32, #tpu.memory_space<hbm>>
    %dma_wait3A_74 = tpu.memref_slice %arg3[%add3A_69] : memref<320000xi32, #tpu.memory_space<hbm>> -> memref<80xi32, #tpu.memory_space<hbm>>
    tpu.wait_dma2 semaphore(%arg19 : memref<!tpu.dma_semaphore, #tpu.memory_space<semaphore_mem>>) src(%dma_wait3A_74 : memref<80xi32, #tpu.memory_space<hbm>>) dst(%arg9 : memref<80xi32, #tpu.memory_space<vmem>>)
    %scan3A_75 = arith.constant 0 : i32
    %scan3A_76 = arith.constant 0 : i32
    %scan3A_77 = arith.constant 20 : i32
    %scan3A_78 = arith.addi %scan3A_76, %scan3A_77 : i32
    %scan3A_79 = arith.constant 1 : i32
    %scan3A_80 = scf.for %scan3A_102 = %scan3A_76 to %scan3A_78 step %scan3A_79 iter_args(%scan3A_103 = %scan3A_75) -> (i32)  : i32 {
      %mul3A_104 = arith.constant 4 : i32
      %mul3A_105 = arith.muli %scan3A_102, %mul3A_104 : i32
      %add3A_106 = arith.constant 0 : i32
      %add3A_107 = arith.addi %mul3A_105, %add3A_106 : i32
      %get3A = arith.index_cast %add3A_107 : i32 to index
      %get3A_108 = arith.constant 0 : index
      %get3A_109 = tpu.vector_load %arg5[%get3A, %get3A_108] {strides = array<i32>} : memref<80x128xf32, #tpu.memory_space<vmem>>, vector<16xf32>,
      %add3A_110 = arith.constant 0 : i32
      %add3A_111 = arith.addi %mul3A_105, %add3A_110 : i32
      %get3A_112 = arith.index_cast %add3A_111 : i32 to index
      %get3A_113 = arith.constant 16 : index
      %get3A_114 = tpu.vector_load %arg5[%get3A_112, %get3A_113] {strides = array<i32>} : memref<80x128xf32, #tpu.memory_space<vmem>>, vector<16xf32>,
      %add3A_115 = arith.constant 0 : i32
      %add3A_116 = arith.addi %mul3A_105, %add3A_115 : i32
      %get3A_117 = arith.index_cast %add3A_116 : i32 to index
      %get3A_118 = arith.constant 32 : index
      %get3A_119 = tpu.vector_load %arg5[%get3A_117, %get3A_118] {strides = array<i32>} : memref<80x128xf32, #tpu.memory_space<vmem>>, vector<16xf32>,
      %add3A_120 = arith.constant 0 : i32
      %add3A_121 = arith.addi %mul3A_105, %add3A_120 : i32
      %get3A_122 = arith.index_cast %add3A_121 : i32 to index
      %get3A_123 = arith.constant 48 : index
      %get3A_124 = tpu.vector_load %arg5[%get3A_122, %get3A_123] {strides = array<i32>} : memref<80x128xf32, #tpu.memory_space<vmem>>, vector<16xf32>,
      %add3A_125 = arith.constant 0 : i32
      %add3A_126 = arith.addi %mul3A_105, %add3A_125 : i32
      %get3A_127 = arith.index_cast %add3A_126 : i32 to index
      %get3A_128 = arith.constant 64 : index
      %get3A_129 = tpu.vector_load %arg5[%get3A_127, %get3A_128] {strides = array<i32>} : memref<80x128xf32, #tpu.memory_space<vmem>>, vector<16xf32>,
      %add3A_130 = arith.constant 0 : i32
      %add3A_131 = arith.addi %mul3A_105, %add3A_130 : i32
      %get3A_132 = arith.index_cast %add3A_131 : i32 to index
      %get3A_133 = arith.constant 80 : index
      %get3A_134 = tpu.vector_load %arg5[%get3A_132, %get3A_133] {strides = array<i32>} : memref<80x128xf32, #tpu.memory_space<vmem>>, vector<16xf32>,
      %add3A_135 = arith.constant 0 : i32
      %add3A_136 = arith.addi %mul3A_105, %add3A_135 : i32
      %get3A_137 = arith.index_cast %add3A_136 : i32 to index
      %get3A_138 = arith.constant 96 : index
      %get3A_139 = tpu.vector_load %arg5[%get3A_137, %get3A_138] {strides = array<i32>} : memref<80x128xf32, #tpu.memory_space<vmem>>, vector<16xf32>,
      %add3A_140 = arith.constant 0 : i32
      %add3A_141 = arith.addi %mul3A_105, %add3A_140 : i32
      %get3A_142 = arith.index_cast %add3A_141 : i32 to index
      %get3A_143 = arith.constant 112 : index
      %get3A_144 = tpu.vector_load %arg5[%get3A_142, %get3A_143] {strides = array<i32>} : memref<80x128xf32, #tpu.memory_space<vmem>>, vector<16xf32>,
      %mul3A_145 = arith.mulf %get3A_109, %get3A_109 : vector<16xf32>
      %mul3A_146 = arith.mulf %get3A_114, %get3A_114 : vector<16xf32>
      %add3A_147 = arith.addf %mul3A_145, %mul3A_146 : vector<16xf32>
      %mul3A_148 = arith.mulf %get3A_119, %get3A_119 : vector<16xf32>
      %add3A_149 = arith.addf %add3A_147, %mul3A_148 : vector<16xf32>
      %mul3A_150 = arith.mulf %get3A_124, %get3A_124 : vector<16xf32>
      %add3A_151 = arith.addf %add3A_149, %mul3A_150 : vector<16xf32>
      %mul3A_152 = arith.mulf %get3A_129, %get3A_129 : vector<16xf32>
      %add3A_153 = arith.addf %add3A_151, %mul3A_152 : vector<16xf32>
      %mul3A_154 = arith.mulf %get3A_134, %get3A_134 : vector<16xf32>
      %add3A_155 = arith.addf %add3A_153, %mul3A_154 : vector<16xf32>
      %mul3A_156 = arith.mulf %get3A_139, %get3A_139 : vector<16xf32>
      %add3A_157 = arith.addf %add3A_155, %mul3A_156 : vector<16xf32>
      %mul3A_158 = arith.mulf %get3A_144, %get3A_144 : vector<16xf32>
      %add3A_159 = arith.addf %add3A_157, %mul3A_158 : vector<16xf32>
      %add3A_160 = arith.constant 1 : i32
      %add3A_161 = arith.addi %mul3A_105, %add3A_160 : i32
      %get3A_162 = arith.index_cast %add3A_161 : i32 to index
      %get3A_163 = arith.constant 0 : index
      %get3A_164 = tpu.vector_load %arg5[%get3A_162, %get3A_163] {strides = array<i32>} : memref<80x128xf32, #tpu.memory_space<vmem>>, vector<16xf32>,
      %add3A_165 = arith.constant 1 : i32
      %add3A_166 = arith.addi %mul3A_105, %add3A_165 : i32
      %get3A_167 = arith.index_cast %add3A_166 : i32 to index
      %get3A_168 = arith.constant 16 : index
      %get3A_169 = tpu.vector_load %arg5[%get3A_167, %get3A_168] {strides = array<i32>} : memref<80x128xf32, #tpu.memory_space<vmem>>, vector<16xf32>,
      %add3A_170 = arith.constant 1 : i32
      %add3A_171 = arith.addi %mul3A_105, %add3A_170 : i32
      %get3A_172 = arith.index_cast %add3A_171 : i32 to index
      %get3A_173 = arith.constant 32 : index
      %get3A_174 = tpu.vector_load %arg5[%get3A_172, %get3A_173] {strides = array<i32>} : memref<80x128xf32, #tpu.memory_space<vmem>>, vector<16xf32>,
      %add3A_175 = arith.constant 1 : i32
      %add3A_176 = arith.addi %mul3A_105, %add3A_175 : i32
      %get3A_177 = arith.index_cast %add3A_176 : i32 to index
      %get3A_178 = arith.constant 48 : index
      %get3A_179 = tpu.vector_load %arg5[%get3A_177, %get3A_178] {strides = array<i32>} : memref<80x128xf32, #tpu.memory_space<vmem>>, vector<16xf32>,
      %add3A_180 = arith.constant 1 : i32
      %add3A_181 = arith.addi %mul3A_105, %add3A_180 : i32
      %get3A_182 = arith.index_cast %add3A_181 : i32 to index
      %get3A_183 = arith.constant 64 : index
      %get3A_184 = tpu.vector_load %arg5[%get3A_182, %get3A_183] {strides = array<i32>} : memref<80x128xf32, #tpu.memory_space<vmem>>, vector<16xf32>,
      %add3A_185 = arith.constant 1 : i32
      %add3A_186 = arith.addi %mul3A_105, %add3A_185 : i32
      %get3A_187 = arith.index_cast %add3A_186 : i32 to index
      %get3A_188 = arith.constant 80 : index
      %get3A_189 = tpu.vector_load %arg5[%get3A_187, %get3A_188] {strides = array<i32>} : memref<80x128xf32, #tpu.memory_space<vmem>>, vector<16xf32>,
      %add3A_190 = arith.constant 1 : i32
      %add3A_191 = arith.addi %mul3A_105, %add3A_190 : i32
      %get3A_192 = arith.index_cast %add3A_191 : i32 to index
      %get3A_193 = arith.constant 96 : index
      %get3A_194 = tpu.vector_load %arg5[%get3A_192, %get3A_193] {strides = array<i32>} : memref<80x128xf32, #tpu.memory_space<vmem>>, vector<16xf32>,
      %add3A_195 = arith.constant 1 : i32
      %add3A_196 = arith.addi %mul3A_105, %add3A_195 : i32
      %get3A_197 = arith.index_cast %add3A_196 : i32 to index
      %get3A_198 = arith.constant 112 : index
      %get3A_199 = tpu.vector_load %arg5[%get3A_197, %get3A_198] {strides = array<i32>} : memref<80x128xf32, #tpu.memory_space<vmem>>, vector<16xf32>,
      %mul3A_200 = arith.mulf %get3A_164, %get3A_164 : vector<16xf32>
      %mul3A_201 = arith.mulf %get3A_169, %get3A_169 : vector<16xf32>
      %add3A_202 = arith.addf %mul3A_200, %mul3A_201 : vector<16xf32>
      %mul3A_203 = arith.mulf %get3A_174, %get3A_174 : vector<16xf32>
      %add3A_204 = arith.addf %add3A_202, %mul3A_203 : vector<16xf32>
      %mul3A_205 = arith.mulf %get3A_179, %get3A_179 : vector<16xf32>
      %add3A_206 = arith.addf %add3A_204, %mul3A_205 : vector<16xf32>
      %mul3A_207 = arith.mulf %get3A_184, %get3A_184 : vector<16xf32>
      %add3A_208 = arith.addf %add3A_206, %mul3A_207 : vector<16xf32>
      %mul3A_209 = arith.mulf %get3A_189, %get3A_189 : vector<16xf32>
      %add3A_210 = arith.addf %add3A_208, %mul3A_209 : vector<16xf32>
      %mul3A_211 = arith.mulf %get3A_194, %get3A_194 : vector<16xf32>
      %add3A_212 = arith.addf %add3A_210, %mul3A_211 : vector<16xf32>
      %mul3A_213 = arith.mulf %get3A_199, %get3A_199 : vector<16xf32>
      %add3A_214 = arith.addf %add3A_212, %mul3A_213 : vector<16xf32>
      %add3A_215 = arith.constant 2 : i32
      %add3A_216 = arith.addi %mul3A_105, %add3A_215 : i32
      %get3A_217 = arith.index_cast %add3A_216 : i32 to index
      %get3A_218 = arith.constant 0 : index
      %get3A_219 = tpu.vector_load %arg5[%get3A_217, %get3A_218] {strides = array<i32>} : memref<80x128xf32, #tpu.memory_space<vmem>>, vector<16xf32>,
      %add3A_220 = arith.constant 2 : i32
      %add3A_221 = arith.addi %mul3A_105, %add3A_220 : i32
      %get3A_222 = arith.index_cast %add3A_221 : i32 to index
      %get3A_223 = arith.constant 16 : index
      %get3A_224 = tpu.vector_load %arg5[%get3A_222, %get3A_223] {strides = array<i32>} : memref<80x128xf32, #tpu.memory_space<vmem>>, vector<16xf32>,
      %add3A_225 = arith.constant 2 : i32
      %add3A_226 = arith.addi %mul3A_105, %add3A_225 : i32
      %get3A_227 = arith.index_cast %add3A_226 : i32 to index
      %get3A_228 = arith.constant 32 : index
      %get3A_229 = tpu.vector_load %arg5[%get3A_227, %get3A_228] {strides = array<i32>} : memref<80x128xf32, #tpu.memory_space<vmem>>, vector<16xf32>,
      %add3A_230 = arith.constant 2 : i32
      %add3A_231 = arith.addi %mul3A_105, %add3A_230 : i32
      %get3A_232 = arith.index_cast %add3A_231 : i32 to index
      %get3A_233 = arith.constant 48 : index
      %get3A_234 = tpu.vector_load %arg5[%get3A_232, %get3A_233] {strides = array<i32>} : memref<80x128xf32, #tpu.memory_space<vmem>>, vector<16xf32>,
      %add3A_235 = arith.constant 2 : i32
      %add3A_236 = arith.addi %mul3A_105, %add3A_235 : i32
      %get3A_237 = arith.index_cast %add3A_236 : i32 to index
      %get3A_238 = arith.constant 64 : index
      %get3A_239 = tpu.vector_load %arg5[%get3A_237, %get3A_238] {strides = array<i32>} : memref<80x128xf32, #tpu.memory_space<vmem>>, vector<16xf32>,
      %add3A_240 = arith.constant 2 : i32
      %add3A_241 = arith.addi %mul3A_105, %add3A_240 : i32
      %get3A_242 = arith.index_cast %add3A_241 : i32 to index
      %get3A_243 = arith.constant 80 : index
      %get3A_244 = tpu.vector_load %arg5[%get3A_242, %get3A_243] {strides = array<i32>} : memref<80x128xf32, #tpu.memory_space<vmem>>, vector<16xf32>,
      %add3A_245 = arith.constant 2 : i32
      %add3A_246 = arith.addi %mul3A_105, %add3A_245 : i32
      %get3A_247 = arith.index_cast %add3A_246 : i32 to index
      %get3A_248 = arith.constant 96 : index
      %get3A_249 = tpu.vector_load %arg5[%get3A_247, %get3A_248] {strides = array<i32>} : memref<80x128xf32, #tpu.memory_space<vmem>>, vector<16xf32>,
      %add3A_250 = arith.constant 2 : i32
      %add3A_251 = arith.addi %mul3A_105, %add3A_250 : i32
      %get3A_252 = arith.index_cast %add3A_251 : i32 to index
      %get3A_253 = arith.constant 112 : index
      %get3A_254 = tpu.vector_load %arg5[%get3A_252, %get3A_253] {strides = array<i32>} : memref<80x128xf32, #tpu.memory_space<vmem>>, vector<16xf32>,
      %mul3A_255 = arith.mulf %get3A_219, %get3A_219 : vector<16xf32>
      %mul3A_256 = arith.mulf %get3A_224, %get3A_224 : vector<16xf32>
      %add3A_257 = arith.addf %mul3A_255, %mul3A_256 : vector<16xf32>
      %mul3A_258 = arith.mulf %get3A_229, %get3A_229 : vector<16xf32>
      %add3A_259 = arith.addf %add3A_257, %mul3A_258 : vector<16xf32>
      %mul3A_260 = arith.mulf %get3A_234, %get3A_234 : vector<16xf32>
      %add3A_261 = arith.addf %add3A_259, %mul3A_260 : vector<16xf32>
      %mul3A_262 = arith.mulf %get3A_239, %get3A_239 : vector<16xf32>
      %add3A_263 = arith.addf %add3A_261, %mul3A_262 : vector<16xf32>
      %mul3A_264 = arith.mulf %get3A_244, %get3A_244 : vector<16xf32>
      %add3A_265 = arith.addf %add3A_263, %mul3A_264 : vector<16xf32>
      %mul3A_266 = arith.mulf %get3A_249, %get3A_249 : vector<16xf32>
      %add3A_267 = arith.addf %add3A_265, %mul3A_266 : vector<16xf32>
      %mul3A_268 = arith.mulf %get3A_254, %get3A_254 : vector<16xf32>
      %add3A_269 = arith.addf %add3A_267, %mul3A_268 : vector<16xf32>
      %add3A_270 = arith.constant 3 : i32
      %add3A_271 = arith.addi %mul3A_105, %add3A_270 : i32
      %get3A_272 = arith.index_cast %add3A_271 : i32 to index
      %get3A_273 = arith.constant 0 : index
      %get3A_274 = tpu.vector_load %arg5[%get3A_272, %get3A_273] {strides = array<i32>} : memref<80x128xf32, #tpu.memory_space<vmem>>, vector<16xf32>,
      %add3A_275 = arith.constant 3 : i32
      %add3A_276 = arith.addi %mul3A_105, %add3A_275 : i32
      %get3A_277 = arith.index_cast %add3A_276 : i32 to index
      %get3A_278 = arith.constant 16 : index
      %get3A_279 = tpu.vector_load %arg5[%get3A_277, %get3A_278] {strides = array<i32>} : memref<80x128xf32, #tpu.memory_space<vmem>>, vector<16xf32>,
      %add3A_280 = arith.constant 3 : i32
      %add3A_281 = arith.addi %mul3A_105, %add3A_280 : i32
      %get3A_282 = arith.index_cast %add3A_281 : i32 to index
      %get3A_283 = arith.constant 32 : index
      %get3A_284 = tpu.vector_load %arg5[%get3A_282, %get3A_283] {strides = array<i32>} : memref<80x128xf32, #tpu.memory_space<vmem>>, vector<16xf32>,
      %add3A_285 = arith.constant 3 : i32
      %add3A_286 = arith.addi %mul3A_105, %add3A_285 : i32
      %get3A_287 = arith.index_cast %add3A_286 : i32 to index
      %get3A_288 = arith.constant 48 : index
      %get3A_289 = tpu.vector_load %arg5[%get3A_287, %get3A_288] {strides = array<i32>} : memref<80x128xf32, #tpu.memory_space<vmem>>, vector<16xf32>,
      %add3A_290 = arith.constant 3 : i32
      %add3A_291 = arith.addi %mul3A_105, %add3A_290 : i32
      %get3A_292 = arith.index_cast %add3A_291 : i32 to index
      %get3A_293 = arith.constant 64 : index
      %get3A_294 = tpu.vector_load %arg5[%get3A_292, %get3A_293] {strides = array<i32>} : memref<80x128xf32, #tpu.memory_space<vmem>>, vector<16xf32>,
      %add3A_295 = arith.constant 3 : i32
      %add3A_296 = arith.addi %mul3A_105, %add3A_295 : i32
      %get3A_297 = arith.index_cast %add3A_296 : i32 to index
      %get3A_298 = arith.constant 80 : index
      %get3A_299 = tpu.vector_load %arg5[%get3A_297, %get3A_298] {strides = array<i32>} : memref<80x128xf32, #tpu.memory_space<vmem>>, vector<16xf32>,
      %add3A_300 = arith.constant 3 : i32
      %add3A_301 = arith.addi %mul3A_105, %add3A_300 : i32
      %get3A_302 = arith.index_cast %add3A_301 : i32 to index
      %get3A_303 = arith.constant 96 : index
      %get3A_304 = tpu.vector_load %arg5[%get3A_302, %get3A_303] {strides = array<i32>} : memref<80x128xf32, #tpu.memory_space<vmem>>, vector<16xf32>,
      %add3A_305 = arith.constant 3 : i32
      %add3A_306 = arith.addi %mul3A_105, %add3A_305 : i32
      %get3A_307 = arith.index_cast %add3A_306 : i32 to index
      %get3A_308 = arith.constant 112 : index
      %get3A_309 = tpu.vector_load %arg5[%get3A_307, %get3A_308] {strides = array<i32>} : memref<80x128xf32, #tpu.memory_space<vmem>>, vector<16xf32>,
      %mul3A_310 = arith.mulf %get3A_274, %get3A_274 : vector<16xf32>
      %mul3A_311 = arith.mulf %get3A_279, %get3A_279 : vector<16xf32>
      %add3A_312 = arith.addf %mul3A_310, %mul3A_311 : vector<16xf32>
      %mul3A_313 = arith.mulf %get3A_284, %get3A_284 : vector<16xf32>
      %add3A_314 = arith.addf %add3A_312, %mul3A_313 : vector<16xf32>
      %mul3A_315 = arith.mulf %get3A_289, %get3A_289 : vector<16xf32>
      %add3A_316 = arith.addf %add3A_314, %mul3A_315 : vector<16xf32>
      %mul3A_317 = arith.mulf %get3A_294, %get3A_294 : vector<16xf32>
      %add3A_318 = arith.addf %add3A_316, %mul3A_317 : vector<16xf32>
      %mul3A_319 = arith.mulf %get3A_299, %get3A_299 : vector<16xf32>
      %add3A_320 = arith.addf %add3A_318, %mul3A_319 : vector<16xf32>
      %mul3A_321 = arith.mulf %get3A_304, %get3A_304 : vector<16xf32>
      %add3A_322 = arith.addf %add3A_320, %mul3A_321 : vector<16xf32>
      %mul3A_323 = arith.mulf %get3A_309, %get3A_309 : vector<16xf32>
      %add3A_324 = arith.addf %add3A_322, %mul3A_323 : vector<16xf32>
      %lt3A_325 = arith.constant 0 : i32
      %lt3A_326 = vector.broadcast %lt3A_325 : i32 to vector<16xi32>
      %lt3A_327 = arith.cmpi slt, %xor3A_12, %lt3A_326 : vector<16xi32>
      %add3A_328 = arith.constant 16 : i32
      %add3A_329 = vector.broadcast %add3A_328 : i32 to vector<16xi32>
      %add3A_330 = arith.addi %xor3A_12, %add3A_329 : vector<16xi32>
      %select_n3A = arith.select %lt3A_327, %add3A_330, %xor3A_12 : vector<16xi1>, vector<16xi32>
      %broadcast_in_dim3A = vector.shape_cast %select_n3A : vector<16xi32> to vector<16x1xi32>
      %gather3A = vector.shape_cast %broadcast_in_dim3A : vector<16x1xi32> to vector<16xi32>
      %gather3A_331 = tpu.dynamic_gather %add3A_159[%gather3A] in [0] : vector<16xf32>, vector<16xi32> -> vector<16xf32>
      %add3A_332 = arith.addf %add3A_159, %gather3A_331 : vector<16xf32>
      %lt3A_333 = arith.constant 0 : i32
      %lt3A_334 = vector.broadcast %lt3A_333 : i32 to vector<16xi32>
      %lt3A_335 = arith.cmpi slt, %xor3A_12, %lt3A_334 : vector<16xi32>
      %add3A_336 = arith.constant 16 : i32
      %add3A_337 = vector.broadcast %add3A_336 : i32 to vector<16xi32>
      %add3A_338 = arith.addi %xor3A_12, %add3A_337 : vector<16xi32>
      %select_n3A_339 = arith.select %lt3A_335, %add3A_338, %xor3A_12 : vector<16xi1>, vector<16xi32>
      %broadcast_in_dim3A_340 = vector.shape_cast %select_n3A_339 : vector<16xi32> to vector<16x1xi32>
      %gather3A_341 = vector.shape_cast %broadcast_in_dim3A_340 : vector<16x1xi32> to vector<16xi32>
      %gather3A_342 = tpu.dynamic_gather %add3A_214[%gather3A_341] in [0] : vector<16xf32>, vector<16xi32> -> vector<16xf32>
      %add3A_343 = arith.addf %add3A_214, %gather3A_342 : vector<16xf32>
      %lt3A_344 = arith.constant 0 : i32
      %lt3A_345 = vector.broadcast %lt3A_344 : i32 to vector<16xi32>
      %lt3A_346 = arith.cmpi slt, %xor3A_12, %lt3A_345 : vector<16xi32>
      %add3A_347 = arith.constant 16 : i32
      %add3A_348 = vector.broadcast %add3A_347 : i32 to vector<16xi32>
      %add3A_349 = arith.addi %xor3A_12, %add3A_348 : vector<16xi32>
      %select_n3A_350 = arith.select %lt3A_346, %add3A_349, %xor3A_12 : vector<16xi1>, vector<16xi32>
      %broadcast_in_dim3A_351 = vector.shape_cast %select_n3A_350 : vector<16xi32> to vector<16x1xi32>
      %gather3A_352 = vector.shape_cast %broadcast_in_dim3A_351 : vector<16x1xi32> to vector<16xi32>
      %gather3A_353 = tpu.dynamic_gather %add3A_269[%gather3A_352] in [0] : vector<16xf32>, vector<16xi32> -> vector<16xf32>
      %add3A_354 = arith.addf %add3A_269, %gather3A_353 : vector<16xf32>
      %lt3A_355 = arith.constant 0 : i32
      %lt3A_356 = vector.broadcast %lt3A_355 : i32 to vector<16xi32>
      %lt3A_357 = arith.cmpi slt, %xor3A_12, %lt3A_356 : vector<16xi32>
      %add3A_358 = arith.constant 16 : i32
      %add3A_359 = vector.broadcast %add3A_358 : i32 to vector<16xi32>
      %add3A_360 = arith.addi %xor3A_12, %add3A_359 : vector<16xi32>
      %select_n3A_361 = arith.select %lt3A_357, %add3A_360, %xor3A_12 : vector<16xi1>, vector<16xi32>
      %broadcast_in_dim3A_362 = vector.shape_cast %select_n3A_361 : vector<16xi32> to vector<16x1xi32>
      %gather3A_363 = vector.shape_cast %broadcast_in_dim3A_362 : vector<16x1xi32> to vector<16xi32>
      %gather3A_364 = tpu.dynamic_gather %add3A_324[%gather3A_363] in [0] : vector<16xf32>, vector<16xi32> -> vector<16xf32>
      %add3A_365 = arith.addf %add3A_324, %gather3A_364 : vector<16xf32>
      %select_n3A_366 = arith.select %lt3A_29, %add3A_332, %add3A_343 : vector<16xi1>, vector<16xf32>
      %select_n3A_367 = arith.select %lt3A_29, %add3A_354, %add3A_365 : vector<16xi1>, vector<16xf32>
      %lt3A_368 = arith.constant 0 : i32
      %lt3A_369 = vector.broadcast %lt3A_368 : i32 to vector<16xi32>
      %lt3A_370 = arith.cmpi slt, %xor3A_15, %lt3A_369 : vector<16xi32>
      %add3A_371 = arith.constant 16 : i32
      %add3A_372 = vector.broadcast %add3A_371 : i32 to vector<16xi32>
      %add3A_373 = arith.addi %xor3A_15, %add3A_372 : vector<16xi32>
      %select_n3A_374 = arith.select %lt3A_370, %add3A_373, %xor3A_15 : vector<16xi1>, vector<16xi32>
      %broadcast_in_dim3A_375 = vector.shape_cast %select_n3A_374 : vector<16xi32> to vector<16x1xi32>
      %gather3A_376 = vector.shape_cast %broadcast_in_dim3A_375 : vector<16x1xi32> to vector<16xi32>
      %gather3A_377 = tpu.dynamic_gather %select_n3A_366[%gather3A_376] in [0] : vector<16xf32>, vector<16xi32> -> vector<16xf32>
      %add3A_378 = arith.addf %select_n3A_366, %gather3A_377 : vector<16xf32>
      %lt3A_379 = arith.constant 0 : i32
      %lt3A_380 = vector.broadcast %lt3A_379 : i32 to vector<16xi32>
      %lt3A_381 = arith.cmpi slt, %xor3A_15, %lt3A_380 : vector<16xi32>
      %add3A_382 = arith.constant 16 : i32
      %add3A_383 = vector.broadcast %add3A_382 : i32 to vector<16xi32>
      %add3A_384 = arith.addi %xor3A_15, %add3A_383 : vector<16xi32>
      %select_n3A_385 = arith.select %lt3A_381, %add3A_384, %xor3A_15 : vector<16xi1>, vector<16xi32>
      %broadcast_in_dim3A_386 = vector.shape_cast %select_n3A_385 : vector<16xi32> to vector<16x1xi32>
      %gather3A_387 = vector.shape_cast %broadcast_in_dim3A_386 : vector<16x1xi32> to vector<16xi32>
      %gather3A_388 = tpu.dynamic_gather %select_n3A_367[%gather3A_387] in [0] : vector<16xf32>, vector<16xi32> -> vector<16xf32>
      %add3A_389 = arith.addf %select_n3A_367, %gather3A_388 : vector<16xf32>
      %lt3A_390 = arith.constant 0 : i32
      %lt3A_391 = vector.broadcast %lt3A_390 : i32 to vector<16xi32>
      %lt3A_392 = arith.cmpi slt, %xor3A_18, %lt3A_391 : vector<16xi32>
      %add3A_393 = arith.constant 16 : i32
      %add3A_394 = vector.broadcast %add3A_393 : i32 to vector<16xi32>
      %add3A_395 = arith.addi %xor3A_18, %add3A_394 : vector<16xi32>
      %select_n3A_396 = arith.select %lt3A_392, %add3A_395, %xor3A_18 : vector<16xi1>, vector<16xi32>
      %broadcast_in_dim3A_397 = vector.shape_cast %select_n3A_396 : vector<16xi32> to vector<16x1xi32>
      %gather3A_398 = vector.shape_cast %broadcast_in_dim3A_397 : vector<16x1xi32> to vector<16xi32>
      %gather3A_399 = tpu.dynamic_gather %add3A_378[%gather3A_398] in [0] : vector<16xf32>, vector<16xi32> -> vector<16xf32>
      %add3A_400 = arith.addf %add3A_378, %gather3A_399 : vector<16xf32>
      %lt3A_401 = arith.constant 0 : i32
      %lt3A_402 = vector.broadcast %lt3A_401 : i32 to vector<16xi32>
      %lt3A_403 = arith.cmpi slt, %xor3A_18, %lt3A_402 : vector<16xi32>
      %add3A_404 = arith.constant 16 : i32
      %add3A_405 = vector.broadcast %add3A_404 : i32 to vector<16xi32>
      %add3A_406 = arith.addi %xor3A_18, %add3A_405 : vector<16xi32>
      %select_n3A_407 = arith.select %lt3A_403, %add3A_406, %xor3A_18 : vector<16xi1>, vector<16xi32>
      %broadcast_in_dim3A_408 = vector.shape_cast %select_n3A_407 : vector<16xi32> to vector<16x1xi32>
      %gather3A_409 = vector.shape_cast %broadcast_in_dim3A_408 : vector<16x1xi32> to vector<16xi32>
      %gather3A_410 = tpu.dynamic_gather %add3A_389[%gather3A_409] in [0] : vector<16xf32>, vector<16xi32> -> vector<16xf32>
      %add3A_411 = arith.addf %add3A_389, %gather3A_410 : vector<16xf32>
      %lt3A_412 = arith.constant 0 : i32
      %lt3A_413 = vector.broadcast %lt3A_412 : i32 to vector<16xi32>
      %lt3A_414 = arith.cmpi slt, %xor3A_21, %lt3A_413 : vector<16xi32>
      %add3A_415 = arith.constant 16 : i32
      %add3A_416 = vector.broadcast %add3A_415 : i32 to vector<16xi32>
      %add3A_417 = arith.addi %xor3A_21, %add3A_416 : vector<16xi32>
      %select_n3A_418 = arith.select %lt3A_414, %add3A_417, %xor3A_21 : vector<16xi1>, vector<16xi32>
      %broadcast_in_dim3A_419 = vector.shape_cast %select_n3A_418 : vector<16xi32> to vector<16x1xi32>
      %gather3A_420 = vector.shape_cast %broadcast_in_dim3A_419 : vector<16x1xi32> to vector<16xi32>
      %gather3A_421 = tpu.dynamic_gather %add3A_400[%gather3A_420] in [0] : vector<16xf32>, vector<16xi32> -> vector<16xf32>
      %add3A_422 = arith.addf %add3A_400, %gather3A_421 : vector<16xf32>
      %lt3A_423 = arith.constant 0 : i32
      %lt3A_424 = vector.broadcast %lt3A_423 : i32 to vector<16xi32>
      %lt3A_425 = arith.cmpi slt, %xor3A_21, %lt3A_424 : vector<16xi32>
      %add3A_426 = arith.constant 16 : i32
      %add3A_427 = vector.broadcast %add3A_426 : i32 to vector<16xi32>
      %add3A_428 = arith.addi %xor3A_21, %add3A_427 : vector<16xi32>
      %select_n3A_429 = arith.select %lt3A_425, %add3A_428, %xor3A_21 : vector<16xi1>, vector<16xi32>
      %broadcast_in_dim3A_430 = vector.shape_cast %select_n3A_429 : vector<16xi32> to vector<16x1xi32>
      %gather3A_431 = vector.shape_cast %broadcast_in_dim3A_430 : vector<16x1xi32> to vector<16xi32>
      %gather3A_432 = tpu.dynamic_gather %add3A_411[%gather3A_431] in [0] : vector<16xf32>, vector<16xi32> -> vector<16xf32>
      %add3A_433 = arith.addf %add3A_411, %gather3A_432 : vector<16xf32>
      %bitcast3A = vector.bitcast %add3A_422 : vector<16xf32> to vector<16xi32>
      %shift_right_arithmetic3A = arith.constant 1 : i32
      %shift_right_arithmetic3A_434 = vector.broadcast %shift_right_arithmetic3A : i32 to vector<16xi32>
      %shift_right_arithmetic3A_435 = arith.shrsi %bitcast3A, %shift_right_arithmetic3A_434 : vector<16xi32>
      %sub3A = arith.constant 1597463007 : i32
      %sub3A_436 = vector.broadcast %sub3A : i32 to vector<16xi32>
      %sub3A_437 = arith.subi %sub3A_436, %shift_right_arithmetic3A_435 : vector<16xi32>
      %bitcast3A_438 = vector.bitcast %sub3A_437 : vector<16xi32> to vector<16xf32>
      %mul3A_439 = arith.constant -5.000000e-01 : f32
      %mul3A_440 = vector.broadcast %mul3A_439 : f32 to vector<16xf32>
      %mul3A_441 = arith.mulf %mul3A_440, %add3A_422 : vector<16xf32>
      %mul3A_442 = arith.mulf %mul3A_441, %bitcast3A_438 : vector<16xf32>
      %mul3A_443 = arith.mulf %mul3A_442, %bitcast3A_438 : vector<16xf32>
      %add3A_444 = arith.constant 1.500000e+00 : f32
      %add3A_445 = vector.broadcast %add3A_444 : f32 to vector<16xf32>
      %add3A_446 = arith.addf %add3A_445, %mul3A_443 : vector<16xf32>
      %mul3A_447 = arith.mulf %bitcast3A_438, %add3A_446 : vector<16xf32>
      %mul3A_448 = arith.mulf %mul3A_441, %mul3A_447 : vector<16xf32>
      %mul3A_449 = arith.mulf %mul3A_448, %mul3A_447 : vector<16xf32>
      %add3A_450 = arith.constant 1.500000e+00 : f32
      %add3A_451 = vector.broadcast %add3A_450 : f32 to vector<16xf32>
      %add3A_452 = arith.addf %add3A_451, %mul3A_449 : vector<16xf32>
      %mul3A_453 = arith.mulf %mul3A_447, %add3A_452 : vector<16xf32>
      %mul3A_454 = arith.mulf %mul3A_441, %mul3A_453 : vector<16xf32>
      %mul3A_455 = arith.mulf %mul3A_454, %mul3A_453 : vector<16xf32>
      %add3A_456 = arith.constant 1.500000e+00 : f32
      %add3A_457 = vector.broadcast %add3A_456 : f32 to vector<16xf32>
      %add3A_458 = arith.addf %add3A_457, %mul3A_455 : vector<16xf32>
      %mul3A_459 = arith.mulf %mul3A_453, %add3A_458 : vector<16xf32>
      %min3A = arith.constant 9.99999995E+11 : f32
      %min3A_460 = vector.broadcast %min3A : f32 to vector<16xf32>
      %min3A_461 = arith.minimumf %mul3A_459, %min3A_460 : vector<16xf32>
      %bitcast3A_462 = vector.bitcast %add3A_433 : vector<16xf32> to vector<16xi32>
      %shift_right_arithmetic3A_463 = arith.constant 1 : i32
      %shift_right_arithmetic3A_464 = vector.broadcast %shift_right_arithmetic3A_463 : i32 to vector<16xi32>
      %shift_right_arithmetic3A_465 = arith.shrsi %bitcast3A_462, %shift_right_arithmetic3A_464 : vector<16xi32>
      %sub3A_466 = arith.constant 1597463007 : i32
      %sub3A_467 = vector.broadcast %sub3A_466 : i32 to vector<16xi32>
      %sub3A_468 = arith.subi %sub3A_467, %shift_right_arithmetic3A_465 : vector<16xi32>
      %bitcast3A_469 = vector.bitcast %sub3A_468 : vector<16xi32> to vector<16xf32>
      %mul3A_470 = arith.constant -5.000000e-01 : f32
      %mul3A_471 = vector.broadcast %mul3A_470 : f32 to vector<16xf32>
      %mul3A_472 = arith.mulf %mul3A_471, %add3A_433 : vector<16xf32>
      %mul3A_473 = arith.mulf %mul3A_472, %bitcast3A_469 : vector<16xf32>
      %mul3A_474 = arith.mulf %mul3A_473, %bitcast3A_469 : vector<16xf32>
      %add3A_475 = arith.constant 1.500000e+00 : f32
      %add3A_476 = vector.broadcast %add3A_475 : f32 to vector<16xf32>
      %add3A_477 = arith.addf %add3A_476, %mul3A_474 : vector<16xf32>
      %mul3A_478 = arith.mulf %bitcast3A_469, %add3A_477 : vector<16xf32>
      %mul3A_479 = arith.mulf %mul3A_472, %mul3A_478 : vector<16xf32>
      %mul3A_480 = arith.mulf %mul3A_479, %mul3A_478 : vector<16xf32>
      %add3A_481 = arith.constant 1.500000e+00 : f32
      %add3A_482 = vector.broadcast %add3A_481 : f32 to vector<16xf32>
      %add3A_483 = arith.addf %add3A_482, %mul3A_480 : vector<16xf32>
      %mul3A_484 = arith.mulf %mul3A_478, %add3A_483 : vector<16xf32>
      %mul3A_485 = arith.mulf %mul3A_472, %mul3A_484 : vector<16xf32>
      %mul3A_486 = arith.mulf %mul3A_485, %mul3A_484 : vector<16xf32>
      %add3A_487 = arith.constant 1.500000e+00 : f32
      %add3A_488 = vector.broadcast %add3A_487 : f32 to vector<16xf32>
      %add3A_489 = arith.addf %add3A_488, %mul3A_486 : vector<16xf32>
      %mul3A_490 = arith.mulf %mul3A_484, %add3A_489 : vector<16xf32>
      %min3A_491 = arith.constant 9.99999995E+11 : f32
      %min3A_492 = vector.broadcast %min3A_491 : f32 to vector<16xf32>
      %min3A_493 = arith.minimumf %mul3A_490, %min3A_492 : vector<16xf32>
      %lt3A_494 = arith.constant 0 : i32
      %lt3A_495 = vector.broadcast %lt3A_494 : i32 to vector<16xi32>
      %lt3A_496 = arith.cmpi slt, %mul3A_24, %lt3A_495 : vector<16xi32>
      %add3A_497 = arith.constant 16 : i32
      %add3A_498 = vector.broadcast %add3A_497 : i32 to vector<16xi32>
      %add3A_499 = arith.addi %mul3A_24, %add3A_498 : vector<16xi32>
      %select_n3A_500 = arith.select %lt3A_496, %add3A_499, %mul3A_24 : vector<16xi1>, vector<16xi32>
      %broadcast_in_dim3A_501 = vector.shape_cast %select_n3A_500 : vector<16xi32> to vector<16x1xi32>
      %gather3A_502 = vector.shape_cast %broadcast_in_dim3A_501 : vector<16x1xi32> to vector<16xi32>
      %gather3A_503 = tpu.dynamic_gather %min3A_461[%gather3A_502] in [0] : vector<16xf32>, vector<16xi32> -> vector<16xf32>
      %lt3A_504 = arith.constant 0 : i32
      %lt3A_505 = vector.broadcast %lt3A_504 : i32 to vector<16xi32>
      %lt3A_506 = arith.cmpi slt, %add3A_27, %lt3A_505 : vector<16xi32>
      %add3A_507 = arith.constant 16 : i32
      %add3A_508 = vector.broadcast %add3A_507 : i32 to vector<16xi32>
      %add3A_509 = arith.addi %add3A_27, %add3A_508 : vector<16xi32>
      %select_n3A_510 = arith.select %lt3A_506, %add3A_509, %add3A_27 : vector<16xi1>, vector<16xi32>
      %broadcast_in_dim3A_511 = vector.shape_cast %select_n3A_510 : vector<16xi32> to vector<16x1xi32>
      %gather3A_512 = vector.shape_cast %broadcast_in_dim3A_511 : vector<16x1xi32> to vector<16xi32>
      %gather3A_513 = tpu.dynamic_gather %min3A_461[%gather3A_512] in [0] : vector<16xf32>, vector<16xi32> -> vector<16xf32>
      %lt3A_514 = arith.constant 0 : i32
      %lt3A_515 = vector.broadcast %lt3A_514 : i32 to vector<16xi32>
      %lt3A_516 = arith.cmpi slt, %mul3A_24, %lt3A_515 : vector<16xi32>
      %add3A_517 = arith.constant 16 : i32
      %add3A_518 = vector.broadcast %add3A_517 : i32 to vector<16xi32>
      %add3A_519 = arith.addi %mul3A_24, %add3A_518 : vector<16xi32>
      %select_n3A_520 = arith.select %lt3A_516, %add3A_519, %mul3A_24 : vector<16xi1>, vector<16xi32>
      %broadcast_in_dim3A_521 = vector.shape_cast %select_n3A_520 : vector<16xi32> to vector<16x1xi32>
      %gather3A_522 = vector.shape_cast %broadcast_in_dim3A_521 : vector<16x1xi32> to vector<16xi32>
      %gather3A_523 = tpu.dynamic_gather %min3A_493[%gather3A_522] in [0] : vector<16xf32>, vector<16xi32> -> vector<16xf32>
      %lt3A_524 = arith.constant 0 : i32
      %lt3A_525 = vector.broadcast %lt3A_524 : i32 to vector<16xi32>
      %lt3A_526 = arith.cmpi slt, %add3A_27, %lt3A_525 : vector<16xi32>
      %add3A_527 = arith.constant 16 : i32
      %add3A_528 = vector.broadcast %add3A_527 : i32 to vector<16xi32>
      %add3A_529 = arith.addi %add3A_27, %add3A_528 : vector<16xi32>
      %select_n3A_530 = arith.select %lt3A_526, %add3A_529, %add3A_27 : vector<16xi1>, vector<16xi32>
      %broadcast_in_dim3A_531 = vector.shape_cast %select_n3A_530 : vector<16xi32> to vector<16x1xi32>
      %gather3A_532 = vector.shape_cast %broadcast_in_dim3A_531 : vector<16x1xi32> to vector<16xi32>
      %gather3A_533 = tpu.dynamic_gather %min3A_493[%gather3A_532] in [0] : vector<16xf32>, vector<16xi32> -> vector<16xf32>
      %mul3A_534 = arith.mulf %get3A_109, %gather3A_503 : vector<16xf32>
      %add3A_535 = arith.constant 0 : i32
      %add3A_536 = arith.addi %mul3A_105, %add3A_535 : i32
      %swap3A = arith.index_cast %add3A_536 : i32 to index
      %swap3A_537 = arith.constant 0 : index
      %swap3A_538 = tpu.vector_load %arg5[%swap3A, %swap3A_537] {strides = array<i32>} : memref<80x128xf32, #tpu.memory_space<vmem>>, vector<16xf32>,
      tpu.vector_store %arg5[%swap3A, %swap3A_537], %mul3A_534 {strides = array<i32>} : memref<80x128xf32, #tpu.memory_space<vmem>>, vector<16xf32>,
      %mul3A_539 = arith.mulf %get3A_114, %gather3A_503 : vector<16xf32>
      %add3A_540 = arith.constant 0 : i32
      %add3A_541 = arith.addi %mul3A_105, %add3A_540 : i32
      %swap3A_542 = arith.index_cast %add3A_541 : i32 to index
      %swap3A_543 = arith.constant 16 : index
      %swap3A_544 = tpu.vector_load %arg5[%swap3A_542, %swap3A_543] {strides = array<i32>} : memref<80x128xf32, #tpu.memory_space<vmem>>, vector<16xf32>,
      tpu.vector_store %arg5[%swap3A_542, %swap3A_543], %mul3A_539 {strides = array<i32>} : memref<80x128xf32, #tpu.memory_space<vmem>>, vector<16xf32>,
      %mul3A_545 = arith.mulf %get3A_119, %gather3A_503 : vector<16xf32>
      %add3A_546 = arith.constant 0 : i32
      %add3A_547 = arith.addi %mul3A_105, %add3A_546 : i32
      %swap3A_548 = arith.index_cast %add3A_547 : i32 to index
      %swap3A_549 = arith.constant 32 : index
      %swap3A_550 = tpu.vector_load %arg5[%swap3A_548, %swap3A_549] {strides = array<i32>} : memref<80x128xf32, #tpu.memory_space<vmem>>, vector<16xf32>,
      tpu.vector_store %arg5[%swap3A_548, %swap3A_549], %mul3A_545 {strides = array<i32>} : memref<80x128xf32, #tpu.memory_space<vmem>>, vector<16xf32>,
      %mul3A_551 = arith.mulf %get3A_124, %gather3A_503 : vector<16xf32>
      %add3A_552 = arith.constant 0 : i32
      %add3A_553 = arith.addi %mul3A_105, %add3A_552 : i32
      %swap3A_554 = arith.index_cast %add3A_553 : i32 to index
      %swap3A_555 = arith.constant 48 : index
      %swap3A_556 = tpu.vector_load %arg5[%swap3A_554, %swap3A_555] {strides = array<i32>} : memref<80x128xf32, #tpu.memory_space<vmem>>, vector<16xf32>,
      tpu.vector_store %arg5[%swap3A_554, %swap3A_555], %mul3A_551 {strides = array<i32>} : memref<80x128xf32, #tpu.memory_space<vmem>>, vector<16xf32>,
      %mul3A_557 = arith.mulf %get3A_129, %gather3A_503 : vector<16xf32>
      %add3A_558 = arith.constant 0 : i32
      %add3A_559 = arith.addi %mul3A_105, %add3A_558 : i32
      %swap3A_560 = arith.index_cast %add3A_559 : i32 to index
      %swap3A_561 = arith.constant 64 : index
      %swap3A_562 = tpu.vector_load %arg5[%swap3A_560, %swap3A_561] {strides = array<i32>} : memref<80x128xf32, #tpu.memory_space<vmem>>, vector<16xf32>,
      tpu.vector_store %arg5[%swap3A_560, %swap3A_561], %mul3A_557 {strides = array<i32>} : memref<80x128xf32, #tpu.memory_space<vmem>>, vector<16xf32>,
      %mul3A_563 = arith.mulf %get3A_134, %gather3A_503 : vector<16xf32>
      %add3A_564 = arith.constant 0 : i32
      %add3A_565 = arith.addi %mul3A_105, %add3A_564 : i32
      %swap3A_566 = arith.index_cast %add3A_565 : i32 to index
      %swap3A_567 = arith.constant 80 : index
      %swap3A_568 = tpu.vector_load %arg5[%swap3A_566, %swap3A_567] {strides = array<i32>} : memref<80x128xf32, #tpu.memory_space<vmem>>, vector<16xf32>,
      tpu.vector_store %arg5[%swap3A_566, %swap3A_567], %mul3A_563 {strides = array<i32>} : memref<80x128xf32, #tpu.memory_space<vmem>>, vector<16xf32>,
      %mul3A_569 = arith.mulf %get3A_139, %gather3A_503 : vector<16xf32>
      %add3A_570 = arith.constant 0 : i32
      %add3A_571 = arith.addi %mul3A_105, %add3A_570 : i32
      %swap3A_572 = arith.index_cast %add3A_571 : i32 to index
      %swap3A_573 = arith.constant 96 : index
      %swap3A_574 = tpu.vector_load %arg5[%swap3A_572, %swap3A_573] {strides = array<i32>} : memref<80x128xf32, #tpu.memory_space<vmem>>, vector<16xf32>,
      tpu.vector_store %arg5[%swap3A_572, %swap3A_573], %mul3A_569 {strides = array<i32>} : memref<80x128xf32, #tpu.memory_space<vmem>>, vector<16xf32>,
      %mul3A_575 = arith.mulf %get3A_144, %gather3A_503 : vector<16xf32>
      %add3A_576 = arith.constant 0 : i32
      %add3A_577 = arith.addi %mul3A_105, %add3A_576 : i32
      %swap3A_578 = arith.index_cast %add3A_577 : i32 to index
      %swap3A_579 = arith.constant 112 : index
      %swap3A_580 = tpu.vector_load %arg5[%swap3A_578, %swap3A_579] {strides = array<i32>} : memref<80x128xf32, #tpu.memory_space<vmem>>, vector<16xf32>,
      tpu.vector_store %arg5[%swap3A_578, %swap3A_579], %mul3A_575 {strides = array<i32>} : memref<80x128xf32, #tpu.memory_space<vmem>>, vector<16xf32>,
      %mul3A_581 = arith.mulf %get3A_164, %gather3A_513 : vector<16xf32>
      %add3A_582 = arith.constant 1 : i32
      %add3A_583 = arith.addi %mul3A_105, %add3A_582 : i32
      %swap3A_584 = arith.index_cast %add3A_583 : i32 to index
      %swap3A_585 = arith.constant 0 : index
      %swap3A_586 = tpu.vector_load %arg5[%swap3A_584, %swap3A_585] {strides = array<i32>} : memref<80x128xf32, #tpu.memory_space<vmem>>, vector<16xf32>,
      tpu.vector_store %arg5[%swap3A_584, %swap3A_585], %mul3A_581 {strides = array<i32>} : memref<80x128xf32, #tpu.memory_space<vmem>>, vector<16xf32>,
      %mul3A_587 = arith.mulf %get3A_169, %gather3A_513 : vector<16xf32>
      %add3A_588 = arith.constant 1 : i32
      %add3A_589 = arith.addi %mul3A_105, %add3A_588 : i32
      %swap3A_590 = arith.index_cast %add3A_589 : i32 to index
      %swap3A_591 = arith.constant 16 : index
      %swap3A_592 = tpu.vector_load %arg5[%swap3A_590, %swap3A_591] {strides = array<i32>} : memref<80x128xf32, #tpu.memory_space<vmem>>, vector<16xf32>,
      tpu.vector_store %arg5[%swap3A_590, %swap3A_591], %mul3A_587 {strides = array<i32>} : memref<80x128xf32, #tpu.memory_space<vmem>>, vector<16xf32>,
      %mul3A_593 = arith.mulf %get3A_174, %gather3A_513 : vector<16xf32>
      %add3A_594 = arith.constant 1 : i32
      %add3A_595 = arith.addi %mul3A_105, %add3A_594 : i32
      %swap3A_596 = arith.index_cast %add3A_595 : i32 to index
      %swap3A_597 = arith.constant 32 : index
      %swap3A_598 = tpu.vector_load %arg5[%swap3A_596, %swap3A_597] {strides = array<i32>} : memref<80x128xf32, #tpu.memory_space<vmem>>, vector<16xf32>,
      tpu.vector_store %arg5[%swap3A_596, %swap3A_597], %mul3A_593 {strides = array<i32>} : memref<80x128xf32, #tpu.memory_space<vmem>>, vector<16xf32>,
      %mul3A_599 = arith.mulf %get3A_179, %gather3A_513 : vector<16xf32>
      %add3A_600 = arith.constant 1 : i32
      %add3A_601 = arith.addi %mul3A_105, %add3A_600 : i32
      %swap3A_602 = arith.index_cast %add3A_601 : i32 to index
      %swap3A_603 = arith.constant 48 : index
      %swap3A_604 = tpu.vector_load %arg5[%swap3A_602, %swap3A_603] {strides = array<i32>} : memref<80x128xf32, #tpu.memory_space<vmem>>, vector<16xf32>,
      tpu.vector_store %arg5[%swap3A_602, %swap3A_603], %mul3A_599 {strides = array<i32>} : memref<80x128xf32, #tpu.memory_space<vmem>>, vector<16xf32>,
      %mul3A_605 = arith.mulf %get3A_184, %gather3A_513 : vector<16xf32>
      %add3A_606 = arith.constant 1 : i32
      %add3A_607 = arith.addi %mul3A_105, %add3A_606 : i32
      %swap3A_608 = arith.index_cast %add3A_607 : i32 to index
      %swap3A_609 = arith.constant 64 : index
      %swap3A_610 = tpu.vector_load %arg5[%swap3A_608, %swap3A_609] {strides = array<i32>} : memref<80x128xf32, #tpu.memory_space<vmem>>, vector<16xf32>,
      tpu.vector_store %arg5[%swap3A_608, %swap3A_609], %mul3A_605 {strides = array<i32>} : memref<80x128xf32, #tpu.memory_space<vmem>>, vector<16xf32>,
      %mul3A_611 = arith.mulf %get3A_189, %gather3A_513 : vector<16xf32>
      %add3A_612 = arith.constant 1 : i32
      %add3A_613 = arith.addi %mul3A_105, %add3A_612 : i32
      %swap3A_614 = arith.index_cast %add3A_613 : i32 to index
      %swap3A_615 = arith.constant 80 : index
      %swap3A_616 = tpu.vector_load %arg5[%swap3A_614, %swap3A_615] {strides = array<i32>} : memref<80x128xf32, #tpu.memory_space<vmem>>, vector<16xf32>,
      tpu.vector_store %arg5[%swap3A_614, %swap3A_615], %mul3A_611 {strides = array<i32>} : memref<80x128xf32, #tpu.memory_space<vmem>>, vector<16xf32>,
      %mul3A_617 = arith.mulf %get3A_194, %gather3A_513 : vector<16xf32>
      %add3A_618 = arith.constant 1 : i32
      %add3A_619 = arith.addi %mul3A_105, %add3A_618 : i32
      %swap3A_620 = arith.index_cast %add3A_619 : i32 to index
      %swap3A_621 = arith.constant 96 : index
      %swap3A_622 = tpu.vector_load %arg5[%swap3A_620, %swap3A_621] {strides = array<i32>} : memref<80x128xf32, #tpu.memory_space<vmem>>, vector<16xf32>,
      tpu.vector_store %arg5[%swap3A_620, %swap3A_621], %mul3A_617 {strides = array<i32>} : memref<80x128xf32, #tpu.memory_space<vmem>>, vector<16xf32>,
      %mul3A_623 = arith.mulf %get3A_199, %gather3A_513 : vector<16xf32>
      %add3A_624 = arith.constant 1 : i32
      %add3A_625 = arith.addi %mul3A_105, %add3A_624 : i32
      %swap3A_626 = arith.index_cast %add3A_625 : i32 to index
      %swap3A_627 = arith.constant 112 : index
      %swap3A_628 = tpu.vector_load %arg5[%swap3A_626, %swap3A_627] {strides = array<i32>} : memref<80x128xf32, #tpu.memory_space<vmem>>, vector<16xf32>,
      tpu.vector_store %arg5[%swap3A_626, %swap3A_627], %mul3A_623 {strides = array<i32>} : memref<80x128xf32, #tpu.memory_space<vmem>>, vector<16xf32>,
      %mul3A_629 = arith.mulf %get3A_219, %gather3A_523 : vector<16xf32>
      %add3A_630 = arith.constant 2 : i32
      %add3A_631 = arith.addi %mul3A_105, %add3A_630 : i32
      %swap3A_632 = arith.index_cast %add3A_631 : i32 to index
      %swap3A_633 = arith.constant 0 : index
      %swap3A_634 = tpu.vector_load %arg5[%swap3A_632, %swap3A_633] {strides = array<i32>} : memref<80x128xf32, #tpu.memory_space<vmem>>, vector<16xf32>,
      tpu.vector_store %arg5[%swap3A_632, %swap3A_633], %mul3A_629 {strides = array<i32>} : memref<80x128xf32, #tpu.memory_space<vmem>>, vector<16xf32>,
      %mul3A_635 = arith.mulf %get3A_224, %gather3A_523 : vector<16xf32>
      %add3A_636 = arith.constant 2 : i32
      %add3A_637 = arith.addi %mul3A_105, %add3A_636 : i32
      %swap3A_638 = arith.index_cast %add3A_637 : i32 to index
      %swap3A_639 = arith.constant 16 : index
      %swap3A_640 = tpu.vector_load %arg5[%swap3A_638, %swap3A_639] {strides = array<i32>} : memref<80x128xf32, #tpu.memory_space<vmem>>, vector<16xf32>,
      tpu.vector_store %arg5[%swap3A_638, %swap3A_639], %mul3A_635 {strides = array<i32>} : memref<80x128xf32, #tpu.memory_space<vmem>>, vector<16xf32>,
      %mul3A_641 = arith.mulf %get3A_229, %gather3A_523 : vector<16xf32>
      %add3A_642 = arith.constant 2 : i32
      %add3A_643 = arith.addi %mul3A_105, %add3A_642 : i32
      %swap3A_644 = arith.index_cast %add3A_643 : i32 to index
      %swap3A_645 = arith.constant 32 : index
      %swap3A_646 = tpu.vector_load %arg5[%swap3A_644, %swap3A_645] {strides = array<i32>} : memref<80x128xf32, #tpu.memory_space<vmem>>, vector<16xf32>,
      tpu.vector_store %arg5[%swap3A_644, %swap3A_645], %mul3A_641 {strides = array<i32>} : memref<80x128xf32, #tpu.memory_space<vmem>>, vector<16xf32>,
      %mul3A_647 = arith.mulf %get3A_234, %gather3A_523 : vector<16xf32>
      %add3A_648 = arith.constant 2 : i32
      %add3A_649 = arith.addi %mul3A_105, %add3A_648 : i32
      %swap3A_650 = arith.index_cast %add3A_649 : i32 to index
      %swap3A_651 = arith.constant 48 : index
      %swap3A_652 = tpu.vector_load %arg5[%swap3A_650, %swap3A_651] {strides = array<i32>} : memref<80x128xf32, #tpu.memory_space<vmem>>, vector<16xf32>,
      tpu.vector_store %arg5[%swap3A_650, %swap3A_651], %mul3A_647 {strides = array<i32>} : memref<80x128xf32, #tpu.memory_space<vmem>>, vector<16xf32>,
      %mul3A_653 = arith.mulf %get3A_239, %gather3A_523 : vector<16xf32>
      %add3A_654 = arith.constant 2 : i32
      %add3A_655 = arith.addi %mul3A_105, %add3A_654 : i32
      %swap3A_656 = arith.index_cast %add3A_655 : i32 to index
      %swap3A_657 = arith.constant 64 : index
      %swap3A_658 = tpu.vector_load %arg5[%swap3A_656, %swap3A_657] {strides = array<i32>} : memref<80x128xf32, #tpu.memory_space<vmem>>, vector<16xf32>,
      tpu.vector_store %arg5[%swap3A_656, %swap3A_657], %mul3A_653 {strides = array<i32>} : memref<80x128xf32, #tpu.memory_space<vmem>>, vector<16xf32>,
      %mul3A_659 = arith.mulf %get3A_244, %gather3A_523 : vector<16xf32>
      %add3A_660 = arith.constant 2 : i32
      %add3A_661 = arith.addi %mul3A_105, %add3A_660 : i32
      %swap3A_662 = arith.index_cast %add3A_661 : i32 to index
      %swap3A_663 = arith.constant 80 : index
      %swap3A_664 = tpu.vector_load %arg5[%swap3A_662, %swap3A_663] {strides = array<i32>} : memref<80x128xf32, #tpu.memory_space<vmem>>, vector<16xf32>,
      tpu.vector_store %arg5[%swap3A_662, %swap3A_663], %mul3A_659 {strides = array<i32>} : memref<80x128xf32, #tpu.memory_space<vmem>>, vector<16xf32>,
      %mul3A_665 = arith.mulf %get3A_249, %gather3A_523 : vector<16xf32>
      %add3A_666 = arith.constant 2 : i32
      %add3A_667 = arith.addi %mul3A_105, %add3A_666 : i32
      %swap3A_668 = arith.index_cast %add3A_667 : i32 to index
      %swap3A_669 = arith.constant 96 : index
      %swap3A_670 = tpu.vector_load %arg5[%swap3A_668, %swap3A_669] {strides = array<i32>} : memref<80x128xf32, #tpu.memory_space<vmem>>, vector<16xf32>,
      tpu.vector_store %arg5[%swap3A_668, %swap3A_669], %mul3A_665 {strides = array<i32>} : memref<80x128xf32, #tpu.memory_space<vmem>>, vector<16xf32>,
      %mul3A_671 = arith.mulf %get3A_254, %gather3A_523 : vector<16xf32>
      %add3A_672 = arith.constant 2 : i32
      %add3A_673 = arith.addi %mul3A_105, %add3A_672 : i32
      %swap3A_674 = arith.index_cast %add3A_673 : i32 to index
      %swap3A_675 = arith.constant 112 : index
      %swap3A_676 = tpu.vector_load %arg5[%swap3A_674, %swap3A_675] {strides = array<i32>} : memref<80x128xf32, #tpu.memory_space<vmem>>, vector<16xf32>,
      tpu.vector_store %arg5[%swap3A_674, %swap3A_675], %mul3A_671 {strides = array<i32>} : memref<80x128xf32, #tpu.memory_space<vmem>>, vector<16xf32>,
      %mul3A_677 = arith.mulf %get3A_274, %gather3A_533 : vector<16xf32>
      %add3A_678 = arith.constant 3 : i32
      %add3A_679 = arith.addi %mul3A_105, %add3A_678 : i32
      %swap3A_680 = arith.index_cast %add3A_679 : i32 to index
      %swap3A_681 = arith.constant 0 : index
      %swap3A_682 = tpu.vector_load %arg5[%swap3A_680, %swap3A_681] {strides = array<i32>} : memref<80x128xf32, #tpu.memory_space<vmem>>, vector<16xf32>,
      tpu.vector_store %arg5[%swap3A_680, %swap3A_681], %mul3A_677 {strides = array<i32>} : memref<80x128xf32, #tpu.memory_space<vmem>>, vector<16xf32>,
      %mul3A_683 = arith.mulf %get3A_279, %gather3A_533 : vector<16xf32>
      %add3A_684 = arith.constant 3 : i32
      %add3A_685 = arith.addi %mul3A_105, %add3A_684 : i32
      %swap3A_686 = arith.index_cast %add3A_685 : i32 to index
      %swap3A_687 = arith.constant 16 : index
      %swap3A_688 = tpu.vector_load %arg5[%swap3A_686, %swap3A_687] {strides = array<i32>} : memref<80x128xf32, #tpu.memory_space<vmem>>, vector<16xf32>,
      tpu.vector_store %arg5[%swap3A_686, %swap3A_687], %mul3A_683 {strides = array<i32>} : memref<80x128xf32, #tpu.memory_space<vmem>>, vector<16xf32>,
      %mul3A_689 = arith.mulf %get3A_284, %gather3A_533 : vector<16xf32>
      %add3A_690 = arith.constant 3 : i32
      %add3A_691 = arith.addi %mul3A_105, %add3A_690 : i32
      %swap3A_692 = arith.index_cast %add3A_691 : i32 to index
      %swap3A_693 = arith.constant 32 : index
      %swap3A_694 = tpu.vector_load %arg5[%swap3A_692, %swap3A_693] {strides = array<i32>} : memref<80x128xf32, #tpu.memory_space<vmem>>, vector<16xf32>,
      tpu.vector_store %arg5[%swap3A_692, %swap3A_693], %mul3A_689 {strides = array<i32>} : memref<80x128xf32, #tpu.memory_space<vmem>>, vector<16xf32>,
      %mul3A_695 = arith.mulf %get3A_289, %gather3A_533 : vector<16xf32>
      %add3A_696 = arith.constant 3 : i32
      %add3A_697 = arith.addi %mul3A_105, %add3A_696 : i32
      %swap3A_698 = arith.index_cast %add3A_697 : i32 to index
      %swap3A_699 = arith.constant 48 : index
      %swap3A_700 = tpu.vector_load %arg5[%swap3A_698, %swap3A_699] {strides = array<i32>} : memref<80x128xf32, #tpu.memory_space<vmem>>, vector<16xf32>,
      tpu.vector_store %arg5[%swap3A_698, %swap3A_699], %mul3A_695 {strides = array<i32>} : memref<80x128xf32, #tpu.memory_space<vmem>>, vector<16xf32>,
      %mul3A_701 = arith.mulf %get3A_294, %gather3A_533 : vector<16xf32>
      %add3A_702 = arith.constant 3 : i32
      %add3A_703 = arith.addi %mul3A_105, %add3A_702 : i32
      %swap3A_704 = arith.index_cast %add3A_703 : i32 to index
      %swap3A_705 = arith.constant 64 : index
      %swap3A_706 = tpu.vector_load %arg5[%swap3A_704, %swap3A_705] {strides = array<i32>} : memref<80x128xf32, #tpu.memory_space<vmem>>, vector<16xf32>,
      tpu.vector_store %arg5[%swap3A_704, %swap3A_705], %mul3A_701 {strides = array<i32>} : memref<80x128xf32, #tpu.memory_space<vmem>>, vector<16xf32>,
      %mul3A_707 = arith.mulf %get3A_299, %gather3A_533 : vector<16xf32>
      %add3A_708 = arith.constant 3 : i32
      %add3A_709 = arith.addi %mul3A_105, %add3A_708 : i32
      %swap3A_710 = arith.index_cast %add3A_709 : i32 to index
      %swap3A_711 = arith.constant 80 : index
      %swap3A_712 = tpu.vector_load %arg5[%swap3A_710, %swap3A_711] {strides = array<i32>} : memref<80x128xf32, #tpu.memory_space<vmem>>, vector<16xf32>,
      tpu.vector_store %arg5[%swap3A_710, %swap3A_711], %mul3A_707 {strides = array<i32>} : memref<80x128xf32, #tpu.memory_space<vmem>>, vector<16xf32>,
      %mul3A_713 = arith.mulf %get3A_304, %gather3A_533 : vector<16xf32>
      %add3A_714 = arith.constant 3 : i32
      %add3A_715 = arith.addi %mul3A_105, %add3A_714 : i32
      %swap3A_716 = arith.index_cast %add3A_715 : i32 to index
      %swap3A_717 = arith.constant 96 : index
      %swap3A_718 = tpu.vector_load %arg5[%swap3A_716, %swap3A_717] {strides = array<i32>} : memref<80x128xf32, #tpu.memory_space<vmem>>, vector<16xf32>,
      tpu.vector_store %arg5[%swap3A_716, %swap3A_717], %mul3A_713 {strides = array<i32>} : memref<80x128xf32, #tpu.memory_space<vmem>>, vector<16xf32>,
      %mul3A_719 = arith.mulf %get3A_309, %gather3A_533 : vector<16xf32>
      %add3A_720 = arith.constant 3 : i32
      %add3A_721 = arith.addi %mul3A_105, %add3A_720 : i32
      %swap3A_722 = arith.index_cast %add3A_721 : i32 to index
      %swap3A_723 = arith.constant 112 : index
      %swap3A_724 = tpu.vector_load %arg5[%swap3A_722, %swap3A_723] {strides = array<i32>} : memref<80x128xf32, #tpu.memory_space<vmem>>, vector<16xf32>,
      tpu.vector_store %arg5[%swap3A_722, %swap3A_723], %mul3A_719 {strides = array<i32>} : memref<80x128xf32, #tpu.memory_space<vmem>>, vector<16xf32>,
      %scan3A_725 = arith.constant 0 : i32
      scf.yield %scan3A_725 : i32
    }
    %scan3A_81 = arith.constant 20 : i32
    %dma_start3A_82 = arith.constant 0 : i32
    %dma_start3A_83 = arith.constant 0 : i32
    %dma_start3A_84 = tpu.memref_slice %arg14[%dma_start3A_82, %dma_start3A_83] : memref<1024x128xf32, #tpu.memory_space<vmem_shared>> -> memref<1024x128xf32, #tpu.memory_space<vmem_shared>>
    tpu.enqueue_indirect_dma source(%arg5 : memref<80x128xf32, #tpu.memory_space<vmem>>) target(%dma_start3A_84 : memref<1024x128xf32, #tpu.memory_space<vmem_shared>>) offsets(%arg9 : memref<80xi32, #tpu.memory_space<vmem>>) semaphore(%arg23 : memref<!tpu.dma_semaphore, #tpu.memory_space<semaphore_mem>>) {add = true}
    %dma_wait3A_85 = arith.constant 0 : i32
    %dma_wait3A_86 = arith.constant 0 : i32
    %dma_wait3A_87 = tpu.memref_slice %arg14[%dma_wait3A_85, %dma_wait3A_86] : memref<1024x128xf32, #tpu.memory_space<vmem_shared>> -> memref<1024x128xf32, #tpu.memory_space<vmem_shared>>
    tpu.wait_indirect_dma semaphore(%arg23 : memref<!tpu.dma_semaphore, #tpu.memory_space<semaphore_mem>>) src(%arg5 : memref<80x128xf32, #tpu.memory_space<vmem>>) dst(%dma_wait3A_87 : memref<1024x128xf32, #tpu.memory_space<vmem_shared>>)
    %dma_wait3A_88 = arith.constant 0 : i32
    %dma_wait3A_89 = arith.constant 0 : i32
    %dma_wait3A_90 = tpu.memref_slice %arg14[%dma_wait3A_88, %dma_wait3A_89] : memref<1024x128xf32, #tpu.memory_space<vmem_shared>> -> memref<1024x128xf32, #tpu.memory_space<vmem_shared>>
    tpu.wait_indirect_dma semaphore(%arg24 : memref<!tpu.dma_semaphore, #tpu.memory_space<semaphore_mem>>) src(%arg6 : memref<80x128xf32, #tpu.memory_space<vmem>>) dst(%dma_wait3A_90 : memref<1024x128xf32, #tpu.memory_space<vmem_shared>>)
    %dma_wait3A_91 = arith.constant 0 : i32
    %dma_wait3A_92 = arith.constant 0 : i32
    %dma_wait3A_93 = tpu.memref_slice %arg14[%dma_wait3A_91, %dma_wait3A_92] : memref<1024x128xf32, #tpu.memory_space<vmem_shared>> -> memref<1024x128xf32, #tpu.memory_space<vmem_shared>>
    tpu.wait_indirect_dma semaphore(%arg25 : memref<!tpu.dma_semaphore, #tpu.memory_space<semaphore_mem>>) src(%arg7 : memref<80x128xf32, #tpu.memory_space<vmem>>) dst(%dma_wait3A_93 : memref<1024x128xf32, #tpu.memory_space<vmem_shared>>)
    %dma_wait3A_94 = arith.constant 0 : i32
    %dma_wait3A_95 = arith.constant 0 : i32
    %dma_wait3A_96 = tpu.memref_slice %arg14[%dma_wait3A_94, %dma_wait3A_95] : memref<1024x128xf32, #tpu.memory_space<vmem_shared>> -> memref<1024x128xf32, #tpu.memory_space<vmem_shared>>
    tpu.wait_indirect_dma semaphore(%arg26 : memref<!tpu.dma_semaphore, #tpu.memory_space<semaphore_mem>>) src(%arg8 : memref<80x128xf32, #tpu.memory_space<vmem>>) dst(%dma_wait3A_96 : memref<1024x128xf32, #tpu.memory_space<vmem_shared>>)
    %barrier3A_97 = arith.constant 0 : index
    tpu.barrier barrier_id(%barrier3A_97)
    %mul3A_98 = arith.constant 64 : i32
    %mul3A_99 = arith.muli %arg1, %mul3A_98 : i32
    "tpu.region"() ({
      %run_scoped3A = tpu.sem_alloc : memref<!tpu.dma_semaphore, #tpu.memory_space<semaphore_mem>>
      %dma_start3A_102 = arith.constant 0 : i32
      %dma_start3A_103 = tpu.memref_slice %arg14[%mul3A_99, %dma_start3A_102] : memref<1024x128xf32, #tpu.memory_space<vmem_shared>> -> memref<64x128xf32, #tpu.memory_space<vmem_shared>>
      %dma_start3A_104 = arith.constant 0 : i32
      %dma_start3A_105 = tpu.memref_slice %arg14[%mul3A_99, %dma_start3A_104] : memref<1024x128xf32, #tpu.memory_space<vmem_shared>> -> memref<64x128xf32, #tpu.memory_space<vmem_shared>>
      tpu.enqueue_dma source(%dma_start3A_105 : memref<64x128xf32, #tpu.memory_space<vmem_shared>>) target(%arg13 : memref<64x128xf32, #tpu.memory_space<vmem>>) target_semaphore(%run_scoped3A : memref<!tpu.dma_semaphore, #tpu.memory_space<semaphore_mem>>)
      %dma_wait3A_106 = arith.constant 0 : i32
      %dma_wait3A_107 = tpu.memref_slice %arg14[%mul3A_99, %dma_wait3A_106] : memref<1024x128xf32, #tpu.memory_space<vmem_shared>> -> memref<64x128xf32, #tpu.memory_space<vmem_shared>>
      %dma_wait3A_108 = arith.constant 0 : i32
      %dma_wait3A_109 = tpu.memref_slice %arg14[%mul3A_99, %dma_wait3A_108] : memref<1024x128xf32, #tpu.memory_space<vmem_shared>> -> memref<64x128xf32, #tpu.memory_space<vmem_shared>>
      tpu.wait_dma2 semaphore(%run_scoped3A : memref<!tpu.dma_semaphore, #tpu.memory_space<semaphore_mem>>) src(%dma_wait3A_109 : memref<64x128xf32, #tpu.memory_space<vmem_shared>>) dst(%arg13 : memref<64x128xf32, #tpu.memory_space<vmem>>)
      tpu.yield
    }) : () -> ()
    %mul3A_100 = arith.constant 64 : i32
    %mul3A_101 = arith.muli %arg1, %mul3A_100 : i32
    "tpu.region"() ({
      %run_scoped3A = tpu.sem_alloc : memref<!tpu.dma_semaphore, #tpu.memory_space<semaphore_mem>>
      %dma_start3A_102 = arith.constant 0 : i32
      %dma_start3A_103 = tpu.memref_slice %arg4[%arg0, %mul3A_101, %dma_start3A_102] : memref<2x1024x128xf32, #tpu.memory_space<hbm>> -> memref<1x64x128xf32, #tpu.memory_space<hbm>>
      %dma_start3A_104 = tpu.memref_squeeze %dma_start3A_103 : memref<1x64x128xf32, #tpu.memory_space<hbm>> -> memref<64x128xf32, #tpu.memory_space<hbm>>
      %dma_start3A_105 = arith.constant 0 : i32
      %dma_start3A_106 = tpu.memref_slice %arg4[%arg0, %mul3A_101, %dma_start3A_105] : memref<2x1024x128xf32, #tpu.memory_space<hbm>> -> memref<1x64x128xf32, #tpu.memory_space<hbm>>
      %dma_start3A_107 = tpu.memref_squeeze %dma_start3A_106 : memref<1x64x128xf32, #tpu.memory_space<hbm>> -> memref<64x128xf32, #tpu.memory_space<hbm>>
      tpu.enqueue_dma source(%arg13 : memref<64x128xf32, #tpu.memory_space<vmem>>) target(%dma_start3A_107 : memref<64x128xf32, #tpu.memory_space<hbm>>) target_semaphore(%run_scoped3A : memref<!tpu.dma_semaphore, #tpu.memory_space<semaphore_mem>>)
      %dma_wait3A_108 = arith.constant 0 : i32
      %dma_wait3A_109 = tpu.memref_slice %arg4[%arg0, %mul3A_101, %dma_wait3A_108] : memref<2x1024x128xf32, #tpu.memory_space<hbm>> -> memref<1x64x128xf32, #tpu.memory_space<hbm>>
      %dma_wait3A_110 = tpu.memref_squeeze %dma_wait3A_109 : memref<1x64x128xf32, #tpu.memory_space<hbm>> -> memref<64x128xf32, #tpu.memory_space<hbm>>
      %dma_wait3A_111 = arith.constant 0 : i32
      %dma_wait3A_112 = tpu.memref_slice %arg4[%arg0, %mul3A_101, %dma_wait3A_111] : memref<2x1024x128xf32, #tpu.memory_space<hbm>> -> memref<1x64x128xf32, #tpu.memory_space<hbm>>
      %dma_wait3A_113 = tpu.memref_squeeze %dma_wait3A_112 : memref<1x64x128xf32, #tpu.memory_space<hbm>> -> memref<64x128xf32, #tpu.memory_space<hbm>>
      tpu.wait_dma2 semaphore(%run_scoped3A : memref<!tpu.dma_semaphore, #tpu.memory_space<semaphore_mem>>) src(%arg13 : memref<64x128xf32, #tpu.memory_space<vmem>>) dst(%dma_wait3A_113 : memref<64x128xf32, #tpu.memory_space<hbm>>)
      tpu.yield
    }) : () -> ()
    return
  }
}

module attributes {stable_mosaic.version = 14 : i64} {
  func.func @_tc_body(%arg0: i32, %arg1: memref<2x1024x128xf32, #tpu.memory_space<vmem>>, %arg2: memref<2048x128xf32, #tpu.memory_space<vmem>>, %arg3: memref<2048x1000xf32, #tpu.memory_space<vmem>>) attributes {dimension_semantics = [#tpu.dimension_semantics<arbitrary>], iteration_bounds = array<i64: 2>, scalar_prefetch = 0 : i64, scratch_operands = 0 : i64, tpu.core_type = #tpu.core_type<tc>, window_params = [{pipeline_mode = #tpu.pipeline_mode<synchronous>, transform_indices = @transform_0, window_bounds = array<i64: 2, 1024, 128>}, {transform_indices = @transform_1, window_bounds = array<i64: 2048, 128>}, {transform_indices = @transform_2, window_bounds = array<i64: 2048, 1000>}]} {
    %get3A = arith.constant 0 : index
    %get3A_0 = arith.constant 0 : index
    %get3A_1 = arith.constant 0 : index
    %get3A_2 = vector.load %arg1[%get3A, %get3A_0, %get3A_1] : memref<2x1024x128xf32, #tpu.memory_space<vmem>>, vector<1x1024x128xf32>
    %get3A_3 = vector.shape_cast %get3A_2 : vector<1x1024x128xf32> to vector<1024x128xf32>
    %get3A_4 = arith.constant 1 : index
    %get3A_5 = arith.constant 0 : index
    %get3A_6 = arith.constant 0 : index
    %get3A_7 = vector.load %arg1[%get3A_4, %get3A_5, %get3A_6] : memref<2x1024x128xf32, #tpu.memory_space<vmem>>, vector<1x1024x128xf32>
    %get3A_8 = vector.shape_cast %get3A_7 : vector<1x1024x128xf32> to vector<1024x128xf32>
    %add3A = arith.addf %get3A_3, %get3A_8 : vector<1024x128xf32>
    %mul3A = arith.mulf %add3A, %add3A : vector<1024x128xf32>
    %reduce_sum3A = arith.constant dense<0.000000e+00> : vector<1024xf32>
    %reduce_sum3A_9 = vector.multi_reduction <add>, %mul3A, %reduce_sum3A [1] : vector<1024x128xf32> to vector<1024xf32>
    %broadcast_in_dim3A = vector.shape_cast %reduce_sum3A_9 : vector<1024xf32> to vector<1024x1xf32>
    %sqrt3A = math.sqrt %broadcast_in_dim3A : vector<1024x1xf32>
    %max3A = arith.constant 9.99999996E-13 : f32
    %max3A_10 = vector.broadcast %max3A : f32 to vector<1024x1xf32>
    %max3A_11 = arith.maximumf %sqrt3A, %max3A_10 : vector<1024x1xf32>
    %div3A = vector.broadcast %max3A_11 : vector<1024x1xf32> to vector<1024x128xf32>
    %div3A_12 = arith.divf %add3A, %div3A : vector<1024x128xf32>
    %get3A_13 = arith.constant 0 : index
    %get3A_14 = arith.constant 0 : index
    %get3A_15 = vector.load %arg2[%get3A_13, %get3A_14] : memref<2048x128xf32, #tpu.memory_space<vmem>>, vector<2048x128xf32>
    %mul3A_16 = arith.mulf %get3A_15, %get3A_15 : vector<2048x128xf32>
    %reduce_sum3A_17 = arith.constant dense<0.000000e+00> : vector<2048xf32>
    %reduce_sum3A_18 = vector.multi_reduction <add>, %mul3A_16, %reduce_sum3A_17 [1] : vector<2048x128xf32> to vector<2048xf32>
    %broadcast_in_dim3A_19 = vector.shape_cast %reduce_sum3A_18 : vector<2048xf32> to vector<2048x1xf32>
    %sqrt3A_20 = math.sqrt %broadcast_in_dim3A_19 : vector<2048x1xf32>
    %max3A_21 = arith.constant 9.99999996E-13 : f32
    %max3A_22 = vector.broadcast %max3A_21 : f32 to vector<2048x1xf32>
    %max3A_23 = arith.maximumf %sqrt3A_20, %max3A_22 : vector<2048x1xf32>
    %div3A_24 = vector.broadcast %max3A_23 : vector<2048x1xf32> to vector<2048x128xf32>
    %div3A_25 = arith.divf %get3A_15, %div3A_24 : vector<2048x128xf32>
    %dot_general3A = arith.constant dense<0.000000e+00> : vector<2048x1024xf32>
    %dot_general3A_26 = tpu.matmul %div3A_25, %div3A_12, %dot_general3A {dimension_numbers = #tpu.dot_dimension_numbers<[1], [1], [0], [0], [0, 0, 1, 0], [], []>, transpose_lhs_hint = false} : vector<2048x128xf32>, vector<1024x128xf32>, vector<2048x1024xf32> -> vector<2048x1024xf32>
    %mul3A_27 = arith.constant 1.000000e-01 : f32
    %mul3A_28 = vector.broadcast %mul3A_27 : f32 to vector<2048x1024xf32>
    %mul3A_29 = arith.mulf %dot_general3A_26, %mul3A_28 : vector<2048x1024xf32>
    %slice3A = vector.extract_strided_slice %mul3A_29 {offsets = [0, 0], sizes = [2048, 1000], strides = [1, 1]} : vector<2048x1024xf32> to vector<2048x1000xf32>
    %swap3A = arith.constant 0 : index
    %swap3A_30 = arith.constant 0 : index
    %swap3A_31 = vector.load %arg3[%swap3A, %swap3A_30] : memref<2048x1000xf32, #tpu.memory_space<vmem>>, vector<2048x1000xf32>
    tpu.vector_store %arg3[%swap3A, %swap3A_30], %slice3A {strides = array<i32>} : memref<2048x1000xf32, #tpu.memory_space<vmem>>, vector<2048x1000xf32>,
    return
  }
  func.func @transform_0(%arg0: i32) -> (i32, i32, i32) {
    %c0_i32 = arith.constant 0 : i32
    %c0_i32_0 = arith.constant 0 : i32
    %c0_i32_1 = arith.constant 0 : i32
    %c0_i32_2 = arith.constant 0 : i32
    return %c0_i32, %c0_i32_0, %c0_i32_1 : i32, i32, i32
  }
  func.func @transform_1(%arg0: i32) -> (i32, i32) {
    %c0_i32 = arith.constant 0 : i32
    %c0_i32_0 = arith.constant 0 : i32
    return %arg0, %c0_i32 : i32, i32
  }
  func.func @transform_2(%arg0: i32) -> (i32, i32) {
    %c0_i32 = arith.constant 0 : i32
    %c0_i32_0 = arith.constant 0 : i32
    return %arg0, %c0_i32 : i32, i32
  }
}

</mosaic_0001>

<sc_bundles>
// kernel: kernel.4.cloned.1.call-start
scs
__scs_entry_jumppad:
0x0: {  	(pc) =	sbr.rel $0x88, $3  }
0x1: {  	(tag) =	ssettag $0x0;
	lr =	simm.s32 $0x1  }
0x2: {  	[smem:$0x3F9E] =	sst lr;
	_ =	strace $0xD0000000  }
0x3: {  	_ = 	snop  }
0x4: {  	_ = 	snop  }
0x5: {  	_ = 	snop  }
0x6: {  	_ = 	snop  }
0x7: {  	_ = 	snop  }
__scs_overlays_trampoline_lowered:
0x8: {  	[smem:$0x3FAD] =	sst s0  }
0x9: {  	[smem:$0x3FAE] =	sst s1  }
0xa: {  	[smem:$0x3FAF] =	sst s2  }
0xb: {  	[smem:$0x3FB0] =	sst s3  }
0xc: {  	[smem:$0x3FB1] =	sst s4  }
0xd: {  	[smem:$0x3FB2] =	sst s5  }
0xe: {  	[smem:$0x3FB3] =	sst s6  }
0xf: {  	[smem:$0x3FB4] =	sst s7  }
0x10: {  	[smem:$0x3FB5] =	sst s8  }
0x11: {  	[smem:$0x3FB6] =	sst s9;
	s0 =	simm.s32 @!p0 $0x0  }
0x12: {  	s1 =	sld [smem:$0x3F9C];
	s0 =	simm.s32 @p0 $0x1  }
0x13: {  	[smem:$0x3FB7] =	sst s0;
	s0 =	simm.s32 @!p1 $0x0  }
0x14: {  	s2 =	sld [smem:$0x3F9B];
	s0 =	simm.s32 @p1 $0x1  }
0x15: {  	[smem:$0x3FB8] =	sst s0;
	s0 =	simm.s32 @!p2 $0x0  }
0x16: {  	s3 =	sld [smem:$0x3FDB];
	s0 =	simm.s32 @p2 $0x1  }
0x17: {  	s4 =	simm.s32 $0x1BF5;
	[smem:$0x3FBA] =	sst s0  }
0x18: {  	s0 =	sld [smem:$0x3F9D];
	_ =	swait.ge [sflag:s4], $0x0  }
0x19: {  	s7 =	sld [smem:$0x3F9E]  }
0x1a: {  	s8 =	sadd.s32 $0xFFFFE003, lr  }
0x1b: {  	s9 =	sadd.s32 $0xFFFFFEF7, lr;
	s5 =	simm.s32 $0xFFFFFFFF;
	p2 =	slt.u32 s8, $0xFFFFF086  }
0x1c: {  	p1 =	slt.u32 s9, $0xF7A;
	s5 =	simm.s32 @!p2 $0x0  }
0x1d: {  	s5 =	simm.s32 @p1 $0x1;
	p0 =	seq.s32 s7, s2  }
0x1e: {  	s7 =	smul.u32 @!p0 $0xF7A, s2;
	p2 =	seq.s32 @!p0 s5, $0x0  }
0x1f: {  	s9 =	smul.u32 $0xF7A, s1;
	s8 =	simm.s32 @!p0 $0x1BF5;
	p2 =	por !p2, p0  }
0x20: {  	[sflag:s8] =	ssyncset.s32 @!p0 $0xFFFFF086;
	s6 =	sadd.s32 @!p0 s3, s7;
	s7 =	simm.s32 @!p0 $0x108  }
0x21: {  	s3 =	sadd.s32 s3, s9;
	s6 =	sadd.s32 @!p0 $0x88, s6;
	s7 =	simm.s32 @p2 $0x1082  }
0x22: {  	[simem:s7], [sflag:s8] =	dma.local @!p0 [hbm:s6], $0xF7A  }
0x23: {  	s9 =	sor.u32 $0xD0000000, s2;
	s6 =	simm.s32 $0x108;
	_ =	swait.ge @!p0 [sflag:s8], $0x0  }
0x24: {  	s3 =	sadd.s32 $0x88, s3;
	s6 =	simm.s32 @!p1 $0x1082;
	[sflag:s4] =	ssyncset.s32 $0xFFFFF086  }
0x25: {  	[simem:s6], [sflag:s4] =	dma.local [hbm:s3], $0xF7A  }
0x26: {  	[smem:$0x3F9E] =	sst s1;
	(tag) =	ssettag s2;
	_ =	strace s9  }
0x27: {  	s1 =	sld [smem:$0x3FAE]  }
0x28: {  	s2 =	sld [smem:$0x3FAF]  }
0x29: {  	s4 =	sld [smem:$0x3FB1]  }
0x2a: {  	p0 =	seq.s32 s5, $0x0;
	s5 =	sld [smem:$0x3FB2]  }
0x2b: {  	s6 =	sld [smem:$0x3FB3]  }
0x2c: {  	s7 =	sld [smem:$0x3FB4]  }
0x2d: {  	s3 =	simm.s32 $0x108;
	s8 =	sld [smem:$0x3FB5]  }
0x2e: {  	s3 =	simm.s32 @!p0 $0x1082;
	s9 =	sld [smem:$0x3FB6]  }
0x2f: {  	lr =	sadd.s32 s0, s3;
	s0 =	sld [smem:$0x3FAD]  }
0x30: {  	s3 =	sld [smem:$0x3FB0]  }
0x31: {  	[smem:$0x3FB9] =	sst s10  }
0x32: {  	s10 =	sld [smem:$0x3FB7];
	_ =	sdelay $0x3  }
0x33: {  	p0 =	seq.s32 s10, $0x1;
	s10 =	sld [smem:$0x3FB9];
	_ =	sdelay $0x3  }
0x34: {  	[smem:$0x3FB9] =	sst s10  }
0x35: {  	s10 =	sld [smem:$0x3FB8];
	_ =	sdelay $0x3  }
0x36: {  	p1 =	seq.s32 s10, $0x1;
	s10 =	sld [smem:$0x3FB9];
	_ =	sdelay $0x3  }
0x37: {  	[smem:$0x3FB9] =	sst s10  }
0x38: {  	s10 =	sld [smem:$0x3FBA]  }
0x39: {  	_ = 	snop;
	(pc) =	sbr.ind lr, $3  }
0x3a: {  	_ = 	snop  }
0x3b: {  	_ = 	snop  }
0x3c: {  	p2 =	seq.s32 s10, $0x1;
	s10 =	sld [smem:$0x3FB9]  }
0x3d: {  	_ =	shalt  }
0x3e: {  	_ =	shalt  }
0x3f: {  	_ =	shalt  }
0x40: {  	_ =	shalt  }
0x41: {  	_ =	shalt  }
0x42: {  	_ =	shalt  }
0x43: {  	_ =	shalt  }
0x44: {  	_ =	shalt  }
0x45: {  	_ =	shalt  }
0x46: {  	_ =	shalt  }
0x47: {  	_ =	shalt  }
0x48: {  	_ =	shalt  }
0x49: {  	_ =	shalt  }
0x4a: {  	_ =	shalt  }
0x4b: {  	_ =	shalt  }
0x4c: {  	_ =	shalt  }
0x4d: {  	_ =	shalt  }
0x4e: {  	_ =	shalt  }
0x4f: {  	_ =	shalt  }
0x50: {  	_ =	shalt  }
0x51: {  	_ =	shalt  }
0x52: {  	_ =	shalt  }
0x53: {  	_ =	shalt  }
0x54: {  	_ =	shalt  }
0x55: {  	_ =	shalt  }
0x56: {  	_ =	shalt  }
0x57: {  	_ =	shalt  }
0x58: {  	_ =	shalt  }
0x59: {  	_ =	shalt  }
0x5a: {  	_ =	shalt  }
0x5b: {  	_ =	shalt  }
0x5c: {  	_ =	shalt  }
0x5d: {  	_ =	shalt  }
0x5e: {  	_ =	shalt  }
0x5f: {  	_ =	shalt  }
0x60: {  	_ =	shalt  }
0x61: {  	_ =	shalt  }
0x62: {  	_ =	shalt  }
0x63: {  	_ =	shalt  }
0x64: {  	_ =	shalt  }
0x65: {  	_ =	shalt  }
0x66: {  	_ =	shalt  }
0x67: {  	_ =	shalt  }
0x68: {  	_ =	shalt  }
0x69: {  	_ =	shalt  }
0x6a: {  	_ =	shalt  }
0x6b: {  	_ =	shalt  }
0x6c: {  	_ =	shalt  }
0x6d: {  	_ =	shalt  }
0x6e: {  	_ =	shalt  }
0x6f: {  	_ =	shalt  }
0x70: {  	_ =	shalt  }
0x71: {  	_ =	shalt  }
0x72: {  	_ =	shalt  }
0x73: {  	_ =	shalt  }
0x74: {  	_ =	shalt  }
0x75: {  	_ =	shalt  }
0x76: {  	_ =	shalt  }
0x77: {  	_ =	shalt  }
0x78: {  	_ =	shalt  }
0x79: {  	_ =	shalt  }
0x7a: {  	_ =	shalt  }
0x7b: {  	_ =	shalt  }
0x7c: {  	_ =	shalt  }
0x7d: {  	_ =	shalt  }
0x7e: {  	_ =	shalt  }
0x7f: {  	_ =	shalt  }
0x80: {  	_ =	shalt  }
0x81: {  	_ =	shalt  }
0x82: {  	_ =	shalt  }
0x83: {  	_ =	shalt  }
0x84: {  	_ =	shalt  }
0x85: {  	_ =	shalt  }
0x86: {  	_ =	shalt  }
0x87: {  	_ =	shalt  }
.Lfunc_end0:
.L_simem_size_0:
called_computation_lowered:
.L_overlay_start_0:
0x88: {  	s2 =	sld [smem:$0x3FD9]  }
0x89: {  	s3 =	sld [smem:$0x3FFE];
	_ =	sdelay $0x1  }
0x8a: {  	s1 =	srdreg.scid  }
0x8b: {  	s0 =	sand.u32 $0x1, s1  }
0x8c: {  	s18 =	sshll.u32 s0, $0xA;
	s2 =	sadd.s32 s3, s2  }
0x8d: {  	s2 =	sadd.s32 s2, s18  }
0x8e: {  	[smem:$0x3FC5] =	sst s2  }
0x8f: {  	_ = 	snop  }
0x90: {  	s2 =	sld [smem:$0x3FC9]  }
0x91: {  	s19 =	sld [smem:$0x3FC8]  }
0x92: {  	s4 =	sld [smem:$0x3FD0];
	(tm) =	ssettm $0x1  }
0x93: {  	s5 =	sld [smem:$0x3FFB];
	_ =	sdelay $0x3  }
0x94: {  	_ =	strace s5  }
0x95: {  	s5 =	sld [smem:$0x3FFC];
	_ =	sdelay $0x3  }
0x96: {  	_ =	strace s5  }
0x97: {  	s5 =	sld [smem:$0x3FFD];
	_ =	sdelay $0x3  }
0x98: {  	_ =	strace s5  }
0x99: {  	_ =	strace $0x8FFFFFFF  }
0x9a: {  	s20 =	sld [smem:$0x3FDB];
	_ =	sdelay $0x1  }
0x9b: {  	s6 =	simm.s32 $_scs_section_size  }
0x9c: {  	s7 =	simm.s32 $_size__tile_overlayer_lowered;
	s8 =	simm.s32 $_tile_overlayer_lowered  }
0x9d: {  	s23 =	simm.s32 $0x1BFF;
	s22 =	sshll.u32 s8, $0x1;
	s5 =	sadd.s32 s6, s20  }
0x9e: {  	s9 =	simm.s32 $0x0;
	s21 =	sshll.u32 s7, $0x1;
	s7 =	sadd.s32 s22, s5  }
0x9f: {  	[timem:s9], [sflag:s23] =	dma.local [hbm:s7], s21  }
0xa0: {  	_ =	swait.ge [sflag:s23], s21  }
0xa1: {  	s6 =	ssub.s32 $0x0, s21;
	[sflag:s23] =	ssyncset.done $0x0  }
0xa2: {  	[sflag:s23] =	ssyncadd.s32 s6;
	_ =	sdelay $0x1  }
0xa3: {  	s24 =	simm.s32 $0x1B8B  }
0xa4: {  	_ =	swait.ge [sflag:s24], $0x1  }
0xa5: {  	[sflag:s24] =	ssyncset.done $0x0  }
0xa6: {  	s25 =	simm.s32 $0x1B8E;
	[sflag:s24] =	ssyncadd.s32 $0xFFFFFFFF  }
0xa7: {  	s26 =	simm.s32 $execute0_lowered;
	[smem:$0x3FD2] =	sst s25  }
0xa8: {  	s6 =	sshll.u32 s26, $0x1;
	_ =	strace $0x80000046;
	[dreg:$0x1] =	wrdreg $0xFFFFFFFF  }
0xa9: {  	s28 =	simm.s32 $_size_execute0_lowered;
	s5 =	sadd.s32 s5, s6;
	[dreg:$0x0] =	wrdreg $0x0  }
0xaa: {  	s6 =	sshll.u32 s28, $0x1;
	[dreg:$0x2] =	wrdreg s5  }
0xab: {  	[dreg:$0x3] =	wrdreg s6  }
0xac: {  	[dreg:$0x4] =	wrdreg $0xC0  }
0xad: {  	_ =	task [dreg:s9], $0x5FFFF  }
0xae: {  	[dreg:$0x1] =	wrdreg $0xFFFFFFFF  }
0xaf: {  	[dreg:$0x0] =	wrdreg $0x60  }
0xb0: {  	[dreg:$0x2] =	wrdreg s2  }
0xb1: {  	[dreg:$0x3] =	wrdreg s19  }
0xb2: {  	[dreg:$0x4] =	wrdreg s4  }
0xb3: {  	[dreg:$0x5] =	wrdreg $0xC2000  }
0xb4: {  	[dreg:$0x6] =	wrdreg $0x9  }
0xb5: {  	_ =	task.clear_ibuf [dreg:s9], $0x7FFFF;
	_ =	strace $0x90000046  }
0xb6: {  	s29 =	simm.s32 $0x9;
	_ =	strace $0x80000048  }
0xb7: {  	_ =	swait.ge [sflag:s29], $0x1  }
0xb8: {  	[sflag:s29] =	ssyncadd.s32 $0xFFFFFFFF  }
0xb9: {  	_ =	strace $0x90000048  }
0xba: {  	_ =	sfence  }
0xbb: {  	s30 =	sld [smem:$0x0];
	_ =	sdelay $0x2  }
0xbc: {  	s31 =	sshll.u32 s1, $0xD;
	s1 =	sshrl.u32 s1, $0x2  }
0xbd: {  	s3 =	sand.u32 $0x4000, s31;
	s1 =	sadd.s32 s1, s30  }
0xbe: {  	s0 =	sor.u32 s3, s0;
	s1 =	sshll.u32 s1, $0x11  }
0xbf: {  	s0 =	sor.u32 s1, s0  }
0xc0: {  	s0 =	sadd.s32 $0x8F2B, s0  }
0xc1: {  	[sflag:s0] =	ssyncadd.remote.s32 $0x1  }
0xc2: {  	_ =	sfence.sel $0xFFFF  }
0xc3: {  	[dreg:$0x0] =	wrdreg $0xFFFFFFFF;
	(pc) =	sbr.abs _section_cstart, $3  }
0xc4: {  	[dreg:$0x1] =	wrdreg $0xFFFFFFFF  }
0xc5: {  	_ =	task.clear_ibuf [dreg:s9], $0x2FFFF;
	_ =	strace $0x9FFFFFFF  }
0xc6: {  	(tm) =	ssettm $0x7FFFFFFF  }
0xc7: {  	_ =	shalt  }
tec
execute0_lowered:
.L_overlay_start_1:
0x0: {  	(tag) =	ssettag $0x1  }
0x1: {  	s1 =	rddreg [dreg:$0x0]  }
0x2: {  	s2 =	rddreg [dreg:$0x1]  }
0x3: {  	s0 =	rddreg [dreg:$0x2];
	s3 =	srdreg.scid  }
0x4: {  	s13 =	stileid.u32;
	s4 =	rddreg [dreg:$0x3]  }
0x5: {  	s5 =	simm.s32 $0x0;
	s28 =	simm.s32 $0xA100;
	s29 =	simm.s32 $0x7800  }
0x6: {  	s30 =	simm.s32 $0xA180;
	s31 =	simm.s32 $0x1;
	s14 =	simm.s32 $0x4  }
0x7: {  	s3 =	sand.u32 $0x1, s3;
	s6 =	sshll.u32 s13, $0x1;
	[smem:$0x7FF] =	sst s5  }
0x8: {  	s10 =	sshll.u32 s13, $0xD;
	s25 =	sshll.u32 s13, $0xA;
	s13 =	simm.s32 $0x9  }
0x9: {  	s6 =	sor.u32 s3, s6;
	s7 =	ssub.s32 $0x2, s3;
	_ =	strace $0x80000047  }
0xa: {  	s20 =	sadd.s32 s10, s4;
	s3 =	sshll.u32 s3, $0xE;
	s0 =	sadd.s32 s0, s25  }
0xb: {  	s25 =	simm.s32 $0xA080;
	s10 =	simm.s32 $0x7;
	s8 =	smul.u32 $0x2710, s6  }
0xc: {  	s9 =	sshrl.u32 s7, $0x1;
	s6 =	smul.u32 $0x27100, s6;
	s0 =	sadd.s32 s3, s0  }
0xd: {  	s3 =	simm.s32 $0x5;
	[dreg:$0x5] =	wrdreg s20;
	s7 =	ssub.s32 s7, s9  }
0xe: {  	[dreg:$0xe] =	wrdreg s0;
	s0 =	simm.s32 $0x50;
	s6 =	sadd.s32 s1, s6  }
0xf: {  	v0 =	vimm.s32 $0xFEDCBA98;
	s15 =	sshrl.u32 s8, $0x3;
	s16 =	sadd.s32 $0x50, s8;
	s11 =	sadd.s32 $0xA0, s8  }
0x10: {  	v1 =	vimm.s32 $0x76543210;
	v2 =	vimm.s32 $0xBA98FEDC;
	s12 =	sadd.s32 $0xF0, s8;
	s26 =	smax.u32 s7, $0x1;
	s7 =	simm.s32 $0x2  }
0x11: {  	v3 =	vimm.s32 $0x32107654;
	v4 =	vimm.s32 $0xDCFE98BA;
	v5 =	vimm.s32 $0x54761032;
	[dreg:$0x6] =	wrdreg s6;
	s6 =	sadd.s32 s2, s15;
	s17 =	sshll.u32 s16, $0x4  }
0x12: {  	v6 =	vimm.s32 $0xEFCDAB89;
	v7 =	vimm.s32 $0x67452301;
	vm0 =	vmmov $0xff;
	s9 =	sshrl.u32 s16, $0x3;
	s19 =	sshll.u32 s11, $0x4;
	s21 =	sshrl.u32 s11, $0x3  }
0x13: {  	v0 =	vunpack.c.l.s4.s8 v0;
	v1 =	vunpack.c.l.s4.s8 v1;
	v2 =	vunpack.c.l.s4.s8 v2;
	s23 =	sshll.u32 s12, $0x4;
	s24 =	sshrl.u32 s12, $0x3;
	[dreg:$0xf] =	wrdreg s26  }
0x14: {  	v3 =	vunpack.c.l.s4.s8 v3;
	v4 =	vunpack.c.l.s4.s8 v4;
	v5 =	vunpack.c.l.s4.s8 v5;
	s15 =	simm.s32 $0x8;
	s16 =	simm.s32 $0xA;
	[dreg:$0x7] =	wrdreg s6  }
0x15: {  	v6 =	vunpack.c.l.s4.s8 v6;
	v7 =	vunpack.c.l.s4.s8 v7;
	v0 =	vunpack.c.0.s8.s32 v0;
	s6 =	sadd.s32 s1, s17;
	s18 =	sadd.s32 s2, s9;
	s22 =	sadd.s32 s2, s21  }
0x16: {  	v2 =	vunpack.c.0.s8.s32 v2;
	v3 =	vunpack.c.0.s8.s32 v3;
	v4 =	vunpack.c.0.s8.s32 v4;
	s17 =	sadd.s32 $0x140, s8;
	s21 =	simm.s32 $0xA200;
	[dreg:$0x8] =	wrdreg s6  }
0x17: {  	v5 =	vunpack.c.0.s8.s32 v5;
	v6 =	vunpack.c.0.s8.s32 v6;
	v7 =	vunpack.c.0.s8.s32 v7;
	s9 =	simm.s32 $0x3;
	[dreg:$0x9] =	wrdreg s18;
	s6 =	sadd.s32 s1, s19  }
0x18: {  	v1 =	vunpack.c.0.s8.s32 v1;
	v2 =	vcombine.low v3, v2;
	v3 =	vand.u32 $0xF, v0;
	[dreg:$0xb] =	wrdreg s22;
	s18 =	sadd.s32 $0x190, s8;
	s22 =	simm.s32 $0xD  }
0x19: {  	v4 =	vcombine.low v5, v4;
	v0 =	vimm.f32 $0.0e+00;
	v5 =	vcombine.low v7, v6;
	s8 =	simm.s32 $0x6;
	[dreg:$0xa] =	wrdreg s6;
	s6 =	sadd.s32 s1, s23  }
0x1a: {  	v6 =	vimm.s32 $0x8;
	v1 =	vcombine.low v3, v1;
	v2 =	vand.u32 $0xF, v2;
	s19 =	simm.s32 $0x0;
	[dreg:$0xc] =	wrdreg s6;
	s6 =	sadd.s32 s2, s24  }
0x1b: {  	v3 =	vand.u32 $0xF, v4;
	v4 =	vand.u32 $0xF, v5;
	v5 =	vimm.s32 $0x0;
	s23 =	simm.s32 $0xA000;
	s24 =	simm.s32 $0x2800;
	[dreg:$0xd] =	wrdreg s6  }
.LBB2_1:
0x1c: {  	[dreg:$0x10] =	wrdreg s19;
	s6 =	simm.s32 $0x0;
	s19 =	simm.s32 $0x200  }
.LBB2_2:
0x1d: {  	p0 =	sne.s32 s19, $0x7E00;
	[tilespmem:s6+$0xA270] =	vst v0  }
0x1e: {  	[tilespmem:s6+$0xA200] =	vst v0  }
0x1f: {  	[tilespmem:s6+$0xA210] =	vst v0  }
.Ltmp0:
0x20: {  	[tilespmem:s6+$0xA220] =	vst v0;
	(pc) =	sbr.rel @p0 .LBB2_2-.Ltmp0, $4  }
0x21: {  	[tilespmem:s6+$0xA230] =	vst v0  }
0x22: {  	[tilespmem:s6+$0xA240] =	vst v0  }
0x23: {  	[tilespmem:s6+$0xA250] =	vst v0  }
0x24: {  	[tilespmem:s6+$0xA260] =	vst v0;
	s6 =	sshra.s32 s19, $0x2;
	s19 =	sadd.s32 $0x200, s19  }
0x25: {  	[tilespmem:s6+$0xA270] =	vst v0  }
0x26: {  	[tilespmem:s6+$0xA200] =	vst v0  }
0x27: {  	[tilespmem:s6+$0xA210] =	vst v0  }
0x28: {  	[tilespmem:s6+$0xA220] =	vst v0  }
0x29: {  	[tilespmem:s6+$0xA230] =	vst v0  }
0x2a: {  	[tilespmem:s6+$0xA240] =	vst v0  }
0x2b: {  	[tilespmem:s6+$0xA250] =	vst v0  }
0x2c: {  	[tilespmem:s6+$0xA260] =	vst v0  }
0x2d: {  	[spmem:s20] =	stream.linear.scatter [tilespmem:s21], [sflag:$0xD], $0x2000, $0x38;
	[tilespmem:$0xE200] =	vst v63  }
0x2e: {  	_ =	swait.ge [sflag:s22], $0x2000  }
0x2f: {  	[sflag:s22] =	ssyncset.done $0x0  }
0x30: {  	[sflag:s22] =	ssyncadd.s32 $0xFFFFE000  }
0x31: {  	[bflag:$0x0] =	sbarrier.arrive $0xFFFF  }
0x32: {  	s19 =	simm.s32 $0x0;
	s22 =	rddreg [dreg:$0x6]  }
0x33: {  	[tilespmem:s19], [sflag:$0x1] =	stream.linear.gather [hbm4b:s22+s19], $0x2800, $0x38;
	[tilespmem:$0xE200] =	vst v63  }
0x34: {  	s26 =	rddreg [dreg:$0x7]  }
0x35: {  	[tilespmem:s23], [sflag:$0x5] =	stream.linear.gather [hbm4b:s26+s19], $0x50, $0x38;
	[tilespmem:$0xE200] =	vst v63  }
0x36: {  	s20 =	rddreg [dreg:$0x8]  }
0x37: {  	[tilespmem:s24], [sflag:$0x2] =	stream.linear.gather [hbm4b:s20+s19], $0x2800, $0x38;
	[tilespmem:$0xE200] =	vst v63  }
0x38: {  	s21 =	rddreg [dreg:$0x9]  }
0x39: {  	[tilespmem:s25], [sflag:$0x6] =	stream.linear.gather [hbm4b:s21+s19], $0x50, $0x38;
	[tilespmem:$0xE200] =	vst v63  }
0x3a: {  	s22 =	rddreg [dreg:$0xa];
	s26 =	simm.s32 $0x5000  }
0x3b: {  	[tilespmem:s26], [sflag:$0x3] =	stream.linear.gather [hbm4b:s22+s19], $0x2800, $0x38;
	[tilespmem:$0xE200] =	vst v63  }
0x3c: {  	s21 =	rddreg [dreg:$0xb]  }
0x3d: {  	[tilespmem:s28], [sflag:$0x7] =	stream.linear.gather [hbm4b:s21+s19], $0x50, $0x38;
	[tilespmem:$0xE200] =	vst v63  }
0x3e: {  	s22 =	rddreg [dreg:$0xc]  }
0x3f: {  	[tilespmem:s29], [sflag:$0x4] =	stream.linear.gather [hbm4b:s22+s19], $0x2800, $0x38;
	[tilespmem:$0xE200] =	vst v63  }
0x40: {  	s26 =	rddreg [dreg:$0xd]  }
0x41: {  	[tilespmem:s30], [sflag:$0x8] =	stream.linear.gather [hbm4b:s26+s19], $0x50, $0x38;
	[tilespmem:$0xE200] =	vst v63  }
.LBB2_4:
0x42: {  	_ =	swait.ge [sflag:s31], $0x2800  }
0x43: {  	[sflag:s31] =	ssyncset.done $0x0  }
0x44: {  	[sflag:s31] =	ssyncadd.s32 $0xFFFFD800  }
0x45: {  	_ =	swait.ge [sflag:s3], $0x50  }
0x46: {  	[sflag:s3] =	ssyncset.done $0x0  }
0x47: {  	s20 =	simm.s32 $0x0;
	[sflag:s3] =	ssyncadd.s32 $0xFFFFFFB0  }
0x48: {  	v11 =	vld [tilespmem:s20+$0x1B0]  }
0x49: {  	v18 =	vld [tilespmem:s20+$0x1A0]  }
0x4a: {  	v12 =	vld [tilespmem:s20+$0x190]  }
0x4b: {  	v9 =	vld [tilespmem:s20+$0x120]  }
0x4c: {  	v23 =	vld [tilespmem:s20+$0x180]  }
0x4d: {  	v27 =	vld [tilespmem:s20+$0x170]  }
0x4e: {  	v16 =	vld [tilespmem:s20+$0x110]  }
0x4f: {  	v15 =	vld [tilespmem:s20+$0x100]  }
0x50: {  	v8 =	vld [tilespmem:s20+$0x1E0]  }
0x51: {  	v14 =	vld [tilespmem:s20+$0x1D0]  }
0x52: {  	v10 =	vld [tilespmem:s20+$0x1F0]  }
0x53: {  	v37 =	vld [tilespmem:s20+$0x130];
	v7 =	vmul.f32 v12, v12;
	v17 =	vmul.f32 v23, v23  }
0x54: {  	v29 =	vld [tilespmem:s20+$0x1C0];
	v19 =	vmul.f32 v16, v16;
	v20 =	vmul.f32 v15, v15  }
0x55: {  	v38 =	vld [tilespmem:s20+$0x140];
	v21 =	vmul.f32 v18, v18;
	v17 =	vadd.f32 v7, v17  }
0x56: {  	v13 =	vld [tilespmem:s20+$0x150];
	v22 =	vmul.f32 v9, v9;
	v19 =	vadd.f32 v19, v20  }
0x57: {  	v34 =	vld [tilespmem:s20+$0x160];
	v20 =	vmul.f32 v11, v11;
	v21 =	vadd.f32 v21, v17  }
0x58: {  	v24 =	vmul.f32 v37, v37;
	v17 =	vld [tilespmem:s20+$0x0];
	v19 =	vadd.f32 v22, v19  }
0x59: {  	v20 =	vadd.f32 v20, v21;
	v21 =	vld [tilespmem:s20+$0x10]  }
0x5a: {  	v25 =	vmul.f32 v38, v38;
	v22 =	vmul.f32 v29, v29;
	v26 =	vadd.f32 v24, v19;
	v19 =	vld [tilespmem:s20+$0x80]  }
0x5b: {  	v28 =	vmul.f32 v14, v14;
	v30 =	vmul.f32 v13, v13;
	v24 =	vld [tilespmem:s20+$0x20]  }
0x5c: {  	v31 =	vmul.f32 v8, v8;
	v20 =	vadd.f32 v22, v20;
	v22 =	vld [tilespmem:s20+$0x90];
	v26 =	vadd.f32 v25, v26  }
0x5d: {  	v32 =	vmul.f32 v10, v10;
	v35 =	vmul.f32 v34, v34;
	v7 =	vld [tilespmem:s20+$0x30]  }
0x5e: {  	v40 =	vmul.f32 v27, v27;
	v25 =	vld [tilespmem:s20+$0xA0];
	v28 =	vadd.f32 v28, v20;
	v36 =	vadd.f32 v30, v26  }
0x5f: {  	v33 =	vmul.f32 v17, v17;
	v39 =	vmul.f32 v21, v21  }
0x60: {  	v26 =	vld [tilespmem:s20+$0xB0];
	v55 =	vmul.f32 v19, v19;
	v31 =	vadd.f32 v31, v28;
	v35 =	vadd.f32 v35, v36  }
0x61: {  	v20 =	vld [tilespmem:s20+$0x40];
	v56 =	vmul.f32 v24, v24;
	v41 =	vmul.f32 v22, v22;
	v33 =	vadd.f32 v39, v33  }
0x62: {  	v59 =	vmul.f32 v7, v7;
	v28 =	vld [tilespmem:s20+$0xC0];
	v42 =	vadd.f32 v32, v31;
	v40 =	vadd.f32 v40, v35  }
0x63: {  	v30 =	vld [tilespmem:s20+$0x50];
	v57 =	vmul.f32 v25, v25;
	v58 =	vadd.f32 v41, v55;
	v43 =	vadd.f32 v56, v33  }
0x64: {  	v31 =	vld [tilespmem:s20+$0xD0];
	v60 =	vperm.xlane v42, v1;
	v45 =	vperm.xlane v40, v1  }
0x65: {  	v32 =	vld [tilespmem:s20+$0x60];
	v44 =	vmul.f32 v26, v26;
	v39 =	vadd.f32 v57, v58;
	v61 =	vadd.f32 v59, v43  }
0x66: {  	v46 =	vmul.f32 v20, v20;
	v33 =	vld [tilespmem:s20+$0xE0];
	v41 =	vadd.f32 v60, v42;
	v40 =	vadd.f32 v45, v40  }
0x67: {  	v35 =	vld [tilespmem:s20+$0x70];
	v62 =	vmul.f32 v28, v28;
	v39 =	vadd.f32 v44, v39  }
0x68: {  	v36 =	vld [tilespmem:s20+$0xF0];
	v63 =	vmul.f32 v30, v30;
	v42 =	vadd.f32 v46, v61;
	v40 =	vsel vm0, v40, v41  }
0x69: {  	v48 =	vmul.f32 v31, v31;
	v39 =	vadd.f32 v62, v39;
	v50 =	vperm.xlane v40, v2  }
0x6a: {  	v49 =	vmul.f32 v32, v32;
	v42 =	vadd.f32 v63, v42  }
0x6b: {  	v51 =	vmul.f32 v33, v33;
	v39 =	vadd.f32 v48, v39;
	v40 =	vadd.f32 v50, v40  }
0x6c: {  	v52 =	vmul.f32 v35, v35;
	v41 =	vadd.f32 v49, v42  }
0x6d: {  	v53 =	vmul.f32 v36, v36;
	v39 =	vadd.f32 v51, v39;
	v54 =	vperm.xlane v40, v3  }
0x6e: {  	v41 =	vadd.f32 v52, v41  }
0x6f: {  	v39 =	vadd.f32 v53, v39;
	v40 =	vadd.f32 v54, v40  }
0x70: {  	v55 =	vperm.xlane v41, v1  }
0x71: {  	v43 =	vperm.xlane v39, v1;
	v56 =	vperm.xlane v40, v4  }
0x72: {  	v41 =	vadd.f32 v55, v41  }
0x73: {  	v39 =	vadd.f32 v43, v39;
	v40 =	vadd.f32 v56, v40;
	_ =	sdelay $0x1  }
0x74: {  	v39 =	vsel vm0, v41, v39;
	v57 =	vshra.s32 v40, $0x1;
	v40 =	vmul.f32 $-5.000000000e-01, v40  }
0x75: {  	v58 =	vperm.xlane v39, v2;
	v41 =	vsub.s32 $0x5F3759DF, v57  }
0x76: {  	v59 =	vmul.f32 v41, v40  }
0x77: {  	v39 =	vadd.f32 v58, v39  }
0x78: {  	v60 =	vmul.f32 v41, v59  }
0x79: {  	v61 =	vperm.xlane v39, v3  }
0x7a: {  	v42 =	vadd.f32 $1.500000000e+00, v60  }
0x7b: {  	v39 =	vadd.f32 v61, v39  }
0x7c: {  	v41 =	vmul.f32 v41, v42  }
0x7d: {  	v62 =	vperm.xlane v39, v4  }
0x7e: {  	v63 =	vmul.f32 v41, v40  }
0x7f: {  	v39 =	vadd.f32 v62, v39  }
0x80: {  	v43 =	vmul.f32 v63, v41  }
0x81: {  	v42 =	vshra.s32 v39, $0x1;
	v39 =	vmul.f32 $-5.000000000e-01, v39  }
0x82: {  	v42 =	vsub.s32 $0x5F3759DF, v42;
	v44 =	vadd.f32 $1.500000000e+00, v43  }
0x83: {  	s6 =	simm.s32 $0x800;
	v43 =	vmul.f32 v42, v39  }
.LBB2_5:
0x84: {  	p0 =	sne.s32 s6, $0x9800;
	v41 =	vmul.f32 v44, v41;
	s21 =	smov.u32 s6;
	s6 =	sadd.s32 $0x800, s6  }
0x85: {  	v43 =	vmul.f32 v42, v43  }
0x86: {  	v40 =	vmul.f32 v41, v40  }
0x87: {  	v43 =	vadd.f32 $1.500000000e+00, v43  }
0x88: {  	v40 =	vmul.f32 v40, v41  }
0x89: {  	v42 =	vmul.f32 v42, v43  }
0x8a: {  	v40 =	vadd.f32 $1.500000000e+00, v40  }
0x8b: {  	v43 =	vmul.f32 v42, v39  }
0x8c: {  	v40 =	vmul.f32 v40, v41  }
0x8d: {  	v41 =	vmul.f32 v43, v42  }
0x8e: {  	v40 =	vmin.f32 v40, $9.999999950e+11  }
0x8f: {  	v41 =	vadd.f32 $1.500000000e+00, v41;
	v43 =	vperm.xlane v40, v5;
	v40 =	vperm.xlane v40, v6;
	_ =	sdelay $0x1  }
0x90: {  	v18 =	vmul.f32 v40, v18;
	v11 =	vmul.f32 v40, v11  }
0x91: {  	v41 =	vmul.f32 v41, v42;
	v23 =	vmul.f32 v40, v23  }
0x92: {  	v27 =	vmul.f32 v43, v27;
	v29 =	vmul.f32 v40, v29;
	[tilespmem:s20+$0x1B0] =	vst v11  }
0x93: {  	s22 =	sshra.s32 s21, $0x2;
	v38 =	vmul.f32 v43, v38;
	v12 =	vmul.f32 v40, v12;
	[tilespmem:s20+$0x1A0] =	vst v18  }
0x94: {  	v37 =	vmul.f32 v43, v37;
	v18 =	vmul.f32 v41, v39;
	[tilespmem:s20+$0x170] =	vst v27  }
0x95: {  	v16 =	vmul.f32 v43, v16;
	v9 =	vmul.f32 v43, v9;
	v11 =	vld [tilespmem:s22+$0x1B0];
	[tilespmem:s20+$0x190] =	vst v12  }
0x96: {  	v14 =	vmul.f32 v40, v14;
	v27 =	vmul.f32 v18, v41;
	[tilespmem:s20+$0x180] =	vst v23  }
0x97: {  	v8 =	vmul.f32 v40, v8;
	v10 =	vmul.f32 v40, v10;
	v18 =	vld [tilespmem:s22+$0x1A0];
	[tilespmem:s20+$0x120] =	vst v9  }
0x98: {  	v15 =	vmul.f32 v43, v15;
	v13 =	vmul.f32 v43, v13;
	v27 =	vadd.f32 $1.500000000e+00, v27;
	v12 =	vld [tilespmem:s22+$0x190];
	[tilespmem:s20+$0x130] =	vst v37  }
0x99: {  	v34 =	vmul.f32 v43, v34;
	v9 =	vld [tilespmem:s22+$0x120];
	[tilespmem:s20+$0x1E0] =	vst v8  }
0x9a: {  	v37 =	vmul.f32 v27, v41;
	v23 =	vld [tilespmem:s22+$0x180];
	[tilespmem:s20+$0x1D0] =	vst v14  }
0x9b: {  	v27 =	vld [tilespmem:s22+$0x170];
	[tilespmem:s20+$0x1C0] =	vst v29  }
0x9c: {  	v29 =	vmin.f32 v37, $9.999999950e+11;
	v8 =	vld [tilespmem:s22+$0x1E0];
	[tilespmem:s20+$0x1F0] =	vst v10  }
0x9d: {  	v39 =	vperm.xlane v29, v5;
	v14 =	vld [tilespmem:s22+$0x1D0];
	v37 =	vmul.f32 v12, v12;
	[tilespmem:s20+$0x160] =	vst v34  }
0x9e: {  	v40 =	vperm.xlane v29, v6;
	v34 =	vmul.f32 v18, v18;
	v10 =	vld [tilespmem:s22+$0x1F0];
	[tilespmem:s20+$0x110] =	vst v16  }
0x9f: {  	v7 =	vmul.f32 v39, v7;
	v20 =	vmul.f32 v39, v20;
	v16 =	vld [tilespmem:s22+$0x110];
	[tilespmem:s20+$0x140] =	vst v38  }
0xa0: {  	v41 =	vmul.f32 v9, v9;
	v26 =	vmul.f32 v40, v26;
	v29 =	vld [tilespmem:s22+$0x1C0];
	[tilespmem:s20+$0x150] =	vst v13  }
0xa1: {  	v32 =	vmul.f32 v39, v32;
	v38 =	vmul.f32 v23, v23;
	v13 =	vld [tilespmem:s22+$0x150];
	[tilespmem:s20+$0x30] =	vst v7  }
0xa2: {  	v17 =	vmul.f32 v39, v17;
	v30 =	vmul.f32 v39, v30;
	v7 =	vld [tilespmem:s22+$0x30];
	[tilespmem:s20+$0x100] =	vst v15  }
0xa3: {  	v42 =	vmul.f32 v11, v11;
	v21 =	vmul.f32 v39, v21;
	v38 =	vadd.f32 v37, v38;
	v15 =	vld [tilespmem:s22+$0x100];
	[tilespmem:s20+$0x40] =	vst v20  }
0xa4: {  	v24 =	vmul.f32 v39, v24;
	v20 =	vld [tilespmem:s22+$0x40];
	v43 =	vmul.f32 v16, v16;
	[tilespmem:s20+$0xB0] =	vst v26  }
0xa5: {  	v25 =	vmul.f32 v40, v25;
	v38 =	vadd.f32 v34, v38;
	v37 =	vld [tilespmem:s22+$0x130];
	v44 =	vmul.f32 v29, v29;
	[tilespmem:s20+$0x60] =	vst v32  }
0xa6: {  	v19 =	vmul.f32 v40, v19;
	v22 =	vmul.f32 v40, v22;
	v26 =	vld [tilespmem:s22+$0xB0];
	[tilespmem:s20+$0x0] =	vst v17  }
0xa7: {  	v28 =	vmul.f32 v40, v28;
	v31 =	vmul.f32 v40, v31;
	v17 =	vadd.f32 v42, v38;
	v34 =	vld [tilespmem:s22+$0x160];
	[tilespmem:s20+$0x50] =	vst v30  }
0xa8: {  	v42 =	vmul.f32 v7, v7;
	v38 =	vld [tilespmem:s22+$0x140];
	v30 =	vmul.f32 v15, v15;
	[tilespmem:s20+$0x10] =	vst v21  }
0xa9: {  	v33 =	vmul.f32 v40, v33;
	v21 =	vadd.f32 v44, v17;
	v44 =	vmul.f32 v14, v14;
	v32 =	vld [tilespmem:s22+$0x60];
	[tilespmem:s20+$0x20] =	vst v24  }
0xaa: {  	v45 =	vmul.f32 v20, v20;
	v17 =	vld [tilespmem:s22+$0x0];
	v24 =	vadd.f32 v43, v30;
	v43 =	vmul.f32 v37, v37;
	[tilespmem:s20+$0xA0] =	vst v25  }
0xab: {  	v25 =	vadd.f32 v44, v21;
	v44 =	vmul.f32 v8, v8;
	v30 =	vld [tilespmem:s22+$0x50];
	v46 =	vmul.f32 v26, v26;
	[tilespmem:s20+$0x80] =	vst v19  }
0xac: {  	v35 =	vmul.f32 v39, v35;
	v21 =	vld [tilespmem:s22+$0x10];
	v19 =	vadd.f32 v41, v24;
	[tilespmem:s20+$0x90] =	vst v22;
	v22 =	vmul.f32 v40, v36  }
0xad: {  	v39 =	vadd.f32 v44, v25;
	v24 =	vld [tilespmem:s22+$0x20];
	v36 =	vmul.f32 v38, v38;
	[tilespmem:s20+$0xC0] =	vst v28  }
0xae: {  	v40 =	vmul.f32 v10, v10;
	v25 =	vld [tilespmem:s22+$0xA0];
	v28 =	vadd.f32 v43, v19;
	[tilespmem:s20+$0x70] =	vst v35  }
0xaf: {  	v35 =	vmul.f32 v17, v17;
	v19 =	vld [tilespmem:s22+$0x80];
	[tilespmem:s20+$0xF0] =	vst v22  }
0xb0: {  	v41 =	vmul.f32 v13, v13;
	v43 =	vmul.f32 v34, v34;
	v22 =	vld [tilespmem:s22+$0x90];
	v36 =	vadd.f32 v36, v28;
	[tilespmem:s20+$0xD0] =	vst v31  }
0xb1: {  	v39 =	vadd.f32 v40, v39;
	v31 =	vmul.f32 v21, v21;
	v28 =	vld [tilespmem:s22+$0xC0];
	[tilespmem:s20+$0xE0] =	vst v33;
	s20 =	smov.u32 s22  }
0xb2: {  	v40 =	vmul.f32 v24, v24;
	v33 =	vadd.f32 v41, v36  }
0xb3: {  	v36 =	vmul.f32 v27, v27;
	v41 =	vperm.xlane v39, v1  }
0xb4: {  	v35 =	vadd.f32 v31, v35;
	v44 =	vmul.f32 v25, v25;
	v43 =	vadd.f32 v43, v33  }
0xb5: {  	v47 =	vmul.f32 v19, v19;
	v31 =	vld [tilespmem:s20+$0xD0];
	v48 =	vmul.f32 v22, v22  }
0xb6: {  	v39 =	vadd.f32 v41, v39;
	v33 =	vld [tilespmem:s20+$0xE0];
	v49 =	vmul.f32 v28, v28;
	v43 =	vadd.f32 v36, v43  }
0xb7: {  	v36 =	vadd.f32 v40, v35;
	v40 =	vadd.f32 v48, v47  }
0xb8: {  	v35 =	vld [tilespmem:s20+$0x70];
	v41 =	vperm.xlane v43, v1  }
0xb9: {  	v47 =	vmul.f32 v32, v32;
	v42 =	vadd.f32 v42, v36;
	v40 =	vadd.f32 v44, v40  }
0xba: {  	v44 =	vmul.f32 v30, v30;
	v36 =	vld [tilespmem:s20+$0xF0];
	v48 =	vmul.f32 v31, v31;
	v41 =	vadd.f32 v41, v43  }
0xbb: {  	v42 =	vadd.f32 v45, v42;
	v40 =	vadd.f32 v46, v40;
	v43 =	vmul.f32 v33, v33  }
0xbc: {  	v39 =	vsel vm0, v41, v39  }
0xbd: {  	v41 =	vmul.f32 v35, v35;
	v40 =	vadd.f32 v49, v40;
	v45 =	vperm.xlane v39, v2  }
0xbe: {  	v42 =	vadd.f32 v44, v42  }
0xbf: {  	v40 =	vadd.f32 v48, v40;
	v44 =	vmul.f32 v36, v36;
	v39 =	vadd.f32 v45, v39  }
0xc0: {  	v42 =	vadd.f32 v47, v42  }
0xc1: {  	v40 =	vadd.f32 v43, v40;
	v43 =	vperm.xlane v39, v3  }
0xc2: {  	v41 =	vadd.f32 v41, v42  }
0xc3: {  	v40 =	vadd.f32 v44, v40;
	v39 =	vadd.f32 v43, v39  }
0xc4: {  	v42 =	vperm.xlane v41, v1  }
0xc5: {  	v43 =	vperm.xlane v40, v1;
	v44 =	vperm.xlane v39, v4  }
0xc6: {  	v41 =	vadd.f32 v42, v41  }
0xc7: {  	v40 =	vadd.f32 v43, v40;
	v39 =	vadd.f32 v44, v39;
	_ =	sdelay $0x1  }
0xc8: {  	v41 =	vsel vm0, v41, v40;
	v42 =	vshra.s32 v39, $0x1;
	v40 =	vmul.f32 $-5.000000000e-01, v39  }
0xc9: {  	v39 =	vperm.xlane v41, v2;
	v42 =	vsub.s32 $0x5F3759DF, v42  }
0xca: {  	v43 =	vmul.f32 v42, v40  }
0xcb: {  	v39 =	vadd.f32 v39, v41  }
0xcc: {  	v41 =	vmul.f32 v42, v43  }
0xcd: {  	v43 =	vperm.xlane v39, v3  }
0xce: {  	v41 =	vadd.f32 $1.500000000e+00, v41  }
0xcf: {  	v39 =	vadd.f32 v43, v39  }
0xd0: {  	v41 =	vmul.f32 v42, v41  }
0xd1: {  	v42 =	vperm.xlane v39, v4  }
0xd2: {  	v43 =	vmul.f32 v41, v40  }
.Ltmp1:
0xd3: {  	v39 =	vadd.f32 v42, v39;
	(pc) =	sbr.rel @p0 .LBB2_5-.Ltmp1, $4  }
0xd4: {  	v43 =	vmul.f32 v43, v41  }
0xd5: {  	v42 =	vshra.s32 v39, $0x1;
	v39 =	vmul.f32 $-5.000000000e-01, v39  }
0xd6: {  	v42 =	vsub.s32 $0x5F3759DF, v42;
	v44 =	vadd.f32 $1.500000000e+00, v43  }
0xd7: {  	v43 =	vmul.f32 v42, v39  }
0xd8: {  	v41 =	vmul.f32 v44, v41;
	_ =	sdelay $0x1  }
0xd9: {  	v40 =	vmul.f32 v41, v40;
	_ =	sdelay $0x1  }
0xda: {  	v43 =	vmul.f32 v42, v43;
	v40 =	vmul.f32 v40, v41;
	_ =	sdelay $0x1  }
0xdb: {  	v43 =	vadd.f32 $1.500000000e+00, v43;
	v40 =	vadd.f32 $1.500000000e+00, v40;
	_ =	sdelay $0x1  }
0xdc: {  	v61 =	vmul.f32 v42, v43;
	v40 =	vmul.f32 v40, v41;
	_ =	sdelay $0x1  }
0xdd: {  	v62 =	vmul.f32 v61, v39;
	v40 =	vmin.f32 v40, $9.999999950e+11  }
0xde: {  	v63 =	vperm.xlane v40, v6  }
0xdf: {  	v41 =	vmul.f32 v62, v61  }
0xe0: {  	v40 =	vperm.xlane v40, v5;
	v11 =	vmul.f32 v63, v11  }
0xe1: {  	v41 =	vadd.f32 $1.500000000e+00, v41;
	v18 =	vmul.f32 v63, v18  }
0xe2: {  	v27 =	vmul.f32 v40, v27;
	[tilespmem:s20+$0x1B0] =	vst v11  }
0xe3: {  	v41 =	vmul.f32 v41, v61;
	v9 =	vmul.f32 v40, v9;
	[tilespmem:s20+$0x1A0] =	vst v18  }
0xe4: {  	v8 =	vmul.f32 v63, v8;
	[tilespmem:s20+$0x170] =	vst v27  }
0xe5: {  	v11 =	vmul.f32 v63, v12;
	v18 =	vmul.f32 v41, v39;
	[tilespmem:s20+$0x120] =	vst v9  }
0xe6: {  	v12 =	vmul.f32 v63, v23;
	[tilespmem:s20+$0x1E0] =	vst v8  }
0xe7: {  	v9 =	vmul.f32 v63, v14;
	[tilespmem:s20+$0x190] =	vst v11;
	v18 =	vmul.f32 v18, v41  }
0xe8: {  	v8 =	vmul.f32 v63, v10;
	[tilespmem:s20+$0x180] =	vst v12  }
0xe9: {  	v11 =	vmul.f32 v40, v37;
	[tilespmem:s20+$0x1D0] =	vst v9;
	v12 =	vadd.f32 $1.500000000e+00, v18  }
0xea: {  	v9 =	vmul.f32 v40, v34;
	[tilespmem:s20+$0x1F0] =	vst v8  }
0xeb: {  	v8 =	vmul.f32 v40, v38;
	[tilespmem:s20+$0x130] =	vst v11;
	v10 =	vmul.f32 v12, v41  }
0xec: {  	v11 =	vmul.f32 v63, v29;
	[tilespmem:s20+$0x160] =	vst v9  }
0xed: {  	v9 =	vmul.f32 v40, v13;
	[tilespmem:s20+$0x140] =	vst v8;
	v10 =	vmin.f32 v10, $9.999999950e+11  }
0xee: {  	v8 =	vmul.f32 v40, v15;
	[tilespmem:s20+$0x1C0] =	vst v11;
	v12 =	vperm.xlane v10, v5  }
0xef: {  	v11 =	vmul.f32 v40, v16;
	[tilespmem:s20+$0x150] =	vst v9  }
0xf0: {  	[tilespmem:s20+$0x100] =	vst v8;
	v7 =	vmul.f32 v12, v7  }
0xf1: {  	[tilespmem:s20+$0x110] =	vst v11;
	v10 =	vperm.xlane v10, v6;
	v9 =	vmul.f32 v12, v20  }
0xf2: {  	v8 =	vmul.f32 v12, v32;
	[tilespmem:s20+$0x30] =	vst v7  }
0xf3: {  	v7 =	vmul.f32 v10, v26;
	[tilespmem:s20+$0x40] =	vst v9  }
0xf4: {  	v9 =	vmul.f32 v12, v17;
	[tilespmem:s20+$0x60] =	vst v8  }
0xf5: {  	v8 =	vmul.f32 v12, v21;
	[tilespmem:s20+$0xB0] =	vst v7  }
0xf6: {  	v7 =	vmul.f32 v12, v30;
	[tilespmem:s20+$0x0] =	vst v9  }
0xf7: {  	v9 =	vmul.f32 v12, v24;
	[tilespmem:s20+$0x10] =	vst v8  }
0xf8: {  	v8 =	vmul.f32 v10, v19;
	[tilespmem:s20+$0x50] =	vst v7  }
0xf9: {  	v7 =	vmul.f32 v10, v25;
	[tilespmem:s20+$0x20] =	vst v9  }
0xfa: {  	v9 =	vmul.f32 v10, v22;
	[tilespmem:s20+$0x80] =	vst v8  }
0xfb: {  	v8 =	vmul.f32 v12, v35;
	[tilespmem:s20+$0xA0] =	vst v7  }
0xfc: {  	v7 =	vmul.f32 v10, v28;
	[tilespmem:s20+$0x90] =	vst v9  }
0xfd: {  	v9 =	vmul.f32 v10, v36;
	[tilespmem:s20+$0x70] =	vst v8  }
0xfe: {  	v8 =	vmul.f32 v10, v33;
	[tilespmem:s20+$0xC0] =	vst v7  }
0xff: {  	v7 =	vmul.f32 v10, v31;
	[tilespmem:s20+$0xF0] =	vst v9  }
0x100: {  	p0 =	seq.s32 s19, $0x0;
	[tilespmem:s20+$0xE0] =	vst v8  }
0x101: {  	s6 =	simm.s32 @!p0 $0xB;
	[tilespmem:s20+$0xD0] =	vst v7;
	s20 =	smul.u32 @!p0 $0x140, s19  }
0x102: {  	[spmem:s4] =	stream.indirect.scatter.add.f32 [tilespmem:s5], [sflag:$0x9], $0x80, s23, s0, $0xb8;
	[tilespmem:$0xE200] =	vst v63  }
0x103: {  	_ =	swait.ge @!p0 [sflag:s6], $0x2800  }
0x104: {  	s21 =	sadd.s32 @!p0 s20, s11;
	[sflag:s6] =	ssyncset.done @!p0 $0x0  }
0x105: {  	[sflag:s6] =	ssyncadd.s32 @!p0 $0xFFFFD800;
	s6 =	sshll.u32 @!p0 s21, $0x4  }
0x106: {  	s22 =	simm.s32 @!p0 $0x0;
	s26 =	simm.s32 @!p0 $0x5000;
	s6 =	sadd.s32 @!p0 s1, s6  }
0x107: {  	[tilespmem:s26], [sflag:$0x3] =	stream.linear.gather @!p0 [hbm4b:s6+s22], $0x2800, $0x38;
	[tilespmem:$0xE200] =	vst v63  }
0x108: {  	s6 =	sshrl.u32 @!p0 s21, $0x3  }
0x109: {  	s21 =	simm.s32 @!p0 $0xA100;
	s6 =	sadd.s32 @!p0 s2, s6  }
0x10a: {  	[tilespmem:s21], [sflag:$0x7] =	stream.linear.gather @!p0 [hbm4b:s6+s22], $0x50, $0x38;
	[tilespmem:$0xE200] =	vst v63  }
0x10b: {  	_ =	swait.ge [sflag:s7], $0x2800  }
0x10c: {  	[sflag:s7] =	ssyncset.done $0x0  }
0x10d: {  	[sflag:s7] =	ssyncadd.s32 $0xFFFFD800  }
0x10e: {  	_ =	swait.ge [sflag:s8], $0x50  }
0x10f: {  	[sflag:s8] =	ssyncset.done $0x0  }
0x110: {  	s6 =	simm.s32 $0x0;
	[sflag:s8] =	ssyncadd.s32 $0xFFFFFFB0  }
0x111: {  	v11 =	vld [tilespmem:s6+$0x29B0]  }
0x112: {  	v18 =	vld [tilespmem:s6+$0x29A0]  }
0x113: {  	v12 =	vld [tilespmem:s6+$0x2990]  }
0x114: {  	v9 =	vld [tilespmem:s6+$0x2920]  }
0x115: {  	v23 =	vld [tilespmem:s6+$0x2980]  }
0x116: {  	v27 =	vld [tilespmem:s6+$0x2970]  }
0x117: {  	v16 =	vld [tilespmem:s6+$0x2910]  }
0x118: {  	v15 =	vld [tilespmem:s6+$0x2900]  }
0x119: {  	v8 =	vld [tilespmem:s6+$0x29E0]  }
0x11a: {  	v14 =	vld [tilespmem:s6+$0x29D0]  }
0x11b: {  	v10 =	vld [tilespmem:s6+$0x29F0]  }
0x11c: {  	v37 =	vld [tilespmem:s6+$0x2930];
	v7 =	vmul.f32 v12, v12;
	v17 =	vmul.f32 v23, v23  }
0x11d: {  	v29 =	vld [tilespmem:s6+$0x29C0];
	v19 =	vmul.f32 v16, v16;
	v20 =	vmul.f32 v15, v15  }
0x11e: {  	v38 =	vld [tilespmem:s6+$0x2940];
	v21 =	vmul.f32 v18, v18;
	v17 =	vadd.f32 v7, v17  }
0x11f: {  	v13 =	vld [tilespmem:s6+$0x2950];
	v22 =	vmul.f32 v9, v9;
	v19 =	vadd.f32 v19, v20  }
0x120: {  	v34 =	vld [tilespmem:s6+$0x2960];
	v20 =	vmul.f32 v11, v11;
	v21 =	vadd.f32 v21, v17  }
0x121: {  	v24 =	vmul.f32 v37, v37;
	v17 =	vld [tilespmem:s6+$0x2800];
	v19 =	vadd.f32 v22, v19  }
0x122: {  	v20 =	vadd.f32 v20, v21;
	v21 =	vld [tilespmem:s6+$0x2810]  }
0x123: {  	v25 =	vmul.f32 v38, v38;
	v22 =	vmul.f32 v29, v29;
	v26 =	vadd.f32 v24, v19;
	v19 =	vld [tilespmem:s6+$0x2880]  }
0x124: {  	v28 =	vmul.f32 v14, v14;
	v30 =	vmul.f32 v13, v13;
	v24 =	vld [tilespmem:s6+$0x2820]  }
0x125: {  	v31 =	vmul.f32 v8, v8;
	v20 =	vadd.f32 v22, v20;
	v22 =	vld [tilespmem:s6+$0x2890];
	v26 =	vadd.f32 v25, v26  }
0x126: {  	v45 =	vmul.f32 v10, v10;
	v47 =	vmul.f32 v34, v34;
	v7 =	vld [tilespmem:s6+$0x2830]  }
0x127: {  	v50 =	vmul.f32 v27, v27;
	v25 =	vld [tilespmem:s6+$0x28A0];
	v28 =	vadd.f32 v28, v20;
	v48 =	vadd.f32 v30, v26  }
0x128: {  	v46 =	vmul.f32 v17, v17;
	v49 =	vmul.f32 v21, v21  }
0x129: {  	v26 =	vld [tilespmem:s6+$0x28B0];
	v51 =	vmul.f32 v19, v19;
	v31 =	vadd.f32 v31, v28;
	v35 =	vadd.f32 v47, v48  }
0x12a: {  	v20 =	vld [tilespmem:s6+$0x2840];
	v54 =	vmul.f32 v24, v24;
	v52 =	vmul.f32 v22, v22;
	v33 =	vadd.f32 v49, v46  }
0x12b: {  	v57 =	vmul.f32 v7, v7;
	v28 =	vld [tilespmem:s6+$0x28C0];
	v53 =	vadd.f32 v45, v31;
	v40 =	vadd.f32 v50, v35  }
0x12c: {  	v30 =	vld [tilespmem:s6+$0x2850];
	v55 =	vmul.f32 v25, v25;
	v56 =	vadd.f32 v52, v51;
	v59 =	vadd.f32 v54, v33  }
0x12d: {  	v31 =	vld [tilespmem:s6+$0x28D0];
	v58 =	vperm.xlane v53, v1;
	v45 =	vperm.xlane v40, v1  }
0x12e: {  	v32 =	vld [tilespmem:s6+$0x2860];
	v60 =	vmul.f32 v26, v26;
	v39 =	vadd.f32 v55, v56;
	v61 =	vadd.f32 v57, v59  }
0x12f: {  	v46 =	vmul.f32 v20, v20;
	v33 =	vld [tilespmem:s6+$0x28E0];
	v41 =	vadd.f32 v58, v53;
	v40 =	vadd.f32 v45, v40  }
0x130: {  	v35 =	vld [tilespmem:s6+$0x2870];
	v62 =	vmul.f32 v28, v28;
	v39 =	vadd.f32 v60, v39  }
0x131: {  	v36 =	vld [tilespmem:s6+$0x28F0];
	v63 =	vmul.f32 v30, v30;
	v42 =	vadd.f32 v46, v61;
	v40 =	vsel vm0, v40, v41  }
0x132: {  	v48 =	vmul.f32 v31, v31;
	v39 =	vadd.f32 v62, v39;
	v50 =	vperm.xlane v40, v2  }
0x133: {  	v49 =	vmul.f32 v32, v32;
	v42 =	vadd.f32 v63, v42  }
0x134: {  	v51 =	vmul.f32 v33, v33;
	v39 =	vadd.f32 v48, v39;
	v40 =	vadd.f32 v50, v40  }
0x135: {  	v52 =	vmul.f32 v35, v35;
	v41 =	vadd.f32 v49, v42  }
0x136: {  	v53 =	vmul.f32 v36, v36;
	v39 =	vadd.f32 v51, v39;
	v54 =	vperm.xlane v40, v3  }
0x137: {  	v41 =	vadd.f32 v52, v41  }
0x138: {  	v39 =	vadd.f32 v53, v39;
	v40 =	vadd.f32 v54, v40  }
0x139: {  	v55 =	vperm.xlane v41, v1  }
0x13a: {  	v43 =	vperm.xlane v39, v1;
	v56 =	vperm.xlane v40, v4  }
0x13b: {  	v41 =	vadd.f32 v55, v41  }
0x13c: {  	v39 =	vadd.f32 v43, v39;
	v40 =	vadd.f32 v56, v40;
	_ =	sdelay $0x1  }
0x13d: {  	v39 =	vsel vm0, v41, v39;
	v57 =	vshra.s32 v40, $0x1;
	v40 =	vmul.f32 $-5.000000000e-01, v40  }
0x13e: {  	v58 =	vperm.xlane v39, v2;
	v41 =	vsub.s32 $0x5F3759DF, v57  }
0x13f: {  	v59 =	vmul.f32 v41, v40  }
0x140: {  	v39 =	vadd.f32 v58, v39  }
0x141: {  	v60 =	vmul.f32 v41, v59  }
0x142: {  	v61 =	vperm.xlane v39, v3  }
0x143: {  	v42 =	vadd.f32 $1.500000000e+00, v60  }
0x144: {  	v39 =	vadd.f32 v61, v39  }
0x145: {  	v41 =	vmul.f32 v41, v42  }
0x146: {  	v62 =	vperm.xlane v39, v4  }
0x147: {  	v63 =	vmul.f32 v41, v40  }
0x148: {  	v39 =	vadd.f32 v62, v39  }
0x149: {  	v43 =	vmul.f32 v63, v41  }
0x14a: {  	v42 =	vshra.s32 v39, $0x1;
	v39 =	vmul.f32 $-5.000000000e-01, v39  }
0x14b: {  	v42 =	vsub.s32 $0x5F3759DF, v42;
	v44 =	vadd.f32 $1.500000000e+00, v43  }
0x14c: {  	s22 =	simm.s32 $0x800;
	v43 =	vmul.f32 v42, v39  }
.LBB2_7:
0x14d: {  	p1 =	sne.s32 s22, $0x9800;
	v41 =	vmul.f32 v44, v41;
	s21 =	smov.u32 s22;
	s22 =	sadd.s32 $0x800, s22  }
0x14e: {  	v43 =	vmul.f32 v42, v43  }
0x14f: {  	v40 =	vmul.f32 v41, v40  }
0x150: {  	v43 =	vadd.f32 $1.500000000e+00, v43  }
0x151: {  	v40 =	vmul.f32 v40, v41  }
0x152: {  	v42 =	vmul.f32 v42, v43  }
0x153: {  	v40 =	vadd.f32 $1.500000000e+00, v40  }
0x154: {  	v43 =	vmul.f32 v42, v39  }
0x155: {  	v40 =	vmul.f32 v40, v41  }
0x156: {  	v41 =	vmul.f32 v43, v42  }
0x157: {  	v40 =	vmin.f32 v40, $9.999999950e+11  }
0x158: {  	v41 =	vadd.f32 $1.500000000e+00, v41;
	v43 =	vperm.xlane v40, v5;
	v40 =	vperm.xlane v40, v6;
	_ =	sdelay $0x1  }
0x159: {  	v18 =	vmul.f32 v40, v18;
	v11 =	vmul.f32 v40, v11  }
0x15a: {  	v41 =	vmul.f32 v41, v42;
	v23 =	vmul.f32 v40, v23  }
0x15b: {  	v27 =	vmul.f32 v43, v27;
	v29 =	vmul.f32 v40, v29;
	[tilespmem:s6+$0x29B0] =	vst v11  }
0x15c: {  	s21 =	sshra.s32 s21, $0x2;
	v38 =	vmul.f32 v43, v38;
	v12 =	vmul.f32 v40, v12;
	[tilespmem:s6+$0x29A0] =	vst v18  }
0x15d: {  	v37 =	vmul.f32 v43, v37;
	v18 =	vmul.f32 v41, v39;
	[tilespmem:s6+$0x2970] =	vst v27  }
0x15e: {  	v16 =	vmul.f32 v43, v16;
	v9 =	vmul.f32 v43, v9;
	v11 =	vld [tilespmem:s21+$0x29B0];
	[tilespmem:s6+$0x2990] =	vst v12  }
0x15f: {  	v14 =	vmul.f32 v40, v14;
	v27 =	vmul.f32 v18, v41;
	[tilespmem:s6+$0x2980] =	vst v23  }
0x160: {  	v8 =	vmul.f32 v40, v8;
	v10 =	vmul.f32 v40, v10;
	v18 =	vld [tilespmem:s21+$0x29A0];
	[tilespmem:s6+$0x2920] =	vst v9  }
0x161: {  	v15 =	vmul.f32 v43, v15;
	v13 =	vmul.f32 v43, v13;
	v27 =	vadd.f32 $1.500000000e+00, v27;
	v12 =	vld [tilespmem:s21+$0x2990];
	[tilespmem:s6+$0x2930] =	vst v37  }
0x162: {  	v34 =	vmul.f32 v43, v34;
	v9 =	vld [tilespmem:s21+$0x2920];
	[tilespmem:s6+$0x29E0] =	vst v8  }
0x163: {  	v37 =	vmul.f32 v27, v41;
	v23 =	vld [tilespmem:s21+$0x2980];
	[tilespmem:s6+$0x29D0] =	vst v14  }
0x164: {  	v27 =	vld [tilespmem:s21+$0x2970];
	[tilespmem:s6+$0x29C0] =	vst v29  }
0x165: {  	v29 =	vmin.f32 v37, $9.999999950e+11;
	v8 =	vld [tilespmem:s21+$0x29E0];
	[tilespmem:s6+$0x29F0] =	vst v10  }
0x166: {  	v39 =	vperm.xlane v29, v5;
	v14 =	vld [tilespmem:s21+$0x29D0];
	v37 =	vmul.f32 v12, v12;
	[tilespmem:s6+$0x2960] =	vst v34  }
0x167: {  	v40 =	vperm.xlane v29, v6;
	v34 =	vmul.f32 v18, v18;
	v10 =	vld [tilespmem:s21+$0x29F0];
	[tilespmem:s6+$0x2910] =	vst v16  }
0x168: {  	v7 =	vmul.f32 v39, v7;
	v20 =	vmul.f32 v39, v20;
	v16 =	vld [tilespmem:s21+$0x2910];
	[tilespmem:s6+$0x2940] =	vst v38  }
0x169: {  	v41 =	vmul.f32 v9, v9;
	v26 =	vmul.f32 v40, v26;
	v29 =	vld [tilespmem:s21+$0x29C0];
	[tilespmem:s6+$0x2950] =	vst v13  }
0x16a: {  	v32 =	vmul.f32 v39, v32;
	v38 =	vmul.f32 v23, v23;
	v13 =	vld [tilespmem:s21+$0x2950];
	[tilespmem:s6+$0x2830] =	vst v7  }
0x16b: {  	v17 =	vmul.f32 v39, v17;
	v30 =	vmul.f32 v39, v30;
	v7 =	vld [tilespmem:s21+$0x2830];
	[tilespmem:s6+$0x2900] =	vst v15  }
0x16c: {  	v42 =	vmul.f32 v11, v11;
	v21 =	vmul.f32 v39, v21;
	v38 =	vadd.f32 v37, v38;
	v15 =	vld [tilespmem:s21+$0x2900];
	[tilespmem:s6+$0x2840] =	vst v20  }
0x16d: {  	v24 =	vmul.f32 v39, v24;
	v20 =	vld [tilespmem:s21+$0x2840];
	v43 =	vmul.f32 v16, v16;
	[tilespmem:s6+$0x28B0] =	vst v26  }
0x16e: {  	v25 =	vmul.f32 v40, v25;
	v38 =	vadd.f32 v34, v38;
	v37 =	vld [tilespmem:s21+$0x2930];
	v44 =	vmul.f32 v29, v29;
	[tilespmem:s6+$0x2860] =	vst v32  }
0x16f: {  	v19 =	vmul.f32 v40, v19;
	v22 =	vmul.f32 v40, v22;
	v26 =	vld [tilespmem:s21+$0x28B0];
	[tilespmem:s6+$0x2800] =	vst v17  }
0x170: {  	v28 =	vmul.f32 v40, v28;
	v31 =	vmul.f32 v40, v31;
	v17 =	vadd.f32 v42, v38;
	v34 =	vld [tilespmem:s21+$0x2960];
	[tilespmem:s6+$0x2850] =	vst v30  }
0x171: {  	v42 =	vmul.f32 v7, v7;
	v38 =	vld [tilespmem:s21+$0x2940];
	v30 =	vmul.f32 v15, v15;
	[tilespmem:s6+$0x2810] =	vst v21  }
0x172: {  	v33 =	vmul.f32 v40, v33;
	v21 =	vadd.f32 v44, v17;
	v44 =	vmul.f32 v14, v14;
	v32 =	vld [tilespmem:s21+$0x2860];
	[tilespmem:s6+$0x2820] =	vst v24  }
0x173: {  	v45 =	vmul.f32 v20, v20;
	v17 =	vld [tilespmem:s21+$0x2800];
	v24 =	vadd.f32 v43, v30;
	v43 =	vmul.f32 v37, v37;
	[tilespmem:s6+$0x28A0] =	vst v25  }
0x174: {  	v25 =	vadd.f32 v44, v21;
	v44 =	vmul.f32 v8, v8;
	v30 =	vld [tilespmem:s21+$0x2850];
	v46 =	vmul.f32 v26, v26;
	[tilespmem:s6+$0x2880] =	vst v19  }
0x175: {  	v35 =	vmul.f32 v39, v35;
	v21 =	vld [tilespmem:s21+$0x2810];
	v19 =	vadd.f32 v41, v24;
	[tilespmem:s6+$0x2890] =	vst v22;
	v22 =	vmul.f32 v40, v36  }
0x176: {  	v39 =	vadd.f32 v44, v25;
	v24 =	vld [tilespmem:s21+$0x2820];
	v36 =	vmul.f32 v38, v38;
	[tilespmem:s6+$0x28C0] =	vst v28  }
0x177: {  	v40 =	vmul.f32 v10, v10;
	v25 =	vld [tilespmem:s21+$0x28A0];
	v28 =	vadd.f32 v43, v19;
	[tilespmem:s6+$0x2870] =	vst v35  }
0x178: {  	v35 =	vmul.f32 v17, v17;
	v19 =	vld [tilespmem:s21+$0x2880];
	[tilespmem:s6+$0x28F0] =	vst v22  }
0x179: {  	v41 =	vmul.f32 v13, v13;
	v43 =	vmul.f32 v34, v34;
	v22 =	vld [tilespmem:s21+$0x2890];
	v36 =	vadd.f32 v36, v28;
	[tilespmem:s6+$0x28D0] =	vst v31  }
0x17a: {  	v39 =	vadd.f32 v40, v39;
	v31 =	vmul.f32 v21, v21;
	v28 =	vld [tilespmem:s21+$0x28C0];
	[tilespmem:s6+$0x28E0] =	vst v33;
	s6 =	smov.u32 s21  }
0x17b: {  	v40 =	vmul.f32 v24, v24;
	v33 =	vadd.f32 v41, v36  }
0x17c: {  	v36 =	vmul.f32 v27, v27;
	v41 =	vperm.xlane v39, v1  }
0x17d: {  	v35 =	vadd.f32 v31, v35;
	v44 =	vmul.f32 v25, v25;
	v43 =	vadd.f32 v43, v33  }
0x17e: {  	v47 =	vmul.f32 v19, v19;
	v31 =	vld [tilespmem:s6+$0x28D0];
	v48 =	vmul.f32 v22, v22  }
0x17f: {  	v39 =	vadd.f32 v41, v39;
	v33 =	vld [tilespmem:s6+$0x28E0];
	v49 =	vmul.f32 v28, v28;
	v43 =	vadd.f32 v36, v43  }
0x180: {  	v36 =	vadd.f32 v40, v35;
	v40 =	vadd.f32 v48, v47  }
0x181: {  	v35 =	vld [tilespmem:s6+$0x2870];
	v41 =	vperm.xlane v43, v1  }
0x182: {  	v47 =	vmul.f32 v32, v32;
	v42 =	vadd.f32 v42, v36;
	v40 =	vadd.f32 v44, v40  }
0x183: {  	v44 =	vmul.f32 v30, v30;
	v36 =	vld [tilespmem:s6+$0x28F0];
	v48 =	vmul.f32 v31, v31;
	v41 =	vadd.f32 v41, v43  }
0x184: {  	v42 =	vadd.f32 v45, v42;
	v40 =	vadd.f32 v46, v40;
	v43 =	vmul.f32 v33, v33  }
0x185: {  	v39 =	vsel vm0, v41, v39  }
0x186: {  	v41 =	vmul.f32 v35, v35;
	v40 =	vadd.f32 v49, v40;
	v45 =	vperm.xlane v39, v2  }
0x187: {  	v42 =	vadd.f32 v44, v42  }
0x188: {  	v40 =	vadd.f32 v48, v40;
	v44 =	vmul.f32 v36, v36;
	v39 =	vadd.f32 v45, v39  }
0x189: {  	v42 =	vadd.f32 v47, v42  }
0x18a: {  	v40 =	vadd.f32 v43, v40;
	v43 =	vperm.xlane v39, v3  }
0x18b: {  	v41 =	vadd.f32 v41, v42  }
0x18c: {  	v40 =	vadd.f32 v44, v40;
	v39 =	vadd.f32 v43, v39  }
0x18d: {  	v42 =	vperm.xlane v41, v1  }
0x18e: {  	v43 =	vperm.xlane v40, v1;
	v44 =	vperm.xlane v39, v4  }
0x18f: {  	v41 =	vadd.f32 v42, v41  }
0x190: {  	v40 =	vadd.f32 v43, v40;
	v39 =	vadd.f32 v44, v39;
	_ =	sdelay $0x1  }
0x191: {  	v41 =	vsel vm0, v41, v40;
	v42 =	vshra.s32 v39, $0x1;
	v40 =	vmul.f32 $-5.000000000e-01, v39  }
0x192: {  	v39 =	vperm.xlane v41, v2;
	v42 =	vsub.s32 $0x5F3759DF, v42  }
0x193: {  	v43 =	vmul.f32 v42, v40  }
0x194: {  	v39 =	vadd.f32 v39, v41  }
0x195: {  	v41 =	vmul.f32 v42, v43  }
0x196: {  	v43 =	vperm.xlane v39, v3  }
0x197: {  	v41 =	vadd.f32 $1.500000000e+00, v41  }
0x198: {  	v39 =	vadd.f32 v43, v39  }
0x199: {  	v41 =	vmul.f32 v42, v41  }
0x19a: {  	v42 =	vperm.xlane v39, v4  }
0x19b: {  	v43 =	vmul.f32 v41, v40  }
.Ltmp2:
0x19c: {  	v39 =	vadd.f32 v42, v39;
	(pc) =	sbr.rel @p1 .LBB2_7-.Ltmp2, $4  }
0x19d: {  	v43 =	vmul.f32 v43, v41  }
0x19e: {  	v42 =	vshra.s32 v39, $0x1;
	v39 =	vmul.f32 $-5.000000000e-01, v39  }
0x19f: {  	v42 =	vsub.s32 $0x5F3759DF, v42;
	v44 =	vadd.f32 $1.500000000e+00, v43  }
0x1a0: {  	v43 =	vmul.f32 v42, v39  }
0x1a1: {  	v41 =	vmul.f32 v44, v41;
	_ =	sdelay $0x1  }
0x1a2: {  	v40 =	vmul.f32 v41, v40;
	_ =	sdelay $0x1  }
0x1a3: {  	v43 =	vmul.f32 v42, v43;
	v40 =	vmul.f32 v40, v41;
	_ =	sdelay $0x1  }
0x1a4: {  	v43 =	vadd.f32 $1.500000000e+00, v43;
	v40 =	vadd.f32 $1.500000000e+00, v40;
	_ =	sdelay $0x1  }
0x1a5: {  	v61 =	vmul.f32 v42, v43;
	v40 =	vmul.f32 v40, v41;
	_ =	sdelay $0x1  }
0x1a6: {  	v62 =	vmul.f32 v61, v39;
	v40 =	vmin.f32 v40, $9.999999950e+11  }
0x1a7: {  	v63 =	vperm.xlane v40, v6  }
0x1a8: {  	v41 =	vmul.f32 v62, v61  }
0x1a9: {  	v40 =	vperm.xlane v40, v5;
	v11 =	vmul.f32 v63, v11  }
0x1aa: {  	v41 =	vadd.f32 $1.500000000e+00, v41;
	v18 =	vmul.f32 v63, v18  }
0x1ab: {  	v27 =	vmul.f32 v40, v27;
	[tilespmem:s6+$0x29B0] =	vst v11  }
0x1ac: {  	v41 =	vmul.f32 v41, v61;
	v9 =	vmul.f32 v40, v9;
	[tilespmem:s6+$0x29A0] =	vst v18  }
0x1ad: {  	v8 =	vmul.f32 v63, v8;
	[tilespmem:s6+$0x2970] =	vst v27  }
0x1ae: {  	v11 =	vmul.f32 v63, v12;
	v18 =	vmul.f32 v41, v39;
	[tilespmem:s6+$0x2920] =	vst v9  }
0x1af: {  	v12 =	vmul.f32 v63, v23;
	[tilespmem:s6+$0x29E0] =	vst v8  }
0x1b0: {  	v9 =	vmul.f32 v63, v14;
	[tilespmem:s6+$0x2990] =	vst v11;
	v18 =	vmul.f32 v18, v41  }
0x1b1: {  	v8 =	vmul.f32 v63, v10;
	[tilespmem:s6+$0x2980] =	vst v12  }
0x1b2: {  	v11 =	vmul.f32 v40, v37;
	[tilespmem:s6+$0x29D0] =	vst v9;
	v12 =	vadd.f32 $1.500000000e+00, v18  }
0x1b3: {  	v9 =	vmul.f32 v40, v34;
	[tilespmem:s6+$0x29F0] =	vst v8  }
0x1b4: {  	v8 =	vmul.f32 v40, v38;
	[tilespmem:s6+$0x2930] =	vst v11;
	v10 =	vmul.f32 v12, v41  }
0x1b5: {  	v11 =	vmul.f32 v63, v29;
	[tilespmem:s6+$0x2960] =	vst v9  }
0x1b6: {  	v9 =	vmul.f32 v40, v13;
	[tilespmem:s6+$0x2940] =	vst v8;
	v10 =	vmin.f32 v10, $9.999999950e+11  }
0x1b7: {  	v8 =	vmul.f32 v40, v15;
	[tilespmem:s6+$0x29C0] =	vst v11;
	v12 =	vperm.xlane v10, v5  }
0x1b8: {  	v11 =	vmul.f32 v40, v16;
	[tilespmem:s6+$0x2950] =	vst v9  }
0x1b9: {  	[tilespmem:s6+$0x2900] =	vst v8;
	v7 =	vmul.f32 v12, v7  }
0x1ba: {  	[tilespmem:s6+$0x2910] =	vst v11;
	v10 =	vperm.xlane v10, v6;
	v9 =	vmul.f32 v12, v20  }
0x1bb: {  	v8 =	vmul.f32 v12, v32;
	[tilespmem:s6+$0x2830] =	vst v7  }
0x1bc: {  	v7 =	vmul.f32 v10, v26;
	[tilespmem:s6+$0x2840] =	vst v9  }
0x1bd: {  	v9 =	vmul.f32 v12, v17;
	[tilespmem:s6+$0x2860] =	vst v8  }
0x1be: {  	v8 =	vmul.f32 v12, v21;
	[tilespmem:s6+$0x28B0] =	vst v7  }
0x1bf: {  	v7 =	vmul.f32 v12, v30;
	[tilespmem:s6+$0x2800] =	vst v9  }
0x1c0: {  	v9 =	vmul.f32 v12, v24;
	[tilespmem:s6+$0x2810] =	vst v8  }
0x1c1: {  	v8 =	vmul.f32 v10, v19;
	[tilespmem:s6+$0x2850] =	vst v7  }
0x1c2: {  	v7 =	vmul.f32 v10, v25;
	[tilespmem:s6+$0x2820] =	vst v9  }
0x1c3: {  	v9 =	vmul.f32 v10, v22;
	[tilespmem:s6+$0x2880] =	vst v8  }
0x1c4: {  	v8 =	vmul.f32 v12, v35;
	[tilespmem:s6+$0x28A0] =	vst v7  }
0x1c5: {  	v7 =	vmul.f32 v10, v28;
	[tilespmem:s6+$0x2890] =	vst v9  }
0x1c6: {  	v9 =	vmul.f32 v10, v36;
	[tilespmem:s6+$0x2870] =	vst v8  }
0x1c7: {  	v8 =	vmul.f32 v10, v33;
	[tilespmem:s6+$0x28C0] =	vst v7  }
0x1c8: {  	v7 =	vmul.f32 v10, v31;
	[tilespmem:s6+$0x28F0] =	vst v9  }
0x1c9: {  	[tilespmem:s6+$0x28E0] =	vst v8  }
0x1ca: {  	[tilespmem:s6+$0x28D0] =	vst v7;
	s6 =	simm.s32 @!p0 $0xC  }
0x1cb: {  	[spmem:s4] =	stream.indirect.scatter.add.f32 [tilespmem:s24], [sflag:$0xA], $0x80, s25, s0, $0xb8;
	[tilespmem:$0xE200] =	vst v63  }
0x1cc: {  	_ =	swait.ge @!p0 [sflag:s6], $0x2800  }
0x1cd: {  	s20 =	sadd.s32 @!p0 s20, s12;
	[sflag:s6] =	ssyncset.done @!p0 $0x0  }
0x1ce: {  	[sflag:s6] =	ssyncadd.s32 @!p0 $0xFFFFD800;
	s6 =	sshll.u32 @!p0 s20, $0x4  }
0x1cf: {  	s21 =	simm.s32 @!p0 $0x0;
	s22 =	simm.s32 @!p0 $0x7800;
	s6 =	sadd.s32 @!p0 s1, s6  }
0x1d0: {  	[tilespmem:s22], [sflag:$0x4] =	stream.linear.gather @!p0 [hbm4b:s6+s21], $0x2800, $0x38;
	[tilespmem:$0xE200] =	vst v63  }
0x1d1: {  	s6 =	sshrl.u32 @!p0 s20, $0x3  }
0x1d2: {  	s20 =	simm.s32 @!p0 $0xA180;
	s6 =	sadd.s32 @!p0 s2, s6  }
0x1d3: {  	[tilespmem:s20], [sflag:$0x8] =	stream.linear.gather @!p0 [hbm4b:s6+s21], $0x50, $0x38;
	[tilespmem:$0xE200] =	vst v63  }
0x1d4: {  	_ =	swait.ge [sflag:s9], $0x2800  }
0x1d5: {  	[sflag:s9] =	ssyncset.done $0x0  }
0x1d6: {  	[sflag:s9] =	ssyncadd.s32 $0xFFFFD800  }
0x1d7: {  	_ =	swait.ge [sflag:s10], $0x50  }
0x1d8: {  	[sflag:s10] =	ssyncset.done $0x0  }
0x1d9: {  	s6 =	simm.s32 $0x0;
	[sflag:s10] =	ssyncadd.s32 $0xFFFFFFB0  }
0x1da: {  	v11 =	vld [tilespmem:s6+$0x51B0]  }
0x1db: {  	v18 =	vld [tilespmem:s6+$0x51A0]  }
0x1dc: {  	v12 =	vld [tilespmem:s6+$0x5190]  }
0x1dd: {  	v9 =	vld [tilespmem:s6+$0x5120]  }
0x1de: {  	v23 =	vld [tilespmem:s6+$0x5180]  }
0x1df: {  	v27 =	vld [tilespmem:s6+$0x5170]  }
0x1e0: {  	v16 =	vld [tilespmem:s6+$0x5110]  }
0x1e1: {  	v15 =	vld [tilespmem:s6+$0x5100]  }
0x1e2: {  	v8 =	vld [tilespmem:s6+$0x51E0]  }
0x1e3: {  	v14 =	vld [tilespmem:s6+$0x51D0]  }
0x1e4: {  	v10 =	vld [tilespmem:s6+$0x51F0]  }
0x1e5: {  	v37 =	vld [tilespmem:s6+$0x5130];
	v7 =	vmul.f32 v12, v12;
	v17 =	vmul.f32 v23, v23  }
0x1e6: {  	v29 =	vld [tilespmem:s6+$0x51C0];
	v19 =	vmul.f32 v16, v16;
	v20 =	vmul.f32 v15, v15  }
0x1e7: {  	v38 =	vld [tilespmem:s6+$0x5140];
	v21 =	vmul.f32 v18, v18;
	v17 =	vadd.f32 v7, v17  }
0x1e8: {  	v13 =	vld [tilespmem:s6+$0x5150];
	v22 =	vmul.f32 v9, v9;
	v19 =	vadd.f32 v19, v20  }
0x1e9: {  	v34 =	vld [tilespmem:s6+$0x5160];
	v20 =	vmul.f32 v11, v11;
	v21 =	vadd.f32 v21, v17  }
0x1ea: {  	v24 =	vmul.f32 v37, v37;
	v17 =	vld [tilespmem:s6+$0x5000];
	v19 =	vadd.f32 v22, v19  }
0x1eb: {  	v20 =	vadd.f32 v20, v21;
	v21 =	vld [tilespmem:s6+$0x5010]  }
0x1ec: {  	v25 =	vmul.f32 v38, v38;
	v22 =	vmul.f32 v29, v29;
	v26 =	vadd.f32 v24, v19;
	v19 =	vld [tilespmem:s6+$0x5080]  }
0x1ed: {  	v28 =	vmul.f32 v14, v14;
	v30 =	vmul.f32 v13, v13;
	v24 =	vld [tilespmem:s6+$0x5020]  }
0x1ee: {  	v31 =	vmul.f32 v8, v8;
	v20 =	vadd.f32 v22, v20;
	v22 =	vld [tilespmem:s6+$0x5090];
	v26 =	vadd.f32 v25, v26  }
0x1ef: {  	v45 =	vmul.f32 v10, v10;
	v47 =	vmul.f32 v34, v34;
	v7 =	vld [tilespmem:s6+$0x5030]  }
0x1f0: {  	v50 =	vmul.f32 v27, v27;
	v25 =	vld [tilespmem:s6+$0x50A0];
	v28 =	vadd.f32 v28, v20;
	v48 =	vadd.f32 v30, v26  }
0x1f1: {  	v46 =	vmul.f32 v17, v17;
	v49 =	vmul.f32 v21, v21  }
0x1f2: {  	v26 =	vld [tilespmem:s6+$0x50B0];
	v51 =	vmul.f32 v19, v19;
	v31 =	vadd.f32 v31, v28;
	v35 =	vadd.f32 v47, v48  }
0x1f3: {  	v20 =	vld [tilespmem:s6+$0x5040];
	v54 =	vmul.f32 v24, v24;
	v52 =	vmul.f32 v22, v22;
	v33 =	vadd.f32 v49, v46  }
0x1f4: {  	v57 =	vmul.f32 v7, v7;
	v28 =	vld [tilespmem:s6+$0x50C0];
	v53 =	vadd.f32 v45, v31;
	v40 =	vadd.f32 v50, v35  }
0x1f5: {  	v30 =	vld [tilespmem:s6+$0x5050];
	v55 =	vmul.f32 v25, v25;
	v56 =	vadd.f32 v52, v51;
	v59 =	vadd.f32 v54, v33  }
0x1f6: {  	v31 =	vld [tilespmem:s6+$0x50D0];
	v58 =	vperm.xlane v53, v1;
	v45 =	vperm.xlane v40, v1  }
0x1f7: {  	v32 =	vld [tilespmem:s6+$0x5060];
	v60 =	vmul.f32 v26, v26;
	v39 =	vadd.f32 v55, v56;
	v61 =	vadd.f32 v57, v59  }
0x1f8: {  	v46 =	vmul.f32 v20, v20;
	v33 =	vld [tilespmem:s6+$0x50E0];
	v41 =	vadd.f32 v58, v53;
	v40 =	vadd.f32 v45, v40  }
0x1f9: {  	v35 =	vld [tilespmem:s6+$0x5070];
	v62 =	vmul.f32 v28, v28;
	v39 =	vadd.f32 v60, v39  }
0x1fa: {  	v36 =	vld [tilespmem:s6+$0x50F0];
	v63 =	vmul.f32 v30, v30;
	v42 =	vadd.f32 v46, v61;
	v40 =	vsel vm0, v40, v41  }
0x1fb: {  	v48 =	vmul.f32 v31, v31;
	v39 =	vadd.f32 v62, v39;
	v50 =	vperm.xlane v40, v2  }
0x1fc: {  	v49 =	vmul.f32 v32, v32;
	v42 =	vadd.f32 v63, v42  }
0x1fd: {  	v51 =	vmul.f32 v33, v33;
	v39 =	vadd.f32 v48, v39;
	v40 =	vadd.f32 v50, v40  }
0x1fe: {  	v52 =	vmul.f32 v35, v35;
	v41 =	vadd.f32 v49, v42  }
0x1ff: {  	v53 =	vmul.f32 v36, v36;
	v39 =	vadd.f32 v51, v39;
	v54 =	vperm.xlane v40, v3  }
0x200: {  	v41 =	vadd.f32 v52, v41  }
0x201: {  	v39 =	vadd.f32 v53, v39;
	v40 =	vadd.f32 v54, v40  }
0x202: {  	v55 =	vperm.xlane v41, v1  }
0x203: {  	v43 =	vperm.xlane v39, v1;
	v56 =	vperm.xlane v40, v4  }
0x204: {  	v41 =	vadd.f32 v55, v41  }
0x205: {  	v39 =	vadd.f32 v43, v39;
	v40 =	vadd.f32 v56, v40;
	_ =	sdelay $0x1  }
0x206: {  	v39 =	vsel vm0, v41, v39;
	v57 =	vshra.s32 v40, $0x1;
	v40 =	vmul.f32 $-5.000000000e-01, v40  }
0x207: {  	v58 =	vperm.xlane v39, v2;
	v41 =	vsub.s32 $0x5F3759DF, v57  }
0x208: {  	v59 =	vmul.f32 v41, v40  }
0x209: {  	v39 =	vadd.f32 v58, v39  }
0x20a: {  	v60 =	vmul.f32 v41, v59  }
0x20b: {  	v61 =	vperm.xlane v39, v3  }
0x20c: {  	v42 =	vadd.f32 $1.500000000e+00, v60  }
0x20d: {  	v39 =	vadd.f32 v61, v39  }
0x20e: {  	v41 =	vmul.f32 v41, v42  }
0x20f: {  	v62 =	vperm.xlane v39, v4  }
0x210: {  	v63 =	vmul.f32 v41, v40  }
0x211: {  	v39 =	vadd.f32 v62, v39  }
0x212: {  	v43 =	vmul.f32 v63, v41  }
0x213: {  	v42 =	vshra.s32 v39, $0x1;
	v39 =	vmul.f32 $-5.000000000e-01, v39  }
0x214: {  	v42 =	vsub.s32 $0x5F3759DF, v42;
	v44 =	vadd.f32 $1.500000000e+00, v43  }
0x215: {  	s20 =	simm.s32 $0x800;
	v43 =	vmul.f32 v42, v39  }
.LBB2_9:
0x216: {  	p0 =	sne.s32 s20, $0x9800;
	v41 =	vmul.f32 v44, v41;
	s21 =	smov.u32 s20;
	s20 =	sadd.s32 $0x800, s20  }
0x217: {  	v43 =	vmul.f32 v42, v43  }
0x218: {  	v40 =	vmul.f32 v41, v40  }
0x219: {  	v43 =	vadd.f32 $1.500000000e+00, v43  }
0x21a: {  	v40 =	vmul.f32 v40, v41  }
0x21b: {  	v42 =	vmul.f32 v42, v43  }
0x21c: {  	v40 =	vadd.f32 $1.500000000e+00, v40  }
0x21d: {  	v43 =	vmul.f32 v42, v39  }
0x21e: {  	v40 =	vmul.f32 v40, v41  }
0x21f: {  	v41 =	vmul.f32 v43, v42  }
0x220: {  	v40 =	vmin.f32 v40, $9.999999950e+11  }
0x221: {  	v41 =	vadd.f32 $1.500000000e+00, v41;
	v43 =	vperm.xlane v40, v5;
	v40 =	vperm.xlane v40, v6;
	_ =	sdelay $0x1  }
0x222: {  	v18 =	vmul.f32 v40, v18;
	v11 =	vmul.f32 v40, v11  }
0x223: {  	v41 =	vmul.f32 v41, v42;
	v23 =	vmul.f32 v40, v23  }
0x224: {  	v27 =	vmul.f32 v43, v27;
	v29 =	vmul.f32 v40, v29;
	[tilespmem:s6+$0x51B0] =	vst v11  }
0x225: {  	s21 =	sshra.s32 s21, $0x2;
	v38 =	vmul.f32 v43, v38;
	v12 =	vmul.f32 v40, v12;
	[tilespmem:s6+$0x51A0] =	vst v18  }
0x226: {  	v37 =	vmul.f32 v43, v37;
	v18 =	vmul.f32 v41, v39;
	[tilespmem:s6+$0x5170] =	vst v27  }
0x227: {  	v16 =	vmul.f32 v43, v16;
	v9 =	vmul.f32 v43, v9;
	v11 =	vld [tilespmem:s21+$0x51B0];
	[tilespmem:s6+$0x5190] =	vst v12  }
0x228: {  	v14 =	vmul.f32 v40, v14;
	v27 =	vmul.f32 v18, v41;
	[tilespmem:s6+$0x5180] =	vst v23  }
0x229: {  	v8 =	vmul.f32 v40, v8;
	v10 =	vmul.f32 v40, v10;
	v18 =	vld [tilespmem:s21+$0x51A0];
	[tilespmem:s6+$0x5120] =	vst v9  }
0x22a: {  	v15 =	vmul.f32 v43, v15;
	v13 =	vmul.f32 v43, v13;
	v27 =	vadd.f32 $1.500000000e+00, v27;
	v12 =	vld [tilespmem:s21+$0x5190];
	[tilespmem:s6+$0x5130] =	vst v37  }
0x22b: {  	v34 =	vmul.f32 v43, v34;
	v9 =	vld [tilespmem:s21+$0x5120];
	[tilespmem:s6+$0x51E0] =	vst v8  }
0x22c: {  	v37 =	vmul.f32 v27, v41;
	v23 =	vld [tilespmem:s21+$0x5180];
	[tilespmem:s6+$0x51D0] =	vst v14  }
0x22d: {  	v27 =	vld [tilespmem:s21+$0x5170];
	[tilespmem:s6+$0x51C0] =	vst v29  }
0x22e: {  	v29 =	vmin.f32 v37, $9.999999950e+11;
	v8 =	vld [tilespmem:s21+$0x51E0];
	[tilespmem:s6+$0x51F0] =	vst v10  }
0x22f: {  	v39 =	vperm.xlane v29, v5;
	v14 =	vld [tilespmem:s21+$0x51D0];
	v37 =	vmul.f32 v12, v12;
	[tilespmem:s6+$0x5160] =	vst v34  }
0x230: {  	v40 =	vperm.xlane v29, v6;
	v34 =	vmul.f32 v18, v18;
	v10 =	vld [tilespmem:s21+$0x51F0];
	[tilespmem:s6+$0x5110] =	vst v16  }
0x231: {  	v7 =	vmul.f32 v39, v7;
	v20 =	vmul.f32 v39, v20;
	v16 =	vld [tilespmem:s21+$0x5110];
	[tilespmem:s6+$0x5140] =	vst v38  }
0x232: {  	v41 =	vmul.f32 v9, v9;
	v26 =	vmul.f32 v40, v26;
	v29 =	vld [tilespmem:s21+$0x51C0];
	[tilespmem:s6+$0x5150] =	vst v13  }
0x233: {  	v32 =	vmul.f32 v39, v32;
	v38 =	vmul.f32 v23, v23;
	v13 =	vld [tilespmem:s21+$0x5150];
	[tilespmem:s6+$0x5030] =	vst v7  }
0x234: {  	v17 =	vmul.f32 v39, v17;
	v30 =	vmul.f32 v39, v30;
	v7 =	vld [tilespmem:s21+$0x5030];
	[tilespmem:s6+$0x5100] =	vst v15  }
0x235: {  	v42 =	vmul.f32 v11, v11;
	v21 =	vmul.f32 v39, v21;
	v38 =	vadd.f32 v37, v38;
	v15 =	vld [tilespmem:s21+$0x5100];
	[tilespmem:s6+$0x5040] =	vst v20  }
0x236: {  	v24 =	vmul.f32 v39, v24;
	v20 =	vld [tilespmem:s21+$0x5040];
	v43 =	vmul.f32 v16, v16;
	[tilespmem:s6+$0x50B0] =	vst v26  }
0x237: {  	v25 =	vmul.f32 v40, v25;
	v38 =	vadd.f32 v34, v38;
	v37 =	vld [tilespmem:s21+$0x5130];
	v44 =	vmul.f32 v29, v29;
	[tilespmem:s6+$0x5060] =	vst v32  }
0x238: {  	v19 =	vmul.f32 v40, v19;
	v22 =	vmul.f32 v40, v22;
	v26 =	vld [tilespmem:s21+$0x50B0];
	[tilespmem:s6+$0x5000] =	vst v17  }
0x239: {  	v28 =	vmul.f32 v40, v28;
	v31 =	vmul.f32 v40, v31;
	v17 =	vadd.f32 v42, v38;
	v34 =	vld [tilespmem:s21+$0x5160];
	[tilespmem:s6+$0x5050] =	vst v30  }
0x23a: {  	v42 =	vmul.f32 v7, v7;
	v38 =	vld [tilespmem:s21+$0x5140];
	v30 =	vmul.f32 v15, v15;
	[tilespmem:s6+$0x5010] =	vst v21  }
0x23b: {  	v33 =	vmul.f32 v40, v33;
	v21 =	vadd.f32 v44, v17;
	v44 =	vmul.f32 v14, v14;
	v32 =	vld [tilespmem:s21+$0x5060];
	[tilespmem:s6+$0x5020] =	vst v24  }
0x23c: {  	v45 =	vmul.f32 v20, v20;
	v17 =	vld [tilespmem:s21+$0x5000];
	v24 =	vadd.f32 v43, v30;
	v43 =	vmul.f32 v37, v37;
	[tilespmem:s6+$0x50A0] =	vst v25  }
0x23d: {  	v25 =	vadd.f32 v44, v21;
	v44 =	vmul.f32 v8, v8;
	v30 =	vld [tilespmem:s21+$0x5050];
	v46 =	vmul.f32 v26, v26;
	[tilespmem:s6+$0x5080] =	vst v19  }
0x23e: {  	v35 =	vmul.f32 v39, v35;
	v21 =	vld [tilespmem:s21+$0x5010];
	v19 =	vadd.f32 v41, v24;
	[tilespmem:s6+$0x5090] =	vst v22;
	v22 =	vmul.f32 v40, v36  }
0x23f: {  	v39 =	vadd.f32 v44, v25;
	v24 =	vld [tilespmem:s21+$0x5020];
	v36 =	vmul.f32 v38, v38;
	[tilespmem:s6+$0x50C0] =	vst v28  }
0x240: {  	v40 =	vmul.f32 v10, v10;
	v25 =	vld [tilespmem:s21+$0x50A0];
	v28 =	vadd.f32 v43, v19;
	[tilespmem:s6+$0x5070] =	vst v35  }
0x241: {  	v35 =	vmul.f32 v17, v17;
	v19 =	vld [tilespmem:s21+$0x5080];
	[tilespmem:s6+$0x50F0] =	vst v22  }
0x242: {  	v41 =	vmul.f32 v13, v13;
	v43 =	vmul.f32 v34, v34;
	v22 =	vld [tilespmem:s21+$0x5090];
	v36 =	vadd.f32 v36, v28;
	[tilespmem:s6+$0x50D0] =	vst v31  }
0x243: {  	v39 =	vadd.f32 v40, v39;
	v31 =	vmul.f32 v21, v21;
	v28 =	vld [tilespmem:s21+$0x50C0];
	[tilespmem:s6+$0x50E0] =	vst v33;
	s6 =	smov.u32 s21  }
0x244: {  	v40 =	vmul.f32 v24, v24;
	v33 =	vadd.f32 v41, v36  }
0x245: {  	v36 =	vmul.f32 v27, v27;
	v41 =	vperm.xlane v39, v1  }
0x246: {  	v35 =	vadd.f32 v31, v35;
	v44 =	vmul.f32 v25, v25;
	v43 =	vadd.f32 v43, v33  }
0x247: {  	v47 =	vmul.f32 v19, v19;
	v31 =	vld [tilespmem:s6+$0x50D0];
	v48 =	vmul.f32 v22, v22  }
0x248: {  	v39 =	vadd.f32 v41, v39;
	v33 =	vld [tilespmem:s6+$0x50E0];
	v49 =	vmul.f32 v28, v28;
	v43 =	vadd.f32 v36, v43  }
0x249: {  	v36 =	vadd.f32 v40, v35;
	v40 =	vadd.f32 v48, v47  }
0x24a: {  	v35 =	vld [tilespmem:s6+$0x5070];
	v41 =	vperm.xlane v43, v1  }
0x24b: {  	v47 =	vmul.f32 v32, v32;
	v42 =	vadd.f32 v42, v36;
	v40 =	vadd.f32 v44, v40  }
0x24c: {  	v44 =	vmul.f32 v30, v30;
	v36 =	vld [tilespmem:s6+$0x50F0];
	v48 =	vmul.f32 v31, v31;
	v41 =	vadd.f32 v41, v43  }
0x24d: {  	v42 =	vadd.f32 v45, v42;
	v40 =	vadd.f32 v46, v40;
	v43 =	vmul.f32 v33, v33  }
0x24e: {  	v39 =	vsel vm0, v41, v39  }
0x24f: {  	v41 =	vmul.f32 v35, v35;
	v40 =	vadd.f32 v49, v40;
	v45 =	vperm.xlane v39, v2  }
0x250: {  	v42 =	vadd.f32 v44, v42  }
0x251: {  	v40 =	vadd.f32 v48, v40;
	v44 =	vmul.f32 v36, v36;
	v39 =	vadd.f32 v45, v39  }
0x252: {  	v42 =	vadd.f32 v47, v42  }
0x253: {  	v40 =	vadd.f32 v43, v40;
	v43 =	vperm.xlane v39, v3  }
0x254: {  	v41 =	vadd.f32 v41, v42  }
0x255: {  	v40 =	vadd.f32 v44, v40;
	v39 =	vadd.f32 v43, v39  }
0x256: {  	v42 =	vperm.xlane v41, v1  }
0x257: {  	v43 =	vperm.xlane v40, v1;
	v44 =	vperm.xlane v39, v4  }
0x258: {  	v41 =	vadd.f32 v42, v41  }
0x259: {  	v40 =	vadd.f32 v43, v40;
	v39 =	vadd.f32 v44, v39;
	_ =	sdelay $0x1  }
0x25a: {  	v41 =	vsel vm0, v41, v40;
	v42 =	vshra.s32 v39, $0x1;
	v40 =	vmul.f32 $-5.000000000e-01, v39  }
0x25b: {  	v39 =	vperm.xlane v41, v2;
	v42 =	vsub.s32 $0x5F3759DF, v42  }
0x25c: {  	v43 =	vmul.f32 v42, v40  }
0x25d: {  	v39 =	vadd.f32 v39, v41  }
0x25e: {  	v41 =	vmul.f32 v42, v43  }
0x25f: {  	v43 =	vperm.xlane v39, v3  }
0x260: {  	v41 =	vadd.f32 $1.500000000e+00, v41  }
0x261: {  	v39 =	vadd.f32 v43, v39  }
0x262: {  	v41 =	vmul.f32 v42, v41  }
0x263: {  	v42 =	vperm.xlane v39, v4  }
0x264: {  	v43 =	vmul.f32 v41, v40  }
.Ltmp3:
0x265: {  	v39 =	vadd.f32 v42, v39;
	(pc) =	sbr.rel @p0 .LBB2_9-.Ltmp3, $4  }
0x266: {  	v43 =	vmul.f32 v43, v41  }
0x267: {  	v42 =	vshra.s32 v39, $0x1;
	v39 =	vmul.f32 $-5.000000000e-01, v39  }
0x268: {  	v42 =	vsub.s32 $0x5F3759DF, v42;
	v44 =	vadd.f32 $1.500000000e+00, v43  }
0x269: {  	v43 =	vmul.f32 v42, v39  }
0x26a: {  	v41 =	vmul.f32 v44, v41;
	_ =	sdelay $0x1  }
0x26b: {  	v40 =	vmul.f32 v41, v40;
	_ =	sdelay $0x1  }
0x26c: {  	v43 =	vmul.f32 v42, v43;
	v40 =	vmul.f32 v40, v41;
	_ =	sdelay $0x1  }
0x26d: {  	v43 =	vadd.f32 $1.500000000e+00, v43;
	v40 =	vadd.f32 $1.500000000e+00, v40;
	_ =	sdelay $0x1  }
0x26e: {  	v61 =	vmul.f32 v42, v43;
	v40 =	vmul.f32 v40, v41;
	_ =	sdelay $0x1  }
0x26f: {  	v62 =	vmul.f32 v61, v39;
	v40 =	vmin.f32 v40, $9.999999950e+11  }
0x270: {  	v63 =	vperm.xlane v40, v6  }
0x271: {  	v41 =	vmul.f32 v62, v61  }
0x272: {  	v40 =	vperm.xlane v40, v5;
	v11 =	vmul.f32 v63, v11  }
0x273: {  	v41 =	vadd.f32 $1.500000000e+00, v41;
	v18 =	vmul.f32 v63, v18  }
0x274: {  	v27 =	vmul.f32 v40, v27;
	[tilespmem:s6+$0x51B0] =	vst v11  }
0x275: {  	v41 =	vmul.f32 v41, v61;
	v9 =	vmul.f32 v40, v9;
	[tilespmem:s6+$0x51A0] =	vst v18  }
0x276: {  	v8 =	vmul.f32 v63, v8;
	[tilespmem:s6+$0x5170] =	vst v27  }
0x277: {  	v11 =	vmul.f32 v63, v12;
	v18 =	vmul.f32 v41, v39;
	[tilespmem:s6+$0x5120] =	vst v9  }
0x278: {  	v12 =	vmul.f32 v63, v23;
	[tilespmem:s6+$0x51E0] =	vst v8  }
0x279: {  	v9 =	vmul.f32 v63, v14;
	[tilespmem:s6+$0x5190] =	vst v11;
	v18 =	vmul.f32 v18, v41  }
0x27a: {  	v8 =	vmul.f32 v63, v10;
	[tilespmem:s6+$0x5180] =	vst v12  }
0x27b: {  	v11 =	vmul.f32 v40, v37;
	[tilespmem:s6+$0x51D0] =	vst v9;
	v12 =	vadd.f32 $1.500000000e+00, v18  }
0x27c: {  	v9 =	vmul.f32 v40, v34;
	[tilespmem:s6+$0x51F0] =	vst v8  }
0x27d: {  	v8 =	vmul.f32 v40, v38;
	[tilespmem:s6+$0x5130] =	vst v11;
	v10 =	vmul.f32 v12, v41  }
0x27e: {  	v11 =	vmul.f32 v63, v29;
	[tilespmem:s6+$0x5160] =	vst v9  }
0x27f: {  	v9 =	vmul.f32 v40, v13;
	[tilespmem:s6+$0x5140] =	vst v8;
	v10 =	vmin.f32 v10, $9.999999950e+11  }
0x280: {  	v8 =	vmul.f32 v40, v15;
	[tilespmem:s6+$0x51C0] =	vst v11;
	v12 =	vperm.xlane v10, v5  }
0x281: {  	v11 =	vmul.f32 v40, v16;
	[tilespmem:s6+$0x5150] =	vst v9  }
0x282: {  	[tilespmem:s6+$0x5100] =	vst v8;
	v7 =	vmul.f32 v12, v7  }
0x283: {  	[tilespmem:s6+$0x5110] =	vst v11;
	v10 =	vperm.xlane v10, v6;
	v9 =	vmul.f32 v12, v20  }
0x284: {  	v8 =	vmul.f32 v12, v32;
	[tilespmem:s6+$0x5030] =	vst v7  }
0x285: {  	v7 =	vmul.f32 v10, v26;
	[tilespmem:s6+$0x5040] =	vst v9  }
0x286: {  	v9 =	vmul.f32 v12, v17;
	[tilespmem:s6+$0x5060] =	vst v8  }
0x287: {  	v8 =	vmul.f32 v12, v21;
	[tilespmem:s6+$0x50B0] =	vst v7  }
0x288: {  	v7 =	vmul.f32 v12, v30;
	[tilespmem:s6+$0x5000] =	vst v9  }
0x289: {  	v9 =	vmul.f32 v12, v24;
	[tilespmem:s6+$0x5010] =	vst v8  }
0x28a: {  	v8 =	vmul.f32 v10, v19;
	[tilespmem:s6+$0x5050] =	vst v7  }
0x28b: {  	v7 =	vmul.f32 v10, v25;
	[tilespmem:s6+$0x5020] =	vst v9  }
0x28c: {  	v9 =	vmul.f32 v10, v22;
	[tilespmem:s6+$0x5080] =	vst v8  }
0x28d: {  	v8 =	vmul.f32 v12, v35;
	[tilespmem:s6+$0x50A0] =	vst v7  }
0x28e: {  	v7 =	vmul.f32 v10, v28;
	[tilespmem:s6+$0x5090] =	vst v9  }
0x28f: {  	v9 =	vmul.f32 v10, v36;
	[tilespmem:s6+$0x5070] =	vst v8  }
0x290: {  	v8 =	vmul.f32 v10, v33;
	[tilespmem:s6+$0x50C0] =	vst v7  }
0x291: {  	s20 =	smul.u32 $0x140, s19;
	v7 =	vmul.f32 v10, v31;
	[tilespmem:s6+$0x50F0] =	vst v9  }
0x292: {  	[tilespmem:s6+$0x50E0] =	vst v8  }
0x293: {  	s22 =	simm.s32 $0x5000;
	s26 =	sadd.s32 s20, s17;
	[tilespmem:s6+$0x50D0] =	vst v7  }
0x294: {  	[spmem:s4] =	stream.indirect.scatter.add.f32 [tilespmem:s22], [sflag:$0xB], $0x80, s28, s0, $0xb8;
	[tilespmem:$0xE200] =	vst v63  }
0x295: {  	s21 =	sshll.u32 s26, $0x4;
	_ =	swait.ge [sflag:s13], $0x2800  }
0x296: {  	s21 =	sadd.s32 s1, s21;
	[sflag:s13] =	ssyncset.done $0x0  }
0x297: {  	s6 =	sshrl.u32 s26, $0x3;
	s22 =	simm.s32 $0x0;
	[sflag:s13] =	ssyncadd.s32 $0xFFFFD800  }
0x298: {  	[tilespmem:s22], [sflag:$0x1] =	stream.linear.gather [hbm4b:s21+s22], $0x2800, $0x38;
	[tilespmem:$0xE200] =	vst v63  }
0x299: {  	s6 =	sadd.s32 s2, s6  }
0x29a: {  	[tilespmem:s23], [sflag:$0x5] =	stream.linear.gather [hbm4b:s6+s22], $0x50, $0x38;
	[tilespmem:$0xE200] =	vst v63  }
0x29b: {  	_ =	swait.ge [sflag:s14], $0x2800  }
0x29c: {  	[sflag:s14] =	ssyncset.done $0x0  }
0x29d: {  	[sflag:s14] =	ssyncadd.s32 $0xFFFFD800  }
0x29e: {  	_ =	swait.ge [sflag:s15], $0x50  }
0x29f: {  	[sflag:s15] =	ssyncset.done $0x0  }
0x2a0: {  	s6 =	simm.s32 $0x0;
	[sflag:s15] =	ssyncadd.s32 $0xFFFFFFB0  }
0x2a1: {  	v11 =	vld [tilespmem:s6+$0x79B0]  }
0x2a2: {  	v18 =	vld [tilespmem:s6+$0x79A0]  }
0x2a3: {  	v12 =	vld [tilespmem:s6+$0x7990]  }
0x2a4: {  	v9 =	vld [tilespmem:s6+$0x7920]  }
0x2a5: {  	v23 =	vld [tilespmem:s6+$0x7980]  }
0x2a6: {  	v27 =	vld [tilespmem:s6+$0x7970]  }
0x2a7: {  	v16 =	vld [tilespmem:s6+$0x7910]  }
0x2a8: {  	v15 =	vld [tilespmem:s6+$0x7900]  }
0x2a9: {  	v8 =	vld [tilespmem:s6+$0x79E0]  }
0x2aa: {  	v14 =	vld [tilespmem:s6+$0x79D0]  }
0x2ab: {  	v10 =	vld [tilespmem:s6+$0x79F0]  }
0x2ac: {  	v37 =	vld [tilespmem:s6+$0x7930];
	v7 =	vmul.f32 v12, v12;
	v17 =	vmul.f32 v23, v23  }
0x2ad: {  	v29 =	vld [tilespmem:s6+$0x79C0];
	v19 =	vmul.f32 v16, v16;
	v20 =	vmul.f32 v15, v15  }
0x2ae: {  	v38 =	vld [tilespmem:s6+$0x7940];
	v21 =	vmul.f32 v18, v18;
	v17 =	vadd.f32 v7, v17  }
0x2af: {  	v13 =	vld [tilespmem:s6+$0x7950];
	v22 =	vmul.f32 v9, v9;
	v19 =	vadd.f32 v19, v20  }
0x2b0: {  	v34 =	vld [tilespmem:s6+$0x7960];
	v20 =	vmul.f32 v11, v11;
	v21 =	vadd.f32 v21, v17  }
0x2b1: {  	v24 =	vmul.f32 v37, v37;
	v17 =	vld [tilespmem:s6+$0x7800];
	v19 =	vadd.f32 v22, v19  }
0x2b2: {  	v20 =	vadd.f32 v20, v21;
	v21 =	vld [tilespmem:s6+$0x7810]  }
0x2b3: {  	v25 =	vmul.f32 v38, v38;
	v22 =	vmul.f32 v29, v29;
	v26 =	vadd.f32 v24, v19;
	v19 =	vld [tilespmem:s6+$0x7880]  }
0x2b4: {  	v28 =	vmul.f32 v14, v14;
	v30 =	vmul.f32 v13, v13;
	v24 =	vld [tilespmem:s6+$0x7820]  }
0x2b5: {  	v31 =	vmul.f32 v8, v8;
	v20 =	vadd.f32 v22, v20;
	v22 =	vld [tilespmem:s6+$0x7890];
	v26 =	vadd.f32 v25, v26  }
0x2b6: {  	v45 =	vmul.f32 v10, v10;
	v47 =	vmul.f32 v34, v34;
	v7 =	vld [tilespmem:s6+$0x7830]  }
0x2b7: {  	v50 =	vmul.f32 v27, v27;
	v25 =	vld [tilespmem:s6+$0x78A0];
	v28 =	vadd.f32 v28, v20;
	v48 =	vadd.f32 v30, v26  }
0x2b8: {  	v46 =	vmul.f32 v17, v17;
	v49 =	vmul.f32 v21, v21  }
0x2b9: {  	v26 =	vld [tilespmem:s6+$0x78B0];
	v51 =	vmul.f32 v19, v19;
	v31 =	vadd.f32 v31, v28;
	v35 =	vadd.f32 v47, v48  }
0x2ba: {  	v20 =	vld [tilespmem:s6+$0x7840];
	v54 =	vmul.f32 v24, v24;
	v52 =	vmul.f32 v22, v22;
	v33 =	vadd.f32 v49, v46  }
0x2bb: {  	v57 =	vmul.f32 v7, v7;
	v28 =	vld [tilespmem:s6+$0x78C0];
	v53 =	vadd.f32 v45, v31;
	v40 =	vadd.f32 v50, v35  }
0x2bc: {  	v30 =	vld [tilespmem:s6+$0x7850];
	v55 =	vmul.f32 v25, v25;
	v56 =	vadd.f32 v52, v51;
	v59 =	vadd.f32 v54, v33  }
0x2bd: {  	v31 =	vld [tilespmem:s6+$0x78D0];
	v58 =	vperm.xlane v53, v1;
	v45 =	vperm.xlane v40, v1  }
0x2be: {  	v32 =	vld [tilespmem:s6+$0x7860];
	v60 =	vmul.f32 v26, v26;
	v39 =	vadd.f32 v55, v56;
	v61 =	vadd.f32 v57, v59  }
0x2bf: {  	v46 =	vmul.f32 v20, v20;
	v33 =	vld [tilespmem:s6+$0x78E0];
	v41 =	vadd.f32 v58, v53;
	v40 =	vadd.f32 v45, v40  }
0x2c0: {  	v35 =	vld [tilespmem:s6+$0x7870];
	v62 =	vmul.f32 v28, v28;
	v39 =	vadd.f32 v60, v39  }
0x2c1: {  	v36 =	vld [tilespmem:s6+$0x78F0];
	v63 =	vmul.f32 v30, v30;
	v42 =	vadd.f32 v46, v61;
	v40 =	vsel vm0, v40, v41  }
0x2c2: {  	v48 =	vmul.f32 v31, v31;
	v39 =	vadd.f32 v62, v39;
	v50 =	vperm.xlane v40, v2  }
0x2c3: {  	v49 =	vmul.f32 v32, v32;
	v42 =	vadd.f32 v63, v42  }
0x2c4: {  	v51 =	vmul.f32 v33, v33;
	v39 =	vadd.f32 v48, v39;
	v40 =	vadd.f32 v50, v40  }
0x2c5: {  	v52 =	vmul.f32 v35, v35;
	v41 =	vadd.f32 v49, v42  }
0x2c6: {  	v53 =	vmul.f32 v36, v36;
	v39 =	vadd.f32 v51, v39;
	v54 =	vperm.xlane v40, v3  }
0x2c7: {  	v41 =	vadd.f32 v52, v41  }
0x2c8: {  	v39 =	vadd.f32 v53, v39;
	v40 =	vadd.f32 v54, v40  }
0x2c9: {  	v55 =	vperm.xlane v41, v1  }
0x2ca: {  	v43 =	vperm.xlane v39, v1;
	v56 =	vperm.xlane v40, v4  }
0x2cb: {  	v41 =	vadd.f32 v55, v41  }
0x2cc: {  	v39 =	vadd.f32 v43, v39;
	v40 =	vadd.f32 v56, v40;
	_ =	sdelay $0x1  }
0x2cd: {  	v39 =	vsel vm0, v41, v39;
	v57 =	vshra.s32 v40, $0x1;
	v40 =	vmul.f32 $-5.000000000e-01, v40  }
0x2ce: {  	v58 =	vperm.xlane v39, v2;
	v41 =	vsub.s32 $0x5F3759DF, v57  }
0x2cf: {  	v59 =	vmul.f32 v41, v40  }
0x2d0: {  	v39 =	vadd.f32 v58, v39  }
0x2d1: {  	v60 =	vmul.f32 v41, v59  }
0x2d2: {  	v61 =	vperm.xlane v39, v3  }
0x2d3: {  	v42 =	vadd.f32 $1.500000000e+00, v60  }
0x2d4: {  	v39 =	vadd.f32 v61, v39  }
0x2d5: {  	v41 =	vmul.f32 v41, v42  }
0x2d6: {  	v62 =	vperm.xlane v39, v4  }
0x2d7: {  	v63 =	vmul.f32 v41, v40  }
0x2d8: {  	v39 =	vadd.f32 v62, v39  }
0x2d9: {  	v43 =	vmul.f32 v63, v41  }
0x2da: {  	v42 =	vshra.s32 v39, $0x1;
	v39 =	vmul.f32 $-5.000000000e-01, v39  }
0x2db: {  	v42 =	vsub.s32 $0x5F3759DF, v42;
	v44 =	vadd.f32 $1.500000000e+00, v43  }
0x2dc: {  	s22 =	simm.s32 $0x800;
	v43 =	vmul.f32 v42, v39  }
.LBB2_11:
0x2dd: {  	p0 =	sne.s32 s22, $0x9800;
	v41 =	vmul.f32 v44, v41;
	s21 =	smov.u32 s22;
	s22 =	sadd.s32 $0x800, s22  }
0x2de: {  	v43 =	vmul.f32 v42, v43  }
0x2df: {  	v40 =	vmul.f32 v41, v40  }
0x2e0: {  	v43 =	vadd.f32 $1.500000000e+00, v43  }
0x2e1: {  	v40 =	vmul.f32 v40, v41  }
0x2e2: {  	v42 =	vmul.f32 v42, v43  }
0x2e3: {  	v40 =	vadd.f32 $1.500000000e+00, v40  }
0x2e4: {  	v43 =	vmul.f32 v42, v39  }
0x2e5: {  	v40 =	vmul.f32 v40, v41  }
0x2e6: {  	v41 =	vmul.f32 v43, v42  }
0x2e7: {  	v40 =	vmin.f32 v40, $9.999999950e+11  }
0x2e8: {  	v41 =	vadd.f32 $1.500000000e+00, v41;
	v43 =	vperm.xlane v40, v5;
	v40 =	vperm.xlane v40, v6;
	_ =	sdelay $0x1  }
0x2e9: {  	v18 =	vmul.f32 v40, v18;
	v11 =	vmul.f32 v40, v11  }
0x2ea: {  	v41 =	vmul.f32 v41, v42;
	v23 =	vmul.f32 v40, v23  }
0x2eb: {  	v27 =	vmul.f32 v43, v27;
	v29 =	vmul.f32 v40, v29;
	[tilespmem:s6+$0x79B0] =	vst v11  }
0x2ec: {  	s21 =	sshra.s32 s21, $0x2;
	v38 =	vmul.f32 v43, v38;
	v12 =	vmul.f32 v40, v12;
	[tilespmem:s6+$0x79A0] =	vst v18  }
0x2ed: {  	v37 =	vmul.f32 v43, v37;
	v18 =	vmul.f32 v41, v39;
	[tilespmem:s6+$0x7970] =	vst v27  }
0x2ee: {  	v16 =	vmul.f32 v43, v16;
	v9 =	vmul.f32 v43, v9;
	v11 =	vld [tilespmem:s21+$0x79B0];
	[tilespmem:s6+$0x7990] =	vst v12  }
0x2ef: {  	v14 =	vmul.f32 v40, v14;
	v27 =	vmul.f32 v18, v41;
	[tilespmem:s6+$0x7980] =	vst v23  }
0x2f0: {  	v8 =	vmul.f32 v40, v8;
	v10 =	vmul.f32 v40, v10;
	v18 =	vld [tilespmem:s21+$0x79A0];
	[tilespmem:s6+$0x7920] =	vst v9  }
0x2f1: {  	v15 =	vmul.f32 v43, v15;
	v13 =	vmul.f32 v43, v13;
	v27 =	vadd.f32 $1.500000000e+00, v27;
	v12 =	vld [tilespmem:s21+$0x7990];
	[tilespmem:s6+$0x7930] =	vst v37  }
0x2f2: {  	v34 =	vmul.f32 v43, v34;
	v9 =	vld [tilespmem:s21+$0x7920];
	[tilespmem:s6+$0x79E0] =	vst v8  }
0x2f3: {  	v37 =	vmul.f32 v27, v41;
	v23 =	vld [tilespmem:s21+$0x7980];
	[tilespmem:s6+$0x79D0] =	vst v14  }
0x2f4: {  	v27 =	vld [tilespmem:s21+$0x7970];
	[tilespmem:s6+$0x79C0] =	vst v29  }
0x2f5: {  	v29 =	vmin.f32 v37, $9.999999950e+11;
	v8 =	vld [tilespmem:s21+$0x79E0];
	[tilespmem:s6+$0x79F0] =	vst v10  }
0x2f6: {  	v39 =	vperm.xlane v29, v5;
	v14 =	vld [tilespmem:s21+$0x79D0];
	v37 =	vmul.f32 v12, v12;
	[tilespmem:s6+$0x7960] =	vst v34  }
0x2f7: {  	v40 =	vperm.xlane v29, v6;
	v34 =	vmul.f32 v18, v18;
	v10 =	vld [tilespmem:s21+$0x79F0];
	[tilespmem:s6+$0x7910] =	vst v16  }
0x2f8: {  	v7 =	vmul.f32 v39, v7;
	v20 =	vmul.f32 v39, v20;
	v16 =	vld [tilespmem:s21+$0x7910];
	[tilespmem:s6+$0x7940] =	vst v38  }
0x2f9: {  	v41 =	vmul.f32 v9, v9;
	v26 =	vmul.f32 v40, v26;
	v29 =	vld [tilespmem:s21+$0x79C0];
	[tilespmem:s6+$0x7950] =	vst v13  }
0x2fa: {  	v32 =	vmul.f32 v39, v32;
	v38 =	vmul.f32 v23, v23;
	v13 =	vld [tilespmem:s21+$0x7950];
	[tilespmem:s6+$0x7830] =	vst v7  }
0x2fb: {  	v17 =	vmul.f32 v39, v17;
	v30 =	vmul.f32 v39, v30;
	v7 =	vld [tilespmem:s21+$0x7830];
	[tilespmem:s6+$0x7900] =	vst v15  }
0x2fc: {  	v42 =	vmul.f32 v11, v11;
	v21 =	vmul.f32 v39, v21;
	v38 =	vadd.f32 v37, v38;
	v15 =	vld [tilespmem:s21+$0x7900];
	[tilespmem:s6+$0x7840] =	vst v20  }
0x2fd: {  	v24 =	vmul.f32 v39, v24;
	v20 =	vld [tilespmem:s21+$0x7840];
	v43 =	vmul.f32 v16, v16;
	[tilespmem:s6+$0x78B0] =	vst v26  }
0x2fe: {  	v25 =	vmul.f32 v40, v25;
	v38 =	vadd.f32 v34, v38;
	v37 =	vld [tilespmem:s21+$0x7930];
	v44 =	vmul.f32 v29, v29;
	[tilespmem:s6+$0x7860] =	vst v32  }
0x2ff: {  	v19 =	vmul.f32 v40, v19;
	v22 =	vmul.f32 v40, v22;
	v26 =	vld [tilespmem:s21+$0x78B0];
	[tilespmem:s6+$0x7800] =	vst v17  }
0x300: {  	v28 =	vmul.f32 v40, v28;
	v31 =	vmul.f32 v40, v31;
	v17 =	vadd.f32 v42, v38;
	v34 =	vld [tilespmem:s21+$0x7960];
	[tilespmem:s6+$0x7850] =	vst v30  }
0x301: {  	v42 =	vmul.f32 v7, v7;
	v38 =	vld [tilespmem:s21+$0x7940];
	v30 =	vmul.f32 v15, v15;
	[tilespmem:s6+$0x7810] =	vst v21  }
0x302: {  	v33 =	vmul.f32 v40, v33;
	v21 =	vadd.f32 v44, v17;
	v44 =	vmul.f32 v14, v14;
	v32 =	vld [tilespmem:s21+$0x7860];
	[tilespmem:s6+$0x7820] =	vst v24  }
0x303: {  	v45 =	vmul.f32 v20, v20;
	v17 =	vld [tilespmem:s21+$0x7800];
	v24 =	vadd.f32 v43, v30;
	v43 =	vmul.f32 v37, v37;
	[tilespmem:s6+$0x78A0] =	vst v25  }
0x304: {  	v25 =	vadd.f32 v44, v21;
	v44 =	vmul.f32 v8, v8;
	v30 =	vld [tilespmem:s21+$0x7850];
	v46 =	vmul.f32 v26, v26;
	[tilespmem:s6+$0x7880] =	vst v19  }
0x305: {  	v35 =	vmul.f32 v39, v35;
	v21 =	vld [tilespmem:s21+$0x7810];
	v19 =	vadd.f32 v41, v24;
	[tilespmem:s6+$0x7890] =	vst v22;
	v22 =	vmul.f32 v40, v36  }
0x306: {  	v39 =	vadd.f32 v44, v25;
	v24 =	vld [tilespmem:s21+$0x7820];
	v36 =	vmul.f32 v38, v38;
	[tilespmem:s6+$0x78C0] =	vst v28  }
0x307: {  	v40 =	vmul.f32 v10, v10;
	v25 =	vld [tilespmem:s21+$0x78A0];
	v28 =	vadd.f32 v43, v19;
	[tilespmem:s6+$0x7870] =	vst v35  }
0x308: {  	v35 =	vmul.f32 v17, v17;
	v19 =	vld [tilespmem:s21+$0x7880];
	[tilespmem:s6+$0x78F0] =	vst v22  }
0x309: {  	v41 =	vmul.f32 v13, v13;
	v43 =	vmul.f32 v34, v34;
	v22 =	vld [tilespmem:s21+$0x7890];
	v36 =	vadd.f32 v36, v28;
	[tilespmem:s6+$0x78D0] =	vst v31  }
0x30a: {  	v39 =	vadd.f32 v40, v39;
	v31 =	vmul.f32 v21, v21;
	v28 =	vld [tilespmem:s21+$0x78C0];
	[tilespmem:s6+$0x78E0] =	vst v33;
	s6 =	smov.u32 s21  }
0x30b: {  	v40 =	vmul.f32 v24, v24;
	v33 =	vadd.f32 v41, v36  }
0x30c: {  	v36 =	vmul.f32 v27, v27;
	v41 =	vperm.xlane v39, v1  }
0x30d: {  	v35 =	vadd.f32 v31, v35;
	v44 =	vmul.f32 v25, v25;
	v43 =	vadd.f32 v43, v33  }
0x30e: {  	v47 =	vmul.f32 v19, v19;
	v31 =	vld [tilespmem:s6+$0x78D0];
	v48 =	vmul.f32 v22, v22  }
0x30f: {  	v39 =	vadd.f32 v41, v39;
	v33 =	vld [tilespmem:s6+$0x78E0];
	v49 =	vmul.f32 v28, v28;
	v43 =	vadd.f32 v36, v43  }
0x310: {  	v36 =	vadd.f32 v40, v35;
	v40 =	vadd.f32 v48, v47  }
0x311: {  	v35 =	vld [tilespmem:s6+$0x7870];
	v41 =	vperm.xlane v43, v1  }
0x312: {  	v47 =	vmul.f32 v32, v32;
	v42 =	vadd.f32 v42, v36;
	v40 =	vadd.f32 v44, v40  }
0x313: {  	v44 =	vmul.f32 v30, v30;
	v36 =	vld [tilespmem:s6+$0x78F0];
	v48 =	vmul.f32 v31, v31;
	v41 =	vadd.f32 v41, v43  }
0x314: {  	v42 =	vadd.f32 v45, v42;
	v40 =	vadd.f32 v46, v40;
	v43 =	vmul.f32 v33, v33  }
0x315: {  	v39 =	vsel vm0, v41, v39  }
0x316: {  	v41 =	vmul.f32 v35, v35;
	v40 =	vadd.f32 v49, v40;
	v45 =	vperm.xlane v39, v2  }
0x317: {  	v42 =	vadd.f32 v44, v42  }
0x318: {  	v40 =	vadd.f32 v48, v40;
	v44 =	vmul.f32 v36, v36;
	v39 =	vadd.f32 v45, v39  }
0x319: {  	v42 =	vadd.f32 v47, v42  }
0x31a: {  	v40 =	vadd.f32 v43, v40;
	v43 =	vperm.xlane v39, v3  }
0x31b: {  	v41 =	vadd.f32 v41, v42  }
0x31c: {  	v40 =	vadd.f32 v44, v40;
	v39 =	vadd.f32 v43, v39  }
0x31d: {  	v42 =	vperm.xlane v41, v1  }
0x31e: {  	v43 =	vperm.xlane v40, v1;
	v44 =	vperm.xlane v39, v4  }
0x31f: {  	v41 =	vadd.f32 v42, v41  }
0x320: {  	v40 =	vadd.f32 v43, v40;
	v39 =	vadd.f32 v44, v39;
	_ =	sdelay $0x1  }
0x321: {  	v41 =	vsel vm0, v41, v40;
	v42 =	vshra.s32 v39, $0x1;
	v40 =	vmul.f32 $-5.000000000e-01, v39  }
0x322: {  	v39 =	vperm.xlane v41, v2;
	v42 =	vsub.s32 $0x5F3759DF, v42  }
0x323: {  	v43 =	vmul.f32 v42, v40  }
0x324: {  	v39 =	vadd.f32 v39, v41  }
0x325: {  	v41 =	vmul.f32 v42, v43  }
0x326: {  	v43 =	vperm.xlane v39, v3  }
0x327: {  	v41 =	vadd.f32 $1.500000000e+00, v41  }
0x328: {  	v39 =	vadd.f32 v43, v39  }
0x329: {  	v41 =	vmul.f32 v42, v41  }
0x32a: {  	v42 =	vperm.xlane v39, v4  }
0x32b: {  	v43 =	vmul.f32 v41, v40  }
.Ltmp4:
0x32c: {  	v39 =	vadd.f32 v42, v39;
	(pc) =	sbr.rel @p0 .LBB2_11-.Ltmp4, $4  }
0x32d: {  	v43 =	vmul.f32 v43, v41  }
0x32e: {  	v42 =	vshra.s32 v39, $0x1;
	v39 =	vmul.f32 $-5.000000000e-01, v39  }
0x32f: {  	v42 =	vsub.s32 $0x5F3759DF, v42;
	v44 =	vadd.f32 $1.500000000e+00, v43  }
0x330: {  	v43 =	vmul.f32 v42, v39  }
0x331: {  	v41 =	vmul.f32 v44, v41;
	_ =	sdelay $0x1  }
0x332: {  	v40 =	vmul.f32 v41, v40;
	_ =	sdelay $0x1  }
0x333: {  	v43 =	vmul.f32 v42, v43;
	v40 =	vmul.f32 v40, v41;
	_ =	sdelay $0x1  }
0x334: {  	v43 =	vadd.f32 $1.500000000e+00, v43;
	v40 =	vadd.f32 $1.500000000e+00, v40;
	_ =	sdelay $0x1  }
0x335: {  	v63 =	vmul.f32 v42, v43;
	v40 =	vmul.f32 v40, v41;
	_ =	sdelay $0x1  }
0x336: {  	v45 =	vmul.f32 v63, v39;
	v40 =	vmin.f32 v40, $9.999999950e+11  }
0x337: {  	v46 =	vperm.xlane v40, v6  }
0x338: {  	v41 =	vmul.f32 v45, v63  }
0x339: {  	v40 =	vperm.xlane v40, v5;
	v11 =	vmul.f32 v46, v11  }
0x33a: {  	v41 =	vadd.f32 $1.500000000e+00, v41;
	v18 =	vmul.f32 v46, v18  }
0x33b: {  	v27 =	vmul.f32 v40, v27;
	[tilespmem:s6+$0x79B0] =	vst v11  }
0x33c: {  	v41 =	vmul.f32 v41, v63;
	v47 =	vmul.f32 v46, v12;
	[tilespmem:s6+$0x79A0] =	vst v18  }
0x33d: {  	v48 =	vmul.f32 v46, v23;
	[tilespmem:s6+$0x7970] =	vst v27  }
0x33e: {  	v9 =	vmul.f32 v40, v9;
	v49 =	vmul.f32 v41, v39;
	[tilespmem:s6+$0x7990] =	vst v47  }
0x33f: {  	v50 =	vmul.f32 v40, v37;
	[tilespmem:s6+$0x7980] =	vst v48  }
0x340: {  	v8 =	vmul.f32 v46, v8;
	[tilespmem:s6+$0x7920] =	vst v9;
	v18 =	vmul.f32 v49, v41  }
0x341: {  	v51 =	vmul.f32 v46, v14;
	[tilespmem:s6+$0x7930] =	vst v50  }
0x342: {  	v53 =	vmul.f32 v46, v29;
	[tilespmem:s6+$0x79E0] =	vst v8;
	v52 =	vadd.f32 $1.500000000e+00, v18  }
0x343: {  	v55 =	vmul.f32 v40, v34;
	[tilespmem:s6+$0x79D0] =	vst v51  }
0x344: {  	v8 =	vmul.f32 v46, v10;
	[tilespmem:s6+$0x79C0] =	vst v53;
	v54 =	vmul.f32 v52, v41  }
0x345: {  	v56 =	vmul.f32 v40, v16;
	[tilespmem:s6+$0x7960] =	vst v55  }
0x346: {  	[tilespmem:s6+$0x79F0] =	vst v8;
	v8 =	vmul.f32 v40, v38;
	v10 =	vmin.f32 v54, $9.999999950e+11  }
0x347: {  	v58 =	vmul.f32 v40, v13;
	[tilespmem:s6+$0x7910] =	vst v56;
	v57 =	vperm.xlane v10, v5  }
0x348: {  	[tilespmem:s6+$0x7940] =	vst v8;
	v8 =	vmul.f32 v40, v15  }
0x349: {  	[tilespmem:s6+$0x7950] =	vst v58;
	v7 =	vmul.f32 v57, v7  }
0x34a: {  	[tilespmem:s6+$0x7900] =	vst v8;
	v59 =	vmul.f32 v57, v20  }
0x34b: {  	v8 =	vmul.f32 v57, v32;
	[tilespmem:s6+$0x7830] =	vst v7  }
0x34c: {  	v10 =	vperm.xlane v10, v6;
	v60 =	vmul.f32 v57, v17;
	[tilespmem:s6+$0x7840] =	vst v59  }
0x34d: {  	v61 =	vmul.f32 v57, v24;
	[tilespmem:s6+$0x7860] =	vst v8  }
0x34e: {  	v62 =	vmul.f32 v10, v22;
	[tilespmem:s6+$0x7800] =	vst v60  }
0x34f: {  	v63 =	vmul.f32 v10, v36;
	[tilespmem:s6+$0x7820] =	vst v61  }
0x350: {  	v7 =	vmul.f32 v10, v26;
	[tilespmem:s6+$0x7890] =	vst v62  }
0x351: {  	v8 =	vmul.f32 v57, v21;
	[tilespmem:s6+$0x78F0] =	vst v63  }
0x352: {  	[tilespmem:s6+$0x78B0] =	vst v7;
	v7 =	vmul.f32 v57, v30  }
0x353: {  	[tilespmem:s6+$0x7810] =	vst v8;
	v8 =	vmul.f32 v10, v19  }
0x354: {  	[tilespmem:s6+$0x7850] =	vst v7;
	v7 =	vmul.f32 v10, v25  }
0x355: {  	[tilespmem:s6+$0x7880] =	vst v8;
	v8 =	vmul.f32 v57, v35  }
0x356: {  	p0 =	seq.s32 s19, $0x1E;
	[tilespmem:s6+$0x78A0] =	vst v7;
	v7 =	vmul.f32 v10, v28  }
.Ltmp5:
0x357: {  	[tilespmem:s6+$0x7870] =	vst v8;
	v8 =	vmul.f32 v10, v33;
	(pc) =	sbr.rel @p0 .LBB2_14-.Ltmp5, $4  }
0x358: {  	[tilespmem:s6+$0x78C0] =	vst v7;
	v7 =	vmul.f32 v10, v31  }
0x359: {  	[tilespmem:s6+$0x78E0] =	vst v8  }
0x35a: {  	[tilespmem:s6+$0x78D0] =	vst v7  }
0x35b: {  	[spmem:s4] =	stream.indirect.scatter.add.f32 [tilespmem:s29], [sflag:$0xC], $0x80, s30, s0, $0xb8;
	[tilespmem:$0xE200] =	vst v63  }
0x35c: {  	_ =	swait.ge [sflag:s16], $0x2800;
	s6 =	sadd.s32 s20, s18  }
.Ltmp6:
0x35d: {  	[sflag:s16] =	ssyncset.done $0x0;
	s20 =	sshll.u32 s6, $0x4;
	(pc) =	sbr.rel .LBB2_4-.Ltmp6, $4  }
0x35e: {  	s6 =	sshrl.u32 s6, $0x3;
	[sflag:s16] =	ssyncadd.s32 $0xFFFFD800;
	s20 =	sadd.s32 s1, s20  }
0x35f: {  	[tilespmem:s24], [sflag:$0x2] =	stream.linear.gather [hbm4b:s20+s5], $0x2800, $0x38;
	[tilespmem:$0xE200] =	vst v63  }
0x360: {  	s19 =	sadd.s32 $0x1, s19;
	s6 =	sadd.s32 s2, s6  }
0x361: {  	[tilespmem:s25], [sflag:$0x6] =	stream.linear.gather [hbm4b:s6+s5], $0x50, $0x38;
	[tilespmem:$0xE200] =	vst v63  }
.LBB2_14:
0x362: {  	_ =	swait.ge [sflag:s31], $0x2800  }
0x363: {  	[sflag:s31] =	ssyncset.done $0x0  }
0x364: {  	[sflag:s31] =	ssyncadd.s32 $0xFFFFD800  }
0x365: {  	_ =	swait.ge [sflag:s3], $0x50  }
0x366: {  	[sflag:s3] =	ssyncset.done $0x0  }
0x367: {  	s6 =	simm.s32 $0x0;
	[sflag:s3] =	ssyncadd.s32 $0xFFFFFFB0  }
0x368: {  	v11 =	vld [tilespmem:s6+$0x1B0]  }
0x369: {  	v18 =	vld [tilespmem:s6+$0x1A0]  }
0x36a: {  	v12 =	vld [tilespmem:s6+$0x190]  }
0x36b: {  	v9 =	vld [tilespmem:s6+$0x120]  }
0x36c: {  	v23 =	vld [tilespmem:s6+$0x180]  }
0x36d: {  	v27 =	vld [tilespmem:s6+$0x170]  }
0x36e: {  	v16 =	vld [tilespmem:s6+$0x110]  }
0x36f: {  	v15 =	vld [tilespmem:s6+$0x100]  }
0x370: {  	v8 =	vld [tilespmem:s6+$0x1E0]  }
0x371: {  	v14 =	vld [tilespmem:s6+$0x1D0]  }
0x372: {  	v10 =	vld [tilespmem:s6+$0x1F0]  }
0x373: {  	v37 =	vld [tilespmem:s6+$0x130];
	v7 =	vmul.f32 v12, v12;
	v17 =	vmul.f32 v23, v23  }
0x374: {  	v29 =	vld [tilespmem:s6+$0x1C0];
	v19 =	vmul.f32 v16, v16;
	v20 =	vmul.f32 v15, v15  }
0x375: {  	v38 =	vld [tilespmem:s6+$0x140];
	v21 =	vmul.f32 v18, v18;
	v17 =	vadd.f32 v7, v17  }
0x376: {  	v13 =	vld [tilespmem:s6+$0x150];
	v22 =	vmul.f32 v9, v9;
	v19 =	vadd.f32 v19, v20  }
0x377: {  	v34 =	vld [tilespmem:s6+$0x160];
	v20 =	vmul.f32 v11, v11;
	v21 =	vadd.f32 v21, v17  }
0x378: {  	v24 =	vmul.f32 v37, v37;
	v17 =	vld [tilespmem:s6+$0x0];
	v19 =	vadd.f32 v22, v19  }
0x379: {  	v20 =	vadd.f32 v20, v21;
	v21 =	vld [tilespmem:s6+$0x10]  }
0x37a: {  	v25 =	vmul.f32 v38, v38;
	v22 =	vmul.f32 v29, v29;
	v26 =	vadd.f32 v24, v19;
	v19 =	vld [tilespmem:s6+$0x80]  }
0x37b: {  	v28 =	vmul.f32 v14, v14;
	v30 =	vmul.f32 v13, v13;
	v24 =	vld [tilespmem:s6+$0x20]  }
0x37c: {  	v31 =	vmul.f32 v8, v8;
	v20 =	vadd.f32 v22, v20;
	v22 =	vld [tilespmem:s6+$0x90];
	v26 =	vadd.f32 v25, v26  }
0x37d: {  	v32 =	vmul.f32 v10, v10;
	v35 =	vmul.f32 v34, v34;
	v7 =	vld [tilespmem:s6+$0x30]  }
0x37e: {  	v40 =	vmul.f32 v27, v27;
	v25 =	vld [tilespmem:s6+$0xA0];
	v28 =	vadd.f32 v28, v20;
	v36 =	vadd.f32 v30, v26  }
0x37f: {  	v33 =	vmul.f32 v17, v17;
	v39 =	vmul.f32 v21, v21  }
0x380: {  	v26 =	vld [tilespmem:s6+$0xB0];
	v55 =	vmul.f32 v19, v19;
	v31 =	vadd.f32 v31, v28;
	v35 =	vadd.f32 v35, v36  }
0x381: {  	v20 =	vld [tilespmem:s6+$0x40];
	v56 =	vmul.f32 v24, v24;
	v41 =	vmul.f32 v22, v22;
	v33 =	vadd.f32 v39, v33  }
0x382: {  	v59 =	vmul.f32 v7, v7;
	v28 =	vld [tilespmem:s6+$0xC0];
	v42 =	vadd.f32 v32, v31;
	v40 =	vadd.f32 v40, v35  }
0x383: {  	v30 =	vld [tilespmem:s6+$0x50];
	v57 =	vmul.f32 v25, v25;
	v58 =	vadd.f32 v41, v55;
	v43 =	vadd.f32 v56, v33  }
0x384: {  	v31 =	vld [tilespmem:s6+$0xD0];
	v60 =	vperm.xlane v42, v1;
	v45 =	vperm.xlane v40, v1  }
0x385: {  	v32 =	vld [tilespmem:s6+$0x60];
	v44 =	vmul.f32 v26, v26;
	v39 =	vadd.f32 v57, v58;
	v61 =	vadd.f32 v59, v43  }
0x386: {  	v46 =	vmul.f32 v20, v20;
	v33 =	vld [tilespmem:s6+$0xE0];
	v41 =	vadd.f32 v60, v42;
	v40 =	vadd.f32 v45, v40  }
0x387: {  	v35 =	vld [tilespmem:s6+$0x70];
	v62 =	vmul.f32 v28, v28;
	v39 =	vadd.f32 v44, v39  }
0x388: {  	v36 =	vld [tilespmem:s6+$0xF0];
	v63 =	vmul.f32 v30, v30;
	v42 =	vadd.f32 v46, v61;
	v40 =	vsel vm0, v40, v41  }
0x389: {  	v48 =	vmul.f32 v31, v31;
	v39 =	vadd.f32 v62, v39;
	v50 =	vperm.xlane v40, v2  }
0x38a: {  	v49 =	vmul.f32 v32, v32;
	v42 =	vadd.f32 v63, v42  }
0x38b: {  	v51 =	vmul.f32 v33, v33;
	v39 =	vadd.f32 v48, v39;
	v40 =	vadd.f32 v50, v40  }
0x38c: {  	v52 =	vmul.f32 v35, v35;
	v41 =	vadd.f32 v49, v42  }
0x38d: {  	v53 =	vmul.f32 v36, v36;
	v39 =	vadd.f32 v51, v39;
	v54 =	vperm.xlane v40, v3  }
0x38e: {  	v41 =	vadd.f32 v52, v41  }
0x38f: {  	v39 =	vadd.f32 v53, v39;
	v40 =	vadd.f32 v54, v40  }
0x390: {  	v55 =	vperm.xlane v41, v1  }
0x391: {  	v43 =	vperm.xlane v39, v1;
	v56 =	vperm.xlane v40, v4  }
0x392: {  	v41 =	vadd.f32 v55, v41  }
0x393: {  	v39 =	vadd.f32 v43, v39;
	v40 =	vadd.f32 v56, v40;
	_ =	sdelay $0x1  }
0x394: {  	v39 =	vsel vm0, v41, v39;
	v57 =	vshra.s32 v40, $0x1;
	v40 =	vmul.f32 $-5.000000000e-01, v40  }
0x395: {  	v58 =	vperm.xlane v39, v2;
	v41 =	vsub.s32 $0x5F3759DF, v57  }
0x396: {  	v59 =	vmul.f32 v41, v40  }
0x397: {  	v39 =	vadd.f32 v58, v39  }
0x398: {  	v60 =	vmul.f32 v41, v59  }
0x399: {  	v61 =	vperm.xlane v39, v3  }
0x39a: {  	v42 =	vadd.f32 $1.500000000e+00, v60  }
0x39b: {  	v39 =	vadd.f32 v61, v39  }
0x39c: {  	v41 =	vmul.f32 v41, v42  }
0x39d: {  	v62 =	vperm.xlane v39, v4  }
0x39e: {  	v63 =	vmul.f32 v41, v40  }
0x39f: {  	v39 =	vadd.f32 v62, v39  }
0x3a0: {  	v43 =	vmul.f32 v63, v41  }
0x3a1: {  	v42 =	vshra.s32 v39, $0x1;
	v39 =	vmul.f32 $-5.000000000e-01, v39  }
0x3a2: {  	v42 =	vsub.s32 $0x5F3759DF, v42;
	v44 =	vadd.f32 $1.500000000e+00, v43  }
0x3a3: {  	s19 =	simm.s32 $0x800;
	v43 =	vmul.f32 v42, v39  }
.LBB2_15:
0x3a4: {  	p0 =	sne.s32 s19, $0x9800;
	v41 =	vmul.f32 v44, v41;
	s20 =	smov.u32 s19;
	s19 =	sadd.s32 $0x800, s19  }
0x3a5: {  	v43 =	vmul.f32 v42, v43  }
0x3a6: {  	v40 =	vmul.f32 v41, v40  }
0x3a7: {  	v43 =	vadd.f32 $1.500000000e+00, v43  }
0x3a8: {  	v40 =	vmul.f32 v40, v41  }
0x3a9: {  	v42 =	vmul.f32 v42, v43  }
0x3aa: {  	v40 =	vadd.f32 $1.500000000e+00, v40  }
0x3ab: {  	v43 =	vmul.f32 v42, v39  }
0x3ac: {  	v40 =	vmul.f32 v40, v41  }
0x3ad: {  	v41 =	vmul.f32 v43, v42  }
0x3ae: {  	v40 =	vmin.f32 v40, $9.999999950e+11  }
0x3af: {  	v41 =	vadd.f32 $1.500000000e+00, v41;
	v43 =	vperm.xlane v40, v5;
	v40 =	vperm.xlane v40, v6;
	_ =	sdelay $0x1  }
0x3b0: {  	v18 =	vmul.f32 v40, v18;
	v11 =	vmul.f32 v40, v11  }
0x3b1: {  	v41 =	vmul.f32 v41, v42;
	v23 =	vmul.f32 v40, v23  }
0x3b2: {  	v27 =	vmul.f32 v43, v27;
	v29 =	vmul.f32 v40, v29;
	[tilespmem:s6+$0x1B0] =	vst v11  }
0x3b3: {  	s20 =	sshra.s32 s20, $0x2;
	v38 =	vmul.f32 v43, v38;
	v12 =	vmul.f32 v40, v12;
	[tilespmem:s6+$0x1A0] =	vst v18  }
0x3b4: {  	v37 =	vmul.f32 v43, v37;
	v18 =	vmul.f32 v41, v39;
	[tilespmem:s6+$0x170] =	vst v27  }
0x3b5: {  	v16 =	vmul.f32 v43, v16;
	v9 =	vmul.f32 v43, v9;
	v11 =	vld [tilespmem:s20+$0x1B0];
	[tilespmem:s6+$0x190] =	vst v12  }
0x3b6: {  	v14 =	vmul.f32 v40, v14;
	v27 =	vmul.f32 v18, v41;
	[tilespmem:s6+$0x180] =	vst v23  }
0x3b7: {  	v8 =	vmul.f32 v40, v8;
	v10 =	vmul.f32 v40, v10;
	v18 =	vld [tilespmem:s20+$0x1A0];
	[tilespmem:s6+$0x120] =	vst v9  }
0x3b8: {  	v15 =	vmul.f32 v43, v15;
	v13 =	vmul.f32 v43, v13;
	v27 =	vadd.f32 $1.500000000e+00, v27;
	v12 =	vld [tilespmem:s20+$0x190];
	[tilespmem:s6+$0x130] =	vst v37  }
0x3b9: {  	v34 =	vmul.f32 v43, v34;
	v9 =	vld [tilespmem:s20+$0x120];
	[tilespmem:s6+$0x1E0] =	vst v8  }
0x3ba: {  	v37 =	vmul.f32 v27, v41;
	v23 =	vld [tilespmem:s20+$0x180];
	[tilespmem:s6+$0x1D0] =	vst v14  }
0x3bb: {  	v27 =	vld [tilespmem:s20+$0x170];
	[tilespmem:s6+$0x1C0] =	vst v29  }
0x3bc: {  	v29 =	vmin.f32 v37, $9.999999950e+11;
	v8 =	vld [tilespmem:s20+$0x1E0];
	[tilespmem:s6+$0x1F0] =	vst v10  }
0x3bd: {  	v39 =	vperm.xlane v29, v5;
	v14 =	vld [tilespmem:s20+$0x1D0];
	v37 =	vmul.f32 v12, v12;
	[tilespmem:s6+$0x160] =	vst v34  }
0x3be: {  	v40 =	vperm.xlane v29, v6;
	v34 =	vmul.f32 v18, v18;
	v10 =	vld [tilespmem:s20+$0x1F0];
	[tilespmem:s6+$0x110] =	vst v16  }
0x3bf: {  	v7 =	vmul.f32 v39, v7;
	v20 =	vmul.f32 v39, v20;
	v16 =	vld [tilespmem:s20+$0x110];
	[tilespmem:s6+$0x140] =	vst v38  }
0x3c0: {  	v41 =	vmul.f32 v9, v9;
	v26 =	vmul.f32 v40, v26;
	v29 =	vld [tilespmem:s20+$0x1C0];
	[tilespmem:s6+$0x150] =	vst v13  }
0x3c1: {  	v32 =	vmul.f32 v39, v32;
	v38 =	vmul.f32 v23, v23;
	v13 =	vld [tilespmem:s20+$0x150];
	[tilespmem:s6+$0x30] =	vst v7  }
0x3c2: {  	v17 =	vmul.f32 v39, v17;
	v30 =	vmul.f32 v39, v30;
	v7 =	vld [tilespmem:s20+$0x30];
	[tilespmem:s6+$0x100] =	vst v15  }
0x3c3: {  	v42 =	vmul.f32 v11, v11;
	v21 =	vmul.f32 v39, v21;
	v38 =	vadd.f32 v37, v38;
	v15 =	vld [tilespmem:s20+$0x100];
	[tilespmem:s6+$0x40] =	vst v20  }
0x3c4: {  	v24 =	vmul.f32 v39, v24;
	v20 =	vld [tilespmem:s20+$0x40];
	v43 =	vmul.f32 v16, v16;
	[tilespmem:s6+$0xB0] =	vst v26  }
0x3c5: {  	v25 =	vmul.f32 v40, v25;
	v38 =	vadd.f32 v34, v38;
	v37 =	vld [tilespmem:s20+$0x130];
	v44 =	vmul.f32 v29, v29;
	[tilespmem:s6+$0x60] =	vst v32  }
0x3c6: {  	v19 =	vmul.f32 v40, v19;
	v22 =	vmul.f32 v40, v22;
	v26 =	vld [tilespmem:s20+$0xB0];
	[tilespmem:s6+$0x0] =	vst v17  }
0x3c7: {  	v28 =	vmul.f32 v40, v28;
	v31 =	vmul.f32 v40, v31;
	v17 =	vadd.f32 v42, v38;
	v34 =	vld [tilespmem:s20+$0x160];
	[tilespmem:s6+$0x50] =	vst v30  }
0x3c8: {  	v42 =	vmul.f32 v7, v7;
	v38 =	vld [tilespmem:s20+$0x140];
	v30 =	vmul.f32 v15, v15;
	[tilespmem:s6+$0x10] =	vst v21  }
0x3c9: {  	v33 =	vmul.f32 v40, v33;
	v21 =	vadd.f32 v44, v17;
	v44 =	vmul.f32 v14, v14;
	v32 =	vld [tilespmem:s20+$0x60];
	[tilespmem:s6+$0x20] =	vst v24  }
0x3ca: {  	v45 =	vmul.f32 v20, v20;
	v17 =	vld [tilespmem:s20+$0x0];
	v24 =	vadd.f32 v43, v30;
	v43 =	vmul.f32 v37, v37;
	[tilespmem:s6+$0xA0] =	vst v25  }
0x3cb: {  	v25 =	vadd.f32 v44, v21;
	v44 =	vmul.f32 v8, v8;
	v30 =	vld [tilespmem:s20+$0x50];
	v46 =	vmul.f32 v26, v26;
	[tilespmem:s6+$0x80] =	vst v19  }
0x3cc: {  	v35 =	vmul.f32 v39, v35;
	v21 =	vld [tilespmem:s20+$0x10];
	v19 =	vadd.f32 v41, v24;
	[tilespmem:s6+$0x90] =	vst v22;
	v22 =	vmul.f32 v40, v36  }
0x3cd: {  	v39 =	vadd.f32 v44, v25;
	v24 =	vld [tilespmem:s20+$0x20];
	v36 =	vmul.f32 v38, v38;
	[tilespmem:s6+$0xC0] =	vst v28  }
0x3ce: {  	v40 =	vmul.f32 v10, v10;
	v25 =	vld [tilespmem:s20+$0xA0];
	v28 =	vadd.f32 v43, v19;
	[tilespmem:s6+$0x70] =	vst v35  }
0x3cf: {  	v35 =	vmul.f32 v17, v17;
	v19 =	vld [tilespmem:s20+$0x80];
	[tilespmem:s6+$0xF0] =	vst v22  }
0x3d0: {  	v41 =	vmul.f32 v13, v13;
	v43 =	vmul.f32 v34, v34;
	v22 =	vld [tilespmem:s20+$0x90];
	v36 =	vadd.f32 v36, v28;
	[tilespmem:s6+$0xD0] =	vst v31  }
0x3d1: {  	v39 =	vadd.f32 v40, v39;
	v31 =	vmul.f32 v21, v21;
	v28 =	vld [tilespmem:s20+$0xC0];
	[tilespmem:s6+$0xE0] =	vst v33;
	s6 =	smov.u32 s20  }
0x3d2: {  	v40 =	vmul.f32 v24, v24;
	v33 =	vadd.f32 v41, v36  }
0x3d3: {  	v36 =	vmul.f32 v27, v27;
	v41 =	vperm.xlane v39, v1  }
0x3d4: {  	v35 =	vadd.f32 v31, v35;
	v44 =	vmul.f32 v25, v25;
	v43 =	vadd.f32 v43, v33  }
0x3d5: {  	v47 =	vmul.f32 v19, v19;
	v31 =	vld [tilespmem:s6+$0xD0];
	v48 =	vmul.f32 v22, v22  }
0x3d6: {  	v39 =	vadd.f32 v41, v39;
	v33 =	vld [tilespmem:s6+$0xE0];
	v49 =	vmul.f32 v28, v28;
	v43 =	vadd.f32 v36, v43  }
0x3d7: {  	v36 =	vadd.f32 v40, v35;
	v40 =	vadd.f32 v48, v47  }
0x3d8: {  	v35 =	vld [tilespmem:s6+$0x70];
	v41 =	vperm.xlane v43, v1  }
0x3d9: {  	v47 =	vmul.f32 v32, v32;
	v42 =	vadd.f32 v42, v36;
	v40 =	vadd.f32 v44, v40  }
0x3da: {  	v44 =	vmul.f32 v30, v30;
	v36 =	vld [tilespmem:s6+$0xF0];
	v48 =	vmul.f32 v31, v31;
	v41 =	vadd.f32 v41, v43  }
0x3db: {  	v42 =	vadd.f32 v45, v42;
	v40 =	vadd.f32 v46, v40;
	v43 =	vmul.f32 v33, v33  }
0x3dc: {  	v39 =	vsel vm0, v41, v39  }
0x3dd: {  	v41 =	vmul.f32 v35, v35;
	v40 =	vadd.f32 v49, v40;
	v45 =	vperm.xlane v39, v2  }
0x3de: {  	v42 =	vadd.f32 v44, v42  }
0x3df: {  	v40 =	vadd.f32 v48, v40;
	v44 =	vmul.f32 v36, v36;
	v39 =	vadd.f32 v45, v39  }
0x3e0: {  	v42 =	vadd.f32 v47, v42  }
0x3e1: {  	v40 =	vadd.f32 v43, v40;
	v43 =	vperm.xlane v39, v3  }
0x3e2: {  	v41 =	vadd.f32 v41, v42  }
0x3e3: {  	v40 =	vadd.f32 v44, v40;
	v39 =	vadd.f32 v43, v39  }
0x3e4: {  	v42 =	vperm.xlane v41, v1  }
0x3e5: {  	v43 =	vperm.xlane v40, v1;
	v44 =	vperm.xlane v39, v4  }
0x3e6: {  	v41 =	vadd.f32 v42, v41  }
0x3e7: {  	v40 =	vadd.f32 v43, v40;
	v39 =	vadd.f32 v44, v39;
	_ =	sdelay $0x1  }
0x3e8: {  	v41 =	vsel vm0, v41, v40;
	v42 =	vshra.s32 v39, $0x1;
	v40 =	vmul.f32 $-5.000000000e-01, v39  }
0x3e9: {  	v39 =	vperm.xlane v41, v2;
	v42 =	vsub.s32 $0x5F3759DF, v42  }
0x3ea: {  	v43 =	vmul.f32 v42, v40  }
0x3eb: {  	v39 =	vadd.f32 v39, v41  }
0x3ec: {  	v41 =	vmul.f32 v42, v43  }
0x3ed: {  	v43 =	vperm.xlane v39, v3  }
0x3ee: {  	v41 =	vadd.f32 $1.500000000e+00, v41  }
0x3ef: {  	v39 =	vadd.f32 v43, v39  }
0x3f0: {  	v41 =	vmul.f32 v42, v41  }
0x3f1: {  	v42 =	vperm.xlane v39, v4  }
0x3f2: {  	v43 =	vmul.f32 v41, v40  }
.Ltmp7:
0x3f3: {  	v39 =	vadd.f32 v42, v39;
	(pc) =	sbr.rel @p0 .LBB2_15-.Ltmp7, $4  }
0x3f4: {  	v43 =	vmul.f32 v43, v41  }
0x3f5: {  	v42 =	vshra.s32 v39, $0x1;
	v39 =	vmul.f32 $-5.000000000e-01, v39  }
0x3f6: {  	v42 =	vsub.s32 $0x5F3759DF, v42;
	v44 =	vadd.f32 $1.500000000e+00, v43  }
0x3f7: {  	v43 =	vmul.f32 v42, v39  }
0x3f8: {  	v41 =	vmul.f32 v44, v41;
	_ =	sdelay $0x1  }
0x3f9: {  	v40 =	vmul.f32 v41, v40;
	_ =	sdelay $0x1  }
0x3fa: {  	v43 =	vmul.f32 v42, v43;
	v40 =	vmul.f32 v40, v41;
	_ =	sdelay $0x1  }
0x3fb: {  	v43 =	vadd.f32 $1.500000000e+00, v43;
	v40 =	vadd.f32 $1.500000000e+00, v40;
	_ =	sdelay $0x1  }
0x3fc: {  	v63 =	vmul.f32 v42, v43;
	v40 =	vmul.f32 v40, v41;
	_ =	sdelay $0x1  }
0x3fd: {  	v45 =	vmul.f32 v63, v39;
	v40 =	vmin.f32 v40, $9.999999950e+11  }
0x3fe: {  	v46 =	vperm.xlane v40, v6  }
0x3ff: {  	v41 =	vmul.f32 v45, v63  }
0x400: {  	v40 =	vperm.xlane v40, v5;
	v11 =	vmul.f32 v46, v11  }
0x401: {  	v41 =	vadd.f32 $1.500000000e+00, v41;
	v18 =	vmul.f32 v46, v18  }
0x402: {  	v27 =	vmul.f32 v40, v27;
	[tilespmem:s6+$0x1B0] =	vst v11  }
0x403: {  	v41 =	vmul.f32 v41, v63;
	v47 =	vmul.f32 v46, v12;
	[tilespmem:s6+$0x1A0] =	vst v18  }
0x404: {  	v48 =	vmul.f32 v46, v23;
	[tilespmem:s6+$0x170] =	vst v27  }
0x405: {  	v9 =	vmul.f32 v40, v9;
	v49 =	vmul.f32 v41, v39;
	[tilespmem:s6+$0x190] =	vst v47  }
0x406: {  	v50 =	vmul.f32 v40, v37;
	[tilespmem:s6+$0x180] =	vst v48  }
0x407: {  	v8 =	vmul.f32 v46, v8;
	[tilespmem:s6+$0x120] =	vst v9;
	v18 =	vmul.f32 v49, v41  }
0x408: {  	v51 =	vmul.f32 v46, v14;
	[tilespmem:s6+$0x130] =	vst v50  }
0x409: {  	v53 =	vmul.f32 v46, v29;
	[tilespmem:s6+$0x1E0] =	vst v8;
	v52 =	vadd.f32 $1.500000000e+00, v18  }
0x40a: {  	v55 =	vmul.f32 v40, v34;
	[tilespmem:s6+$0x1D0] =	vst v51  }
0x40b: {  	v8 =	vmul.f32 v46, v10;
	[tilespmem:s6+$0x1C0] =	vst v53;
	v54 =	vmul.f32 v52, v41  }
0x40c: {  	v56 =	vmul.f32 v40, v16;
	[tilespmem:s6+$0x160] =	vst v55  }
0x40d: {  	[tilespmem:s6+$0x1F0] =	vst v8;
	v8 =	vmul.f32 v40, v38;
	v10 =	vmin.f32 v54, $9.999999950e+11  }
0x40e: {  	v58 =	vmul.f32 v40, v13;
	[tilespmem:s6+$0x110] =	vst v56;
	v57 =	vperm.xlane v10, v5  }
0x40f: {  	[tilespmem:s6+$0x140] =	vst v8;
	v8 =	vmul.f32 v40, v15  }
0x410: {  	[tilespmem:s6+$0x150] =	vst v58;
	v7 =	vmul.f32 v57, v7  }
0x411: {  	[tilespmem:s6+$0x100] =	vst v8;
	v59 =	vmul.f32 v57, v20  }
0x412: {  	v8 =	vmul.f32 v57, v32;
	[tilespmem:s6+$0x30] =	vst v7  }
0x413: {  	v10 =	vperm.xlane v10, v6;
	v60 =	vmul.f32 v57, v17;
	[tilespmem:s6+$0x40] =	vst v59  }
0x414: {  	v61 =	vmul.f32 v57, v24;
	[tilespmem:s6+$0x60] =	vst v8  }
0x415: {  	v62 =	vmul.f32 v10, v22;
	[tilespmem:s6+$0x0] =	vst v60  }
0x416: {  	v63 =	vmul.f32 v10, v36;
	[tilespmem:s6+$0x20] =	vst v61  }
0x417: {  	v7 =	vmul.f32 v10, v26;
	[tilespmem:s6+$0x90] =	vst v62  }
0x418: {  	v8 =	vmul.f32 v57, v21;
	[tilespmem:s6+$0xF0] =	vst v63  }
0x419: {  	[tilespmem:s6+$0xB0] =	vst v7;
	v7 =	vmul.f32 v57, v30  }
0x41a: {  	[tilespmem:s6+$0x10] =	vst v8;
	v8 =	vmul.f32 v10, v19  }
0x41b: {  	[tilespmem:s6+$0x50] =	vst v7;
	v7 =	vmul.f32 v10, v25  }
0x41c: {  	[tilespmem:s6+$0x80] =	vst v8;
	v8 =	vmul.f32 v57, v35  }
0x41d: {  	[tilespmem:s6+$0xA0] =	vst v7;
	v7 =	vmul.f32 v10, v28  }
0x41e: {  	[tilespmem:s6+$0x70] =	vst v8;
	v8 =	vmul.f32 v10, v33  }
0x41f: {  	[tilespmem:s6+$0xC0] =	vst v7;
	v7 =	vmul.f32 v10, v31  }
0x420: {  	[tilespmem:s6+$0xE0] =	vst v8  }
0x421: {  	[tilespmem:s6+$0xD0] =	vst v7  }
0x422: {  	[spmem:s4] =	stream.indirect.scatter.add.f32 [tilespmem:s5], [sflag:$0x9], $0x80, s23, s0, $0xb8;
	[tilespmem:$0xE200] =	vst v63  }
0x423: {  	_ =	swait.ge [sflag:s13], $0x2800  }
0x424: {  	[sflag:s13] =	ssyncset.done $0x0  }
0x425: {  	[sflag:s13] =	ssyncadd.s32 $0xFFFFD800  }
0x426: {  	_ =	swait.ge [sflag:s16], $0x2800  }
0x427: {  	[sflag:s16] =	ssyncset.done $0x0  }
0x428: {  	s22 =	simm.s32 $0xB;
	[sflag:s16] =	ssyncadd.s32 $0xFFFFD800  }
0x429: {  	_ =	swait.ge [sflag:s22], $0x2800  }
0x42a: {  	[sflag:s22] =	ssyncset.done $0x0  }
0x42b: {  	s26 =	simm.s32 $0xC;
	[sflag:s22] =	ssyncadd.s32 $0xFFFFD800  }
0x42c: {  	_ =	swait.ge [sflag:s26], $0x2800  }
0x42d: {  	[sflag:s26] =	ssyncset.done $0x0  }
0x42e: {  	[sflag:s26] =	ssyncadd.s32 $0xFFFFD800  }
0x42f: {  	[bflag:$0x0] =	sbarrier.arrive $0xFFFF  }
0x430: {  	s21 =	simm.s32 $0xA200;
	s22 =	simm.s32 $0xD;
	s20 =	rddreg [dreg:$0x5]  }
0x431: {  	[tilespmem:s21], [sflag:$0xD] =	stream.linear.gather [spmem:s20], $0x2000, $0x38;
	[tilespmem:$0xE200] =	vst v63  }
0x432: {  	_ =	swait.ge [sflag:s22], $0x2000  }
0x433: {  	[sflag:s22] =	ssyncset.done $0x0  }
0x434: {  	s19 =	rddreg [dreg:$0xe];
	[sflag:s22] =	ssyncadd.s32 $0xFFFFE000  }
0x435: {  	[hbm4b:s19+s5] =	stream.linear.scatter [tilespmem:s21], [sflag:$0xD], $0x2000, $0x38;
	[tilespmem:$0xE200] =	vst v63  }
0x436: {  	_ =	swait.ge [sflag:s22], $0x2000  }
0x437: {  	s19 =	rddreg [dreg:$0x10]  }
0x438: {  	s26 =	rddreg [dreg:$0xf];
	s19 =	sadd.s32 $0x1, s19  }
0x439: {  	p0 =	sne.s32 s19, s26  }
.Ltmp8:
0x43a: {  	_ = 	snop;
	(pc) =	sbr.rel @p0 .LBB2_1-.Ltmp8, $3  }
0x43b: {  	_ =	sdelay $0x1  }
0x43c: {  	[sflag:s22] =	ssyncset.done $0x0  }
0x43d: {  	[sflag:s22] =	ssyncadd.s32 $0xFFFFE000  }
0x43e: {  	_ =	sfence.sel $0x180000  }
0x43f: {  	[bflag:$0x0] =	sbarrier.arrive $0xFFFF  }
0x440: {  	_ =	strace $0x90000047  }
0x441: {  	s0 =	stileid.u32;
	[bflag:$0x2] =	sbarrier.arrive $0xFFFF  }
0x442: {  	p0 =	sne.s32 s0, $0x0;
	s0 =	rddreg [dreg:$0x4]  }
0x443: {  	s0 =	sadd.s32 @!p0 $0x100000, s0  }
0x444: {  	[sflag:s0] =	ssyncadd.tile.s32 @!p0 $0x1;
	_ =	shalt  }
.Lfunc_end2:
_tile_overlayer_lowered:
.L_overlay_start_2:
0x445: {  	(tag) =	ssettag $0x2  }
0x446: {  	s0 =	rddreg [dreg:$0x0];
	s2 =	stileid.u32  }
0x447: {  	s1 =	rddreg [dreg:$0x1];
	p0 =	sne.s32 s2, $0x0  }
0x448: {  	s3 =	rddreg [dreg:$0x2];
	[bflag:$0x3] =	sbarrier.arrive $0xFFFF;
	s2 =	simm.s32 @!p0 $0x1C0D  }
0x449: {  	[timem:s3], [sflag:s2] =	dma.local @!p0 [hbm:s0], s1  }
0x44a: {  	s0 =	simm.s32 @!p0 $0xD  }
0x44b: {  	_ =	swait.ge @!p0 [sflag:s0], s1  }
0x44c: {  	s1 =	ssub.s32 @!p0 $0x0, s1;
	[sflag:s0] =	ssyncset.done @!p0 $0x0  }
0x44d: {  	[sflag:s0] =	ssyncadd.s32 @!p0 s1  }
0x44e: {  	[bflag:$0x3] =	sbarrier.arrive $0xFFFF  }
0x44f: {  	_ =	shalt  }

</sc_bundles>
